<compile_context>
chip_gen: v7x
topology: tpu7x:2x2x1
jax: 0.10.2.dev20260603
libtpu: 0.0.44.dev20260713+nightly
codegen_flags: <defaults>
</compile_context>

<pallas_src>
import functools

import jax
import jax.numpy as jnp
from jax import lax
from jax.experimental import pallas as pl
from jax.experimental.pallas import tpu as pltpu
from jax.experimental.pallas import tpu_sc as plsc

_NG = 48
_NNGB = 13
_S = 1024
_NB = 128
_DIM = 3
_NBP = 16
_NW = 32
_CHANS = [(2, 8), (8, 8), (8, 8), (8, 8), (8, 1)]

_f32 = jnp.float32
_bf16 = jnp.bfloat16


def _split(x):
    hi = x.astype(_bf16)
    lo = (x - hi.astype(_f32)).astype(_bf16)
    return hi, lo


def _softplus(y):
    return jnp.maximum(y, 0.0) + jnp.log1p(jnp.exp(-jnp.abs(y)))


def _dot3(wh, wl, rh, rl):
    return (
        jnp.dot(wh, rh, preferred_element_type=_f32)
        + jnp.dot(wh, rl, preferred_element_type=_f32)
        + jnp.dot(wl, rh, preferred_element_type=_f32)
    )



@functools.cache
def _make_sc_gather(R):
    pairs = R // _NW
    nrow = _NNGB * _S
    mesh = plsc.VectorSubcoreMesh(core_axis_name="c", subcore_axis_name="s")

    @functools.partial(
        pl.kernel,
        out_type=jax.ShapeDtypeStruct((R * nrow,), _f32),
        mesh=mesh,
        scratch_types=[
            pltpu.VMEM((nrow,), jnp.int32),
            pltpu.VMEM((pairs * _S,), _f32),
            pltpu.VMEM((2, nrow), _f32),
            pltpu.SemaphoreType.DMA,
            pltpu.SemaphoreType.DMA,
        ],
        compiler_params=pltpu.CompilerParams(needs_layout_passes=False),
    )
    def gk(x_hbm, nn_hbm, out_hbm, idx_v, xall_v, orow_v, sem0, sem1):
        wid = lax.axis_index("s") * 2 + lax.axis_index("c")
        pltpu.sync_copy(nn_hbm, idx_v)
        pltpu.sync_copy(x_hbm.at[pl.ds(wid * pairs * _S, pairs * _S)], xall_v)
        sems = (sem0, sem1)

        def p2body(p2, carry):
            for u in range(2):
                p = p2 * 2 + u
                @pl.when(p2 > 0)
                def _drain(u=u):
                    pltpu.make_async_copy(
                        orow_v.at[u], out_hbm.at[pl.ds(0, nrow)], sems[u]
                    ).wait()

                @plsc.parallel_loop(0, nrow // 16, unroll=16)
                def tbody(t, u=u, p=p):
                    off = t * 16
                    iv = idx_v[pl.ds(off, 16)] + p * _S
                    orow_v[u, pl.ds(off, 16)] = plsc.load_gather(xall_v, [iv])

                pltpu.async_copy(
                    orow_v.at[u],
                    out_hbm.at[pl.ds((wid * pairs + p) * nrow, nrow)],
                    sems[u],
                )
            return carry

        lax.fori_loop(0, pairs // 2, p2body, 0)
        for u in range(2):
            pltpu.make_async_copy(
                orow_v.at[u], out_hbm.at[pl.ds(0, nrow)], sems[u]
            ).wait()

    return gk


def _sc_gather(x, nnflat, R):
    return _make_sc_gather(R)(x.reshape(R * _S), nnflat)



_NBPC = 8


def _conv_layer(g, whh, wl, gb, C, O):
    grid = (_NB // _NBPC,)
    K = C * _NNGB
    NS = _NBPC * _S

    def body(g_ref, whh_ref, wl_ref, gb_ref, out_ref, r2_ref):
        for b in range(_NBPC):
            rbc = g_ref[b].reshape(K, _S)
            rh, rl = _split(rbc)
            r2_ref[:K, b * _S : (b + 1) * _S] = rh
            r2_ref[K:, b * _S : (b + 1) * _S] = rl
        R2 = r2_ref[...]
        Y = (
            jnp.dot(whh_ref[...], R2, preferred_element_type=_f32)
            + jnp.dot(wl_ref[...], R2[:K], preferred_element_type=_f32)
            + gb_ref[...]
        )
        Xp = jnp.sum(_softplus(Y).reshape(O, _NG, NS), axis=1) * (1.0 / _NG)
        for b in range(_NBPC):
            out_ref[b * O : (b + 1) * O, :] = Xp[:, b * _S : (b + 1) * _S]

    return pl.pallas_call(
        body,
        grid=grid,
        in_specs=[
            pl.BlockSpec((_NBPC, C, _NNGB, _S), lambda i: (i, 0, 0, 0)),
            pl.BlockSpec(whh.shape, lambda i: (0, 0)),
            pl.BlockSpec(wl.shape, lambda i: (0, 0)),
            pl.BlockSpec(gb.shape, lambda i: (0, 0)),
        ],
        out_specs=pl.BlockSpec((_NBPC * O, _S), lambda i: (i, 0)),
        out_shape=jax.ShapeDtypeStruct((_NB * O, _S), _f32),
        scratch_shapes=[pltpu.VMEM((2 * K, NS), _bf16)],
        compiler_params=pltpu.CompilerParams(
            dimension_semantics=("arbitrary",),
        ),
    )(g, whh, wl, gb)


def _final_layer(g, gdh, gdl, wph, wpl):
    grid = (_NB // _NBP,)

    def body(g_ref, gdh_ref, gdl_ref, wph_ref, wpl_ref, out_ref):
        T = _dot3(gdh_ref[...], gdl_ref[...], wph_ref[...], wpl_ref[...])
        Th, Tl = _split(T)

        def out_b(b, carry):
            rbc = g_ref[b].reshape(_NNGB, _S)
            rh, rl = _split(rbc)
            Yb = _dot3(Th, Tl, rh, rl)
            out_ref[b] = jnp.sum(Yb.reshape(_NG, _DIM, _S), axis=0) * (1.0 / _NG)
            return carry

        lax.fori_loop(0, _NBP, out_b, 0)

    return pl.pallas_call(
        body,
        grid=grid,
        in_specs=[
            pl.BlockSpec((_NBP, 1, _NNGB, _S), lambda i: (i, 0, 0, 0)),
            pl.BlockSpec(gdh.shape, lambda i: (0, 0)),
            pl.BlockSpec(gdl.shape, lambda i: (0, 0)),
            pl.BlockSpec(wph.shape, lambda i: (0, 0)),
            pl.BlockSpec(wpl.shape, lambda i: (0, 0)),
        ],
        out_specs=pl.BlockSpec((_NBP, _DIM, _S), lambda i: (i, 0, 0)),
        out_shape=jax.ShapeDtypeStruct((_NB, _DIM, _S), _f32),
        compiler_params=pltpu.CompilerParams(
            dimension_semantics=("arbitrary",),
        ),
    )(g, gdh, gdl, wph, wpl)


def kernel(InState, GnnPerms, NNsites, gdiags, Psi0, bias0, Psi1, bias1,
           Psi2, bias2, Psi3, bias3, Psi4, bias4, wtVC):
    Psis = [Psi0, Psi1, Psi2, Psi3, Psi4]
    biases = [bias0, bias1, bias2, bias3, bias4]

    nnflat = NNsites.astype(jnp.int32).reshape(_NNGB * _S)

    w_list, b_list = [], []
    for (C, O), Psi, bias in zip(_CHANS, Psis, biases):
        wrep = jnp.repeat(Psi, _NG, axis=0)
        perm = jnp.tile(GnnPerms, (O, C)).reshape(-1, C, _NNGB)
        GW = jnp.take_along_axis(wrep, perm, axis=2).reshape(
            O * _NG, C * _NNGB
        )
        wh, wl = _split(GW)
        w_list.append((jnp.concatenate([wh, wh], axis=1), wl))
        b_list.append(jnp.repeat(bias, _NG, axis=0))

    wt_rep = jnp.tile(wtVC, (_NG, 1))
    perm = jnp.repeat(GnnPerms, _DIM, axis=0)
    wtp = jnp.take_along_axis(wt_rep, perm, axis=1)
    wph, wpl = _split(wtp)
    gdh, gdl = _split(gdiags)

    x = InState.reshape(_NB * _CHANS[0][0], _S)
    for (C, O), (wh, wl), gb in zip(_CHANS, w_list, b_list):
        g = _sc_gather(x, nnflat, _NB * C).reshape(_NB, C, _NNGB, _S)
        x = _conv_layer(g, wh, wl, gb, C, O)
    g = _sc_gather(x, nnflat, _NB).reshape(_NB, 1, _NNGB, _S)
    return _final_layer(g, gdh, gdl, wph, wpl)

# --- scband reference (transcript-rebuilt; emitter-appended) ---
"""Pipeline reference for scband-gcnet-r3-conv-sites-78486232367381 (READ-ONLY COPY).

The authoritative reference and input builder live on the scoring server;
editing this copy changes nothing except your own understanding.
"""

import jax, jax.numpy as jnp
import numpy as np

NG = 48
NNGB = 13
NSITES = 1024
NSPEC = 2
NCH = 8
DIM = 3
NB = 128


def _gconv(x, Psi, bias, GnnPerms, NNsites):
    Nb, NchIn, Nsites = x.shape
    Ng, N_ngb = GnnPerms.shape
    NchOut = Psi.shape[0]
    # RotateParams
    weightRepeat = jnp.repeat(Psi, Ng, axis=0)  # [NchOut*Ng, NchIn, N_ngb]
    perm_rep = jnp.tile(GnnPerms, (NchOut, NchIn)).reshape(-1, NchIn, N_ngb)
    GW = jnp.take_along_axis(weightRepeat, perm_rep, axis=2).reshape(-1, NchIn * N_ngb)
    Gb = jnp.repeat(bias, Ng, axis=0)  # [NchOut*Ng, 1]
    # RearrangeInput
    xr = jnp.repeat(x, N_ngb, axis=1)  # [Nb, NchIn*N_ngb, Nsites]
    nn_rep = jnp.tile(NNsites[None, :, :], (Nb, NchIn, 1))
    gathered = jnp.take_along_axis(xr, nn_rep, axis=2)
    out = jnp.matmul(GW, gathered) + Gb
    return out.reshape(Nb, NchOut, Ng, Nsites)


def _forward(InState, gdiags, Psis, biases, wtVC, GnnPerms, NNsites):
    x = InState
    Ng, N_ngb = GnnPerms.shape
    for Psi, bias in zip(Psis, biases):
        x = _gconv(x, Psi, bias, GnnPerms, NNsites)
        x = jax.nn.softplus(x)  # beta=1.0
        x = jnp.sum(x, axis=2) / Ng  # GAvg
    # R3ConvSites
    wtVC_repeat = jnp.tile(wtVC, (Ng, 1))  # [Ng*dim, N_ngb]
    perm_rep = jnp.repeat(GnnPerms, DIM, axis=0)  # [Ng*dim, N_ngb]
    transf = jnp.matmul(gdiags, jnp.take_along_axis(wtVC_repeat, perm_rep, axis=1))
    Nb, Nch, Nsites = x.shape  # Nch == 1
    xr = jnp.repeat(x, N_ngb, axis=1)
    nn_rep = jnp.tile(NNsites[None, :, :], (Nb, Nch, 1))
    gathered = jnp.take_along_axis(xr, nn_rep, axis=2)
    out = jnp.matmul(transf, gathered).reshape(Nb, Ng, DIM, Nsites)
    return jnp.sum(out, axis=1) / Ng


def setup_inputs(seed: int = 0) -> dict:
    key = jax.random.key(seed)
    ks = jax.random.split(key, 20)
    inp = {}
    inp["InState"] = jax.random.uniform(ks[0], (NB, NSPEC, NSITES), dtype=jnp.float32)
    inp["GnnPerms"] = jax.random.randint(ks[1], (NG, NNGB), 0, NNGB)
    inp["NNsites"] = jax.random.randint(ks[2], (NNGB, NSITES), 0, NSITES)
    inp["gdiags"] = jax.random.normal(ks[3], (NG * DIM, NG * DIM), dtype=jnp.float32)
    chans = [(NSPEC, NCH), (NCH, NCH), (NCH, NCH), (NCH, NCH), (NCH, 1)]
    for i, (ci, co) in enumerate(chans):
        inp[f"Psi{i}"] = 0.1 * jax.random.normal(ks[4 + 2 * i], (co, ci, NNGB), dtype=jnp.float32)
        inp[f"bias{i}"] = 0.1 * jax.random.normal(ks[5 + 2 * i], (co, 1), dtype=jnp.float32)
    inp["wtVC"] = 0.1 * jax.random.normal(ks[14], (DIM, NNGB), dtype=jnp.float32)
    return inp


def reference(InState, GnnPerms, NNsites, gdiags, Psi0, bias0, Psi1, bias1, Psi2, bias2, Psi3, bias3, Psi4, bias4, wtVC):
    Psis = [Psi0, Psi1, Psi2, Psi3, Psi4]
    biases = [bias0, bias1, bias2, bias3, bias4]
    return _forward(InState, gdiags, Psis, biases, wtVC, GnnPerms, NNsites)

if __name__ == "__main__":
    import jax
    _d = setup_inputs()
    print(jax.jit(kernel)(*tuple(_d.values())))

</pallas_src>

<mosaic_0001>
#map = affine_map<(d0, d1) -> (0)>
module attributes {stable_mosaic.version = 14 : i64} {
  func.func @gk(%arg0: i32, %arg1: i32, %arg2: memref<262144xf32, #tpu.memory_space<hbm>>, %arg3: memref<13312xi32, #tpu.memory_space<hbm>>, %arg4: memref<3407872xf32, #tpu.memory_space<hbm>>, %arg5: memref<13312xi32, #tpu.memory_space<vmem>>, %arg6: memref<8192xf32, #tpu.memory_space<vmem>>, %arg7: memref<2x13312xf32, #tpu.memory_space<vmem>>, %arg8: memref<!tpu.dma_semaphore, #tpu.memory_space<semaphore_mem>>, %arg9: memref<!tpu.dma_semaphore, #tpu.memory_space<semaphore_mem>>) attributes {dimension_semantics = [#tpu.dimension_semantics<core_parallel>, #tpu.dimension_semantics<subcore_parallel>], iteration_bounds = array<i64: 2, 16>, scalar_prefetch = 0 : i64, scratch_operands = 5 : i64, tpu.core_type = #tpu.core_type<sc_vector_subcore>, window_params = [{transform_indices = #map}, {transform_indices = #map}, {transform_indices = #map}]} {
    %mul3A = arith.constant 2 : i32
    %mul3A_0 = arith.muli %arg1, %mul3A : i32
    %add3A = arith.addi %mul3A_0, %arg0 : i32
    "tpu.region"() ({
      %run_scoped3A = tpu.sem_alloc : memref<!tpu.dma_semaphore, #tpu.memory_space<semaphore_mem>>
      tpu.enqueue_dma source(%arg3 : memref<13312xi32, #tpu.memory_space<hbm>>) target(%arg5 : memref<13312xi32, #tpu.memory_space<vmem>>) target_semaphore(%run_scoped3A : memref<!tpu.dma_semaphore, #tpu.memory_space<semaphore_mem>>)
      tpu.wait_dma2 semaphore(%run_scoped3A : memref<!tpu.dma_semaphore, #tpu.memory_space<semaphore_mem>>) src(%arg3 : memref<13312xi32, #tpu.memory_space<hbm>>) dst(%arg5 : memref<13312xi32, #tpu.memory_space<vmem>>)
      tpu.yield
    }) : () -> ()
    %mul3A_1 = arith.constant 8 : i32
    %mul3A_2 = arith.muli %add3A, %mul3A_1 : i32
    %mul3A_3 = arith.constant 1024 : i32
    %mul3A_4 = arith.muli %mul3A_2, %mul3A_3 : i32
    "tpu.region"() ({
      %run_scoped3A = tpu.sem_alloc : memref<!tpu.dma_semaphore, #tpu.memory_space<semaphore_mem>>
      %dma_start3A = tpu.memref_slice %arg2[%mul3A_4] : memref<262144xf32, #tpu.memory_space<hbm>> -> memref<8192xf32, #tpu.memory_space<hbm>>
      %dma_start3A_31 = tpu.memref_slice %arg2[%mul3A_4] : memref<262144xf32, #tpu.memory_space<hbm>> -> memref<8192xf32, #tpu.memory_space<hbm>>
      tpu.enqueue_dma source(%dma_start3A_31 : memref<8192xf32, #tpu.memory_space<hbm>>) target(%arg6 : memref<8192xf32, #tpu.memory_space<vmem>>) target_semaphore(%run_scoped3A : memref<!tpu.dma_semaphore, #tpu.memory_space<semaphore_mem>>)
      %dma_wait3A_32 = tpu.memref_slice %arg2[%mul3A_4] : memref<262144xf32, #tpu.memory_space<hbm>> -> memref<8192xf32, #tpu.memory_space<hbm>>
      %dma_wait3A_33 = tpu.memref_slice %arg2[%mul3A_4] : memref<262144xf32, #tpu.memory_space<hbm>> -> memref<8192xf32, #tpu.memory_space<hbm>>
      tpu.wait_dma2 semaphore(%run_scoped3A : memref<!tpu.dma_semaphore, #tpu.memory_space<semaphore_mem>>) src(%dma_wait3A_33 : memref<8192xf32, #tpu.memory_space<hbm>>) dst(%arg6 : memref<8192xf32, #tpu.memory_space<vmem>>)
      tpu.yield
    }) : () -> ()
    %scan3A = arith.constant 0 : i32
    %scan3A_5 = arith.constant 0 : i32
    %scan3A_6 = arith.constant 4 : i32
    %scan3A_7 = arith.addi %scan3A_5, %scan3A_6 : i32
    %scan3A_8 = arith.constant 1 : i32
    scf.for %scan3A_31 = %scan3A_5 to %scan3A_7 step %scan3A_8  : i32 {
      %mul3A_32 = arith.constant 2 : i32
      %mul3A_33 = arith.muli %scan3A_31, %mul3A_32 : i32
      %add3A_34 = arith.constant 0 : i32
      %add3A_35 = arith.addi %mul3A_33, %add3A_34 : i32
      %gt3A = arith.constant 0 : i32
      %gt3A_36 = arith.cmpi sgt, %scan3A_31, %gt3A : i32
      %convert_element_type3A = arith.extui %gt3A_36 : i1 to i32
      %cond3A = arith.constant 0 : i32
      %cond3A_37 = arith.cmpi ne, %convert_element_type3A, %cond3A : i32
      scf.if %cond3A_37 {
        %dma_wait3A_79 = arith.constant 0 : i32
        %dma_wait3A_80 = arith.constant 0 : i32
        %dma_wait3A_81 = tpu.memref_slice %arg7[%dma_wait3A_79, %dma_wait3A_80] : memref<2x13312xf32, #tpu.memory_space<vmem>> -> memref<1x13312xf32, #tpu.memory_space<vmem>>
        %dma_wait3A_82 = tpu.memref_squeeze %dma_wait3A_81 : memref<1x13312xf32, #tpu.memory_space<vmem>> -> memref<13312xf32, #tpu.memory_space<vmem>>
        %dma_wait3A_83 = arith.constant 0 : i32
        %dma_wait3A_84 = tpu.memref_slice %arg4[%dma_wait3A_83] : memref<3407872xf32, #tpu.memory_space<hbm>> -> memref<13312xf32, #tpu.memory_space<hbm>>
        %dma_wait3A_85 = arith.constant 0 : i32
        %dma_wait3A_86 = tpu.memref_slice %arg4[%dma_wait3A_85] : memref<3407872xf32, #tpu.memory_space<hbm>> -> memref<13312xf32, #tpu.memory_space<hbm>>
        %dma_wait3A_87 = arith.constant 0 : i32
        %dma_wait3A_88 = tpu.memref_slice %arg7[%dma_wait3A_79, %dma_wait3A_87] : memref<2x13312xf32, #tpu.memory_space<vmem>> -> memref<1x13312xf32, #tpu.memory_space<vmem>>
        %dma_wait3A_89 = tpu.memref_squeeze %dma_wait3A_88 : memref<1x13312xf32, #tpu.memory_space<vmem>> -> memref<13312xf32, #tpu.memory_space<vmem>>
        tpu.wait_dma2 semaphore(%arg8 : memref<!tpu.dma_semaphore, #tpu.memory_space<semaphore_mem>>) src(%dma_wait3A_89 : memref<13312xf32, #tpu.memory_space<vmem>>) dst(%dma_wait3A_86 : memref<13312xf32, #tpu.memory_space<hbm>>)
      } else {
      }
      %parallel_loop3A = arith.constant 0 : i32
      %parallel_loop3A_38 = arith.constant 832 : i32
      %parallel_loop3A_39 = arith.constant 1 : i32
      scf.for %parallel_loop3A_79 = %parallel_loop3A to %parallel_loop3A_38 step %parallel_loop3A_39  : i32 {
        %parallel_loop3A_80 = arith.constant 16 : i32
        %parallel_loop3A_81 = arith.muli %parallel_loop3A_79, %parallel_loop3A_80 : i32
        %parallel_loop3A_82 = arith.index_cast %parallel_loop3A_81 : i32 to index
        %parallel_loop3A_83 = tpu.vector_load %arg5[%parallel_loop3A_82] {strides = array<i32>} : memref<13312xi32, #tpu.memory_space<vmem>>, vector<16xi32>,
        %parallel_loop3A_84 = arith.constant 1024 : i32
        %parallel_loop3A_85 = arith.muli %add3A_35, %parallel_loop3A_84 : i32
        %parallel_loop3A_86 = vector.broadcast %parallel_loop3A_85 : i32 to vector<16xi32>
        %parallel_loop3A_87 = arith.addi %parallel_loop3A_83, %parallel_loop3A_86 : vector<16xi32>
        %parallel_loop3A_88 = tpu.vector_load_idx %arg6[%parallel_loop3A_87] : memref<8192xf32, #tpu.memory_space<vmem>>[vector<16xi32>], vector<16xf32>,
        %parallel_loop3A_89 = arith.constant 0 : i32
        %parallel_loop3A_90 = arith.index_cast %parallel_loop3A_89 : i32 to index
        %parallel_loop3A_91 = arith.index_cast %parallel_loop3A_81 : i32 to index
        %parallel_loop3A_92 = tpu.vector_load %arg7[%parallel_loop3A_90, %parallel_loop3A_91] {strides = array<i32>} : memref<2x13312xf32, #tpu.memory_space<vmem>>, vector<16xf32>,
        tpu.vector_store %arg7[%parallel_loop3A_90, %parallel_loop3A_91], %parallel_loop3A_88 {strides = array<i32>} : memref<2x13312xf32, #tpu.memory_space<vmem>>, vector<16xf32>,
      } {sc.loop_unroll_factor = 16 : i64, sc.parallel_access}
      %mul3A_40 = arith.constant 8 : i32
      %mul3A_41 = arith.muli %add3A, %mul3A_40 : i32
      %add3A_42 = arith.addi %mul3A_41, %add3A_35 : i32
      %mul3A_43 = arith.constant 13312 : i32
      %mul3A_44 = arith.muli %add3A_42, %mul3A_43 : i32
      %dma_start3A = arith.constant 0 : i32
      %dma_start3A_45 = arith.constant 0 : i32
      %dma_start3A_46 = tpu.memref_slice %arg7[%dma_start3A, %dma_start3A_45] : memref<2x13312xf32, #tpu.memory_space<vmem>> -> memref<1x13312xf32, #tpu.memory_space<vmem>>
      %dma_start3A_47 = tpu.memref_squeeze %dma_start3A_46 : memref<1x13312xf32, #tpu.memory_space<vmem>> -> memref<13312xf32, #tpu.memory_space<vmem>>
      %dma_start3A_48 = tpu.memref_slice %arg4[%mul3A_44] : memref<3407872xf32, #tpu.memory_space<hbm>> -> memref<13312xf32, #tpu.memory_space<hbm>>
      %dma_start3A_49 = tpu.memref_slice %arg4[%mul3A_44] : memref<3407872xf32, #tpu.memory_space<hbm>> -> memref<13312xf32, #tpu.memory_space<hbm>>
      %dma_start3A_50 = arith.constant 0 : i32
      %dma_start3A_51 = tpu.memref_slice %arg7[%dma_start3A, %dma_start3A_50] : memref<2x13312xf32, #tpu.memory_space<vmem>> -> memref<1x13312xf32, #tpu.memory_space<vmem>>
      %dma_start3A_52 = tpu.memref_squeeze %dma_start3A_51 : memref<1x13312xf32, #tpu.memory_space<vmem>> -> memref<13312xf32, #tpu.memory_space<vmem>>
      tpu.enqueue_dma source(%dma_start3A_52 : memref<13312xf32, #tpu.memory_space<vmem>>) target(%dma_start3A_49 : memref<13312xf32, #tpu.memory_space<hbm>>) target_semaphore(%arg8 : memref<!tpu.dma_semaphore, #tpu.memory_space<semaphore_mem>>)
      %mul3A_53 = arith.constant 2 : i32
      %mul3A_54 = arith.muli %scan3A_31, %mul3A_53 : i32
      %add3A_55 = arith.constant 1 : i32
      %add3A_56 = arith.addi %mul3A_54, %add3A_55 : i32
      %gt3A_57 = arith.constant 0 : i32
      %gt3A_58 = arith.cmpi sgt, %scan3A_31, %gt3A_57 : i32
      %convert_element_type3A_59 = arith.extui %gt3A_58 : i1 to i32
      %cond3A_60 = arith.constant 0 : i32
      %cond3A_61 = arith.cmpi ne, %convert_element_type3A_59, %cond3A_60 : i32
      scf.if %cond3A_61 {
        %dma_wait3A_79 = arith.constant 1 : i32
        %dma_wait3A_80 = arith.constant 0 : i32
        %dma_wait3A_81 = tpu.memref_slice %arg7[%dma_wait3A_79, %dma_wait3A_80] : memref<2x13312xf32, #tpu.memory_space<vmem>> -> memref<1x13312xf32, #tpu.memory_space<vmem>>
        %dma_wait3A_82 = tpu.memref_squeeze %dma_wait3A_81 : memref<1x13312xf32, #tpu.memory_space<vmem>> -> memref<13312xf32, #tpu.memory_space<vmem>>
        %dma_wait3A_83 = arith.constant 0 : i32
        %dma_wait3A_84 = tpu.memref_slice %arg4[%dma_wait3A_83] : memref<3407872xf32, #tpu.memory_space<hbm>> -> memref<13312xf32, #tpu.memory_space<hbm>>
        %dma_wait3A_85 = arith.constant 0 : i32
        %dma_wait3A_86 = tpu.memref_slice %arg4[%dma_wait3A_85] : memref<3407872xf32, #tpu.memory_space<hbm>> -> memref<13312xf32, #tpu.memory_space<hbm>>
        %dma_wait3A_87 = arith.constant 0 : i32
        %dma_wait3A_88 = tpu.memref_slice %arg7[%dma_wait3A_79, %dma_wait3A_87] : memref<2x13312xf32, #tpu.memory_space<vmem>> -> memref<1x13312xf32, #tpu.memory_space<vmem>>
        %dma_wait3A_89 = tpu.memref_squeeze %dma_wait3A_88 : memref<1x13312xf32, #tpu.memory_space<vmem>> -> memref<13312xf32, #tpu.memory_space<vmem>>
        tpu.wait_dma2 semaphore(%arg9 : memref<!tpu.dma_semaphore, #tpu.memory_space<semaphore_mem>>) src(%dma_wait3A_89 : memref<13312xf32, #tpu.memory_space<vmem>>) dst(%dma_wait3A_86 : memref<13312xf32, #tpu.memory_space<hbm>>)
      } else {
      }
      %parallel_loop3A_62 = arith.constant 0 : i32
      %parallel_loop3A_63 = arith.constant 832 : i32
      %parallel_loop3A_64 = arith.constant 1 : i32
      scf.for %parallel_loop3A_79 = %parallel_loop3A_62 to %parallel_loop3A_63 step %parallel_loop3A_64  : i32 {
        %parallel_loop3A_80 = arith.constant 16 : i32
        %parallel_loop3A_81 = arith.muli %parallel_loop3A_79, %parallel_loop3A_80 : i32
        %parallel_loop3A_82 = arith.index_cast %parallel_loop3A_81 : i32 to index
        %parallel_loop3A_83 = tpu.vector_load %arg5[%parallel_loop3A_82] {strides = array<i32>} : memref<13312xi32, #tpu.memory_space<vmem>>, vector<16xi32>,
        %parallel_loop3A_84 = arith.constant 1024 : i32
        %parallel_loop3A_85 = arith.muli %add3A_56, %parallel_loop3A_84 : i32
        %parallel_loop3A_86 = vector.broadcast %parallel_loop3A_85 : i32 to vector<16xi32>
        %parallel_loop3A_87 = arith.addi %parallel_loop3A_83, %parallel_loop3A_86 : vector<16xi32>
        %parallel_loop3A_88 = tpu.vector_load_idx %arg6[%parallel_loop3A_87] : memref<8192xf32, #tpu.memory_space<vmem>>[vector<16xi32>], vector<16xf32>,
        %parallel_loop3A_89 = arith.constant 1 : i32
        %parallel_loop3A_90 = arith.index_cast %parallel_loop3A_89 : i32 to index
        %parallel_loop3A_91 = arith.index_cast %parallel_loop3A_81 : i32 to index
        %parallel_loop3A_92 = tpu.vector_load %arg7[%parallel_loop3A_90, %parallel_loop3A_91] {strides = array<i32>} : memref<2x13312xf32, #tpu.memory_space<vmem>>, vector<16xf32>,
        tpu.vector_store %arg7[%parallel_loop3A_90, %parallel_loop3A_91], %parallel_loop3A_88 {strides = array<i32>} : memref<2x13312xf32, #tpu.memory_space<vmem>>, vector<16xf32>,
      } {sc.loop_unroll_factor = 16 : i64, sc.parallel_access}
      %mul3A_65 = arith.constant 8 : i32
      %mul3A_66 = arith.muli %add3A, %mul3A_65 : i32
      %add3A_67 = arith.addi %mul3A_66, %add3A_56 : i32
      %mul3A_68 = arith.constant 13312 : i32
      %mul3A_69 = arith.muli %add3A_67, %mul3A_68 : i32
      %dma_start3A_70 = arith.constant 1 : i32
      %dma_start3A_71 = arith.constant 0 : i32
      %dma_start3A_72 = tpu.memref_slice %arg7[%dma_start3A_70, %dma_start3A_71] : memref<2x13312xf32, #tpu.memory_space<vmem>> -> memref<1x13312xf32, #tpu.memory_space<vmem>>
      %dma_start3A_73 = tpu.memref_squeeze %dma_start3A_72 : memref<1x13312xf32, #tpu.memory_space<vmem>> -> memref<13312xf32, #tpu.memory_space<vmem>>
      %dma_start3A_74 = tpu.memref_slice %arg4[%mul3A_69] : memref<3407872xf32, #tpu.memory_space<hbm>> -> memref<13312xf32, #tpu.memory_space<hbm>>
      %dma_start3A_75 = tpu.memref_slice %arg4[%mul3A_69] : memref<3407872xf32, #tpu.memory_space<hbm>> -> memref<13312xf32, #tpu.memory_space<hbm>>
      %dma_start3A_76 = arith.constant 0 : i32
      %dma_start3A_77 = tpu.memref_slice %arg7[%dma_start3A_70, %dma_start3A_76] : memref<2x13312xf32, #tpu.memory_space<vmem>> -> memref<1x13312xf32, #tpu.memory_space<vmem>>
      %dma_start3A_78 = tpu.memref_squeeze %dma_start3A_77 : memref<1x13312xf32, #tpu.memory_space<vmem>> -> memref<13312xf32, #tpu.memory_space<vmem>>
      tpu.enqueue_dma source(%dma_start3A_78 : memref<13312xf32, #tpu.memory_space<vmem>>) target(%dma_start3A_75 : memref<13312xf32, #tpu.memory_space<hbm>>) target_semaphore(%arg9 : memref<!tpu.dma_semaphore, #tpu.memory_space<semaphore_mem>>)
    }
    %scan3A_9 = arith.constant 4 : i32
    %dma_wait3A = arith.constant 0 : i32
    %dma_wait3A_10 = arith.constant 0 : i32
    %dma_wait3A_11 = tpu.memref_slice %arg7[%dma_wait3A, %dma_wait3A_10] : memref<2x13312xf32, #tpu.memory_space<vmem>> -> memref<1x13312xf32, #tpu.memory_space<vmem>>
    %dma_wait3A_12 = tpu.memref_squeeze %dma_wait3A_11 : memref<1x13312xf32, #tpu.memory_space<vmem>> -> memref<13312xf32, #tpu.memory_space<vmem>>
    %dma_wait3A_13 = arith.constant 0 : i32
    %dma_wait3A_14 = tpu.memref_slice %arg4[%dma_wait3A_13] : memref<3407872xf32, #tpu.memory_space<hbm>> -> memref<13312xf32, #tpu.memory_space<hbm>>
    %dma_wait3A_15 = arith.constant 0 : i32
    %dma_wait3A_16 = tpu.memref_slice %arg4[%dma_wait3A_15] : memref<3407872xf32, #tpu.memory_space<hbm>> -> memref<13312xf32, #tpu.memory_space<hbm>>
    %dma_wait3A_17 = arith.constant 0 : i32
    %dma_wait3A_18 = tpu.memref_slice %arg7[%dma_wait3A, %dma_wait3A_17] : memref<2x13312xf32, #tpu.memory_space<vmem>> -> memref<1x13312xf32, #tpu.memory_space<vmem>>
    %dma_wait3A_19 = tpu.memref_squeeze %dma_wait3A_18 : memref<1x13312xf32, #tpu.memory_space<vmem>> -> memref<13312xf32, #tpu.memory_space<vmem>>
    tpu.wait_dma2 semaphore(%arg8 : memref<!tpu.dma_semaphore, #tpu.memory_space<semaphore_mem>>) src(%dma_wait3A_19 : memref<13312xf32, #tpu.memory_space<vmem>>) dst(%dma_wait3A_16 : memref<13312xf32, #tpu.memory_space<hbm>>)
    %dma_wait3A_20 = arith.constant 1 : i32
    %dma_wait3A_21 = arith.constant 0 : i32
    %dma_wait3A_22 = tpu.memref_slice %arg7[%dma_wait3A_20, %dma_wait3A_21] : memref<2x13312xf32, #tpu.memory_space<vmem>> -> memref<1x13312xf32, #tpu.memory_space<vmem>>
    %dma_wait3A_23 = tpu.memref_squeeze %dma_wait3A_22 : memref<1x13312xf32, #tpu.memory_space<vmem>> -> memref<13312xf32, #tpu.memory_space<vmem>>
    %dma_wait3A_24 = arith.constant 0 : i32
    %dma_wait3A_25 = tpu.memref_slice %arg4[%dma_wait3A_24] : memref<3407872xf32, #tpu.memory_space<hbm>> -> memref<13312xf32, #tpu.memory_space<hbm>>
    %dma_wait3A_26 = arith.constant 0 : i32
    %dma_wait3A_27 = tpu.memref_slice %arg4[%dma_wait3A_26] : memref<3407872xf32, #tpu.memory_space<hbm>> -> memref<13312xf32, #tpu.memory_space<hbm>>
    %dma_wait3A_28 = arith.constant 0 : i32
    %dma_wait3A_29 = tpu.memref_slice %arg7[%dma_wait3A_20, %dma_wait3A_28] : memref<2x13312xf32, #tpu.memory_space<vmem>> -> memref<1x13312xf32, #tpu.memory_space<vmem>>
    %dma_wait3A_30 = tpu.memref_squeeze %dma_wait3A_29 : memref<1x13312xf32, #tpu.memory_space<vmem>> -> memref<13312xf32, #tpu.memory_space<vmem>>
    tpu.wait_dma2 semaphore(%arg9 : memref<!tpu.dma_semaphore, #tpu.memory_space<semaphore_mem>>) src(%dma_wait3A_30 : memref<13312xf32, #tpu.memory_space<vmem>>) dst(%dma_wait3A_27 : memref<13312xf32, #tpu.memory_space<hbm>>)
    return
  }
}

#map = affine_map<(d0, d1) -> (0)>
module attributes {stable_mosaic.version = 14 : i64} {
  func.func @gk(%arg0: i32, %arg1: i32, %arg2: memref<1048576xf32, #tpu.memory_space<hbm>>, %arg3: memref<13312xi32, #tpu.memory_space<hbm>>, %arg4: memref<13631488xf32, #tpu.memory_space<hbm>>, %arg5: memref<13312xi32, #tpu.memory_space<vmem>>, %arg6: memref<32768xf32, #tpu.memory_space<vmem>>, %arg7: memref<2x13312xf32, #tpu.memory_space<vmem>>, %arg8: memref<!tpu.dma_semaphore, #tpu.memory_space<semaphore_mem>>, %arg9: memref<!tpu.dma_semaphore, #tpu.memory_space<semaphore_mem>>) attributes {dimension_semantics = [#tpu.dimension_semantics<core_parallel>, #tpu.dimension_semantics<subcore_parallel>], iteration_bounds = array<i64: 2, 16>, scalar_prefetch = 0 : i64, scratch_operands = 5 : i64, tpu.core_type = #tpu.core_type<sc_vector_subcore>, window_params = [{transform_indices = #map}, {transform_indices = #map}, {transform_indices = #map}]} {
    %mul3A = arith.constant 2 : i32
    %mul3A_0 = arith.muli %arg1, %mul3A : i32
    %add3A = arith.addi %mul3A_0, %arg0 : i32
    "tpu.region"() ({
      %run_scoped3A = tpu.sem_alloc : memref<!tpu.dma_semaphore, #tpu.memory_space<semaphore_mem>>
      tpu.enqueue_dma source(%arg3 : memref<13312xi32, #tpu.memory_space<hbm>>) target(%arg5 : memref<13312xi32, #tpu.memory_space<vmem>>) target_semaphore(%run_scoped3A : memref<!tpu.dma_semaphore, #tpu.memory_space<semaphore_mem>>)
      tpu.wait_dma2 semaphore(%run_scoped3A : memref<!tpu.dma_semaphore, #tpu.memory_space<semaphore_mem>>) src(%arg3 : memref<13312xi32, #tpu.memory_space<hbm>>) dst(%arg5 : memref<13312xi32, #tpu.memory_space<vmem>>)
      tpu.yield
    }) : () -> ()
    %mul3A_1 = arith.constant 32 : i32
    %mul3A_2 = arith.muli %add3A, %mul3A_1 : i32
    %mul3A_3 = arith.constant 1024 : i32
    %mul3A_4 = arith.muli %mul3A_2, %mul3A_3 : i32
    "tpu.region"() ({
      %run_scoped3A = tpu.sem_alloc : memref<!tpu.dma_semaphore, #tpu.memory_space<semaphore_mem>>
      %dma_start3A = tpu.memref_slice %arg2[%mul3A_4] : memref<1048576xf32, #tpu.memory_space<hbm>> -> memref<32768xf32, #tpu.memory_space<hbm>>
      %dma_start3A_31 = tpu.memref_slice %arg2[%mul3A_4] : memref<1048576xf32, #tpu.memory_space<hbm>> -> memref<32768xf32, #tpu.memory_space<hbm>>
      tpu.enqueue_dma source(%dma_start3A_31 : memref<32768xf32, #tpu.memory_space<hbm>>) target(%arg6 : memref<32768xf32, #tpu.memory_space<vmem>>) target_semaphore(%run_scoped3A : memref<!tpu.dma_semaphore, #tpu.memory_space<semaphore_mem>>)
      %dma_wait3A_32 = tpu.memref_slice %arg2[%mul3A_4] : memref<1048576xf32, #tpu.memory_space<hbm>> -> memref<32768xf32, #tpu.memory_space<hbm>>
      %dma_wait3A_33 = tpu.memref_slice %arg2[%mul3A_4] : memref<1048576xf32, #tpu.memory_space<hbm>> -> memref<32768xf32, #tpu.memory_space<hbm>>
      tpu.wait_dma2 semaphore(%run_scoped3A : memref<!tpu.dma_semaphore, #tpu.memory_space<semaphore_mem>>) src(%dma_wait3A_33 : memref<32768xf32, #tpu.memory_space<hbm>>) dst(%arg6 : memref<32768xf32, #tpu.memory_space<vmem>>)
      tpu.yield
    }) : () -> ()
    %scan3A = arith.constant 0 : i32
    %scan3A_5 = arith.constant 0 : i32
    %scan3A_6 = arith.constant 16 : i32
    %scan3A_7 = arith.addi %scan3A_5, %scan3A_6 : i32
    %scan3A_8 = arith.constant 1 : i32
    scf.for %scan3A_31 = %scan3A_5 to %scan3A_7 step %scan3A_8  : i32 {
      %mul3A_32 = arith.constant 2 : i32
      %mul3A_33 = arith.muli %scan3A_31, %mul3A_32 : i32
      %add3A_34 = arith.constant 0 : i32
      %add3A_35 = arith.addi %mul3A_33, %add3A_34 : i32
      %gt3A = arith.constant 0 : i32
      %gt3A_36 = arith.cmpi sgt, %scan3A_31, %gt3A : i32
      %convert_element_type3A = arith.extui %gt3A_36 : i1 to i32
      %cond3A = arith.constant 0 : i32
      %cond3A_37 = arith.cmpi ne, %convert_element_type3A, %cond3A : i32
      scf.if %cond3A_37 {
        %dma_wait3A_79 = arith.constant 0 : i32
        %dma_wait3A_80 = arith.constant 0 : i32
        %dma_wait3A_81 = tpu.memref_slice %arg7[%dma_wait3A_79, %dma_wait3A_80] : memref<2x13312xf32, #tpu.memory_space<vmem>> -> memref<1x13312xf32, #tpu.memory_space<vmem>>
        %dma_wait3A_82 = tpu.memref_squeeze %dma_wait3A_81 : memref<1x13312xf32, #tpu.memory_space<vmem>> -> memref<13312xf32, #tpu.memory_space<vmem>>
        %dma_wait3A_83 = arith.constant 0 : i32
        %dma_wait3A_84 = tpu.memref_slice %arg4[%dma_wait3A_83] : memref<13631488xf32, #tpu.memory_space<hbm>> -> memref<13312xf32, #tpu.memory_space<hbm>>
        %dma_wait3A_85 = arith.constant 0 : i32
        %dma_wait3A_86 = tpu.memref_slice %arg4[%dma_wait3A_85] : memref<13631488xf32, #tpu.memory_space<hbm>> -> memref<13312xf32, #tpu.memory_space<hbm>>
        %dma_wait3A_87 = arith.constant 0 : i32
        %dma_wait3A_88 = tpu.memref_slice %arg7[%dma_wait3A_79, %dma_wait3A_87] : memref<2x13312xf32, #tpu.memory_space<vmem>> -> memref<1x13312xf32, #tpu.memory_space<vmem>>
        %dma_wait3A_89 = tpu.memref_squeeze %dma_wait3A_88 : memref<1x13312xf32, #tpu.memory_space<vmem>> -> memref<13312xf32, #tpu.memory_space<vmem>>
        tpu.wait_dma2 semaphore(%arg8 : memref<!tpu.dma_semaphore, #tpu.memory_space<semaphore_mem>>) src(%dma_wait3A_89 : memref<13312xf32, #tpu.memory_space<vmem>>) dst(%dma_wait3A_86 : memref<13312xf32, #tpu.memory_space<hbm>>)
      } else {
      }
      %parallel_loop3A = arith.constant 0 : i32
      %parallel_loop3A_38 = arith.constant 832 : i32
      %parallel_loop3A_39 = arith.constant 1 : i32
      scf.for %parallel_loop3A_79 = %parallel_loop3A to %parallel_loop3A_38 step %parallel_loop3A_39  : i32 {
        %parallel_loop3A_80 = arith.constant 16 : i32
        %parallel_loop3A_81 = arith.muli %parallel_loop3A_79, %parallel_loop3A_80 : i32
        %parallel_loop3A_82 = arith.index_cast %parallel_loop3A_81 : i32 to index
        %parallel_loop3A_83 = tpu.vector_load %arg5[%parallel_loop3A_82] {strides = array<i32>} : memref<13312xi32, #tpu.memory_space<vmem>>, vector<16xi32>,
        %parallel_loop3A_84 = arith.constant 1024 : i32
        %parallel_loop3A_85 = arith.muli %add3A_35, %parallel_loop3A_84 : i32
        %parallel_loop3A_86 = vector.broadcast %parallel_loop3A_85 : i32 to vector<16xi32>
        %parallel_loop3A_87 = arith.addi %parallel_loop3A_83, %parallel_loop3A_86 : vector<16xi32>
        %parallel_loop3A_88 = tpu.vector_load_idx %arg6[%parallel_loop3A_87] : memref<32768xf32, #tpu.memory_space<vmem>>[vector<16xi32>], vector<16xf32>,
        %parallel_loop3A_89 = arith.constant 0 : i32
        %parallel_loop3A_90 = arith.index_cast %parallel_loop3A_89 : i32 to index
        %parallel_loop3A_91 = arith.index_cast %parallel_loop3A_81 : i32 to index
        %parallel_loop3A_92 = tpu.vector_load %arg7[%parallel_loop3A_90, %parallel_loop3A_91] {strides = array<i32>} : memref<2x13312xf32, #tpu.memory_space<vmem>>, vector<16xf32>,
        tpu.vector_store %arg7[%parallel_loop3A_90, %parallel_loop3A_91], %parallel_loop3A_88 {strides = array<i32>} : memref<2x13312xf32, #tpu.memory_space<vmem>>, vector<16xf32>,
      } {sc.loop_unroll_factor = 16 : i64, sc.parallel_access}
      %mul3A_40 = arith.constant 32 : i32
      %mul3A_41 = arith.muli %add3A, %mul3A_40 : i32
      %add3A_42 = arith.addi %mul3A_41, %add3A_35 : i32
      %mul3A_43 = arith.constant 13312 : i32
      %mul3A_44 = arith.muli %add3A_42, %mul3A_43 : i32
      %dma_start3A = arith.constant 0 : i32
      %dma_start3A_45 = arith.constant 0 : i32
      %dma_start3A_46 = tpu.memref_slice %arg7[%dma_start3A, %dma_start3A_45] : memref<2x13312xf32, #tpu.memory_space<vmem>> -> memref<1x13312xf32, #tpu.memory_space<vmem>>
      %dma_start3A_47 = tpu.memref_squeeze %dma_start3A_46 : memref<1x13312xf32, #tpu.memory_space<vmem>> -> memref<13312xf32, #tpu.memory_space<vmem>>
      %dma_start3A_48 = tpu.memref_slice %arg4[%mul3A_44] : memref<13631488xf32, #tpu.memory_space<hbm>> -> memref<13312xf32, #tpu.memory_space<hbm>>
      %dma_start3A_49 = tpu.memref_slice %arg4[%mul3A_44] : memref<13631488xf32, #tpu.memory_space<hbm>> -> memref<13312xf32, #tpu.memory_space<hbm>>
      %dma_start3A_50 = arith.constant 0 : i32
      %dma_start3A_51 = tpu.memref_slice %arg7[%dma_start3A, %dma_start3A_50] : memref<2x13312xf32, #tpu.memory_space<vmem>> -> memref<1x13312xf32, #tpu.memory_space<vmem>>
      %dma_start3A_52 = tpu.memref_squeeze %dma_start3A_51 : memref<1x13312xf32, #tpu.memory_space<vmem>> -> memref<13312xf32, #tpu.memory_space<vmem>>
      tpu.enqueue_dma source(%dma_start3A_52 : memref<13312xf32, #tpu.memory_space<vmem>>) target(%dma_start3A_49 : memref<13312xf32, #tpu.memory_space<hbm>>) target_semaphore(%arg8 : memref<!tpu.dma_semaphore, #tpu.memory_space<semaphore_mem>>)
      %mul3A_53 = arith.constant 2 : i32
      %mul3A_54 = arith.muli %scan3A_31, %mul3A_53 : i32
      %add3A_55 = arith.constant 1 : i32
      %add3A_56 = arith.addi %mul3A_54, %add3A_55 : i32
      %gt3A_57 = arith.constant 0 : i32
      %gt3A_58 = arith.cmpi sgt, %scan3A_31, %gt3A_57 : i32
      %convert_element_type3A_59 = arith.extui %gt3A_58 : i1 to i32
      %cond3A_60 = arith.constant 0 : i32
      %cond3A_61 = arith.cmpi ne, %convert_element_type3A_59, %cond3A_60 : i32
      scf.if %cond3A_61 {
        %dma_wait3A_79 = arith.constant 1 : i32
        %dma_wait3A_80 = arith.constant 0 : i32
        %dma_wait3A_81 = tpu.memref_slice %arg7[%dma_wait3A_79, %dma_wait3A_80] : memref<2x13312xf32, #tpu.memory_space<vmem>> -> memref<1x13312xf32, #tpu.memory_space<vmem>>
        %dma_wait3A_82 = tpu.memref_squeeze %dma_wait3A_81 : memref<1x13312xf32, #tpu.memory_space<vmem>> -> memref<13312xf32, #tpu.memory_space<vmem>>
        %dma_wait3A_83 = arith.constant 0 : i32
        %dma_wait3A_84 = tpu.memref_slice %arg4[%dma_wait3A_83] : memref<13631488xf32, #tpu.memory_space<hbm>> -> memref<13312xf32, #tpu.memory_space<hbm>>
        %dma_wait3A_85 = arith.constant 0 : i32
        %dma_wait3A_86 = tpu.memref_slice %arg4[%dma_wait3A_85] : memref<13631488xf32, #tpu.memory_space<hbm>> -> memref<13312xf32, #tpu.memory_space<hbm>>
        %dma_wait3A_87 = arith.constant 0 : i32
        %dma_wait3A_88 = tpu.memref_slice %arg7[%dma_wait3A_79, %dma_wait3A_87] : memref<2x13312xf32, #tpu.memory_space<vmem>> -> memref<1x13312xf32, #tpu.memory_space<vmem>>
        %dma_wait3A_89 = tpu.memref_squeeze %dma_wait3A_88 : memref<1x13312xf32, #tpu.memory_space<vmem>> -> memref<13312xf32, #tpu.memory_space<vmem>>
        tpu.wait_dma2 semaphore(%arg9 : memref<!tpu.dma_semaphore, #tpu.memory_space<semaphore_mem>>) src(%dma_wait3A_89 : memref<13312xf32, #tpu.memory_space<vmem>>) dst(%dma_wait3A_86 : memref<13312xf32, #tpu.memory_space<hbm>>)
      } else {
      }
      %parallel_loop3A_62 = arith.constant 0 : i32
      %parallel_loop3A_63 = arith.constant 832 : i32
      %parallel_loop3A_64 = arith.constant 1 : i32
      scf.for %parallel_loop3A_79 = %parallel_loop3A_62 to %parallel_loop3A_63 step %parallel_loop3A_64  : i32 {
        %parallel_loop3A_80 = arith.constant 16 : i32
        %parallel_loop3A_81 = arith.muli %parallel_loop3A_79, %parallel_loop3A_80 : i32
        %parallel_loop3A_82 = arith.index_cast %parallel_loop3A_81 : i32 to index
        %parallel_loop3A_83 = tpu.vector_load %arg5[%parallel_loop3A_82] {strides = array<i32>} : memref<13312xi32, #tpu.memory_space<vmem>>, vector<16xi32>,
        %parallel_loop3A_84 = arith.constant 1024 : i32
        %parallel_loop3A_85 = arith.muli %add3A_56, %parallel_loop3A_84 : i32
        %parallel_loop3A_86 = vector.broadcast %parallel_loop3A_85 : i32 to vector<16xi32>
        %parallel_loop3A_87 = arith.addi %parallel_loop3A_83, %parallel_loop3A_86 : vector<16xi32>
        %parallel_loop3A_88 = tpu.vector_load_idx %arg6[%parallel_loop3A_87] : memref<32768xf32, #tpu.memory_space<vmem>>[vector<16xi32>], vector<16xf32>,
        %parallel_loop3A_89 = arith.constant 1 : i32
        %parallel_loop3A_90 = arith.index_cast %parallel_loop3A_89 : i32 to index
        %parallel_loop3A_91 = arith.index_cast %parallel_loop3A_81 : i32 to index
        %parallel_loop3A_92 = tpu.vector_load %arg7[%parallel_loop3A_90, %parallel_loop3A_91] {strides = array<i32>} : memref<2x13312xf32, #tpu.memory_space<vmem>>, vector<16xf32>,
        tpu.vector_store %arg7[%parallel_loop3A_90, %parallel_loop3A_91], %parallel_loop3A_88 {strides = array<i32>} : memref<2x13312xf32, #tpu.memory_space<vmem>>, vector<16xf32>,
      } {sc.loop_unroll_factor = 16 : i64, sc.parallel_access}
      %mul3A_65 = arith.constant 32 : i32
      %mul3A_66 = arith.muli %add3A, %mul3A_65 : i32
      %add3A_67 = arith.addi %mul3A_66, %add3A_56 : i32
      %mul3A_68 = arith.constant 13312 : i32
      %mul3A_69 = arith.muli %add3A_67, %mul3A_68 : i32
      %dma_start3A_70 = arith.constant 1 : i32
      %dma_start3A_71 = arith.constant 0 : i32
      %dma_start3A_72 = tpu.memref_slice %arg7[%dma_start3A_70, %dma_start3A_71] : memref<2x13312xf32, #tpu.memory_space<vmem>> -> memref<1x13312xf32, #tpu.memory_space<vmem>>
      %dma_start3A_73 = tpu.memref_squeeze %dma_start3A_72 : memref<1x13312xf32, #tpu.memory_space<vmem>> -> memref<13312xf32, #tpu.memory_space<vmem>>
      %dma_start3A_74 = tpu.memref_slice %arg4[%mul3A_69] : memref<13631488xf32, #tpu.memory_space<hbm>> -> memref<13312xf32, #tpu.memory_space<hbm>>
      %dma_start3A_75 = tpu.memref_slice %arg4[%mul3A_69] : memref<13631488xf32, #tpu.memory_space<hbm>> -> memref<13312xf32, #tpu.memory_space<hbm>>
      %dma_start3A_76 = arith.constant 0 : i32
      %dma_start3A_77 = tpu.memref_slice %arg7[%dma_start3A_70, %dma_start3A_76] : memref<2x13312xf32, #tpu.memory_space<vmem>> -> memref<1x13312xf32, #tpu.memory_space<vmem>>
      %dma_start3A_78 = tpu.memref_squeeze %dma_start3A_77 : memref<1x13312xf32, #tpu.memory_space<vmem>> -> memref<13312xf32, #tpu.memory_space<vmem>>
      tpu.enqueue_dma source(%dma_start3A_78 : memref<13312xf32, #tpu.memory_space<vmem>>) target(%dma_start3A_75 : memref<13312xf32, #tpu.memory_space<hbm>>) target_semaphore(%arg9 : memref<!tpu.dma_semaphore, #tpu.memory_space<semaphore_mem>>)
    }
    %scan3A_9 = arith.constant 16 : i32
    %dma_wait3A = arith.constant 0 : i32
    %dma_wait3A_10 = arith.constant 0 : i32
    %dma_wait3A_11 = tpu.memref_slice %arg7[%dma_wait3A, %dma_wait3A_10] : memref<2x13312xf32, #tpu.memory_space<vmem>> -> memref<1x13312xf32, #tpu.memory_space<vmem>>
    %dma_wait3A_12 = tpu.memref_squeeze %dma_wait3A_11 : memref<1x13312xf32, #tpu.memory_space<vmem>> -> memref<13312xf32, #tpu.memory_space<vmem>>
    %dma_wait3A_13 = arith.constant 0 : i32
    %dma_wait3A_14 = tpu.memref_slice %arg4[%dma_wait3A_13] : memref<13631488xf32, #tpu.memory_space<hbm>> -> memref<13312xf32, #tpu.memory_space<hbm>>
    %dma_wait3A_15 = arith.constant 0 : i32
    %dma_wait3A_16 = tpu.memref_slice %arg4[%dma_wait3A_15] : memref<13631488xf32, #tpu.memory_space<hbm>> -> memref<13312xf32, #tpu.memory_space<hbm>>
    %dma_wait3A_17 = arith.constant 0 : i32
    %dma_wait3A_18 = tpu.memref_slice %arg7[%dma_wait3A, %dma_wait3A_17] : memref<2x13312xf32, #tpu.memory_space<vmem>> -> memref<1x13312xf32, #tpu.memory_space<vmem>>
    %dma_wait3A_19 = tpu.memref_squeeze %dma_wait3A_18 : memref<1x13312xf32, #tpu.memory_space<vmem>> -> memref<13312xf32, #tpu.memory_space<vmem>>
    tpu.wait_dma2 semaphore(%arg8 : memref<!tpu.dma_semaphore, #tpu.memory_space<semaphore_mem>>) src(%dma_wait3A_19 : memref<13312xf32, #tpu.memory_space<vmem>>) dst(%dma_wait3A_16 : memref<13312xf32, #tpu.memory_space<hbm>>)
    %dma_wait3A_20 = arith.constant 1 : i32
    %dma_wait3A_21 = arith.constant 0 : i32
    %dma_wait3A_22 = tpu.memref_slice %arg7[%dma_wait3A_20, %dma_wait3A_21] : memref<2x13312xf32, #tpu.memory_space<vmem>> -> memref<1x13312xf32, #tpu.memory_space<vmem>>
    %dma_wait3A_23 = tpu.memref_squeeze %dma_wait3A_22 : memref<1x13312xf32, #tpu.memory_space<vmem>> -> memref<13312xf32, #tpu.memory_space<vmem>>
    %dma_wait3A_24 = arith.constant 0 : i32
    %dma_wait3A_25 = tpu.memref_slice %arg4[%dma_wait3A_24] : memref<13631488xf32, #tpu.memory_space<hbm>> -> memref<13312xf32, #tpu.memory_space<hbm>>
    %dma_wait3A_26 = arith.constant 0 : i32
    %dma_wait3A_27 = tpu.memref_slice %arg4[%dma_wait3A_26] : memref<13631488xf32, #tpu.memory_space<hbm>> -> memref<13312xf32, #tpu.memory_space<hbm>>
    %dma_wait3A_28 = arith.constant 0 : i32
    %dma_wait3A_29 = tpu.memref_slice %arg7[%dma_wait3A_20, %dma_wait3A_28] : memref<2x13312xf32, #tpu.memory_space<vmem>> -> memref<1x13312xf32, #tpu.memory_space<vmem>>
    %dma_wait3A_30 = tpu.memref_squeeze %dma_wait3A_29 : memref<1x13312xf32, #tpu.memory_space<vmem>> -> memref<13312xf32, #tpu.memory_space<vmem>>
    tpu.wait_dma2 semaphore(%arg9 : memref<!tpu.dma_semaphore, #tpu.memory_space<semaphore_mem>>) src(%dma_wait3A_30 : memref<13312xf32, #tpu.memory_space<vmem>>) dst(%dma_wait3A_27 : memref<13312xf32, #tpu.memory_space<hbm>>)
    return
  }
}

#map = affine_map<(d0, d1) -> (0)>
module attributes {stable_mosaic.version = 14 : i64} {
  func.func @gk(%arg0: i32, %arg1: i32, %arg2: memref<1048576xf32, #tpu.memory_space<hbm>>, %arg3: memref<13312xi32, #tpu.memory_space<hbm>>, %arg4: memref<13631488xf32, #tpu.memory_space<hbm>>, %arg5: memref<13312xi32, #tpu.memory_space<vmem>>, %arg6: memref<32768xf32, #tpu.memory_space<vmem>>, %arg7: memref<2x13312xf32, #tpu.memory_space<vmem>>, %arg8: memref<!tpu.dma_semaphore, #tpu.memory_space<semaphore_mem>>, %arg9: memref<!tpu.dma_semaphore, #tpu.memory_space<semaphore_mem>>) attributes {dimension_semantics = [#tpu.dimension_semantics<core_parallel>, #tpu.dimension_semantics<subcore_parallel>], iteration_bounds = array<i64: 2, 16>, scalar_prefetch = 0 : i64, scratch_operands = 5 : i64, tpu.core_type = #tpu.core_type<sc_vector_subcore>, window_params = [{transform_indices = #map}, {transform_indices = #map}, {transform_indices = #map}]} {
    %mul3A = arith.constant 2 : i32
    %mul3A_0 = arith.muli %arg1, %mul3A : i32
    %add3A = arith.addi %mul3A_0, %arg0 : i32
    "tpu.region"() ({
      %run_scoped3A = tpu.sem_alloc : memref<!tpu.dma_semaphore, #tpu.memory_space<semaphore_mem>>
      tpu.enqueue_dma source(%arg3 : memref<13312xi32, #tpu.memory_space<hbm>>) target(%arg5 : memref<13312xi32, #tpu.memory_space<vmem>>) target_semaphore(%run_scoped3A : memref<!tpu.dma_semaphore, #tpu.memory_space<semaphore_mem>>)
      tpu.wait_dma2 semaphore(%run_scoped3A : memref<!tpu.dma_semaphore, #tpu.memory_space<semaphore_mem>>) src(%arg3 : memref<13312xi32, #tpu.memory_space<hbm>>) dst(%arg5 : memref<13312xi32, #tpu.memory_space<vmem>>)
      tpu.yield
    }) : () -> ()
    %mul3A_1 = arith.constant 32 : i32
    %mul3A_2 = arith.muli %add3A, %mul3A_1 : i32
    %mul3A_3 = arith.constant 1024 : i32
    %mul3A_4 = arith.muli %mul3A_2, %mul3A_3 : i32
    "tpu.region"() ({
      %run_scoped3A = tpu.sem_alloc : memref<!tpu.dma_semaphore, #tpu.memory_space<semaphore_mem>>
      %dma_start3A = tpu.memref_slice %arg2[%mul3A_4] : memref<1048576xf32, #tpu.memory_space<hbm>> -> memref<32768xf32, #tpu.memory_space<hbm>>
      %dma_start3A_31 = tpu.memref_slice %arg2[%mul3A_4] : memref<1048576xf32, #tpu.memory_space<hbm>> -> memref<32768xf32, #tpu.memory_space<hbm>>
      tpu.enqueue_dma source(%dma_start3A_31 : memref<32768xf32, #tpu.memory_space<hbm>>) target(%arg6 : memref<32768xf32, #tpu.memory_space<vmem>>) target_semaphore(%run_scoped3A : memref<!tpu.dma_semaphore, #tpu.memory_space<semaphore_mem>>)
      %dma_wait3A_32 = tpu.memref_slice %arg2[%mul3A_4] : memref<1048576xf32, #tpu.memory_space<hbm>> -> memref<32768xf32, #tpu.memory_space<hbm>>
      %dma_wait3A_33 = tpu.memref_slice %arg2[%mul3A_4] : memref<1048576xf32, #tpu.memory_space<hbm>> -> memref<32768xf32, #tpu.memory_space<hbm>>
      tpu.wait_dma2 semaphore(%run_scoped3A : memref<!tpu.dma_semaphore, #tpu.memory_space<semaphore_mem>>) src(%dma_wait3A_33 : memref<32768xf32, #tpu.memory_space<hbm>>) dst(%arg6 : memref<32768xf32, #tpu.memory_space<vmem>>)
      tpu.yield
    }) : () -> ()
    %scan3A = arith.constant 0 : i32
    %scan3A_5 = arith.constant 0 : i32
    %scan3A_6 = arith.constant 16 : i32
    %scan3A_7 = arith.addi %scan3A_5, %scan3A_6 : i32
    %scan3A_8 = arith.constant 1 : i32
    scf.for %scan3A_31 = %scan3A_5 to %scan3A_7 step %scan3A_8  : i32 {
      %mul3A_32 = arith.constant 2 : i32
      %mul3A_33 = arith.muli %scan3A_31, %mul3A_32 : i32
      %add3A_34 = arith.constant 0 : i32
      %add3A_35 = arith.addi %mul3A_33, %add3A_34 : i32
      %gt3A = arith.constant 0 : i32
      %gt3A_36 = arith.cmpi sgt, %scan3A_31, %gt3A : i32
      %convert_element_type3A = arith.extui %gt3A_36 : i1 to i32
      %cond3A = arith.constant 0 : i32
      %cond3A_37 = arith.cmpi ne, %convert_element_type3A, %cond3A : i32
      scf.if %cond3A_37 {
        %dma_wait3A_79 = arith.constant 0 : i32
        %dma_wait3A_80 = arith.constant 0 : i32
        %dma_wait3A_81 = tpu.memref_slice %arg7[%dma_wait3A_79, %dma_wait3A_80] : memref<2x13312xf32, #tpu.memory_space<vmem>> -> memref<1x13312xf32, #tpu.memory_space<vmem>>
        %dma_wait3A_82 = tpu.memref_squeeze %dma_wait3A_81 : memref<1x13312xf32, #tpu.memory_space<vmem>> -> memref<13312xf32, #tpu.memory_space<vmem>>
        %dma_wait3A_83 = arith.constant 0 : i32
        %dma_wait3A_84 = tpu.memref_slice %arg4[%dma_wait3A_83] : memref<13631488xf32, #tpu.memory_space<hbm>> -> memref<13312xf32, #tpu.memory_space<hbm>>
        %dma_wait3A_85 = arith.constant 0 : i32
        %dma_wait3A_86 = tpu.memref_slice %arg4[%dma_wait3A_85] : memref<13631488xf32, #tpu.memory_space<hbm>> -> memref<13312xf32, #tpu.memory_space<hbm>>
        %dma_wait3A_87 = arith.constant 0 : i32
        %dma_wait3A_88 = tpu.memref_slice %arg7[%dma_wait3A_79, %dma_wait3A_87] : memref<2x13312xf32, #tpu.memory_space<vmem>> -> memref<1x13312xf32, #tpu.memory_space<vmem>>
        %dma_wait3A_89 = tpu.memref_squeeze %dma_wait3A_88 : memref<1x13312xf32, #tpu.memory_space<vmem>> -> memref<13312xf32, #tpu.memory_space<vmem>>
        tpu.wait_dma2 semaphore(%arg8 : memref<!tpu.dma_semaphore, #tpu.memory_space<semaphore_mem>>) src(%dma_wait3A_89 : memref<13312xf32, #tpu.memory_space<vmem>>) dst(%dma_wait3A_86 : memref<13312xf32, #tpu.memory_space<hbm>>)
      } else {
      }
      %parallel_loop3A = arith.constant 0 : i32
      %parallel_loop3A_38 = arith.constant 832 : i32
      %parallel_loop3A_39 = arith.constant 1 : i32
      scf.for %parallel_loop3A_79 = %parallel_loop3A to %parallel_loop3A_38 step %parallel_loop3A_39  : i32 {
        %parallel_loop3A_80 = arith.constant 16 : i32
        %parallel_loop3A_81 = arith.muli %parallel_loop3A_79, %parallel_loop3A_80 : i32
        %parallel_loop3A_82 = arith.index_cast %parallel_loop3A_81 : i32 to index
        %parallel_loop3A_83 = tpu.vector_load %arg5[%parallel_loop3A_82] {strides = array<i32>} : memref<13312xi32, #tpu.memory_space<vmem>>, vector<16xi32>,
        %parallel_loop3A_84 = arith.constant 1024 : i32
        %parallel_loop3A_85 = arith.muli %add3A_35, %parallel_loop3A_84 : i32
        %parallel_loop3A_86 = vector.broadcast %parallel_loop3A_85 : i32 to vector<16xi32>
        %parallel_loop3A_87 = arith.addi %parallel_loop3A_83, %parallel_loop3A_86 : vector<16xi32>
        %parallel_loop3A_88 = tpu.vector_load_idx %arg6[%parallel_loop3A_87] : memref<32768xf32, #tpu.memory_space<vmem>>[vector<16xi32>], vector<16xf32>,
        %parallel_loop3A_89 = arith.constant 0 : i32
        %parallel_loop3A_90 = arith.index_cast %parallel_loop3A_89 : i32 to index
        %parallel_loop3A_91 = arith.index_cast %parallel_loop3A_81 : i32 to index
        %parallel_loop3A_92 = tpu.vector_load %arg7[%parallel_loop3A_90, %parallel_loop3A_91] {strides = array<i32>} : memref<2x13312xf32, #tpu.memory_space<vmem>>, vector<16xf32>,
        tpu.vector_store %arg7[%parallel_loop3A_90, %parallel_loop3A_91], %parallel_loop3A_88 {strides = array<i32>} : memref<2x13312xf32, #tpu.memory_space<vmem>>, vector<16xf32>,
      } {sc.loop_unroll_factor = 16 : i64, sc.parallel_access}
      %mul3A_40 = arith.constant 32 : i32
      %mul3A_41 = arith.muli %add3A, %mul3A_40 : i32
      %add3A_42 = arith.addi %mul3A_41, %add3A_35 : i32
      %mul3A_43 = arith.constant 13312 : i32
      %mul3A_44 = arith.muli %add3A_42, %mul3A_43 : i32
      %dma_start3A = arith.constant 0 : i32
      %dma_start3A_45 = arith.constant 0 : i32
      %dma_start3A_46 = tpu.memref_slice %arg7[%dma_start3A, %dma_start3A_45] : memref<2x13312xf32, #tpu.memory_space<vmem>> -> memref<1x13312xf32, #tpu.memory_space<vmem>>
      %dma_start3A_47 = tpu.memref_squeeze %dma_start3A_46 : memref<1x13312xf32, #tpu.memory_space<vmem>> -> memref<13312xf32, #tpu.memory_space<vmem>>
      %dma_start3A_48 = tpu.memref_slice %arg4[%mul3A_44] : memref<13631488xf32, #tpu.memory_space<hbm>> -> memref<13312xf32, #tpu.memory_space<hbm>>
      %dma_start3A_49 = tpu.memref_slice %arg4[%mul3A_44] : memref<13631488xf32, #tpu.memory_space<hbm>> -> memref<13312xf32, #tpu.memory_space<hbm>>
      %dma_start3A_50 = arith.constant 0 : i32
      %dma_start3A_51 = tpu.memref_slice %arg7[%dma_start3A, %dma_start3A_50] : memref<2x13312xf32, #tpu.memory_space<vmem>> -> memref<1x13312xf32, #tpu.memory_space<vmem>>
      %dma_start3A_52 = tpu.memref_squeeze %dma_start3A_51 : memref<1x13312xf32, #tpu.memory_space<vmem>> -> memref<13312xf32, #tpu.memory_space<vmem>>
      tpu.enqueue_dma source(%dma_start3A_52 : memref<13312xf32, #tpu.memory_space<vmem>>) target(%dma_start3A_49 : memref<13312xf32, #tpu.memory_space<hbm>>) target_semaphore(%arg8 : memref<!tpu.dma_semaphore, #tpu.memory_space<semaphore_mem>>)
      %mul3A_53 = arith.constant 2 : i32
      %mul3A_54 = arith.muli %scan3A_31, %mul3A_53 : i32
      %add3A_55 = arith.constant 1 : i32
      %add3A_56 = arith.addi %mul3A_54, %add3A_55 : i32
      %gt3A_57 = arith.constant 0 : i32
      %gt3A_58 = arith.cmpi sgt, %scan3A_31, %gt3A_57 : i32
      %convert_element_type3A_59 = arith.extui %gt3A_58 : i1 to i32
      %cond3A_60 = arith.constant 0 : i32
      %cond3A_61 = arith.cmpi ne, %convert_element_type3A_59, %cond3A_60 : i32
      scf.if %cond3A_61 {
        %dma_wait3A_79 = arith.constant 1 : i32
        %dma_wait3A_80 = arith.constant 0 : i32
        %dma_wait3A_81 = tpu.memref_slice %arg7[%dma_wait3A_79, %dma_wait3A_80] : memref<2x13312xf32, #tpu.memory_space<vmem>> -> memref<1x13312xf32, #tpu.memory_space<vmem>>
        %dma_wait3A_82 = tpu.memref_squeeze %dma_wait3A_81 : memref<1x13312xf32, #tpu.memory_space<vmem>> -> memref<13312xf32, #tpu.memory_space<vmem>>
        %dma_wait3A_83 = arith.constant 0 : i32
        %dma_wait3A_84 = tpu.memref_slice %arg4[%dma_wait3A_83] : memref<13631488xf32, #tpu.memory_space<hbm>> -> memref<13312xf32, #tpu.memory_space<hbm>>
        %dma_wait3A_85 = arith.constant 0 : i32
        %dma_wait3A_86 = tpu.memref_slice %arg4[%dma_wait3A_85] : memref<13631488xf32, #tpu.memory_space<hbm>> -> memref<13312xf32, #tpu.memory_space<hbm>>
        %dma_wait3A_87 = arith.constant 0 : i32
        %dma_wait3A_88 = tpu.memref_slice %arg7[%dma_wait3A_79, %dma_wait3A_87] : memref<2x13312xf32, #tpu.memory_space<vmem>> -> memref<1x13312xf32, #tpu.memory_space<vmem>>
        %dma_wait3A_89 = tpu.memref_squeeze %dma_wait3A_88 : memref<1x13312xf32, #tpu.memory_space<vmem>> -> memref<13312xf32, #tpu.memory_space<vmem>>
        tpu.wait_dma2 semaphore(%arg9 : memref<!tpu.dma_semaphore, #tpu.memory_space<semaphore_mem>>) src(%dma_wait3A_89 : memref<13312xf32, #tpu.memory_space<vmem>>) dst(%dma_wait3A_86 : memref<13312xf32, #tpu.memory_space<hbm>>)
      } else {
      }
      %parallel_loop3A_62 = arith.constant 0 : i32
      %parallel_loop3A_63 = arith.constant 832 : i32
      %parallel_loop3A_64 = arith.constant 1 : i32
      scf.for %parallel_loop3A_79 = %parallel_loop3A_62 to %parallel_loop3A_63 step %parallel_loop3A_64  : i32 {
        %parallel_loop3A_80 = arith.constant 16 : i32
        %parallel_loop3A_81 = arith.muli %parallel_loop3A_79, %parallel_loop3A_80 : i32
        %parallel_loop3A_82 = arith.index_cast %parallel_loop3A_81 : i32 to index
        %parallel_loop3A_83 = tpu.vector_load %arg5[%parallel_loop3A_82] {strides = array<i32>} : memref<13312xi32, #tpu.memory_space<vmem>>, vector<16xi32>,
        %parallel_loop3A_84 = arith.constant 1024 : i32
        %parallel_loop3A_85 = arith.muli %add3A_56, %parallel_loop3A_84 : i32
        %parallel_loop3A_86 = vector.broadcast %parallel_loop3A_85 : i32 to vector<16xi32>
        %parallel_loop3A_87 = arith.addi %parallel_loop3A_83, %parallel_loop3A_86 : vector<16xi32>
        %parallel_loop3A_88 = tpu.vector_load_idx %arg6[%parallel_loop3A_87] : memref<32768xf32, #tpu.memory_space<vmem>>[vector<16xi32>], vector<16xf32>,
        %parallel_loop3A_89 = arith.constant 1 : i32
        %parallel_loop3A_90 = arith.index_cast %parallel_loop3A_89 : i32 to index
        %parallel_loop3A_91 = arith.index_cast %parallel_loop3A_81 : i32 to index
        %parallel_loop3A_92 = tpu.vector_load %arg7[%parallel_loop3A_90, %parallel_loop3A_91] {strides = array<i32>} : memref<2x13312xf32, #tpu.memory_space<vmem>>, vector<16xf32>,
        tpu.vector_store %arg7[%parallel_loop3A_90, %parallel_loop3A_91], %parallel_loop3A_88 {strides = array<i32>} : memref<2x13312xf32, #tpu.memory_space<vmem>>, vector<16xf32>,
      } {sc.loop_unroll_factor = 16 : i64, sc.parallel_access}
      %mul3A_65 = arith.constant 32 : i32
      %mul3A_66 = arith.muli %add3A, %mul3A_65 : i32
      %add3A_67 = arith.addi %mul3A_66, %add3A_56 : i32
      %mul3A_68 = arith.constant 13312 : i32
      %mul3A_69 = arith.muli %add3A_67, %mul3A_68 : i32
      %dma_start3A_70 = arith.constant 1 : i32
      %dma_start3A_71 = arith.constant 0 : i32
      %dma_start3A_72 = tpu.memref_slice %arg7[%dma_start3A_70, %dma_start3A_71] : memref<2x13312xf32, #tpu.memory_space<vmem>> -> memref<1x13312xf32, #tpu.memory_space<vmem>>
      %dma_start3A_73 = tpu.memref_squeeze %dma_start3A_72 : memref<1x13312xf32, #tpu.memory_space<vmem>> -> memref<13312xf32, #tpu.memory_space<vmem>>
      %dma_start3A_74 = tpu.memref_slice %arg4[%mul3A_69] : memref<13631488xf32, #tpu.memory_space<hbm>> -> memref<13312xf32, #tpu.memory_space<hbm>>
      %dma_start3A_75 = tpu.memref_slice %arg4[%mul3A_69] : memref<13631488xf32, #tpu.memory_space<hbm>> -> memref<13312xf32, #tpu.memory_space<hbm>>
      %dma_start3A_76 = arith.constant 0 : i32
      %dma_start3A_77 = tpu.memref_slice %arg7[%dma_start3A_70, %dma_start3A_76] : memref<2x13312xf32, #tpu.memory_space<vmem>> -> memref<1x13312xf32, #tpu.memory_space<vmem>>
      %dma_start3A_78 = tpu.memref_squeeze %dma_start3A_77 : memref<1x13312xf32, #tpu.memory_space<vmem>> -> memref<13312xf32, #tpu.memory_space<vmem>>
      tpu.enqueue_dma source(%dma_start3A_78 : memref<13312xf32, #tpu.memory_space<vmem>>) target(%dma_start3A_75 : memref<13312xf32, #tpu.memory_space<hbm>>) target_semaphore(%arg9 : memref<!tpu.dma_semaphore, #tpu.memory_space<semaphore_mem>>)
    }
    %scan3A_9 = arith.constant 16 : i32
    %dma_wait3A = arith.constant 0 : i32
    %dma_wait3A_10 = arith.constant 0 : i32
    %dma_wait3A_11 = tpu.memref_slice %arg7[%dma_wait3A, %dma_wait3A_10] : memref<2x13312xf32, #tpu.memory_space<vmem>> -> memref<1x13312xf32, #tpu.memory_space<vmem>>
    %dma_wait3A_12 = tpu.memref_squeeze %dma_wait3A_11 : memref<1x13312xf32, #tpu.memory_space<vmem>> -> memref<13312xf32, #tpu.memory_space<vmem>>
    %dma_wait3A_13 = arith.constant 0 : i32
    %dma_wait3A_14 = tpu.memref_slice %arg4[%dma_wait3A_13] : memref<13631488xf32, #tpu.memory_space<hbm>> -> memref<13312xf32, #tpu.memory_space<hbm>>
    %dma_wait3A_15 = arith.constant 0 : i32
    %dma_wait3A_16 = tpu.memref_slice %arg4[%dma_wait3A_15] : memref<13631488xf32, #tpu.memory_space<hbm>> -> memref<13312xf32, #tpu.memory_space<hbm>>
    %dma_wait3A_17 = arith.constant 0 : i32
    %dma_wait3A_18 = tpu.memref_slice %arg7[%dma_wait3A, %dma_wait3A_17] : memref<2x13312xf32, #tpu.memory_space<vmem>> -> memref<1x13312xf32, #tpu.memory_space<vmem>>
    %dma_wait3A_19 = tpu.memref_squeeze %dma_wait3A_18 : memref<1x13312xf32, #tpu.memory_space<vmem>> -> memref<13312xf32, #tpu.memory_space<vmem>>
    tpu.wait_dma2 semaphore(%arg8 : memref<!tpu.dma_semaphore, #tpu.memory_space<semaphore_mem>>) src(%dma_wait3A_19 : memref<13312xf32, #tpu.memory_space<vmem>>) dst(%dma_wait3A_16 : memref<13312xf32, #tpu.memory_space<hbm>>)
    %dma_wait3A_20 = arith.constant 1 : i32
    %dma_wait3A_21 = arith.constant 0 : i32
    %dma_wait3A_22 = tpu.memref_slice %arg7[%dma_wait3A_20, %dma_wait3A_21] : memref<2x13312xf32, #tpu.memory_space<vmem>> -> memref<1x13312xf32, #tpu.memory_space<vmem>>
    %dma_wait3A_23 = tpu.memref_squeeze %dma_wait3A_22 : memref<1x13312xf32, #tpu.memory_space<vmem>> -> memref<13312xf32, #tpu.memory_space<vmem>>
    %dma_wait3A_24 = arith.constant 0 : i32
    %dma_wait3A_25 = tpu.memref_slice %arg4[%dma_wait3A_24] : memref<13631488xf32, #tpu.memory_space<hbm>> -> memref<13312xf32, #tpu.memory_space<hbm>>
    %dma_wait3A_26 = arith.constant 0 : i32
    %dma_wait3A_27 = tpu.memref_slice %arg4[%dma_wait3A_26] : memref<13631488xf32, #tpu.memory_space<hbm>> -> memref<13312xf32, #tpu.memory_space<hbm>>
    %dma_wait3A_28 = arith.constant 0 : i32
    %dma_wait3A_29 = tpu.memref_slice %arg7[%dma_wait3A_20, %dma_wait3A_28] : memref<2x13312xf32, #tpu.memory_space<vmem>> -> memref<1x13312xf32, #tpu.memory_space<vmem>>
    %dma_wait3A_30 = tpu.memref_squeeze %dma_wait3A_29 : memref<1x13312xf32, #tpu.memory_space<vmem>> -> memref<13312xf32, #tpu.memory_space<vmem>>
    tpu.wait_dma2 semaphore(%arg9 : memref<!tpu.dma_semaphore, #tpu.memory_space<semaphore_mem>>) src(%dma_wait3A_30 : memref<13312xf32, #tpu.memory_space<vmem>>) dst(%dma_wait3A_27 : memref<13312xf32, #tpu.memory_space<hbm>>)
    return
  }
}

#map = affine_map<(d0, d1) -> (0)>
module attributes {stable_mosaic.version = 14 : i64} {
  func.func @gk(%arg0: i32, %arg1: i32, %arg2: memref<1048576xf32, #tpu.memory_space<hbm>>, %arg3: memref<13312xi32, #tpu.memory_space<hbm>>, %arg4: memref<13631488xf32, #tpu.memory_space<hbm>>, %arg5: memref<13312xi32, #tpu.memory_space<vmem>>, %arg6: memref<32768xf32, #tpu.memory_space<vmem>>, %arg7: memref<2x13312xf32, #tpu.memory_space<vmem>>, %arg8: memref<!tpu.dma_semaphore, #tpu.memory_space<semaphore_mem>>, %arg9: memref<!tpu.dma_semaphore, #tpu.memory_space<semaphore_mem>>) attributes {dimension_semantics = [#tpu.dimension_semantics<core_parallel>, #tpu.dimension_semantics<subcore_parallel>], iteration_bounds = array<i64: 2, 16>, scalar_prefetch = 0 : i64, scratch_operands = 5 : i64, tpu.core_type = #tpu.core_type<sc_vector_subcore>, window_params = [{transform_indices = #map}, {transform_indices = #map}, {transform_indices = #map}]} {
    %mul3A = arith.constant 2 : i32
    %mul3A_0 = arith.muli %arg1, %mul3A : i32
    %add3A = arith.addi %mul3A_0, %arg0 : i32
    "tpu.region"() ({
      %run_scoped3A = tpu.sem_alloc : memref<!tpu.dma_semaphore, #tpu.memory_space<semaphore_mem>>
      tpu.enqueue_dma source(%arg3 : memref<13312xi32, #tpu.memory_space<hbm>>) target(%arg5 : memref<13312xi32, #tpu.memory_space<vmem>>) target_semaphore(%run_scoped3A : memref<!tpu.dma_semaphore, #tpu.memory_space<semaphore_mem>>)
      tpu.wait_dma2 semaphore(%run_scoped3A : memref<!tpu.dma_semaphore, #tpu.memory_space<semaphore_mem>>) src(%arg3 : memref<13312xi32, #tpu.memory_space<hbm>>) dst(%arg5 : memref<13312xi32, #tpu.memory_space<vmem>>)
      tpu.yield
    }) : () -> ()
    %mul3A_1 = arith.constant 32 : i32
    %mul3A_2 = arith.muli %add3A, %mul3A_1 : i32
    %mul3A_3 = arith.constant 1024 : i32
    %mul3A_4 = arith.muli %mul3A_2, %mul3A_3 : i32
    "tpu.region"() ({
      %run_scoped3A = tpu.sem_alloc : memref<!tpu.dma_semaphore, #tpu.memory_space<semaphore_mem>>
      %dma_start3A = tpu.memref_slice %arg2[%mul3A_4] : memref<1048576xf32, #tpu.memory_space<hbm>> -> memref<32768xf32, #tpu.memory_space<hbm>>
      %dma_start3A_31 = tpu.memref_slice %arg2[%mul3A_4] : memref<1048576xf32, #tpu.memory_space<hbm>> -> memref<32768xf32, #tpu.memory_space<hbm>>
      tpu.enqueue_dma source(%dma_start3A_31 : memref<32768xf32, #tpu.memory_space<hbm>>) target(%arg6 : memref<32768xf32, #tpu.memory_space<vmem>>) target_semaphore(%run_scoped3A : memref<!tpu.dma_semaphore, #tpu.memory_space<semaphore_mem>>)
      %dma_wait3A_32 = tpu.memref_slice %arg2[%mul3A_4] : memref<1048576xf32, #tpu.memory_space<hbm>> -> memref<32768xf32, #tpu.memory_space<hbm>>
      %dma_wait3A_33 = tpu.memref_slice %arg2[%mul3A_4] : memref<1048576xf32, #tpu.memory_space<hbm>> -> memref<32768xf32, #tpu.memory_space<hbm>>
      tpu.wait_dma2 semaphore(%run_scoped3A : memref<!tpu.dma_semaphore, #tpu.memory_space<semaphore_mem>>) src(%dma_wait3A_33 : memref<32768xf32, #tpu.memory_space<hbm>>) dst(%arg6 : memref<32768xf32, #tpu.memory_space<vmem>>)
      tpu.yield
    }) : () -> ()
    %scan3A = arith.constant 0 : i32
    %scan3A_5 = arith.constant 0 : i32
    %scan3A_6 = arith.constant 16 : i32
    %scan3A_7 = arith.addi %scan3A_5, %scan3A_6 : i32
    %scan3A_8 = arith.constant 1 : i32
    scf.for %scan3A_31 = %scan3A_5 to %scan3A_7 step %scan3A_8  : i32 {
      %mul3A_32 = arith.constant 2 : i32
      %mul3A_33 = arith.muli %scan3A_31, %mul3A_32 : i32
      %add3A_34 = arith.constant 0 : i32
      %add3A_35 = arith.addi %mul3A_33, %add3A_34 : i32
      %gt3A = arith.constant 0 : i32
      %gt3A_36 = arith.cmpi sgt, %scan3A_31, %gt3A : i32
      %convert_element_type3A = arith.extui %gt3A_36 : i1 to i32
      %cond3A = arith.constant 0 : i32
      %cond3A_37 = arith.cmpi ne, %convert_element_type3A, %cond3A : i32
      scf.if %cond3A_37 {
        %dma_wait3A_79 = arith.constant 0 : i32
        %dma_wait3A_80 = arith.constant 0 : i32
        %dma_wait3A_81 = tpu.memref_slice %arg7[%dma_wait3A_79, %dma_wait3A_80] : memref<2x13312xf32, #tpu.memory_space<vmem>> -> memref<1x13312xf32, #tpu.memory_space<vmem>>
        %dma_wait3A_82 = tpu.memref_squeeze %dma_wait3A_81 : memref<1x13312xf32, #tpu.memory_space<vmem>> -> memref<13312xf32, #tpu.memory_space<vmem>>
        %dma_wait3A_83 = arith.constant 0 : i32
        %dma_wait3A_84 = tpu.memref_slice %arg4[%dma_wait3A_83] : memref<13631488xf32, #tpu.memory_space<hbm>> -> memref<13312xf32, #tpu.memory_space<hbm>>
        %dma_wait3A_85 = arith.constant 0 : i32
        %dma_wait3A_86 = tpu.memref_slice %arg4[%dma_wait3A_85] : memref<13631488xf32, #tpu.memory_space<hbm>> -> memref<13312xf32, #tpu.memory_space<hbm>>
        %dma_wait3A_87 = arith.constant 0 : i32
        %dma_wait3A_88 = tpu.memref_slice %arg7[%dma_wait3A_79, %dma_wait3A_87] : memref<2x13312xf32, #tpu.memory_space<vmem>> -> memref<1x13312xf32, #tpu.memory_space<vmem>>
        %dma_wait3A_89 = tpu.memref_squeeze %dma_wait3A_88 : memref<1x13312xf32, #tpu.memory_space<vmem>> -> memref<13312xf32, #tpu.memory_space<vmem>>
        tpu.wait_dma2 semaphore(%arg8 : memref<!tpu.dma_semaphore, #tpu.memory_space<semaphore_mem>>) src(%dma_wait3A_89 : memref<13312xf32, #tpu.memory_space<vmem>>) dst(%dma_wait3A_86 : memref<13312xf32, #tpu.memory_space<hbm>>)
      } else {
      }
      %parallel_loop3A = arith.constant 0 : i32
      %parallel_loop3A_38 = arith.constant 832 : i32
      %parallel_loop3A_39 = arith.constant 1 : i32
      scf.for %parallel_loop3A_79 = %parallel_loop3A to %parallel_loop3A_38 step %parallel_loop3A_39  : i32 {
        %parallel_loop3A_80 = arith.constant 16 : i32
        %parallel_loop3A_81 = arith.muli %parallel_loop3A_79, %parallel_loop3A_80 : i32
        %parallel_loop3A_82 = arith.index_cast %parallel_loop3A_81 : i32 to index
        %parallel_loop3A_83 = tpu.vector_load %arg5[%parallel_loop3A_82] {strides = array<i32>} : memref<13312xi32, #tpu.memory_space<vmem>>, vector<16xi32>,
        %parallel_loop3A_84 = arith.constant 1024 : i32
        %parallel_loop3A_85 = arith.muli %add3A_35, %parallel_loop3A_84 : i32
        %parallel_loop3A_86 = vector.broadcast %parallel_loop3A_85 : i32 to vector<16xi32>
        %parallel_loop3A_87 = arith.addi %parallel_loop3A_83, %parallel_loop3A_86 : vector<16xi32>
        %parallel_loop3A_88 = tpu.vector_load_idx %arg6[%parallel_loop3A_87] : memref<32768xf32, #tpu.memory_space<vmem>>[vector<16xi32>], vector<16xf32>,
        %parallel_loop3A_89 = arith.constant 0 : i32
        %parallel_loop3A_90 = arith.index_cast %parallel_loop3A_89 : i32 to index
        %parallel_loop3A_91 = arith.index_cast %parallel_loop3A_81 : i32 to index
        %parallel_loop3A_92 = tpu.vector_load %arg7[%parallel_loop3A_90, %parallel_loop3A_91] {strides = array<i32>} : memref<2x13312xf32, #tpu.memory_space<vmem>>, vector<16xf32>,
        tpu.vector_store %arg7[%parallel_loop3A_90, %parallel_loop3A_91], %parallel_loop3A_88 {strides = array<i32>} : memref<2x13312xf32, #tpu.memory_space<vmem>>, vector<16xf32>,
      } {sc.loop_unroll_factor = 16 : i64, sc.parallel_access}
      %mul3A_40 = arith.constant 32 : i32
      %mul3A_41 = arith.muli %add3A, %mul3A_40 : i32
      %add3A_42 = arith.addi %mul3A_41, %add3A_35 : i32
      %mul3A_43 = arith.constant 13312 : i32
      %mul3A_44 = arith.muli %add3A_42, %mul3A_43 : i32
      %dma_start3A = arith.constant 0 : i32
      %dma_start3A_45 = arith.constant 0 : i32
      %dma_start3A_46 = tpu.memref_slice %arg7[%dma_start3A, %dma_start3A_45] : memref<2x13312xf32, #tpu.memory_space<vmem>> -> memref<1x13312xf32, #tpu.memory_space<vmem>>
      %dma_start3A_47 = tpu.memref_squeeze %dma_start3A_46 : memref<1x13312xf32, #tpu.memory_space<vmem>> -> memref<13312xf32, #tpu.memory_space<vmem>>
      %dma_start3A_48 = tpu.memref_slice %arg4[%mul3A_44] : memref<13631488xf32, #tpu.memory_space<hbm>> -> memref<13312xf32, #tpu.memory_space<hbm>>
      %dma_start3A_49 = tpu.memref_slice %arg4[%mul3A_44] : memref<13631488xf32, #tpu.memory_space<hbm>> -> memref<13312xf32, #tpu.memory_space<hbm>>
      %dma_start3A_50 = arith.constant 0 : i32
      %dma_start3A_51 = tpu.memref_slice %arg7[%dma_start3A, %dma_start3A_50] : memref<2x13312xf32, #tpu.memory_space<vmem>> -> memref<1x13312xf32, #tpu.memory_space<vmem>>
      %dma_start3A_52 = tpu.memref_squeeze %dma_start3A_51 : memref<1x13312xf32, #tpu.memory_space<vmem>> -> memref<13312xf32, #tpu.memory_space<vmem>>
      tpu.enqueue_dma source(%dma_start3A_52 : memref<13312xf32, #tpu.memory_space<vmem>>) target(%dma_start3A_49 : memref<13312xf32, #tpu.memory_space<hbm>>) target_semaphore(%arg8 : memref<!tpu.dma_semaphore, #tpu.memory_space<semaphore_mem>>)
      %mul3A_53 = arith.constant 2 : i32
      %mul3A_54 = arith.muli %scan3A_31, %mul3A_53 : i32
      %add3A_55 = arith.constant 1 : i32
      %add3A_56 = arith.addi %mul3A_54, %add3A_55 : i32
      %gt3A_57 = arith.constant 0 : i32
      %gt3A_58 = arith.cmpi sgt, %scan3A_31, %gt3A_57 : i32
      %convert_element_type3A_59 = arith.extui %gt3A_58 : i1 to i32
      %cond3A_60 = arith.constant 0 : i32
      %cond3A_61 = arith.cmpi ne, %convert_element_type3A_59, %cond3A_60 : i32
      scf.if %cond3A_61 {
        %dma_wait3A_79 = arith.constant 1 : i32
        %dma_wait3A_80 = arith.constant 0 : i32
        %dma_wait3A_81 = tpu.memref_slice %arg7[%dma_wait3A_79, %dma_wait3A_80] : memref<2x13312xf32, #tpu.memory_space<vmem>> -> memref<1x13312xf32, #tpu.memory_space<vmem>>
        %dma_wait3A_82 = tpu.memref_squeeze %dma_wait3A_81 : memref<1x13312xf32, #tpu.memory_space<vmem>> -> memref<13312xf32, #tpu.memory_space<vmem>>
        %dma_wait3A_83 = arith.constant 0 : i32
        %dma_wait3A_84 = tpu.memref_slice %arg4[%dma_wait3A_83] : memref<13631488xf32, #tpu.memory_space<hbm>> -> memref<13312xf32, #tpu.memory_space<hbm>>
        %dma_wait3A_85 = arith.constant 0 : i32
        %dma_wait3A_86 = tpu.memref_slice %arg4[%dma_wait3A_85] : memref<13631488xf32, #tpu.memory_space<hbm>> -> memref<13312xf32, #tpu.memory_space<hbm>>
        %dma_wait3A_87 = arith.constant 0 : i32
        %dma_wait3A_88 = tpu.memref_slice %arg7[%dma_wait3A_79, %dma_wait3A_87] : memref<2x13312xf32, #tpu.memory_space<vmem>> -> memref<1x13312xf32, #tpu.memory_space<vmem>>
        %dma_wait3A_89 = tpu.memref_squeeze %dma_wait3A_88 : memref<1x13312xf32, #tpu.memory_space<vmem>> -> memref<13312xf32, #tpu.memory_space<vmem>>
        tpu.wait_dma2 semaphore(%arg9 : memref<!tpu.dma_semaphore, #tpu.memory_space<semaphore_mem>>) src(%dma_wait3A_89 : memref<13312xf32, #tpu.memory_space<vmem>>) dst(%dma_wait3A_86 : memref<13312xf32, #tpu.memory_space<hbm>>)
      } else {
      }
      %parallel_loop3A_62 = arith.constant 0 : i32
      %parallel_loop3A_63 = arith.constant 832 : i32
      %parallel_loop3A_64 = arith.constant 1 : i32
      scf.for %parallel_loop3A_79 = %parallel_loop3A_62 to %parallel_loop3A_63 step %parallel_loop3A_64  : i32 {
        %parallel_loop3A_80 = arith.constant 16 : i32
        %parallel_loop3A_81 = arith.muli %parallel_loop3A_79, %parallel_loop3A_80 : i32
        %parallel_loop3A_82 = arith.index_cast %parallel_loop3A_81 : i32 to index
        %parallel_loop3A_83 = tpu.vector_load %arg5[%parallel_loop3A_82] {strides = array<i32>} : memref<13312xi32, #tpu.memory_space<vmem>>, vector<16xi32>,
        %parallel_loop3A_84 = arith.constant 1024 : i32
        %parallel_loop3A_85 = arith.muli %add3A_56, %parallel_loop3A_84 : i32
        %parallel_loop3A_86 = vector.broadcast %parallel_loop3A_85 : i32 to vector<16xi32>
        %parallel_loop3A_87 = arith.addi %parallel_loop3A_83, %parallel_loop3A_86 : vector<16xi32>
        %parallel_loop3A_88 = tpu.vector_load_idx %arg6[%parallel_loop3A_87] : memref<32768xf32, #tpu.memory_space<vmem>>[vector<16xi32>], vector<16xf32>,
        %parallel_loop3A_89 = arith.constant 1 : i32
        %parallel_loop3A_90 = arith.index_cast %parallel_loop3A_89 : i32 to index
        %parallel_loop3A_91 = arith.index_cast %parallel_loop3A_81 : i32 to index
        %parallel_loop3A_92 = tpu.vector_load %arg7[%parallel_loop3A_90, %parallel_loop3A_91] {strides = array<i32>} : memref<2x13312xf32, #tpu.memory_space<vmem>>, vector<16xf32>,
        tpu.vector_store %arg7[%parallel_loop3A_90, %parallel_loop3A_91], %parallel_loop3A_88 {strides = array<i32>} : memref<2x13312xf32, #tpu.memory_space<vmem>>, vector<16xf32>,
      } {sc.loop_unroll_factor = 16 : i64, sc.parallel_access}
      %mul3A_65 = arith.constant 32 : i32
      %mul3A_66 = arith.muli %add3A, %mul3A_65 : i32
      %add3A_67 = arith.addi %mul3A_66, %add3A_56 : i32
      %mul3A_68 = arith.constant 13312 : i32
      %mul3A_69 = arith.muli %add3A_67, %mul3A_68 : i32
      %dma_start3A_70 = arith.constant 1 : i32
      %dma_start3A_71 = arith.constant 0 : i32
      %dma_start3A_72 = tpu.memref_slice %arg7[%dma_start3A_70, %dma_start3A_71] : memref<2x13312xf32, #tpu.memory_space<vmem>> -> memref<1x13312xf32, #tpu.memory_space<vmem>>
      %dma_start3A_73 = tpu.memref_squeeze %dma_start3A_72 : memref<1x13312xf32, #tpu.memory_space<vmem>> -> memref<13312xf32, #tpu.memory_space<vmem>>
      %dma_start3A_74 = tpu.memref_slice %arg4[%mul3A_69] : memref<13631488xf32, #tpu.memory_space<hbm>> -> memref<13312xf32, #tpu.memory_space<hbm>>
      %dma_start3A_75 = tpu.memref_slice %arg4[%mul3A_69] : memref<13631488xf32, #tpu.memory_space<hbm>> -> memref<13312xf32, #tpu.memory_space<hbm>>
      %dma_start3A_76 = arith.constant 0 : i32
      %dma_start3A_77 = tpu.memref_slice %arg7[%dma_start3A_70, %dma_start3A_76] : memref<2x13312xf32, #tpu.memory_space<vmem>> -> memref<1x13312xf32, #tpu.memory_space<vmem>>
      %dma_start3A_78 = tpu.memref_squeeze %dma_start3A_77 : memref<1x13312xf32, #tpu.memory_space<vmem>> -> memref<13312xf32, #tpu.memory_space<vmem>>
      tpu.enqueue_dma source(%dma_start3A_78 : memref<13312xf32, #tpu.memory_space<vmem>>) target(%dma_start3A_75 : memref<13312xf32, #tpu.memory_space<hbm>>) target_semaphore(%arg9 : memref<!tpu.dma_semaphore, #tpu.memory_space<semaphore_mem>>)
    }
    %scan3A_9 = arith.constant 16 : i32
    %dma_wait3A = arith.constant 0 : i32
    %dma_wait3A_10 = arith.constant 0 : i32
    %dma_wait3A_11 = tpu.memref_slice %arg7[%dma_wait3A, %dma_wait3A_10] : memref<2x13312xf32, #tpu.memory_space<vmem>> -> memref<1x13312xf32, #tpu.memory_space<vmem>>
    %dma_wait3A_12 = tpu.memref_squeeze %dma_wait3A_11 : memref<1x13312xf32, #tpu.memory_space<vmem>> -> memref<13312xf32, #tpu.memory_space<vmem>>
    %dma_wait3A_13 = arith.constant 0 : i32
    %dma_wait3A_14 = tpu.memref_slice %arg4[%dma_wait3A_13] : memref<13631488xf32, #tpu.memory_space<hbm>> -> memref<13312xf32, #tpu.memory_space<hbm>>
    %dma_wait3A_15 = arith.constant 0 : i32
    %dma_wait3A_16 = tpu.memref_slice %arg4[%dma_wait3A_15] : memref<13631488xf32, #tpu.memory_space<hbm>> -> memref<13312xf32, #tpu.memory_space<hbm>>
    %dma_wait3A_17 = arith.constant 0 : i32
    %dma_wait3A_18 = tpu.memref_slice %arg7[%dma_wait3A, %dma_wait3A_17] : memref<2x13312xf32, #tpu.memory_space<vmem>> -> memref<1x13312xf32, #tpu.memory_space<vmem>>
    %dma_wait3A_19 = tpu.memref_squeeze %dma_wait3A_18 : memref<1x13312xf32, #tpu.memory_space<vmem>> -> memref<13312xf32, #tpu.memory_space<vmem>>
    tpu.wait_dma2 semaphore(%arg8 : memref<!tpu.dma_semaphore, #tpu.memory_space<semaphore_mem>>) src(%dma_wait3A_19 : memref<13312xf32, #tpu.memory_space<vmem>>) dst(%dma_wait3A_16 : memref<13312xf32, #tpu.memory_space<hbm>>)
    %dma_wait3A_20 = arith.constant 1 : i32
    %dma_wait3A_21 = arith.constant 0 : i32
    %dma_wait3A_22 = tpu.memref_slice %arg7[%dma_wait3A_20, %dma_wait3A_21] : memref<2x13312xf32, #tpu.memory_space<vmem>> -> memref<1x13312xf32, #tpu.memory_space<vmem>>
    %dma_wait3A_23 = tpu.memref_squeeze %dma_wait3A_22 : memref<1x13312xf32, #tpu.memory_space<vmem>> -> memref<13312xf32, #tpu.memory_space<vmem>>
    %dma_wait3A_24 = arith.constant 0 : i32
    %dma_wait3A_25 = tpu.memref_slice %arg4[%dma_wait3A_24] : memref<13631488xf32, #tpu.memory_space<hbm>> -> memref<13312xf32, #tpu.memory_space<hbm>>
    %dma_wait3A_26 = arith.constant 0 : i32
    %dma_wait3A_27 = tpu.memref_slice %arg4[%dma_wait3A_26] : memref<13631488xf32, #tpu.memory_space<hbm>> -> memref<13312xf32, #tpu.memory_space<hbm>>
    %dma_wait3A_28 = arith.constant 0 : i32
    %dma_wait3A_29 = tpu.memref_slice %arg7[%dma_wait3A_20, %dma_wait3A_28] : memref<2x13312xf32, #tpu.memory_space<vmem>> -> memref<1x13312xf32, #tpu.memory_space<vmem>>
    %dma_wait3A_30 = tpu.memref_squeeze %dma_wait3A_29 : memref<1x13312xf32, #tpu.memory_space<vmem>> -> memref<13312xf32, #tpu.memory_space<vmem>>
    tpu.wait_dma2 semaphore(%arg9 : memref<!tpu.dma_semaphore, #tpu.memory_space<semaphore_mem>>) src(%dma_wait3A_30 : memref<13312xf32, #tpu.memory_space<vmem>>) dst(%dma_wait3A_27 : memref<13312xf32, #tpu.memory_space<hbm>>)
    return
  }
}

#map = affine_map<(d0, d1) -> (0)>
module attributes {stable_mosaic.version = 14 : i64} {
  func.func @gk(%arg0: i32, %arg1: i32, %arg2: memref<1048576xf32, #tpu.memory_space<hbm>>, %arg3: memref<13312xi32, #tpu.memory_space<hbm>>, %arg4: memref<13631488xf32, #tpu.memory_space<hbm>>, %arg5: memref<13312xi32, #tpu.memory_space<vmem>>, %arg6: memref<32768xf32, #tpu.memory_space<vmem>>, %arg7: memref<2x13312xf32, #tpu.memory_space<vmem>>, %arg8: memref<!tpu.dma_semaphore, #tpu.memory_space<semaphore_mem>>, %arg9: memref<!tpu.dma_semaphore, #tpu.memory_space<semaphore_mem>>) attributes {dimension_semantics = [#tpu.dimension_semantics<core_parallel>, #tpu.dimension_semantics<subcore_parallel>], iteration_bounds = array<i64: 2, 16>, scalar_prefetch = 0 : i64, scratch_operands = 5 : i64, tpu.core_type = #tpu.core_type<sc_vector_subcore>, window_params = [{transform_indices = #map}, {transform_indices = #map}, {transform_indices = #map}]} {
    %mul3A = arith.constant 2 : i32
    %mul3A_0 = arith.muli %arg1, %mul3A : i32
    %add3A = arith.addi %mul3A_0, %arg0 : i32
    "tpu.region"() ({
      %run_scoped3A = tpu.sem_alloc : memref<!tpu.dma_semaphore, #tpu.memory_space<semaphore_mem>>
      tpu.enqueue_dma source(%arg3 : memref<13312xi32, #tpu.memory_space<hbm>>) target(%arg5 : memref<13312xi32, #tpu.memory_space<vmem>>) target_semaphore(%run_scoped3A : memref<!tpu.dma_semaphore, #tpu.memory_space<semaphore_mem>>)
      tpu.wait_dma2 semaphore(%run_scoped3A : memref<!tpu.dma_semaphore, #tpu.memory_space<semaphore_mem>>) src(%arg3 : memref<13312xi32, #tpu.memory_space<hbm>>) dst(%arg5 : memref<13312xi32, #tpu.memory_space<vmem>>)
      tpu.yield
    }) : () -> ()
    %mul3A_1 = arith.constant 32 : i32
    %mul3A_2 = arith.muli %add3A, %mul3A_1 : i32
    %mul3A_3 = arith.constant 1024 : i32
    %mul3A_4 = arith.muli %mul3A_2, %mul3A_3 : i32
    "tpu.region"() ({
      %run_scoped3A = tpu.sem_alloc : memref<!tpu.dma_semaphore, #tpu.memory_space<semaphore_mem>>
      %dma_start3A = tpu.memref_slice %arg2[%mul3A_4] : memref<1048576xf32, #tpu.memory_space<hbm>> -> memref<32768xf32, #tpu.memory_space<hbm>>
      %dma_start3A_31 = tpu.memref_slice %arg2[%mul3A_4] : memref<1048576xf32, #tpu.memory_space<hbm>> -> memref<32768xf32, #tpu.memory_space<hbm>>
      tpu.enqueue_dma source(%dma_start3A_31 : memref<32768xf32, #tpu.memory_space<hbm>>) target(%arg6 : memref<32768xf32, #tpu.memory_space<vmem>>) target_semaphore(%run_scoped3A : memref<!tpu.dma_semaphore, #tpu.memory_space<semaphore_mem>>)
      %dma_wait3A_32 = tpu.memref_slice %arg2[%mul3A_4] : memref<1048576xf32, #tpu.memory_space<hbm>> -> memref<32768xf32, #tpu.memory_space<hbm>>
      %dma_wait3A_33 = tpu.memref_slice %arg2[%mul3A_4] : memref<1048576xf32, #tpu.memory_space<hbm>> -> memref<32768xf32, #tpu.memory_space<hbm>>
      tpu.wait_dma2 semaphore(%run_scoped3A : memref<!tpu.dma_semaphore, #tpu.memory_space<semaphore_mem>>) src(%dma_wait3A_33 : memref<32768xf32, #tpu.memory_space<hbm>>) dst(%arg6 : memref<32768xf32, #tpu.memory_space<vmem>>)
      tpu.yield
    }) : () -> ()
    %scan3A = arith.constant 0 : i32
    %scan3A_5 = arith.constant 0 : i32
    %scan3A_6 = arith.constant 16 : i32
    %scan3A_7 = arith.addi %scan3A_5, %scan3A_6 : i32
    %scan3A_8 = arith.constant 1 : i32
    scf.for %scan3A_31 = %scan3A_5 to %scan3A_7 step %scan3A_8  : i32 {
      %mul3A_32 = arith.constant 2 : i32
      %mul3A_33 = arith.muli %scan3A_31, %mul3A_32 : i32
      %add3A_34 = arith.constant 0 : i32
      %add3A_35 = arith.addi %mul3A_33, %add3A_34 : i32
      %gt3A = arith.constant 0 : i32
      %gt3A_36 = arith.cmpi sgt, %scan3A_31, %gt3A : i32
      %convert_element_type3A = arith.extui %gt3A_36 : i1 to i32
      %cond3A = arith.constant 0 : i32
      %cond3A_37 = arith.cmpi ne, %convert_element_type3A, %cond3A : i32
      scf.if %cond3A_37 {
        %dma_wait3A_79 = arith.constant 0 : i32
        %dma_wait3A_80 = arith.constant 0 : i32
        %dma_wait3A_81 = tpu.memref_slice %arg7[%dma_wait3A_79, %dma_wait3A_80] : memref<2x13312xf32, #tpu.memory_space<vmem>> -> memref<1x13312xf32, #tpu.memory_space<vmem>>
        %dma_wait3A_82 = tpu.memref_squeeze %dma_wait3A_81 : memref<1x13312xf32, #tpu.memory_space<vmem>> -> memref<13312xf32, #tpu.memory_space<vmem>>
        %dma_wait3A_83 = arith.constant 0 : i32
        %dma_wait3A_84 = tpu.memref_slice %arg4[%dma_wait3A_83] : memref<13631488xf32, #tpu.memory_space<hbm>> -> memref<13312xf32, #tpu.memory_space<hbm>>
        %dma_wait3A_85 = arith.constant 0 : i32
        %dma_wait3A_86 = tpu.memref_slice %arg4[%dma_wait3A_85] : memref<13631488xf32, #tpu.memory_space<hbm>> -> memref<13312xf32, #tpu.memory_space<hbm>>
        %dma_wait3A_87 = arith.constant 0 : i32
        %dma_wait3A_88 = tpu.memref_slice %arg7[%dma_wait3A_79, %dma_wait3A_87] : memref<2x13312xf32, #tpu.memory_space<vmem>> -> memref<1x13312xf32, #tpu.memory_space<vmem>>
        %dma_wait3A_89 = tpu.memref_squeeze %dma_wait3A_88 : memref<1x13312xf32, #tpu.memory_space<vmem>> -> memref<13312xf32, #tpu.memory_space<vmem>>
        tpu.wait_dma2 semaphore(%arg8 : memref<!tpu.dma_semaphore, #tpu.memory_space<semaphore_mem>>) src(%dma_wait3A_89 : memref<13312xf32, #tpu.memory_space<vmem>>) dst(%dma_wait3A_86 : memref<13312xf32, #tpu.memory_space<hbm>>)
      } else {
      }
      %parallel_loop3A = arith.constant 0 : i32
      %parallel_loop3A_38 = arith.constant 832 : i32
      %parallel_loop3A_39 = arith.constant 1 : i32
      scf.for %parallel_loop3A_79 = %parallel_loop3A to %parallel_loop3A_38 step %parallel_loop3A_39  : i32 {
        %parallel_loop3A_80 = arith.constant 16 : i32
        %parallel_loop3A_81 = arith.muli %parallel_loop3A_79, %parallel_loop3A_80 : i32
        %parallel_loop3A_82 = arith.index_cast %parallel_loop3A_81 : i32 to index
        %parallel_loop3A_83 = tpu.vector_load %arg5[%parallel_loop3A_82] {strides = array<i32>} : memref<13312xi32, #tpu.memory_space<vmem>>, vector<16xi32>,
        %parallel_loop3A_84 = arith.constant 1024 : i32
        %parallel_loop3A_85 = arith.muli %add3A_35, %parallel_loop3A_84 : i32
        %parallel_loop3A_86 = vector.broadcast %parallel_loop3A_85 : i32 to vector<16xi32>
        %parallel_loop3A_87 = arith.addi %parallel_loop3A_83, %parallel_loop3A_86 : vector<16xi32>
        %parallel_loop3A_88 = tpu.vector_load_idx %arg6[%parallel_loop3A_87] : memref<32768xf32, #tpu.memory_space<vmem>>[vector<16xi32>], vector<16xf32>,
        %parallel_loop3A_89 = arith.constant 0 : i32
        %parallel_loop3A_90 = arith.index_cast %parallel_loop3A_89 : i32 to index
        %parallel_loop3A_91 = arith.index_cast %parallel_loop3A_81 : i32 to index
        %parallel_loop3A_92 = tpu.vector_load %arg7[%parallel_loop3A_90, %parallel_loop3A_91] {strides = array<i32>} : memref<2x13312xf32, #tpu.memory_space<vmem>>, vector<16xf32>,
        tpu.vector_store %arg7[%parallel_loop3A_90, %parallel_loop3A_91], %parallel_loop3A_88 {strides = array<i32>} : memref<2x13312xf32, #tpu.memory_space<vmem>>, vector<16xf32>,
      } {sc.loop_unroll_factor = 16 : i64, sc.parallel_access}
      %mul3A_40 = arith.constant 32 : i32
      %mul3A_41 = arith.muli %add3A, %mul3A_40 : i32
      %add3A_42 = arith.addi %mul3A_41, %add3A_35 : i32
      %mul3A_43 = arith.constant 13312 : i32
      %mul3A_44 = arith.muli %add3A_42, %mul3A_43 : i32
      %dma_start3A = arith.constant 0 : i32
      %dma_start3A_45 = arith.constant 0 : i32
      %dma_start3A_46 = tpu.memref_slice %arg7[%dma_start3A, %dma_start3A_45] : memref<2x13312xf32, #tpu.memory_space<vmem>> -> memref<1x13312xf32, #tpu.memory_space<vmem>>
      %dma_start3A_47 = tpu.memref_squeeze %dma_start3A_46 : memref<1x13312xf32, #tpu.memory_space<vmem>> -> memref<13312xf32, #tpu.memory_space<vmem>>
      %dma_start3A_48 = tpu.memref_slice %arg4[%mul3A_44] : memref<13631488xf32, #tpu.memory_space<hbm>> -> memref<13312xf32, #tpu.memory_space<hbm>>
      %dma_start3A_49 = tpu.memref_slice %arg4[%mul3A_44] : memref<13631488xf32, #tpu.memory_space<hbm>> -> memref<13312xf32, #tpu.memory_space<hbm>>
      %dma_start3A_50 = arith.constant 0 : i32
      %dma_start3A_51 = tpu.memref_slice %arg7[%dma_start3A, %dma_start3A_50] : memref<2x13312xf32, #tpu.memory_space<vmem>> -> memref<1x13312xf32, #tpu.memory_space<vmem>>
      %dma_start3A_52 = tpu.memref_squeeze %dma_start3A_51 : memref<1x13312xf32, #tpu.memory_space<vmem>> -> memref<13312xf32, #tpu.memory_space<vmem>>
      tpu.enqueue_dma source(%dma_start3A_52 : memref<13312xf32, #tpu.memory_space<vmem>>) target(%dma_start3A_49 : memref<13312xf32, #tpu.memory_space<hbm>>) target_semaphore(%arg8 : memref<!tpu.dma_semaphore, #tpu.memory_space<semaphore_mem>>)
      %mul3A_53 = arith.constant 2 : i32
      %mul3A_54 = arith.muli %scan3A_31, %mul3A_53 : i32
      %add3A_55 = arith.constant 1 : i32
      %add3A_56 = arith.addi %mul3A_54, %add3A_55 : i32
      %gt3A_57 = arith.constant 0 : i32
      %gt3A_58 = arith.cmpi sgt, %scan3A_31, %gt3A_57 : i32
      %convert_element_type3A_59 = arith.extui %gt3A_58 : i1 to i32
      %cond3A_60 = arith.constant 0 : i32
      %cond3A_61 = arith.cmpi ne, %convert_element_type3A_59, %cond3A_60 : i32
      scf.if %cond3A_61 {
        %dma_wait3A_79 = arith.constant 1 : i32
        %dma_wait3A_80 = arith.constant 0 : i32
        %dma_wait3A_81 = tpu.memref_slice %arg7[%dma_wait3A_79, %dma_wait3A_80] : memref<2x13312xf32, #tpu.memory_space<vmem>> -> memref<1x13312xf32, #tpu.memory_space<vmem>>
        %dma_wait3A_82 = tpu.memref_squeeze %dma_wait3A_81 : memref<1x13312xf32, #tpu.memory_space<vmem>> -> memref<13312xf32, #tpu.memory_space<vmem>>
        %dma_wait3A_83 = arith.constant 0 : i32
        %dma_wait3A_84 = tpu.memref_slice %arg4[%dma_wait3A_83] : memref<13631488xf32, #tpu.memory_space<hbm>> -> memref<13312xf32, #tpu.memory_space<hbm>>
        %dma_wait3A_85 = arith.constant 0 : i32
        %dma_wait3A_86 = tpu.memref_slice %arg4[%dma_wait3A_85] : memref<13631488xf32, #tpu.memory_space<hbm>> -> memref<13312xf32, #tpu.memory_space<hbm>>
        %dma_wait3A_87 = arith.constant 0 : i32
        %dma_wait3A_88 = tpu.memref_slice %arg7[%dma_wait3A_79, %dma_wait3A_87] : memref<2x13312xf32, #tpu.memory_space<vmem>> -> memref<1x13312xf32, #tpu.memory_space<vmem>>
        %dma_wait3A_89 = tpu.memref_squeeze %dma_wait3A_88 : memref<1x13312xf32, #tpu.memory_space<vmem>> -> memref<13312xf32, #tpu.memory_space<vmem>>
        tpu.wait_dma2 semaphore(%arg9 : memref<!tpu.dma_semaphore, #tpu.memory_space<semaphore_mem>>) src(%dma_wait3A_89 : memref<13312xf32, #tpu.memory_space<vmem>>) dst(%dma_wait3A_86 : memref<13312xf32, #tpu.memory_space<hbm>>)
      } else {
      }
      %parallel_loop3A_62 = arith.constant 0 : i32
      %parallel_loop3A_63 = arith.constant 832 : i32
      %parallel_loop3A_64 = arith.constant 1 : i32
      scf.for %parallel_loop3A_79 = %parallel_loop3A_62 to %parallel_loop3A_63 step %parallel_loop3A_64  : i32 {
        %parallel_loop3A_80 = arith.constant 16 : i32
        %parallel_loop3A_81 = arith.muli %parallel_loop3A_79, %parallel_loop3A_80 : i32
        %parallel_loop3A_82 = arith.index_cast %parallel_loop3A_81 : i32 to index
        %parallel_loop3A_83 = tpu.vector_load %arg5[%parallel_loop3A_82] {strides = array<i32>} : memref<13312xi32, #tpu.memory_space<vmem>>, vector<16xi32>,
        %parallel_loop3A_84 = arith.constant 1024 : i32
        %parallel_loop3A_85 = arith.muli %add3A_56, %parallel_loop3A_84 : i32
        %parallel_loop3A_86 = vector.broadcast %parallel_loop3A_85 : i32 to vector<16xi32>
        %parallel_loop3A_87 = arith.addi %parallel_loop3A_83, %parallel_loop3A_86 : vector<16xi32>
        %parallel_loop3A_88 = tpu.vector_load_idx %arg6[%parallel_loop3A_87] : memref<32768xf32, #tpu.memory_space<vmem>>[vector<16xi32>], vector<16xf32>,
        %parallel_loop3A_89 = arith.constant 1 : i32
        %parallel_loop3A_90 = arith.index_cast %parallel_loop3A_89 : i32 to index
        %parallel_loop3A_91 = arith.index_cast %parallel_loop3A_81 : i32 to index
        %parallel_loop3A_92 = tpu.vector_load %arg7[%parallel_loop3A_90, %parallel_loop3A_91] {strides = array<i32>} : memref<2x13312xf32, #tpu.memory_space<vmem>>, vector<16xf32>,
        tpu.vector_store %arg7[%parallel_loop3A_90, %parallel_loop3A_91], %parallel_loop3A_88 {strides = array<i32>} : memref<2x13312xf32, #tpu.memory_space<vmem>>, vector<16xf32>,
      } {sc.loop_unroll_factor = 16 : i64, sc.parallel_access}
      %mul3A_65 = arith.constant 32 : i32
      %mul3A_66 = arith.muli %add3A, %mul3A_65 : i32
      %add3A_67 = arith.addi %mul3A_66, %add3A_56 : i32
      %mul3A_68 = arith.constant 13312 : i32
      %mul3A_69 = arith.muli %add3A_67, %mul3A_68 : i32
      %dma_start3A_70 = arith.constant 1 : i32
      %dma_start3A_71 = arith.constant 0 : i32
      %dma_start3A_72 = tpu.memref_slice %arg7[%dma_start3A_70, %dma_start3A_71] : memref<2x13312xf32, #tpu.memory_space<vmem>> -> memref<1x13312xf32, #tpu.memory_space<vmem>>
      %dma_start3A_73 = tpu.memref_squeeze %dma_start3A_72 : memref<1x13312xf32, #tpu.memory_space<vmem>> -> memref<13312xf32, #tpu.memory_space<vmem>>
      %dma_start3A_74 = tpu.memref_slice %arg4[%mul3A_69] : memref<13631488xf32, #tpu.memory_space<hbm>> -> memref<13312xf32, #tpu.memory_space<hbm>>
      %dma_start3A_75 = tpu.memref_slice %arg4[%mul3A_69] : memref<13631488xf32, #tpu.memory_space<hbm>> -> memref<13312xf32, #tpu.memory_space<hbm>>
      %dma_start3A_76 = arith.constant 0 : i32
      %dma_start3A_77 = tpu.memref_slice %arg7[%dma_start3A_70, %dma_start3A_76] : memref<2x13312xf32, #tpu.memory_space<vmem>> -> memref<1x13312xf32, #tpu.memory_space<vmem>>
      %dma_start3A_78 = tpu.memref_squeeze %dma_start3A_77 : memref<1x13312xf32, #tpu.memory_space<vmem>> -> memref<13312xf32, #tpu.memory_space<vmem>>
      tpu.enqueue_dma source(%dma_start3A_78 : memref<13312xf32, #tpu.memory_space<vmem>>) target(%dma_start3A_75 : memref<13312xf32, #tpu.memory_space<hbm>>) target_semaphore(%arg9 : memref<!tpu.dma_semaphore, #tpu.memory_space<semaphore_mem>>)
    }
    %scan3A_9 = arith.constant 16 : i32
    %dma_wait3A = arith.constant 0 : i32
    %dma_wait3A_10 = arith.constant 0 : i32
    %dma_wait3A_11 = tpu.memref_slice %arg7[%dma_wait3A, %dma_wait3A_10] : memref<2x13312xf32, #tpu.memory_space<vmem>> -> memref<1x13312xf32, #tpu.memory_space<vmem>>
    %dma_wait3A_12 = tpu.memref_squeeze %dma_wait3A_11 : memref<1x13312xf32, #tpu.memory_space<vmem>> -> memref<13312xf32, #tpu.memory_space<vmem>>
    %dma_wait3A_13 = arith.constant 0 : i32
    %dma_wait3A_14 = tpu.memref_slice %arg4[%dma_wait3A_13] : memref<13631488xf32, #tpu.memory_space<hbm>> -> memref<13312xf32, #tpu.memory_space<hbm>>
    %dma_wait3A_15 = arith.constant 0 : i32
    %dma_wait3A_16 = tpu.memref_slice %arg4[%dma_wait3A_15] : memref<13631488xf32, #tpu.memory_space<hbm>> -> memref<13312xf32, #tpu.memory_space<hbm>>
    %dma_wait3A_17 = arith.constant 0 : i32
    %dma_wait3A_18 = tpu.memref_slice %arg7[%dma_wait3A, %dma_wait3A_17] : memref<2x13312xf32, #tpu.memory_space<vmem>> -> memref<1x13312xf32, #tpu.memory_space<vmem>>
    %dma_wait3A_19 = tpu.memref_squeeze %dma_wait3A_18 : memref<1x13312xf32, #tpu.memory_space<vmem>> -> memref<13312xf32, #tpu.memory_space<vmem>>
    tpu.wait_dma2 semaphore(%arg8 : memref<!tpu.dma_semaphore, #tpu.memory_space<semaphore_mem>>) src(%dma_wait3A_19 : memref<13312xf32, #tpu.memory_space<vmem>>) dst(%dma_wait3A_16 : memref<13312xf32, #tpu.memory_space<hbm>>)
    %dma_wait3A_20 = arith.constant 1 : i32
    %dma_wait3A_21 = arith.constant 0 : i32
    %dma_wait3A_22 = tpu.memref_slice %arg7[%dma_wait3A_20, %dma_wait3A_21] : memref<2x13312xf32, #tpu.memory_space<vmem>> -> memref<1x13312xf32, #tpu.memory_space<vmem>>
    %dma_wait3A_23 = tpu.memref_squeeze %dma_wait3A_22 : memref<1x13312xf32, #tpu.memory_space<vmem>> -> memref<13312xf32, #tpu.memory_space<vmem>>
    %dma_wait3A_24 = arith.constant 0 : i32
    %dma_wait3A_25 = tpu.memref_slice %arg4[%dma_wait3A_24] : memref<13631488xf32, #tpu.memory_space<hbm>> -> memref<13312xf32, #tpu.memory_space<hbm>>
    %dma_wait3A_26 = arith.constant 0 : i32
    %dma_wait3A_27 = tpu.memref_slice %arg4[%dma_wait3A_26] : memref<13631488xf32, #tpu.memory_space<hbm>> -> memref<13312xf32, #tpu.memory_space<hbm>>
    %dma_wait3A_28 = arith.constant 0 : i32
    %dma_wait3A_29 = tpu.memref_slice %arg7[%dma_wait3A_20, %dma_wait3A_28] : memref<2x13312xf32, #tpu.memory_space<vmem>> -> memref<1x13312xf32, #tpu.memory_space<vmem>>
    %dma_wait3A_30 = tpu.memref_squeeze %dma_wait3A_29 : memref<1x13312xf32, #tpu.memory_space<vmem>> -> memref<13312xf32, #tpu.memory_space<vmem>>
    tpu.wait_dma2 semaphore(%arg9 : memref<!tpu.dma_semaphore, #tpu.memory_space<semaphore_mem>>) src(%dma_wait3A_30 : memref<13312xf32, #tpu.memory_space<vmem>>) dst(%dma_wait3A_27 : memref<13312xf32, #tpu.memory_space<hbm>>)
    return
  }
}

#map = affine_map<(d0, d1) -> (0)>
module attributes {stable_mosaic.version = 14 : i64} {
  func.func @gk(%arg0: i32, %arg1: i32, %arg2: memref<131072xf32, #tpu.memory_space<hbm>>, %arg3: memref<13312xi32, #tpu.memory_space<hbm>>, %arg4: memref<1703936xf32, #tpu.memory_space<hbm>>, %arg5: memref<13312xi32, #tpu.memory_space<vmem>>, %arg6: memref<4096xf32, #tpu.memory_space<vmem>>, %arg7: memref<2x13312xf32, #tpu.memory_space<vmem>>, %arg8: memref<!tpu.dma_semaphore, #tpu.memory_space<semaphore_mem>>, %arg9: memref<!tpu.dma_semaphore, #tpu.memory_space<semaphore_mem>>) attributes {dimension_semantics = [#tpu.dimension_semantics<core_parallel>, #tpu.dimension_semantics<subcore_parallel>], iteration_bounds = array<i64: 2, 16>, scalar_prefetch = 0 : i64, scratch_operands = 5 : i64, tpu.core_type = #tpu.core_type<sc_vector_subcore>, window_params = [{transform_indices = #map}, {transform_indices = #map}, {transform_indices = #map}]} {
    %mul3A = arith.constant 2 : i32
    %mul3A_0 = arith.muli %arg1, %mul3A : i32
    %add3A = arith.addi %mul3A_0, %arg0 : i32
    "tpu.region"() ({
      %run_scoped3A = tpu.sem_alloc : memref<!tpu.dma_semaphore, #tpu.memory_space<semaphore_mem>>
      tpu.enqueue_dma source(%arg3 : memref<13312xi32, #tpu.memory_space<hbm>>) target(%arg5 : memref<13312xi32, #tpu.memory_space<vmem>>) target_semaphore(%run_scoped3A : memref<!tpu.dma_semaphore, #tpu.memory_space<semaphore_mem>>)
      tpu.wait_dma2 semaphore(%run_scoped3A : memref<!tpu.dma_semaphore, #tpu.memory_space<semaphore_mem>>) src(%arg3 : memref<13312xi32, #tpu.memory_space<hbm>>) dst(%arg5 : memref<13312xi32, #tpu.memory_space<vmem>>)
      tpu.yield
    }) : () -> ()
    %mul3A_1 = arith.constant 4 : i32
    %mul3A_2 = arith.muli %add3A, %mul3A_1 : i32
    %mul3A_3 = arith.constant 1024 : i32
    %mul3A_4 = arith.muli %mul3A_2, %mul3A_3 : i32
    "tpu.region"() ({
      %run_scoped3A = tpu.sem_alloc : memref<!tpu.dma_semaphore, #tpu.memory_space<semaphore_mem>>
      %dma_start3A = tpu.memref_slice %arg2[%mul3A_4] : memref<131072xf32, #tpu.memory_space<hbm>> -> memref<4096xf32, #tpu.memory_space<hbm>>
      %dma_start3A_31 = tpu.memref_slice %arg2[%mul3A_4] : memref<131072xf32, #tpu.memory_space<hbm>> -> memref<4096xf32, #tpu.memory_space<hbm>>
      tpu.enqueue_dma source(%dma_start3A_31 : memref<4096xf32, #tpu.memory_space<hbm>>) target(%arg6 : memref<4096xf32, #tpu.memory_space<vmem>>) target_semaphore(%run_scoped3A : memref<!tpu.dma_semaphore, #tpu.memory_space<semaphore_mem>>)
      %dma_wait3A_32 = tpu.memref_slice %arg2[%mul3A_4] : memref<131072xf32, #tpu.memory_space<hbm>> -> memref<4096xf32, #tpu.memory_space<hbm>>
      %dma_wait3A_33 = tpu.memref_slice %arg2[%mul3A_4] : memref<131072xf32, #tpu.memory_space<hbm>> -> memref<4096xf32, #tpu.memory_space<hbm>>
      tpu.wait_dma2 semaphore(%run_scoped3A : memref<!tpu.dma_semaphore, #tpu.memory_space<semaphore_mem>>) src(%dma_wait3A_33 : memref<4096xf32, #tpu.memory_space<hbm>>) dst(%arg6 : memref<4096xf32, #tpu.memory_space<vmem>>)
      tpu.yield
    }) : () -> ()
    %scan3A = arith.constant 0 : i32
    %scan3A_5 = arith.constant 0 : i32
    %scan3A_6 = arith.constant 2 : i32
    %scan3A_7 = arith.addi %scan3A_5, %scan3A_6 : i32
    %scan3A_8 = arith.constant 1 : i32
    scf.for %scan3A_31 = %scan3A_5 to %scan3A_7 step %scan3A_8  : i32 {
      %mul3A_32 = arith.constant 2 : i32
      %mul3A_33 = arith.muli %scan3A_31, %mul3A_32 : i32
      %add3A_34 = arith.constant 0 : i32
      %add3A_35 = arith.addi %mul3A_33, %add3A_34 : i32
      %gt3A = arith.constant 0 : i32
      %gt3A_36 = arith.cmpi sgt, %scan3A_31, %gt3A : i32
      %convert_element_type3A = arith.extui %gt3A_36 : i1 to i32
      %cond3A = arith.constant 0 : i32
      %cond3A_37 = arith.cmpi ne, %convert_element_type3A, %cond3A : i32
      scf.if %cond3A_37 {
        %dma_wait3A_79 = arith.constant 0 : i32
        %dma_wait3A_80 = arith.constant 0 : i32
        %dma_wait3A_81 = tpu.memref_slice %arg7[%dma_wait3A_79, %dma_wait3A_80] : memref<2x13312xf32, #tpu.memory_space<vmem>> -> memref<1x13312xf32, #tpu.memory_space<vmem>>
        %dma_wait3A_82 = tpu.memref_squeeze %dma_wait3A_81 : memref<1x13312xf32, #tpu.memory_space<vmem>> -> memref<13312xf32, #tpu.memory_space<vmem>>
        %dma_wait3A_83 = arith.constant 0 : i32
        %dma_wait3A_84 = tpu.memref_slice %arg4[%dma_wait3A_83] : memref<1703936xf32, #tpu.memory_space<hbm>> -> memref<13312xf32, #tpu.memory_space<hbm>>
        %dma_wait3A_85 = arith.constant 0 : i32
        %dma_wait3A_86 = tpu.memref_slice %arg4[%dma_wait3A_85] : memref<1703936xf32, #tpu.memory_space<hbm>> -> memref<13312xf32, #tpu.memory_space<hbm>>
        %dma_wait3A_87 = arith.constant 0 : i32
        %dma_wait3A_88 = tpu.memref_slice %arg7[%dma_wait3A_79, %dma_wait3A_87] : memref<2x13312xf32, #tpu.memory_space<vmem>> -> memref<1x13312xf32, #tpu.memory_space<vmem>>
        %dma_wait3A_89 = tpu.memref_squeeze %dma_wait3A_88 : memref<1x13312xf32, #tpu.memory_space<vmem>> -> memref<13312xf32, #tpu.memory_space<vmem>>
        tpu.wait_dma2 semaphore(%arg8 : memref<!tpu.dma_semaphore, #tpu.memory_space<semaphore_mem>>) src(%dma_wait3A_89 : memref<13312xf32, #tpu.memory_space<vmem>>) dst(%dma_wait3A_86 : memref<13312xf32, #tpu.memory_space<hbm>>)
      } else {
      }
      %parallel_loop3A = arith.constant 0 : i32
      %parallel_loop3A_38 = arith.constant 832 : i32
      %parallel_loop3A_39 = arith.constant 1 : i32
      scf.for %parallel_loop3A_79 = %parallel_loop3A to %parallel_loop3A_38 step %parallel_loop3A_39  : i32 {
        %parallel_loop3A_80 = arith.constant 16 : i32
        %parallel_loop3A_81 = arith.muli %parallel_loop3A_79, %parallel_loop3A_80 : i32
        %parallel_loop3A_82 = arith.index_cast %parallel_loop3A_81 : i32 to index
        %parallel_loop3A_83 = tpu.vector_load %arg5[%parallel_loop3A_82] {strides = array<i32>} : memref<13312xi32, #tpu.memory_space<vmem>>, vector<16xi32>,
        %parallel_loop3A_84 = arith.constant 1024 : i32
        %parallel_loop3A_85 = arith.muli %add3A_35, %parallel_loop3A_84 : i32
        %parallel_loop3A_86 = vector.broadcast %parallel_loop3A_85 : i32 to vector<16xi32>
        %parallel_loop3A_87 = arith.addi %parallel_loop3A_83, %parallel_loop3A_86 : vector<16xi32>
        %parallel_loop3A_88 = tpu.vector_load_idx %arg6[%parallel_loop3A_87] : memref<4096xf32, #tpu.memory_space<vmem>>[vector<16xi32>], vector<16xf32>,
        %parallel_loop3A_89 = arith.constant 0 : i32
        %parallel_loop3A_90 = arith.index_cast %parallel_loop3A_89 : i32 to index
        %parallel_loop3A_91 = arith.index_cast %parallel_loop3A_81 : i32 to index
        %parallel_loop3A_92 = tpu.vector_load %arg7[%parallel_loop3A_90, %parallel_loop3A_91] {strides = array<i32>} : memref<2x13312xf32, #tpu.memory_space<vmem>>, vector<16xf32>,
        tpu.vector_store %arg7[%parallel_loop3A_90, %parallel_loop3A_91], %parallel_loop3A_88 {strides = array<i32>} : memref<2x13312xf32, #tpu.memory_space<vmem>>, vector<16xf32>,
      } {sc.loop_unroll_factor = 16 : i64, sc.parallel_access}
      %mul3A_40 = arith.constant 4 : i32
      %mul3A_41 = arith.muli %add3A, %mul3A_40 : i32
      %add3A_42 = arith.addi %mul3A_41, %add3A_35 : i32
      %mul3A_43 = arith.constant 13312 : i32
      %mul3A_44 = arith.muli %add3A_42, %mul3A_43 : i32
      %dma_start3A = arith.constant 0 : i32
      %dma_start3A_45 = arith.constant 0 : i32
      %dma_start3A_46 = tpu.memref_slice %arg7[%dma_start3A, %dma_start3A_45] : memref<2x13312xf32, #tpu.memory_space<vmem>> -> memref<1x13312xf32, #tpu.memory_space<vmem>>
      %dma_start3A_47 = tpu.memref_squeeze %dma_start3A_46 : memref<1x13312xf32, #tpu.memory_space<vmem>> -> memref<13312xf32, #tpu.memory_space<vmem>>
      %dma_start3A_48 = tpu.memref_slice %arg4[%mul3A_44] : memref<1703936xf32, #tpu.memory_space<hbm>> -> memref<13312xf32, #tpu.memory_space<hbm>>
      %dma_start3A_49 = tpu.memref_slice %arg4[%mul3A_44] : memref<1703936xf32, #tpu.memory_space<hbm>> -> memref<13312xf32, #tpu.memory_space<hbm>>
      %dma_start3A_50 = arith.constant 0 : i32
      %dma_start3A_51 = tpu.memref_slice %arg7[%dma_start3A, %dma_start3A_50] : memref<2x13312xf32, #tpu.memory_space<vmem>> -> memref<1x13312xf32, #tpu.memory_space<vmem>>
      %dma_start3A_52 = tpu.memref_squeeze %dma_start3A_51 : memref<1x13312xf32, #tpu.memory_space<vmem>> -> memref<13312xf32, #tpu.memory_space<vmem>>
      tpu.enqueue_dma source(%dma_start3A_52 : memref<13312xf32, #tpu.memory_space<vmem>>) target(%dma_start3A_49 : memref<13312xf32, #tpu.memory_space<hbm>>) target_semaphore(%arg8 : memref<!tpu.dma_semaphore, #tpu.memory_space<semaphore_mem>>)
      %mul3A_53 = arith.constant 2 : i32
      %mul3A_54 = arith.muli %scan3A_31, %mul3A_53 : i32
      %add3A_55 = arith.constant 1 : i32
      %add3A_56 = arith.addi %mul3A_54, %add3A_55 : i32
      %gt3A_57 = arith.constant 0 : i32
      %gt3A_58 = arith.cmpi sgt, %scan3A_31, %gt3A_57 : i32
      %convert_element_type3A_59 = arith.extui %gt3A_58 : i1 to i32
      %cond3A_60 = arith.constant 0 : i32
      %cond3A_61 = arith.cmpi ne, %convert_element_type3A_59, %cond3A_60 : i32
      scf.if %cond3A_61 {
        %dma_wait3A_79 = arith.constant 1 : i32
        %dma_wait3A_80 = arith.constant 0 : i32
        %dma_wait3A_81 = tpu.memref_slice %arg7[%dma_wait3A_79, %dma_wait3A_80] : memref<2x13312xf32, #tpu.memory_space<vmem>> -> memref<1x13312xf32, #tpu.memory_space<vmem>>
        %dma_wait3A_82 = tpu.memref_squeeze %dma_wait3A_81 : memref<1x13312xf32, #tpu.memory_space<vmem>> -> memref<13312xf32, #tpu.memory_space<vmem>>
        %dma_wait3A_83 = arith.constant 0 : i32
        %dma_wait3A_84 = tpu.memref_slice %arg4[%dma_wait3A_83] : memref<1703936xf32, #tpu.memory_space<hbm>> -> memref<13312xf32, #tpu.memory_space<hbm>>
        %dma_wait3A_85 = arith.constant 0 : i32
        %dma_wait3A_86 = tpu.memref_slice %arg4[%dma_wait3A_85] : memref<1703936xf32, #tpu.memory_space<hbm>> -> memref<13312xf32, #tpu.memory_space<hbm>>
        %dma_wait3A_87 = arith.constant 0 : i32
        %dma_wait3A_88 = tpu.memref_slice %arg7[%dma_wait3A_79, %dma_wait3A_87] : memref<2x13312xf32, #tpu.memory_space<vmem>> -> memref<1x13312xf32, #tpu.memory_space<vmem>>
        %dma_wait3A_89 = tpu.memref_squeeze %dma_wait3A_88 : memref<1x13312xf32, #tpu.memory_space<vmem>> -> memref<13312xf32, #tpu.memory_space<vmem>>
        tpu.wait_dma2 semaphore(%arg9 : memref<!tpu.dma_semaphore, #tpu.memory_space<semaphore_mem>>) src(%dma_wait3A_89 : memref<13312xf32, #tpu.memory_space<vmem>>) dst(%dma_wait3A_86 : memref<13312xf32, #tpu.memory_space<hbm>>)
      } else {
      }
      %parallel_loop3A_62 = arith.constant 0 : i32
      %parallel_loop3A_63 = arith.constant 832 : i32
      %parallel_loop3A_64 = arith.constant 1 : i32
      scf.for %parallel_loop3A_79 = %parallel_loop3A_62 to %parallel_loop3A_63 step %parallel_loop3A_64  : i32 {
        %parallel_loop3A_80 = arith.constant 16 : i32
        %parallel_loop3A_81 = arith.muli %parallel_loop3A_79, %parallel_loop3A_80 : i32
        %parallel_loop3A_82 = arith.index_cast %parallel_loop3A_81 : i32 to index
        %parallel_loop3A_83 = tpu.vector_load %arg5[%parallel_loop3A_82] {strides = array<i32>} : memref<13312xi32, #tpu.memory_space<vmem>>, vector<16xi32>,
        %parallel_loop3A_84 = arith.constant 1024 : i32
        %parallel_loop3A_85 = arith.muli %add3A_56, %parallel_loop3A_84 : i32
        %parallel_loop3A_86 = vector.broadcast %parallel_loop3A_85 : i32 to vector<16xi32>
        %parallel_loop3A_87 = arith.addi %parallel_loop3A_83, %parallel_loop3A_86 : vector<16xi32>
        %parallel_loop3A_88 = tpu.vector_load_idx %arg6[%parallel_loop3A_87] : memref<4096xf32, #tpu.memory_space<vmem>>[vector<16xi32>], vector<16xf32>,
        %parallel_loop3A_89 = arith.constant 1 : i32
        %parallel_loop3A_90 = arith.index_cast %parallel_loop3A_89 : i32 to index
        %parallel_loop3A_91 = arith.index_cast %parallel_loop3A_81 : i32 to index
        %parallel_loop3A_92 = tpu.vector_load %arg7[%parallel_loop3A_90, %parallel_loop3A_91] {strides = array<i32>} : memref<2x13312xf32, #tpu.memory_space<vmem>>, vector<16xf32>,
        tpu.vector_store %arg7[%parallel_loop3A_90, %parallel_loop3A_91], %parallel_loop3A_88 {strides = array<i32>} : memref<2x13312xf32, #tpu.memory_space<vmem>>, vector<16xf32>,
      } {sc.loop_unroll_factor = 16 : i64, sc.parallel_access}
      %mul3A_65 = arith.constant 4 : i32
      %mul3A_66 = arith.muli %add3A, %mul3A_65 : i32
      %add3A_67 = arith.addi %mul3A_66, %add3A_56 : i32
      %mul3A_68 = arith.constant 13312 : i32
      %mul3A_69 = arith.muli %add3A_67, %mul3A_68 : i32
      %dma_start3A_70 = arith.constant 1 : i32
      %dma_start3A_71 = arith.constant 0 : i32
      %dma_start3A_72 = tpu.memref_slice %arg7[%dma_start3A_70, %dma_start3A_71] : memref<2x13312xf32, #tpu.memory_space<vmem>> -> memref<1x13312xf32, #tpu.memory_space<vmem>>
      %dma_start3A_73 = tpu.memref_squeeze %dma_start3A_72 : memref<1x13312xf32, #tpu.memory_space<vmem>> -> memref<13312xf32, #tpu.memory_space<vmem>>
      %dma_start3A_74 = tpu.memref_slice %arg4[%mul3A_69] : memref<1703936xf32, #tpu.memory_space<hbm>> -> memref<13312xf32, #tpu.memory_space<hbm>>
      %dma_start3A_75 = tpu.memref_slice %arg4[%mul3A_69] : memref<1703936xf32, #tpu.memory_space<hbm>> -> memref<13312xf32, #tpu.memory_space<hbm>>
      %dma_start3A_76 = arith.constant 0 : i32
      %dma_start3A_77 = tpu.memref_slice %arg7[%dma_start3A_70, %dma_start3A_76] : memref<2x13312xf32, #tpu.memory_space<vmem>> -> memref<1x13312xf32, #tpu.memory_space<vmem>>
      %dma_start3A_78 = tpu.memref_squeeze %dma_start3A_77 : memref<1x13312xf32, #tpu.memory_space<vmem>> -> memref<13312xf32, #tpu.memory_space<vmem>>
      tpu.enqueue_dma source(%dma_start3A_78 : memref<13312xf32, #tpu.memory_space<vmem>>) target(%dma_start3A_75 : memref<13312xf32, #tpu.memory_space<hbm>>) target_semaphore(%arg9 : memref<!tpu.dma_semaphore, #tpu.memory_space<semaphore_mem>>)
    }
    %scan3A_9 = arith.constant 2 : i32
    %dma_wait3A = arith.constant 0 : i32
    %dma_wait3A_10 = arith.constant 0 : i32
    %dma_wait3A_11 = tpu.memref_slice %arg7[%dma_wait3A, %dma_wait3A_10] : memref<2x13312xf32, #tpu.memory_space<vmem>> -> memref<1x13312xf32, #tpu.memory_space<vmem>>
    %dma_wait3A_12 = tpu.memref_squeeze %dma_wait3A_11 : memref<1x13312xf32, #tpu.memory_space<vmem>> -> memref<13312xf32, #tpu.memory_space<vmem>>
    %dma_wait3A_13 = arith.constant 0 : i32
    %dma_wait3A_14 = tpu.memref_slice %arg4[%dma_wait3A_13] : memref<1703936xf32, #tpu.memory_space<hbm>> -> memref<13312xf32, #tpu.memory_space<hbm>>
    %dma_wait3A_15 = arith.constant 0 : i32
    %dma_wait3A_16 = tpu.memref_slice %arg4[%dma_wait3A_15] : memref<1703936xf32, #tpu.memory_space<hbm>> -> memref<13312xf32, #tpu.memory_space<hbm>>
    %dma_wait3A_17 = arith.constant 0 : i32
    %dma_wait3A_18 = tpu.memref_slice %arg7[%dma_wait3A, %dma_wait3A_17] : memref<2x13312xf32, #tpu.memory_space<vmem>> -> memref<1x13312xf32, #tpu.memory_space<vmem>>
    %dma_wait3A_19 = tpu.memref_squeeze %dma_wait3A_18 : memref<1x13312xf32, #tpu.memory_space<vmem>> -> memref<13312xf32, #tpu.memory_space<vmem>>
    tpu.wait_dma2 semaphore(%arg8 : memref<!tpu.dma_semaphore, #tpu.memory_space<semaphore_mem>>) src(%dma_wait3A_19 : memref<13312xf32, #tpu.memory_space<vmem>>) dst(%dma_wait3A_16 : memref<13312xf32, #tpu.memory_space<hbm>>)
    %dma_wait3A_20 = arith.constant 1 : i32
    %dma_wait3A_21 = arith.constant 0 : i32
    %dma_wait3A_22 = tpu.memref_slice %arg7[%dma_wait3A_20, %dma_wait3A_21] : memref<2x13312xf32, #tpu.memory_space<vmem>> -> memref<1x13312xf32, #tpu.memory_space<vmem>>
    %dma_wait3A_23 = tpu.memref_squeeze %dma_wait3A_22 : memref<1x13312xf32, #tpu.memory_space<vmem>> -> memref<13312xf32, #tpu.memory_space<vmem>>
    %dma_wait3A_24 = arith.constant 0 : i32
    %dma_wait3A_25 = tpu.memref_slice %arg4[%dma_wait3A_24] : memref<1703936xf32, #tpu.memory_space<hbm>> -> memref<13312xf32, #tpu.memory_space<hbm>>
    %dma_wait3A_26 = arith.constant 0 : i32
    %dma_wait3A_27 = tpu.memref_slice %arg4[%dma_wait3A_26] : memref<1703936xf32, #tpu.memory_space<hbm>> -> memref<13312xf32, #tpu.memory_space<hbm>>
    %dma_wait3A_28 = arith.constant 0 : i32
    %dma_wait3A_29 = tpu.memref_slice %arg7[%dma_wait3A_20, %dma_wait3A_28] : memref<2x13312xf32, #tpu.memory_space<vmem>> -> memref<1x13312xf32, #tpu.memory_space<vmem>>
    %dma_wait3A_30 = tpu.memref_squeeze %dma_wait3A_29 : memref<1x13312xf32, #tpu.memory_space<vmem>> -> memref<13312xf32, #tpu.memory_space<vmem>>
    tpu.wait_dma2 semaphore(%arg9 : memref<!tpu.dma_semaphore, #tpu.memory_space<semaphore_mem>>) src(%dma_wait3A_30 : memref<13312xf32, #tpu.memory_space<vmem>>) dst(%dma_wait3A_27 : memref<13312xf32, #tpu.memory_space<hbm>>)
    return
  }
}

module attributes {stable_mosaic.version = 14 : i64} {
  func.func @body(%arg0: i32, %arg1: memref<8x2x13x1024xf32, #tpu.memory_space<vmem>>, %arg2: memref<384x52xbf16, #tpu.memory_space<vmem>>, %arg3: memref<384x26xbf16, #tpu.memory_space<vmem>>, %arg4: memref<384x1xf32, #tpu.memory_space<vmem>>, %arg5: memref<64x1024xf32, #tpu.memory_space<vmem>>, %arg6: memref<52x8192xbf16, #tpu.memory_space<vmem>>) attributes {dimension_semantics = [#tpu.dimension_semantics<arbitrary>], iteration_bounds = array<i64: 16>, scalar_prefetch = 0 : i64, scratch_operands = 1 : i64, tpu.core_type = #tpu.core_type<tc>, window_params = [{transform_indices = @transform_0, window_bounds = array<i64: 8, 2, 13, 1024>}, {pipeline_mode = #tpu.pipeline_mode<synchronous>, transform_indices = @transform_1, window_bounds = array<i64: 384, 52>}, {pipeline_mode = #tpu.pipeline_mode<synchronous>, transform_indices = @transform_2, window_bounds = array<i64: 384, 26>}, {pipeline_mode = #tpu.pipeline_mode<synchronous>, transform_indices = @transform_3, window_bounds = array<i64: 384, 1>}, {transform_indices = @transform_4, window_bounds = array<i64: 64, 1024>}]} {
    %get3A = arith.constant 0 : index
    %get3A_0 = arith.constant 0 : index
    %get3A_1 = arith.constant 0 : index
    %get3A_2 = arith.constant 0 : index
    %get3A_3 = vector.load %arg1[%get3A, %get3A_0, %get3A_1, %get3A_2] : memref<8x2x13x1024xf32, #tpu.memory_space<vmem>>, vector<1x2x13x1024xf32>
    %get3A_4 = vector.shape_cast %get3A_3 : vector<1x2x13x1024xf32> to vector<2x13x1024xf32>
    %reshape3A = vector.shape_cast %get3A_4 : vector<2x13x1024xf32> to vector<26x1024xf32>
    %convert_element_type3A = arith.truncf %reshape3A : vector<26x1024xf32> to vector<26x1024xbf16>
    %convert_element_type3A_5 = arith.extf %convert_element_type3A : vector<26x1024xbf16> to vector<26x1024xf32>
    %sub3A = arith.subf %reshape3A, %convert_element_type3A_5 : vector<26x1024xf32>
    %convert_element_type3A_6 = arith.truncf %sub3A : vector<26x1024xf32> to vector<26x1024xbf16>
    %swap3A = arith.constant 0 : index
    %swap3A_7 = arith.constant 0 : index
    %swap3A_8 = vector.load %arg6[%swap3A, %swap3A_7] : memref<52x8192xbf16, #tpu.memory_space<vmem>>, vector<26x1024xbf16>
    tpu.vector_store %arg6[%swap3A, %swap3A_7], %convert_element_type3A {strides = array<i32>} : memref<52x8192xbf16, #tpu.memory_space<vmem>>, vector<26x1024xbf16>,
    %swap3A_9 = arith.constant 26 : index
    %swap3A_10 = arith.constant 0 : index
    %swap3A_11 = vector.load %arg6[%swap3A_9, %swap3A_10] : memref<52x8192xbf16, #tpu.memory_space<vmem>>, vector<26x1024xbf16>
    tpu.vector_store %arg6[%swap3A_9, %swap3A_10], %convert_element_type3A_6 {strides = array<i32>} : memref<52x8192xbf16, #tpu.memory_space<vmem>>, vector<26x1024xbf16>,
    %get3A_12 = arith.constant 1 : index
    %get3A_13 = arith.constant 0 : index
    %get3A_14 = arith.constant 0 : index
    %get3A_15 = arith.constant 0 : index
    %get3A_16 = vector.load %arg1[%get3A_12, %get3A_13, %get3A_14, %get3A_15] : memref<8x2x13x1024xf32, #tpu.memory_space<vmem>>, vector<1x2x13x1024xf32>
    %get3A_17 = vector.shape_cast %get3A_16 : vector<1x2x13x1024xf32> to vector<2x13x1024xf32>
    %reshape3A_18 = vector.shape_cast %get3A_17 : vector<2x13x1024xf32> to vector<26x1024xf32>
    %convert_element_type3A_19 = arith.truncf %reshape3A_18 : vector<26x1024xf32> to vector<26x1024xbf16>
    %convert_element_type3A_20 = arith.extf %convert_element_type3A_19 : vector<26x1024xbf16> to vector<26x1024xf32>
    %sub3A_21 = arith.subf %reshape3A_18, %convert_element_type3A_20 : vector<26x1024xf32>
    %convert_element_type3A_22 = arith.truncf %sub3A_21 : vector<26x1024xf32> to vector<26x1024xbf16>
    %swap3A_23 = arith.constant 0 : index
    %swap3A_24 = arith.constant 1024 : index
    %swap3A_25 = vector.load %arg6[%swap3A_23, %swap3A_24] : memref<52x8192xbf16, #tpu.memory_space<vmem>>, vector<26x1024xbf16>
    tpu.vector_store %arg6[%swap3A_23, %swap3A_24], %convert_element_type3A_19 {strides = array<i32>} : memref<52x8192xbf16, #tpu.memory_space<vmem>>, vector<26x1024xbf16>,
    %swap3A_26 = arith.constant 26 : index
    %swap3A_27 = arith.constant 1024 : index
    %swap3A_28 = vector.load %arg6[%swap3A_26, %swap3A_27] : memref<52x8192xbf16, #tpu.memory_space<vmem>>, vector<26x1024xbf16>
    tpu.vector_store %arg6[%swap3A_26, %swap3A_27], %convert_element_type3A_22 {strides = array<i32>} : memref<52x8192xbf16, #tpu.memory_space<vmem>>, vector<26x1024xbf16>,
    %get3A_29 = arith.constant 2 : index
    %get3A_30 = arith.constant 0 : index
    %get3A_31 = arith.constant 0 : index
    %get3A_32 = arith.constant 0 : index
    %get3A_33 = vector.load %arg1[%get3A_29, %get3A_30, %get3A_31, %get3A_32] : memref<8x2x13x1024xf32, #tpu.memory_space<vmem>>, vector<1x2x13x1024xf32>
    %get3A_34 = vector.shape_cast %get3A_33 : vector<1x2x13x1024xf32> to vector<2x13x1024xf32>
    %reshape3A_35 = vector.shape_cast %get3A_34 : vector<2x13x1024xf32> to vector<26x1024xf32>
    %convert_element_type3A_36 = arith.truncf %reshape3A_35 : vector<26x1024xf32> to vector<26x1024xbf16>
    %convert_element_type3A_37 = arith.extf %convert_element_type3A_36 : vector<26x1024xbf16> to vector<26x1024xf32>
    %sub3A_38 = arith.subf %reshape3A_35, %convert_element_type3A_37 : vector<26x1024xf32>
    %convert_element_type3A_39 = arith.truncf %sub3A_38 : vector<26x1024xf32> to vector<26x1024xbf16>
    %swap3A_40 = arith.constant 0 : index
    %swap3A_41 = arith.constant 2048 : index
    %swap3A_42 = vector.load %arg6[%swap3A_40, %swap3A_41] : memref<52x8192xbf16, #tpu.memory_space<vmem>>, vector<26x1024xbf16>
    tpu.vector_store %arg6[%swap3A_40, %swap3A_41], %convert_element_type3A_36 {strides = array<i32>} : memref<52x8192xbf16, #tpu.memory_space<vmem>>, vector<26x1024xbf16>,
    %swap3A_43 = arith.constant 26 : index
    %swap3A_44 = arith.constant 2048 : index
    %swap3A_45 = vector.load %arg6[%swap3A_43, %swap3A_44] : memref<52x8192xbf16, #tpu.memory_space<vmem>>, vector<26x1024xbf16>
    tpu.vector_store %arg6[%swap3A_43, %swap3A_44], %convert_element_type3A_39 {strides = array<i32>} : memref<52x8192xbf16, #tpu.memory_space<vmem>>, vector<26x1024xbf16>,
    %get3A_46 = arith.constant 3 : index
    %get3A_47 = arith.constant 0 : index
    %get3A_48 = arith.constant 0 : index
    %get3A_49 = arith.constant 0 : index
    %get3A_50 = vector.load %arg1[%get3A_46, %get3A_47, %get3A_48, %get3A_49] : memref<8x2x13x1024xf32, #tpu.memory_space<vmem>>, vector<1x2x13x1024xf32>
    %get3A_51 = vector.shape_cast %get3A_50 : vector<1x2x13x1024xf32> to vector<2x13x1024xf32>
    %reshape3A_52 = vector.shape_cast %get3A_51 : vector<2x13x1024xf32> to vector<26x1024xf32>
    %convert_element_type3A_53 = arith.truncf %reshape3A_52 : vector<26x1024xf32> to vector<26x1024xbf16>
    %convert_element_type3A_54 = arith.extf %convert_element_type3A_53 : vector<26x1024xbf16> to vector<26x1024xf32>
    %sub3A_55 = arith.subf %reshape3A_52, %convert_element_type3A_54 : vector<26x1024xf32>
    %convert_element_type3A_56 = arith.truncf %sub3A_55 : vector<26x1024xf32> to vector<26x1024xbf16>
    %swap3A_57 = arith.constant 0 : index
    %swap3A_58 = arith.constant 3072 : index
    %swap3A_59 = vector.load %arg6[%swap3A_57, %swap3A_58] : memref<52x8192xbf16, #tpu.memory_space<vmem>>, vector<26x1024xbf16>
    tpu.vector_store %arg6[%swap3A_57, %swap3A_58], %convert_element_type3A_53 {strides = array<i32>} : memref<52x8192xbf16, #tpu.memory_space<vmem>>, vector<26x1024xbf16>,
    %swap3A_60 = arith.constant 26 : index
    %swap3A_61 = arith.constant 3072 : index
    %swap3A_62 = vector.load %arg6[%swap3A_60, %swap3A_61] : memref<52x8192xbf16, #tpu.memory_space<vmem>>, vector<26x1024xbf16>
    tpu.vector_store %arg6[%swap3A_60, %swap3A_61], %convert_element_type3A_56 {strides = array<i32>} : memref<52x8192xbf16, #tpu.memory_space<vmem>>, vector<26x1024xbf16>,
    %get3A_63 = arith.constant 4 : index
    %get3A_64 = arith.constant 0 : index
    %get3A_65 = arith.constant 0 : index
    %get3A_66 = arith.constant 0 : index
    %get3A_67 = vector.load %arg1[%get3A_63, %get3A_64, %get3A_65, %get3A_66] : memref<8x2x13x1024xf32, #tpu.memory_space<vmem>>, vector<1x2x13x1024xf32>
    %get3A_68 = vector.shape_cast %get3A_67 : vector<1x2x13x1024xf32> to vector<2x13x1024xf32>
    %reshape3A_69 = vector.shape_cast %get3A_68 : vector<2x13x1024xf32> to vector<26x1024xf32>
    %convert_element_type3A_70 = arith.truncf %reshape3A_69 : vector<26x1024xf32> to vector<26x1024xbf16>
    %convert_element_type3A_71 = arith.extf %convert_element_type3A_70 : vector<26x1024xbf16> to vector<26x1024xf32>
    %sub3A_72 = arith.subf %reshape3A_69, %convert_element_type3A_71 : vector<26x1024xf32>
    %convert_element_type3A_73 = arith.truncf %sub3A_72 : vector<26x1024xf32> to vector<26x1024xbf16>
    %swap3A_74 = arith.constant 0 : index
    %swap3A_75 = arith.constant 4096 : index
    %swap3A_76 = vector.load %arg6[%swap3A_74, %swap3A_75] : memref<52x8192xbf16, #tpu.memory_space<vmem>>, vector<26x1024xbf16>
    tpu.vector_store %arg6[%swap3A_74, %swap3A_75], %convert_element_type3A_70 {strides = array<i32>} : memref<52x8192xbf16, #tpu.memory_space<vmem>>, vector<26x1024xbf16>,
    %swap3A_77 = arith.constant 26 : index
    %swap3A_78 = arith.constant 4096 : index
    %swap3A_79 = vector.load %arg6[%swap3A_77, %swap3A_78] : memref<52x8192xbf16, #tpu.memory_space<vmem>>, vector<26x1024xbf16>
    tpu.vector_store %arg6[%swap3A_77, %swap3A_78], %convert_element_type3A_73 {strides = array<i32>} : memref<52x8192xbf16, #tpu.memory_space<vmem>>, vector<26x1024xbf16>,
    %get3A_80 = arith.constant 5 : index
    %get3A_81 = arith.constant 0 : index
    %get3A_82 = arith.constant 0 : index
    %get3A_83 = arith.constant 0 : index
    %get3A_84 = vector.load %arg1[%get3A_80, %get3A_81, %get3A_82, %get3A_83] : memref<8x2x13x1024xf32, #tpu.memory_space<vmem>>, vector<1x2x13x1024xf32>
    %get3A_85 = vector.shape_cast %get3A_84 : vector<1x2x13x1024xf32> to vector<2x13x1024xf32>
    %reshape3A_86 = vector.shape_cast %get3A_85 : vector<2x13x1024xf32> to vector<26x1024xf32>
    %convert_element_type3A_87 = arith.truncf %reshape3A_86 : vector<26x1024xf32> to vector<26x1024xbf16>
    %convert_element_type3A_88 = arith.extf %convert_element_type3A_87 : vector<26x1024xbf16> to vector<26x1024xf32>
    %sub3A_89 = arith.subf %reshape3A_86, %convert_element_type3A_88 : vector<26x1024xf32>
    %convert_element_type3A_90 = arith.truncf %sub3A_89 : vector<26x1024xf32> to vector<26x1024xbf16>
    %swap3A_91 = arith.constant 0 : index
    %swap3A_92 = arith.constant 5120 : index
    %swap3A_93 = vector.load %arg6[%swap3A_91, %swap3A_92] : memref<52x8192xbf16, #tpu.memory_space<vmem>>, vector<26x1024xbf16>
    tpu.vector_store %arg6[%swap3A_91, %swap3A_92], %convert_element_type3A_87 {strides = array<i32>} : memref<52x8192xbf16, #tpu.memory_space<vmem>>, vector<26x1024xbf16>,
    %swap3A_94 = arith.constant 26 : index
    %swap3A_95 = arith.constant 5120 : index
    %swap3A_96 = vector.load %arg6[%swap3A_94, %swap3A_95] : memref<52x8192xbf16, #tpu.memory_space<vmem>>, vector<26x1024xbf16>
    tpu.vector_store %arg6[%swap3A_94, %swap3A_95], %convert_element_type3A_90 {strides = array<i32>} : memref<52x8192xbf16, #tpu.memory_space<vmem>>, vector<26x1024xbf16>,
    %get3A_97 = arith.constant 6 : index
    %get3A_98 = arith.constant 0 : index
    %get3A_99 = arith.constant 0 : index
    %get3A_100 = arith.constant 0 : index
    %get3A_101 = vector.load %arg1[%get3A_97, %get3A_98, %get3A_99, %get3A_100] : memref<8x2x13x1024xf32, #tpu.memory_space<vmem>>, vector<1x2x13x1024xf32>
    %get3A_102 = vector.shape_cast %get3A_101 : vector<1x2x13x1024xf32> to vector<2x13x1024xf32>
    %reshape3A_103 = vector.shape_cast %get3A_102 : vector<2x13x1024xf32> to vector<26x1024xf32>
    %convert_element_type3A_104 = arith.truncf %reshape3A_103 : vector<26x1024xf32> to vector<26x1024xbf16>
    %convert_element_type3A_105 = arith.extf %convert_element_type3A_104 : vector<26x1024xbf16> to vector<26x1024xf32>
    %sub3A_106 = arith.subf %reshape3A_103, %convert_element_type3A_105 : vector<26x1024xf32>
    %convert_element_type3A_107 = arith.truncf %sub3A_106 : vector<26x1024xf32> to vector<26x1024xbf16>
    %swap3A_108 = arith.constant 0 : index
    %swap3A_109 = arith.constant 6144 : index
    %swap3A_110 = vector.load %arg6[%swap3A_108, %swap3A_109] : memref<52x8192xbf16, #tpu.memory_space<vmem>>, vector<26x1024xbf16>
    tpu.vector_store %arg6[%swap3A_108, %swap3A_109], %convert_element_type3A_104 {strides = array<i32>} : memref<52x8192xbf16, #tpu.memory_space<vmem>>, vector<26x1024xbf16>,
    %swap3A_111 = arith.constant 26 : index
    %swap3A_112 = arith.constant 6144 : index
    %swap3A_113 = vector.load %arg6[%swap3A_111, %swap3A_112] : memref<52x8192xbf16, #tpu.memory_space<vmem>>, vector<26x1024xbf16>
    tpu.vector_store %arg6[%swap3A_111, %swap3A_112], %convert_element_type3A_107 {strides = array<i32>} : memref<52x8192xbf16, #tpu.memory_space<vmem>>, vector<26x1024xbf16>,
    %get3A_114 = arith.constant 7 : index
    %get3A_115 = arith.constant 0 : index
    %get3A_116 = arith.constant 0 : index
    %get3A_117 = arith.constant 0 : index
    %get3A_118 = vector.load %arg1[%get3A_114, %get3A_115, %get3A_116, %get3A_117] : memref<8x2x13x1024xf32, #tpu.memory_space<vmem>>, vector<1x2x13x1024xf32>
    %get3A_119 = vector.shape_cast %get3A_118 : vector<1x2x13x1024xf32> to vector<2x13x1024xf32>
    %reshape3A_120 = vector.shape_cast %get3A_119 : vector<2x13x1024xf32> to vector<26x1024xf32>
    %convert_element_type3A_121 = arith.truncf %reshape3A_120 : vector<26x1024xf32> to vector<26x1024xbf16>
    %convert_element_type3A_122 = arith.extf %convert_element_type3A_121 : vector<26x1024xbf16> to vector<26x1024xf32>
    %sub3A_123 = arith.subf %reshape3A_120, %convert_element_type3A_122 : vector<26x1024xf32>
    %convert_element_type3A_124 = arith.truncf %sub3A_123 : vector<26x1024xf32> to vector<26x1024xbf16>
    %swap3A_125 = arith.constant 0 : index
    %swap3A_126 = arith.constant 7168 : index
    %swap3A_127 = vector.load %arg6[%swap3A_125, %swap3A_126] : memref<52x8192xbf16, #tpu.memory_space<vmem>>, vector<26x1024xbf16>
    tpu.vector_store %arg6[%swap3A_125, %swap3A_126], %convert_element_type3A_121 {strides = array<i32>} : memref<52x8192xbf16, #tpu.memory_space<vmem>>, vector<26x1024xbf16>,
    %swap3A_128 = arith.constant 26 : index
    %swap3A_129 = arith.constant 7168 : index
    %swap3A_130 = vector.load %arg6[%swap3A_128, %swap3A_129] : memref<52x8192xbf16, #tpu.memory_space<vmem>>, vector<26x1024xbf16>
    tpu.vector_store %arg6[%swap3A_128, %swap3A_129], %convert_element_type3A_124 {strides = array<i32>} : memref<52x8192xbf16, #tpu.memory_space<vmem>>, vector<26x1024xbf16>,
    %get3A_131 = arith.constant 0 : index
    %get3A_132 = arith.constant 0 : index
    %get3A_133 = vector.load %arg6[%get3A_131, %get3A_132] : memref<52x8192xbf16, #tpu.memory_space<vmem>>, vector<52x8192xbf16>
    %get3A_134 = arith.constant 0 : index
    %get3A_135 = arith.constant 0 : index
    %get3A_136 = vector.load %arg2[%get3A_134, %get3A_135] : memref<384x52xbf16, #tpu.memory_space<vmem>>, vector<384x52xbf16>
    %dot_general3A = arith.constant dense<0.000000e+00> : vector<384x8192xf32>
    %dot_general3A_137 = tpu.matmul %get3A_136, %get3A_133, %dot_general3A {dimension_numbers = #tpu.dot_dimension_numbers<[1], [0], [0], [1], [0, 0, 1, 1], [], []>, transpose_lhs_hint = false} : vector<384x52xbf16>, vector<52x8192xbf16>, vector<384x8192xf32> -> vector<384x8192xf32>
    %get3A_138 = arith.constant 0 : index
    %get3A_139 = arith.constant 0 : index
    %get3A_140 = vector.load %arg3[%get3A_138, %get3A_139] : memref<384x26xbf16, #tpu.memory_space<vmem>>, vector<384x26xbf16>
    %slice3A = vector.extract_strided_slice %get3A_133 {offsets = [0, 0], sizes = [26, 8192], strides = [1, 1]} : vector<52x8192xbf16> to vector<26x8192xbf16>
    %dot_general3A_141 = arith.constant dense<0.000000e+00> : vector<384x8192xf32>
    %dot_general3A_142 = tpu.matmul %get3A_140, %slice3A, %dot_general3A_141 {dimension_numbers = #tpu.dot_dimension_numbers<[1], [0], [0], [1], [0, 0, 1, 1], [], []>, transpose_lhs_hint = false} : vector<384x26xbf16>, vector<26x8192xbf16>, vector<384x8192xf32> -> vector<384x8192xf32>
    %add3A = arith.addf %dot_general3A_137, %dot_general3A_142 : vector<384x8192xf32>
    %get3A_143 = arith.constant 0 : index
    %get3A_144 = arith.constant 0 : index
    %get3A_145 = vector.load %arg4[%get3A_143, %get3A_144] : memref<384x1xf32, #tpu.memory_space<vmem>>, vector<384x1xf32>
    %add3A_146 = vector.broadcast %get3A_145 : vector<384x1xf32> to vector<384x8192xf32>
    %add3A_147 = arith.addf %add3A, %add3A_146 : vector<384x8192xf32>
    %max3A = arith.constant 0.000000e+00 : f32
    %max3A_148 = vector.broadcast %max3A : f32 to vector<384x8192xf32>
    %max3A_149 = arith.maximumf %add3A_147, %max3A_148 : vector<384x8192xf32>
    %abs3A = math.absf %add3A_147 : vector<384x8192xf32>
    %neg3A = arith.constant 0.000000e+00 : f32
    %neg3A_150 = vector.broadcast %neg3A : f32 to vector<384x8192xf32>
    %neg3A_151 = arith.subf %neg3A_150, %abs3A : vector<384x8192xf32>
    %exp3A = math.exp %neg3A_151 : vector<384x8192xf32>
    %log1p3A = math.log1p %exp3A : vector<384x8192xf32>
    %add3A_152 = arith.addf %max3A_149, %log1p3A : vector<384x8192xf32>
    %reshape3A_153 = vector.shape_cast %add3A_152 : vector<384x8192xf32> to vector<8x48x8192xf32>
    %reduce_sum3A = arith.constant dense<0.000000e+00> : vector<8x8192xf32>
    %reduce_sum3A_154 = vector.multi_reduction <add>, %reshape3A_153, %reduce_sum3A [1] : vector<8x48x8192xf32> to vector<8x8192xf32>
    %mul3A = arith.constant 0.020833334 : f32
    %mul3A_155 = vector.broadcast %mul3A : f32 to vector<8x8192xf32>
    %mul3A_156 = arith.mulf %reduce_sum3A_154, %mul3A_155 : vector<8x8192xf32>
    %slice3A_157 = vector.extract_strided_slice %mul3A_156 {offsets = [0, 0], sizes = [8, 1024], strides = [1, 1]} : vector<8x8192xf32> to vector<8x1024xf32>
    %swap3A_158 = arith.constant 0 : index
    %swap3A_159 = arith.constant 0 : index
    %swap3A_160 = vector.load %arg5[%swap3A_158, %swap3A_159] : memref<64x1024xf32, #tpu.memory_space<vmem>>, vector<8x1024xf32>
    tpu.vector_store %arg5[%swap3A_158, %swap3A_159], %slice3A_157 {strides = array<i32>} : memref<64x1024xf32, #tpu.memory_space<vmem>>, vector<8x1024xf32>,
    %slice3A_161 = vector.extract_strided_slice %mul3A_156 {offsets = [0, 1024], sizes = [8, 1024], strides = [1, 1]} : vector<8x8192xf32> to vector<8x1024xf32>
    %swap3A_162 = arith.constant 8 : index
    %swap3A_163 = arith.constant 0 : index
    %swap3A_164 = vector.load %arg5[%swap3A_162, %swap3A_163] : memref<64x1024xf32, #tpu.memory_space<vmem>>, vector<8x1024xf32>
    tpu.vector_store %arg5[%swap3A_162, %swap3A_163], %slice3A_161 {strides = array<i32>} : memref<64x1024xf32, #tpu.memory_space<vmem>>, vector<8x1024xf32>,
    %slice3A_165 = vector.extract_strided_slice %mul3A_156 {offsets = [0, 2048], sizes = [8, 1024], strides = [1, 1]} : vector<8x8192xf32> to vector<8x1024xf32>
    %swap3A_166 = arith.constant 16 : index
    %swap3A_167 = arith.constant 0 : index
    %swap3A_168 = vector.load %arg5[%swap3A_166, %swap3A_167] : memref<64x1024xf32, #tpu.memory_space<vmem>>, vector<8x1024xf32>
    tpu.vector_store %arg5[%swap3A_166, %swap3A_167], %slice3A_165 {strides = array<i32>} : memref<64x1024xf32, #tpu.memory_space<vmem>>, vector<8x1024xf32>,
    %slice3A_169 = vector.extract_strided_slice %mul3A_156 {offsets = [0, 3072], sizes = [8, 1024], strides = [1, 1]} : vector<8x8192xf32> to vector<8x1024xf32>
    %swap3A_170 = arith.constant 24 : index
    %swap3A_171 = arith.constant 0 : index
    %swap3A_172 = vector.load %arg5[%swap3A_170, %swap3A_171] : memref<64x1024xf32, #tpu.memory_space<vmem>>, vector<8x1024xf32>
    tpu.vector_store %arg5[%swap3A_170, %swap3A_171], %slice3A_169 {strides = array<i32>} : memref<64x1024xf32, #tpu.memory_space<vmem>>, vector<8x1024xf32>,
    %slice3A_173 = vector.extract_strided_slice %mul3A_156 {offsets = [0, 4096], sizes = [8, 1024], strides = [1, 1]} : vector<8x8192xf32> to vector<8x1024xf32>
    %swap3A_174 = arith.constant 32 : index
    %swap3A_175 = arith.constant 0 : index
    %swap3A_176 = vector.load %arg5[%swap3A_174, %swap3A_175] : memref<64x1024xf32, #tpu.memory_space<vmem>>, vector<8x1024xf32>
    tpu.vector_store %arg5[%swap3A_174, %swap3A_175], %slice3A_173 {strides = array<i32>} : memref<64x1024xf32, #tpu.memory_space<vmem>>, vector<8x1024xf32>,
    %slice3A_177 = vector.extract_strided_slice %mul3A_156 {offsets = [0, 5120], sizes = [8, 1024], strides = [1, 1]} : vector<8x8192xf32> to vector<8x1024xf32>
    %swap3A_178 = arith.constant 40 : index
    %swap3A_179 = arith.constant 0 : index
    %swap3A_180 = vector.load %arg5[%swap3A_178, %swap3A_179] : memref<64x1024xf32, #tpu.memory_space<vmem>>, vector<8x1024xf32>
    tpu.vector_store %arg5[%swap3A_178, %swap3A_179], %slice3A_177 {strides = array<i32>} : memref<64x1024xf32, #tpu.memory_space<vmem>>, vector<8x1024xf32>,
    %slice3A_181 = vector.extract_strided_slice %mul3A_156 {offsets = [0, 6144], sizes = [8, 1024], strides = [1, 1]} : vector<8x8192xf32> to vector<8x1024xf32>
    %swap3A_182 = arith.constant 48 : index
    %swap3A_183 = arith.constant 0 : index
    %swap3A_184 = vector.load %arg5[%swap3A_182, %swap3A_183] : memref<64x1024xf32, #tpu.memory_space<vmem>>, vector<8x1024xf32>
    tpu.vector_store %arg5[%swap3A_182, %swap3A_183], %slice3A_181 {strides = array<i32>} : memref<64x1024xf32, #tpu.memory_space<vmem>>, vector<8x1024xf32>,
    %slice3A_185 = vector.extract_strided_slice %mul3A_156 {offsets = [0, 7168], sizes = [8, 1024], strides = [1, 1]} : vector<8x8192xf32> to vector<8x1024xf32>
    %swap3A_186 = arith.constant 56 : index
    %swap3A_187 = arith.constant 0 : index
    %swap3A_188 = vector.load %arg5[%swap3A_186, %swap3A_187] : memref<64x1024xf32, #tpu.memory_space<vmem>>, vector<8x1024xf32>
    tpu.vector_store %arg5[%swap3A_186, %swap3A_187], %slice3A_185 {strides = array<i32>} : memref<64x1024xf32, #tpu.memory_space<vmem>>, vector<8x1024xf32>,
    return
  }
  func.func @transform_0(%arg0: i32) -> (i32, i32, i32, i32) {
    %c0_i32 = arith.constant 0 : i32
    %c0_i32_0 = arith.constant 0 : i32
    %c0_i32_1 = arith.constant 0 : i32
    %c0_i32_2 = arith.constant 0 : i32
    return %arg0, %c0_i32, %c0_i32_0, %c0_i32_1 : i32, i32, i32, i32
  }
  func.func @transform_1(%arg0: i32) -> (i32, i32) {
    %c0_i32 = arith.constant 0 : i32
    %c0_i32_0 = arith.constant 0 : i32
    %c0_i32_1 = arith.constant 0 : i32
    return %c0_i32, %c0_i32_0 : i32, i32
  }
  func.func @transform_2(%arg0: i32) -> (i32, i32) {
    %c0_i32 = arith.constant 0 : i32
    %c0_i32_0 = arith.constant 0 : i32
    %c0_i32_1 = arith.constant 0 : i32
    return %c0_i32, %c0_i32_0 : i32, i32
  }
  func.func @transform_3(%arg0: i32) -> (i32, i32) {
    %c0_i32 = arith.constant 0 : i32
    %c0_i32_0 = arith.constant 0 : i32
    %c0_i32_1 = arith.constant 0 : i32
    return %c0_i32, %c0_i32_0 : i32, i32
  }
  func.func @transform_4(%arg0: i32) -> (i32, i32) {
    %c0_i32 = arith.constant 0 : i32
    %c0_i32_0 = arith.constant 0 : i32
    return %arg0, %c0_i32 : i32, i32
  }
}

module attributes {stable_mosaic.version = 14 : i64} {
  func.func @body(%arg0: i32, %arg1: memref<8x8x13x1024xf32, #tpu.memory_space<vmem>>, %arg2: memref<384x208xbf16, #tpu.memory_space<vmem>>, %arg3: memref<384x104xbf16, #tpu.memory_space<vmem>>, %arg4: memref<384x1xf32, #tpu.memory_space<vmem>>, %arg5: memref<64x1024xf32, #tpu.memory_space<vmem>>, %arg6: memref<208x8192xbf16, #tpu.memory_space<vmem>>) attributes {dimension_semantics = [#tpu.dimension_semantics<arbitrary>], iteration_bounds = array<i64: 16>, scalar_prefetch = 0 : i64, scratch_operands = 1 : i64, tpu.core_type = #tpu.core_type<tc>, window_params = [{transform_indices = @transform_0, window_bounds = array<i64: 8, 8, 13, 1024>}, {pipeline_mode = #tpu.pipeline_mode<synchronous>, transform_indices = @transform_1, window_bounds = array<i64: 384, 208>}, {pipeline_mode = #tpu.pipeline_mode<synchronous>, transform_indices = @transform_2, window_bounds = array<i64: 384, 104>}, {pipeline_mode = #tpu.pipeline_mode<synchronous>, transform_indices = @transform_3, window_bounds = array<i64: 384, 1>}, {transform_indices = @transform_4, window_bounds = array<i64: 64, 1024>}]} {
    %get3A = arith.constant 0 : index
    %get3A_0 = arith.constant 0 : index
    %get3A_1 = arith.constant 0 : index
    %get3A_2 = arith.constant 0 : index
    %get3A_3 = vector.load %arg1[%get3A, %get3A_0, %get3A_1, %get3A_2] : memref<8x8x13x1024xf32, #tpu.memory_space<vmem>>, vector<1x8x13x1024xf32>
    %get3A_4 = vector.shape_cast %get3A_3 : vector<1x8x13x1024xf32> to vector<8x13x1024xf32>
    %reshape3A = vector.shape_cast %get3A_4 : vector<8x13x1024xf32> to vector<104x1024xf32>
    %convert_element_type3A = arith.truncf %reshape3A : vector<104x1024xf32> to vector<104x1024xbf16>
    %convert_element_type3A_5 = arith.extf %convert_element_type3A : vector<104x1024xbf16> to vector<104x1024xf32>
    %sub3A = arith.subf %reshape3A, %convert_element_type3A_5 : vector<104x1024xf32>
    %convert_element_type3A_6 = arith.truncf %sub3A : vector<104x1024xf32> to vector<104x1024xbf16>
    %swap3A = arith.constant 0 : index
    %swap3A_7 = arith.constant 0 : index
    %swap3A_8 = vector.load %arg6[%swap3A, %swap3A_7] : memref<208x8192xbf16, #tpu.memory_space<vmem>>, vector<104x1024xbf16>
    tpu.vector_store %arg6[%swap3A, %swap3A_7], %convert_element_type3A {strides = array<i32>} : memref<208x8192xbf16, #tpu.memory_space<vmem>>, vector<104x1024xbf16>,
    %swap3A_9 = arith.constant 104 : index
    %swap3A_10 = arith.constant 0 : index
    %swap3A_11 = vector.load %arg6[%swap3A_9, %swap3A_10] : memref<208x8192xbf16, #tpu.memory_space<vmem>>, vector<104x1024xbf16>
    tpu.vector_store %arg6[%swap3A_9, %swap3A_10], %convert_element_type3A_6 {strides = array<i32>} : memref<208x8192xbf16, #tpu.memory_space<vmem>>, vector<104x1024xbf16>,
    %get3A_12 = arith.constant 1 : index
    %get3A_13 = arith.constant 0 : index
    %get3A_14 = arith.constant 0 : index
    %get3A_15 = arith.constant 0 : index
    %get3A_16 = vector.load %arg1[%get3A_12, %get3A_13, %get3A_14, %get3A_15] : memref<8x8x13x1024xf32, #tpu.memory_space<vmem>>, vector<1x8x13x1024xf32>
    %get3A_17 = vector.shape_cast %get3A_16 : vector<1x8x13x1024xf32> to vector<8x13x1024xf32>
    %reshape3A_18 = vector.shape_cast %get3A_17 : vector<8x13x1024xf32> to vector<104x1024xf32>
    %convert_element_type3A_19 = arith.truncf %reshape3A_18 : vector<104x1024xf32> to vector<104x1024xbf16>
    %convert_element_type3A_20 = arith.extf %convert_element_type3A_19 : vector<104x1024xbf16> to vector<104x1024xf32>
    %sub3A_21 = arith.subf %reshape3A_18, %convert_element_type3A_20 : vector<104x1024xf32>
    %convert_element_type3A_22 = arith.truncf %sub3A_21 : vector<104x1024xf32> to vector<104x1024xbf16>
    %swap3A_23 = arith.constant 0 : index
    %swap3A_24 = arith.constant 1024 : index
    %swap3A_25 = vector.load %arg6[%swap3A_23, %swap3A_24] : memref<208x8192xbf16, #tpu.memory_space<vmem>>, vector<104x1024xbf16>
    tpu.vector_store %arg6[%swap3A_23, %swap3A_24], %convert_element_type3A_19 {strides = array<i32>} : memref<208x8192xbf16, #tpu.memory_space<vmem>>, vector<104x1024xbf16>,
    %swap3A_26 = arith.constant 104 : index
    %swap3A_27 = arith.constant 1024 : index
    %swap3A_28 = vector.load %arg6[%swap3A_26, %swap3A_27] : memref<208x8192xbf16, #tpu.memory_space<vmem>>, vector<104x1024xbf16>
    tpu.vector_store %arg6[%swap3A_26, %swap3A_27], %convert_element_type3A_22 {strides = array<i32>} : memref<208x8192xbf16, #tpu.memory_space<vmem>>, vector<104x1024xbf16>,
    %get3A_29 = arith.constant 2 : index
    %get3A_30 = arith.constant 0 : index
    %get3A_31 = arith.constant 0 : index
    %get3A_32 = arith.constant 0 : index
    %get3A_33 = vector.load %arg1[%get3A_29, %get3A_30, %get3A_31, %get3A_32] : memref<8x8x13x1024xf32, #tpu.memory_space<vmem>>, vector<1x8x13x1024xf32>
    %get3A_34 = vector.shape_cast %get3A_33 : vector<1x8x13x1024xf32> to vector<8x13x1024xf32>
    %reshape3A_35 = vector.shape_cast %get3A_34 : vector<8x13x1024xf32> to vector<104x1024xf32>
    %convert_element_type3A_36 = arith.truncf %reshape3A_35 : vector<104x1024xf32> to vector<104x1024xbf16>
    %convert_element_type3A_37 = arith.extf %convert_element_type3A_36 : vector<104x1024xbf16> to vector<104x1024xf32>
    %sub3A_38 = arith.subf %reshape3A_35, %convert_element_type3A_37 : vector<104x1024xf32>
    %convert_element_type3A_39 = arith.truncf %sub3A_38 : vector<104x1024xf32> to vector<104x1024xbf16>
    %swap3A_40 = arith.constant 0 : index
    %swap3A_41 = arith.constant 2048 : index
    %swap3A_42 = vector.load %arg6[%swap3A_40, %swap3A_41] : memref<208x8192xbf16, #tpu.memory_space<vmem>>, vector<104x1024xbf16>
    tpu.vector_store %arg6[%swap3A_40, %swap3A_41], %convert_element_type3A_36 {strides = array<i32>} : memref<208x8192xbf16, #tpu.memory_space<vmem>>, vector<104x1024xbf16>,
    %swap3A_43 = arith.constant 104 : index
    %swap3A_44 = arith.constant 2048 : index
    %swap3A_45 = vector.load %arg6[%swap3A_43, %swap3A_44] : memref<208x8192xbf16, #tpu.memory_space<vmem>>, vector<104x1024xbf16>
    tpu.vector_store %arg6[%swap3A_43, %swap3A_44], %convert_element_type3A_39 {strides = array<i32>} : memref<208x8192xbf16, #tpu.memory_space<vmem>>, vector<104x1024xbf16>,
    %get3A_46 = arith.constant 3 : index
    %get3A_47 = arith.constant 0 : index
    %get3A_48 = arith.constant 0 : index
    %get3A_49 = arith.constant 0 : index
    %get3A_50 = vector.load %arg1[%get3A_46, %get3A_47, %get3A_48, %get3A_49] : memref<8x8x13x1024xf32, #tpu.memory_space<vmem>>, vector<1x8x13x1024xf32>
    %get3A_51 = vector.shape_cast %get3A_50 : vector<1x8x13x1024xf32> to vector<8x13x1024xf32>
    %reshape3A_52 = vector.shape_cast %get3A_51 : vector<8x13x1024xf32> to vector<104x1024xf32>
    %convert_element_type3A_53 = arith.truncf %reshape3A_52 : vector<104x1024xf32> to vector<104x1024xbf16>
    %convert_element_type3A_54 = arith.extf %convert_element_type3A_53 : vector<104x1024xbf16> to vector<104x1024xf32>
    %sub3A_55 = arith.subf %reshape3A_52, %convert_element_type3A_54 : vector<104x1024xf32>
    %convert_element_type3A_56 = arith.truncf %sub3A_55 : vector<104x1024xf32> to vector<104x1024xbf16>
    %swap3A_57 = arith.constant 0 : index
    %swap3A_58 = arith.constant 3072 : index
    %swap3A_59 = vector.load %arg6[%swap3A_57, %swap3A_58] : memref<208x8192xbf16, #tpu.memory_space<vmem>>, vector<104x1024xbf16>
    tpu.vector_store %arg6[%swap3A_57, %swap3A_58], %convert_element_type3A_53 {strides = array<i32>} : memref<208x8192xbf16, #tpu.memory_space<vmem>>, vector<104x1024xbf16>,
    %swap3A_60 = arith.constant 104 : index
    %swap3A_61 = arith.constant 3072 : index
    %swap3A_62 = vector.load %arg6[%swap3A_60, %swap3A_61] : memref<208x8192xbf16, #tpu.memory_space<vmem>>, vector<104x1024xbf16>
    tpu.vector_store %arg6[%swap3A_60, %swap3A_61], %convert_element_type3A_56 {strides = array<i32>} : memref<208x8192xbf16, #tpu.memory_space<vmem>>, vector<104x1024xbf16>,
    %get3A_63 = arith.constant 4 : index
    %get3A_64 = arith.constant 0 : index
    %get3A_65 = arith.constant 0 : index
    %get3A_66 = arith.constant 0 : index
    %get3A_67 = vector.load %arg1[%get3A_63, %get3A_64, %get3A_65, %get3A_66] : memref<8x8x13x1024xf32, #tpu.memory_space<vmem>>, vector<1x8x13x1024xf32>
    %get3A_68 = vector.shape_cast %get3A_67 : vector<1x8x13x1024xf32> to vector<8x13x1024xf32>
    %reshape3A_69 = vector.shape_cast %get3A_68 : vector<8x13x1024xf32> to vector<104x1024xf32>
    %convert_element_type3A_70 = arith.truncf %reshape3A_69 : vector<104x1024xf32> to vector<104x1024xbf16>
    %convert_element_type3A_71 = arith.extf %convert_element_type3A_70 : vector<104x1024xbf16> to vector<104x1024xf32>
    %sub3A_72 = arith.subf %reshape3A_69, %convert_element_type3A_71 : vector<104x1024xf32>
    %convert_element_type3A_73 = arith.truncf %sub3A_72 : vector<104x1024xf32> to vector<104x1024xbf16>
    %swap3A_74 = arith.constant 0 : index
    %swap3A_75 = arith.constant 4096 : index
    %swap3A_76 = vector.load %arg6[%swap3A_74, %swap3A_75] : memref<208x8192xbf16, #tpu.memory_space<vmem>>, vector<104x1024xbf16>
    tpu.vector_store %arg6[%swap3A_74, %swap3A_75], %convert_element_type3A_70 {strides = array<i32>} : memref<208x8192xbf16, #tpu.memory_space<vmem>>, vector<104x1024xbf16>,
    %swap3A_77 = arith.constant 104 : index
    %swap3A_78 = arith.constant 4096 : index
    %swap3A_79 = vector.load %arg6[%swap3A_77, %swap3A_78] : memref<208x8192xbf16, #tpu.memory_space<vmem>>, vector<104x1024xbf16>
    tpu.vector_store %arg6[%swap3A_77, %swap3A_78], %convert_element_type3A_73 {strides = array<i32>} : memref<208x8192xbf16, #tpu.memory_space<vmem>>, vector<104x1024xbf16>,
    %get3A_80 = arith.constant 5 : index
    %get3A_81 = arith.constant 0 : index
    %get3A_82 = arith.constant 0 : index
    %get3A_83 = arith.constant 0 : index
    %get3A_84 = vector.load %arg1[%get3A_80, %get3A_81, %get3A_82, %get3A_83] : memref<8x8x13x1024xf32, #tpu.memory_space<vmem>>, vector<1x8x13x1024xf32>
    %get3A_85 = vector.shape_cast %get3A_84 : vector<1x8x13x1024xf32> to vector<8x13x1024xf32>
    %reshape3A_86 = vector.shape_cast %get3A_85 : vector<8x13x1024xf32> to vector<104x1024xf32>
    %convert_element_type3A_87 = arith.truncf %reshape3A_86 : vector<104x1024xf32> to vector<104x1024xbf16>
    %convert_element_type3A_88 = arith.extf %convert_element_type3A_87 : vector<104x1024xbf16> to vector<104x1024xf32>
    %sub3A_89 = arith.subf %reshape3A_86, %convert_element_type3A_88 : vector<104x1024xf32>
    %convert_element_type3A_90 = arith.truncf %sub3A_89 : vector<104x1024xf32> to vector<104x1024xbf16>
    %swap3A_91 = arith.constant 0 : index
    %swap3A_92 = arith.constant 5120 : index
    %swap3A_93 = vector.load %arg6[%swap3A_91, %swap3A_92] : memref<208x8192xbf16, #tpu.memory_space<vmem>>, vector<104x1024xbf16>
    tpu.vector_store %arg6[%swap3A_91, %swap3A_92], %convert_element_type3A_87 {strides = array<i32>} : memref<208x8192xbf16, #tpu.memory_space<vmem>>, vector<104x1024xbf16>,
    %swap3A_94 = arith.constant 104 : index
    %swap3A_95 = arith.constant 5120 : index
    %swap3A_96 = vector.load %arg6[%swap3A_94, %swap3A_95] : memref<208x8192xbf16, #tpu.memory_space<vmem>>, vector<104x1024xbf16>
    tpu.vector_store %arg6[%swap3A_94, %swap3A_95], %convert_element_type3A_90 {strides = array<i32>} : memref<208x8192xbf16, #tpu.memory_space<vmem>>, vector<104x1024xbf16>,
    %get3A_97 = arith.constant 6 : index
    %get3A_98 = arith.constant 0 : index
    %get3A_99 = arith.constant 0 : index
    %get3A_100 = arith.constant 0 : index
    %get3A_101 = vector.load %arg1[%get3A_97, %get3A_98, %get3A_99, %get3A_100] : memref<8x8x13x1024xf32, #tpu.memory_space<vmem>>, vector<1x8x13x1024xf32>
    %get3A_102 = vector.shape_cast %get3A_101 : vector<1x8x13x1024xf32> to vector<8x13x1024xf32>
    %reshape3A_103 = vector.shape_cast %get3A_102 : vector<8x13x1024xf32> to vector<104x1024xf32>
    %convert_element_type3A_104 = arith.truncf %reshape3A_103 : vector<104x1024xf32> to vector<104x1024xbf16>
    %convert_element_type3A_105 = arith.extf %convert_element_type3A_104 : vector<104x1024xbf16> to vector<104x1024xf32>
    %sub3A_106 = arith.subf %reshape3A_103, %convert_element_type3A_105 : vector<104x1024xf32>
    %convert_element_type3A_107 = arith.truncf %sub3A_106 : vector<104x1024xf32> to vector<104x1024xbf16>
    %swap3A_108 = arith.constant 0 : index
    %swap3A_109 = arith.constant 6144 : index
    %swap3A_110 = vector.load %arg6[%swap3A_108, %swap3A_109] : memref<208x8192xbf16, #tpu.memory_space<vmem>>, vector<104x1024xbf16>
    tpu.vector_store %arg6[%swap3A_108, %swap3A_109], %convert_element_type3A_104 {strides = array<i32>} : memref<208x8192xbf16, #tpu.memory_space<vmem>>, vector<104x1024xbf16>,
    %swap3A_111 = arith.constant 104 : index
    %swap3A_112 = arith.constant 6144 : index
    %swap3A_113 = vector.load %arg6[%swap3A_111, %swap3A_112] : memref<208x8192xbf16, #tpu.memory_space<vmem>>, vector<104x1024xbf16>
    tpu.vector_store %arg6[%swap3A_111, %swap3A_112], %convert_element_type3A_107 {strides = array<i32>} : memref<208x8192xbf16, #tpu.memory_space<vmem>>, vector<104x1024xbf16>,
    %get3A_114 = arith.constant 7 : index
    %get3A_115 = arith.constant 0 : index
    %get3A_116 = arith.constant 0 : index
    %get3A_117 = arith.constant 0 : index
    %get3A_118 = vector.load %arg1[%get3A_114, %get3A_115, %get3A_116, %get3A_117] : memref<8x8x13x1024xf32, #tpu.memory_space<vmem>>, vector<1x8x13x1024xf32>
    %get3A_119 = vector.shape_cast %get3A_118 : vector<1x8x13x1024xf32> to vector<8x13x1024xf32>
    %reshape3A_120 = vector.shape_cast %get3A_119 : vector<8x13x1024xf32> to vector<104x1024xf32>
    %convert_element_type3A_121 = arith.truncf %reshape3A_120 : vector<104x1024xf32> to vector<104x1024xbf16>
    %convert_element_type3A_122 = arith.extf %convert_element_type3A_121 : vector<104x1024xbf16> to vector<104x1024xf32>
    %sub3A_123 = arith.subf %reshape3A_120, %convert_element_type3A_122 : vector<104x1024xf32>
    %convert_element_type3A_124 = arith.truncf %sub3A_123 : vector<104x1024xf32> to vector<104x1024xbf16>
    %swap3A_125 = arith.constant 0 : index
    %swap3A_126 = arith.constant 7168 : index
    %swap3A_127 = vector.load %arg6[%swap3A_125, %swap3A_126] : memref<208x8192xbf16, #tpu.memory_space<vmem>>, vector<104x1024xbf16>
    tpu.vector_store %arg6[%swap3A_125, %swap3A_126], %convert_element_type3A_121 {strides = array<i32>} : memref<208x8192xbf16, #tpu.memory_space<vmem>>, vector<104x1024xbf16>,
    %swap3A_128 = arith.constant 104 : index
    %swap3A_129 = arith.constant 7168 : index
    %swap3A_130 = vector.load %arg6[%swap3A_128, %swap3A_129] : memref<208x8192xbf16, #tpu.memory_space<vmem>>, vector<104x1024xbf16>
    tpu.vector_store %arg6[%swap3A_128, %swap3A_129], %convert_element_type3A_124 {strides = array<i32>} : memref<208x8192xbf16, #tpu.memory_space<vmem>>, vector<104x1024xbf16>,
    %get3A_131 = arith.constant 0 : index
    %get3A_132 = arith.constant 0 : index
    %get3A_133 = vector.load %arg6[%get3A_131, %get3A_132] : memref<208x8192xbf16, #tpu.memory_space<vmem>>, vector<208x8192xbf16>
    %get3A_134 = arith.constant 0 : index
    %get3A_135 = arith.constant 0 : index
    %get3A_136 = vector.load %arg2[%get3A_134, %get3A_135] : memref<384x208xbf16, #tpu.memory_space<vmem>>, vector<384x208xbf16>
    %dot_general3A = arith.constant dense<0.000000e+00> : vector<384x8192xf32>
    %dot_general3A_137 = tpu.matmul %get3A_136, %get3A_133, %dot_general3A {dimension_numbers = #tpu.dot_dimension_numbers<[1], [0], [0], [1], [0, 0, 1, 1], [], []>, transpose_lhs_hint = false} : vector<384x208xbf16>, vector<208x8192xbf16>, vector<384x8192xf32> -> vector<384x8192xf32>
    %get3A_138 = arith.constant 0 : index
    %get3A_139 = arith.constant 0 : index
    %get3A_140 = vector.load %arg3[%get3A_138, %get3A_139] : memref<384x104xbf16, #tpu.memory_space<vmem>>, vector<384x104xbf16>
    %slice3A = vector.extract_strided_slice %get3A_133 {offsets = [0, 0], sizes = [104, 8192], strides = [1, 1]} : vector<208x8192xbf16> to vector<104x8192xbf16>
    %dot_general3A_141 = arith.constant dense<0.000000e+00> : vector<384x8192xf32>
    %dot_general3A_142 = tpu.matmul %get3A_140, %slice3A, %dot_general3A_141 {dimension_numbers = #tpu.dot_dimension_numbers<[1], [0], [0], [1], [0, 0, 1, 1], [], []>, transpose_lhs_hint = false} : vector<384x104xbf16>, vector<104x8192xbf16>, vector<384x8192xf32> -> vector<384x8192xf32>
    %add3A = arith.addf %dot_general3A_137, %dot_general3A_142 : vector<384x8192xf32>
    %get3A_143 = arith.constant 0 : index
    %get3A_144 = arith.constant 0 : index
    %get3A_145 = vector.load %arg4[%get3A_143, %get3A_144] : memref<384x1xf32, #tpu.memory_space<vmem>>, vector<384x1xf32>
    %add3A_146 = vector.broadcast %get3A_145 : vector<384x1xf32> to vector<384x8192xf32>
    %add3A_147 = arith.addf %add3A, %add3A_146 : vector<384x8192xf32>
    %max3A = arith.constant 0.000000e+00 : f32
    %max3A_148 = vector.broadcast %max3A : f32 to vector<384x8192xf32>
    %max3A_149 = arith.maximumf %add3A_147, %max3A_148 : vector<384x8192xf32>
    %abs3A = math.absf %add3A_147 : vector<384x8192xf32>
    %neg3A = arith.constant 0.000000e+00 : f32
    %neg3A_150 = vector.broadcast %neg3A : f32 to vector<384x8192xf32>
    %neg3A_151 = arith.subf %neg3A_150, %abs3A : vector<384x8192xf32>
    %exp3A = math.exp %neg3A_151 : vector<384x8192xf32>
    %log1p3A = math.log1p %exp3A : vector<384x8192xf32>
    %add3A_152 = arith.addf %max3A_149, %log1p3A : vector<384x8192xf32>
    %reshape3A_153 = vector.shape_cast %add3A_152 : vector<384x8192xf32> to vector<8x48x8192xf32>
    %reduce_sum3A = arith.constant dense<0.000000e+00> : vector<8x8192xf32>
    %reduce_sum3A_154 = vector.multi_reduction <add>, %reshape3A_153, %reduce_sum3A [1] : vector<8x48x8192xf32> to vector<8x8192xf32>
    %mul3A = arith.constant 0.020833334 : f32
    %mul3A_155 = vector.broadcast %mul3A : f32 to vector<8x8192xf32>
    %mul3A_156 = arith.mulf %reduce_sum3A_154, %mul3A_155 : vector<8x8192xf32>
    %slice3A_157 = vector.extract_strided_slice %mul3A_156 {offsets = [0, 0], sizes = [8, 1024], strides = [1, 1]} : vector<8x8192xf32> to vector<8x1024xf32>
    %swap3A_158 = arith.constant 0 : index
    %swap3A_159 = arith.constant 0 : index
    %swap3A_160 = vector.load %arg5[%swap3A_158, %swap3A_159] : memref<64x1024xf32, #tpu.memory_space<vmem>>, vector<8x1024xf32>
    tpu.vector_store %arg5[%swap3A_158, %swap3A_159], %slice3A_157 {strides = array<i32>} : memref<64x1024xf32, #tpu.memory_space<vmem>>, vector<8x1024xf32>,
    %slice3A_161 = vector.extract_strided_slice %mul3A_156 {offsets = [0, 1024], sizes = [8, 1024], strides = [1, 1]} : vector<8x8192xf32> to vector<8x1024xf32>
    %swap3A_162 = arith.constant 8 : index
    %swap3A_163 = arith.constant 0 : index
    %swap3A_164 = vector.load %arg5[%swap3A_162, %swap3A_163] : memref<64x1024xf32, #tpu.memory_space<vmem>>, vector<8x1024xf32>
    tpu.vector_store %arg5[%swap3A_162, %swap3A_163], %slice3A_161 {strides = array<i32>} : memref<64x1024xf32, #tpu.memory_space<vmem>>, vector<8x1024xf32>,
    %slice3A_165 = vector.extract_strided_slice %mul3A_156 {offsets = [0, 2048], sizes = [8, 1024], strides = [1, 1]} : vector<8x8192xf32> to vector<8x1024xf32>
    %swap3A_166 = arith.constant 16 : index
    %swap3A_167 = arith.constant 0 : index
    %swap3A_168 = vector.load %arg5[%swap3A_166, %swap3A_167] : memref<64x1024xf32, #tpu.memory_space<vmem>>, vector<8x1024xf32>
    tpu.vector_store %arg5[%swap3A_166, %swap3A_167], %slice3A_165 {strides = array<i32>} : memref<64x1024xf32, #tpu.memory_space<vmem>>, vector<8x1024xf32>,
    %slice3A_169 = vector.extract_strided_slice %mul3A_156 {offsets = [0, 3072], sizes = [8, 1024], strides = [1, 1]} : vector<8x8192xf32> to vector<8x1024xf32>
    %swap3A_170 = arith.constant 24 : index
    %swap3A_171 = arith.constant 0 : index
    %swap3A_172 = vector.load %arg5[%swap3A_170, %swap3A_171] : memref<64x1024xf32, #tpu.memory_space<vmem>>, vector<8x1024xf32>
    tpu.vector_store %arg5[%swap3A_170, %swap3A_171], %slice3A_169 {strides = array<i32>} : memref<64x1024xf32, #tpu.memory_space<vmem>>, vector<8x1024xf32>,
    %slice3A_173 = vector.extract_strided_slice %mul3A_156 {offsets = [0, 4096], sizes = [8, 1024], strides = [1, 1]} : vector<8x8192xf32> to vector<8x1024xf32>
    %swap3A_174 = arith.constant 32 : index
    %swap3A_175 = arith.constant 0 : index
    %swap3A_176 = vector.load %arg5[%swap3A_174, %swap3A_175] : memref<64x1024xf32, #tpu.memory_space<vmem>>, vector<8x1024xf32>
    tpu.vector_store %arg5[%swap3A_174, %swap3A_175], %slice3A_173 {strides = array<i32>} : memref<64x1024xf32, #tpu.memory_space<vmem>>, vector<8x1024xf32>,
    %slice3A_177 = vector.extract_strided_slice %mul3A_156 {offsets = [0, 5120], sizes = [8, 1024], strides = [1, 1]} : vector<8x8192xf32> to vector<8x1024xf32>
    %swap3A_178 = arith.constant 40 : index
    %swap3A_179 = arith.constant 0 : index
    %swap3A_180 = vector.load %arg5[%swap3A_178, %swap3A_179] : memref<64x1024xf32, #tpu.memory_space<vmem>>, vector<8x1024xf32>
    tpu.vector_store %arg5[%swap3A_178, %swap3A_179], %slice3A_177 {strides = array<i32>} : memref<64x1024xf32, #tpu.memory_space<vmem>>, vector<8x1024xf32>,
    %slice3A_181 = vector.extract_strided_slice %mul3A_156 {offsets = [0, 6144], sizes = [8, 1024], strides = [1, 1]} : vector<8x8192xf32> to vector<8x1024xf32>
    %swap3A_182 = arith.constant 48 : index
    %swap3A_183 = arith.constant 0 : index
    %swap3A_184 = vector.load %arg5[%swap3A_182, %swap3A_183] : memref<64x1024xf32, #tpu.memory_space<vmem>>, vector<8x1024xf32>
    tpu.vector_store %arg5[%swap3A_182, %swap3A_183], %slice3A_181 {strides = array<i32>} : memref<64x1024xf32, #tpu.memory_space<vmem>>, vector<8x1024xf32>,
    %slice3A_185 = vector.extract_strided_slice %mul3A_156 {offsets = [0, 7168], sizes = [8, 1024], strides = [1, 1]} : vector<8x8192xf32> to vector<8x1024xf32>
    %swap3A_186 = arith.constant 56 : index
    %swap3A_187 = arith.constant 0 : index
    %swap3A_188 = vector.load %arg5[%swap3A_186, %swap3A_187] : memref<64x1024xf32, #tpu.memory_space<vmem>>, vector<8x1024xf32>
    tpu.vector_store %arg5[%swap3A_186, %swap3A_187], %slice3A_185 {strides = array<i32>} : memref<64x1024xf32, #tpu.memory_space<vmem>>, vector<8x1024xf32>,
    return
  }
  func.func @transform_0(%arg0: i32) -> (i32, i32, i32, i32) {
    %c0_i32 = arith.constant 0 : i32
    %c0_i32_0 = arith.constant 0 : i32
    %c0_i32_1 = arith.constant 0 : i32
    %c0_i32_2 = arith.constant 0 : i32
    return %arg0, %c0_i32, %c0_i32_0, %c0_i32_1 : i32, i32, i32, i32
  }
  func.func @transform_1(%arg0: i32) -> (i32, i32) {
    %c0_i32 = arith.constant 0 : i32
    %c0_i32_0 = arith.constant 0 : i32
    %c0_i32_1 = arith.constant 0 : i32
    return %c0_i32, %c0_i32_0 : i32, i32
  }
  func.func @transform_2(%arg0: i32) -> (i32, i32) {
    %c0_i32 = arith.constant 0 : i32
    %c0_i32_0 = arith.constant 0 : i32
    %c0_i32_1 = arith.constant 0 : i32
    return %c0_i32, %c0_i32_0 : i32, i32
  }
  func.func @transform_3(%arg0: i32) -> (i32, i32) {
    %c0_i32 = arith.constant 0 : i32
    %c0_i32_0 = arith.constant 0 : i32
    %c0_i32_1 = arith.constant 0 : i32
    return %c0_i32, %c0_i32_0 : i32, i32
  }
  func.func @transform_4(%arg0: i32) -> (i32, i32) {
    %c0_i32 = arith.constant 0 : i32
    %c0_i32_0 = arith.constant 0 : i32
    return %arg0, %c0_i32 : i32, i32
  }
}

module attributes {stable_mosaic.version = 14 : i64} {
  func.func @body(%arg0: i32, %arg1: memref<8x8x13x1024xf32, #tpu.memory_space<vmem>>, %arg2: memref<48x208xbf16, #tpu.memory_space<vmem>>, %arg3: memref<48x104xbf16, #tpu.memory_space<vmem>>, %arg4: memref<48x1xf32, #tpu.memory_space<vmem>>, %arg5: memref<8x1024xf32, #tpu.memory_space<vmem>>, %arg6: memref<208x8192xbf16, #tpu.memory_space<vmem>>) attributes {dimension_semantics = [#tpu.dimension_semantics<arbitrary>], iteration_bounds = array<i64: 16>, scalar_prefetch = 0 : i64, scratch_operands = 1 : i64, tpu.core_type = #tpu.core_type<tc>, window_params = [{transform_indices = @transform_0, window_bounds = array<i64: 8, 8, 13, 1024>}, {pipeline_mode = #tpu.pipeline_mode<synchronous>, transform_indices = @transform_1, window_bounds = array<i64: 48, 208>}, {pipeline_mode = #tpu.pipeline_mode<synchronous>, transform_indices = @transform_2, window_bounds = array<i64: 48, 104>}, {pipeline_mode = #tpu.pipeline_mode<synchronous>, transform_indices = @transform_3, window_bounds = array<i64: 48, 1>}, {transform_indices = @transform_4, window_bounds = array<i64: 8, 1024>}]} {
    %get3A = arith.constant 0 : index
    %get3A_0 = arith.constant 0 : index
    %get3A_1 = arith.constant 0 : index
    %get3A_2 = arith.constant 0 : index
    %get3A_3 = vector.load %arg1[%get3A, %get3A_0, %get3A_1, %get3A_2] : memref<8x8x13x1024xf32, #tpu.memory_space<vmem>>, vector<1x8x13x1024xf32>
    %get3A_4 = vector.shape_cast %get3A_3 : vector<1x8x13x1024xf32> to vector<8x13x1024xf32>
    %reshape3A = vector.shape_cast %get3A_4 : vector<8x13x1024xf32> to vector<104x1024xf32>
    %convert_element_type3A = arith.truncf %reshape3A : vector<104x1024xf32> to vector<104x1024xbf16>
    %convert_element_type3A_5 = arith.extf %convert_element_type3A : vector<104x1024xbf16> to vector<104x1024xf32>
    %sub3A = arith.subf %reshape3A, %convert_element_type3A_5 : vector<104x1024xf32>
    %convert_element_type3A_6 = arith.truncf %sub3A : vector<104x1024xf32> to vector<104x1024xbf16>
    %swap3A = arith.constant 0 : index
    %swap3A_7 = arith.constant 0 : index
    %swap3A_8 = vector.load %arg6[%swap3A, %swap3A_7] : memref<208x8192xbf16, #tpu.memory_space<vmem>>, vector<104x1024xbf16>
    tpu.vector_store %arg6[%swap3A, %swap3A_7], %convert_element_type3A {strides = array<i32>} : memref<208x8192xbf16, #tpu.memory_space<vmem>>, vector<104x1024xbf16>,
    %swap3A_9 = arith.constant 104 : index
    %swap3A_10 = arith.constant 0 : index
    %swap3A_11 = vector.load %arg6[%swap3A_9, %swap3A_10] : memref<208x8192xbf16, #tpu.memory_space<vmem>>, vector<104x1024xbf16>
    tpu.vector_store %arg6[%swap3A_9, %swap3A_10], %convert_element_type3A_6 {strides = array<i32>} : memref<208x8192xbf16, #tpu.memory_space<vmem>>, vector<104x1024xbf16>,
    %get3A_12 = arith.constant 1 : index
    %get3A_13 = arith.constant 0 : index
    %get3A_14 = arith.constant 0 : index
    %get3A_15 = arith.constant 0 : index
    %get3A_16 = vector.load %arg1[%get3A_12, %get3A_13, %get3A_14, %get3A_15] : memref<8x8x13x1024xf32, #tpu.memory_space<vmem>>, vector<1x8x13x1024xf32>
    %get3A_17 = vector.shape_cast %get3A_16 : vector<1x8x13x1024xf32> to vector<8x13x1024xf32>
    %reshape3A_18 = vector.shape_cast %get3A_17 : vector<8x13x1024xf32> to vector<104x1024xf32>
    %convert_element_type3A_19 = arith.truncf %reshape3A_18 : vector<104x1024xf32> to vector<104x1024xbf16>
    %convert_element_type3A_20 = arith.extf %convert_element_type3A_19 : vector<104x1024xbf16> to vector<104x1024xf32>
    %sub3A_21 = arith.subf %reshape3A_18, %convert_element_type3A_20 : vector<104x1024xf32>
    %convert_element_type3A_22 = arith.truncf %sub3A_21 : vector<104x1024xf32> to vector<104x1024xbf16>
    %swap3A_23 = arith.constant 0 : index
    %swap3A_24 = arith.constant 1024 : index
    %swap3A_25 = vector.load %arg6[%swap3A_23, %swap3A_24] : memref<208x8192xbf16, #tpu.memory_space<vmem>>, vector<104x1024xbf16>
    tpu.vector_store %arg6[%swap3A_23, %swap3A_24], %convert_element_type3A_19 {strides = array<i32>} : memref<208x8192xbf16, #tpu.memory_space<vmem>>, vector<104x1024xbf16>,
    %swap3A_26 = arith.constant 104 : index
    %swap3A_27 = arith.constant 1024 : index
    %swap3A_28 = vector.load %arg6[%swap3A_26, %swap3A_27] : memref<208x8192xbf16, #tpu.memory_space<vmem>>, vector<104x1024xbf16>
    tpu.vector_store %arg6[%swap3A_26, %swap3A_27], %convert_element_type3A_22 {strides = array<i32>} : memref<208x8192xbf16, #tpu.memory_space<vmem>>, vector<104x1024xbf16>,
    %get3A_29 = arith.constant 2 : index
    %get3A_30 = arith.constant 0 : index
    %get3A_31 = arith.constant 0 : index
    %get3A_32 = arith.constant 0 : index
    %get3A_33 = vector.load %arg1[%get3A_29, %get3A_30, %get3A_31, %get3A_32] : memref<8x8x13x1024xf32, #tpu.memory_space<vmem>>, vector<1x8x13x1024xf32>
    %get3A_34 = vector.shape_cast %get3A_33 : vector<1x8x13x1024xf32> to vector<8x13x1024xf32>
    %reshape3A_35 = vector.shape_cast %get3A_34 : vector<8x13x1024xf32> to vector<104x1024xf32>
    %convert_element_type3A_36 = arith.truncf %reshape3A_35 : vector<104x1024xf32> to vector<104x1024xbf16>
    %convert_element_type3A_37 = arith.extf %convert_element_type3A_36 : vector<104x1024xbf16> to vector<104x1024xf32>
    %sub3A_38 = arith.subf %reshape3A_35, %convert_element_type3A_37 : vector<104x1024xf32>
    %convert_element_type3A_39 = arith.truncf %sub3A_38 : vector<104x1024xf32> to vector<104x1024xbf16>
    %swap3A_40 = arith.constant 0 : index
    %swap3A_41 = arith.constant 2048 : index
    %swap3A_42 = vector.load %arg6[%swap3A_40, %swap3A_41] : memref<208x8192xbf16, #tpu.memory_space<vmem>>, vector<104x1024xbf16>
    tpu.vector_store %arg6[%swap3A_40, %swap3A_41], %convert_element_type3A_36 {strides = array<i32>} : memref<208x8192xbf16, #tpu.memory_space<vmem>>, vector<104x1024xbf16>,
    %swap3A_43 = arith.constant 104 : index
    %swap3A_44 = arith.constant 2048 : index
    %swap3A_45 = vector.load %arg6[%swap3A_43, %swap3A_44] : memref<208x8192xbf16, #tpu.memory_space<vmem>>, vector<104x1024xbf16>
    tpu.vector_store %arg6[%swap3A_43, %swap3A_44], %convert_element_type3A_39 {strides = array<i32>} : memref<208x8192xbf16, #tpu.memory_space<vmem>>, vector<104x1024xbf16>,
    %get3A_46 = arith.constant 3 : index
    %get3A_47 = arith.constant 0 : index
    %get3A_48 = arith.constant 0 : index
    %get3A_49 = arith.constant 0 : index
    %get3A_50 = vector.load %arg1[%get3A_46, %get3A_47, %get3A_48, %get3A_49] : memref<8x8x13x1024xf32, #tpu.memory_space<vmem>>, vector<1x8x13x1024xf32>
    %get3A_51 = vector.shape_cast %get3A_50 : vector<1x8x13x1024xf32> to vector<8x13x1024xf32>
    %reshape3A_52 = vector.shape_cast %get3A_51 : vector<8x13x1024xf32> to vector<104x1024xf32>
    %convert_element_type3A_53 = arith.truncf %reshape3A_52 : vector<104x1024xf32> to vector<104x1024xbf16>
    %convert_element_type3A_54 = arith.extf %convert_element_type3A_53 : vector<104x1024xbf16> to vector<104x1024xf32>
    %sub3A_55 = arith.subf %reshape3A_52, %convert_element_type3A_54 : vector<104x1024xf32>
    %convert_element_type3A_56 = arith.truncf %sub3A_55 : vector<104x1024xf32> to vector<104x1024xbf16>
    %swap3A_57 = arith.constant 0 : index
    %swap3A_58 = arith.constant 3072 : index
    %swap3A_59 = vector.load %arg6[%swap3A_57, %swap3A_58] : memref<208x8192xbf16, #tpu.memory_space<vmem>>, vector<104x1024xbf16>
    tpu.vector_store %arg6[%swap3A_57, %swap3A_58], %convert_element_type3A_53 {strides = array<i32>} : memref<208x8192xbf16, #tpu.memory_space<vmem>>, vector<104x1024xbf16>,
    %swap3A_60 = arith.constant 104 : index
    %swap3A_61 = arith.constant 3072 : index
    %swap3A_62 = vector.load %arg6[%swap3A_60, %swap3A_61] : memref<208x8192xbf16, #tpu.memory_space<vmem>>, vector<104x1024xbf16>
    tpu.vector_store %arg6[%swap3A_60, %swap3A_61], %convert_element_type3A_56 {strides = array<i32>} : memref<208x8192xbf16, #tpu.memory_space<vmem>>, vector<104x1024xbf16>,
    %get3A_63 = arith.constant 4 : index
    %get3A_64 = arith.constant 0 : index
    %get3A_65 = arith.constant 0 : index
    %get3A_66 = arith.constant 0 : index
    %get3A_67 = vector.load %arg1[%get3A_63, %get3A_64, %get3A_65, %get3A_66] : memref<8x8x13x1024xf32, #tpu.memory_space<vmem>>, vector<1x8x13x1024xf32>
    %get3A_68 = vector.shape_cast %get3A_67 : vector<1x8x13x1024xf32> to vector<8x13x1024xf32>
    %reshape3A_69 = vector.shape_cast %get3A_68 : vector<8x13x1024xf32> to vector<104x1024xf32>
    %convert_element_type3A_70 = arith.truncf %reshape3A_69 : vector<104x1024xf32> to vector<104x1024xbf16>
    %convert_element_type3A_71 = arith.extf %convert_element_type3A_70 : vector<104x1024xbf16> to vector<104x1024xf32>
    %sub3A_72 = arith.subf %reshape3A_69, %convert_element_type3A_71 : vector<104x1024xf32>
    %convert_element_type3A_73 = arith.truncf %sub3A_72 : vector<104x1024xf32> to vector<104x1024xbf16>
    %swap3A_74 = arith.constant 0 : index
    %swap3A_75 = arith.constant 4096 : index
    %swap3A_76 = vector.load %arg6[%swap3A_74, %swap3A_75] : memref<208x8192xbf16, #tpu.memory_space<vmem>>, vector<104x1024xbf16>
    tpu.vector_store %arg6[%swap3A_74, %swap3A_75], %convert_element_type3A_70 {strides = array<i32>} : memref<208x8192xbf16, #tpu.memory_space<vmem>>, vector<104x1024xbf16>,
    %swap3A_77 = arith.constant 104 : index
    %swap3A_78 = arith.constant 4096 : index
    %swap3A_79 = vector.load %arg6[%swap3A_77, %swap3A_78] : memref<208x8192xbf16, #tpu.memory_space<vmem>>, vector<104x1024xbf16>
    tpu.vector_store %arg6[%swap3A_77, %swap3A_78], %convert_element_type3A_73 {strides = array<i32>} : memref<208x8192xbf16, #tpu.memory_space<vmem>>, vector<104x1024xbf16>,
    %get3A_80 = arith.constant 5 : index
    %get3A_81 = arith.constant 0 : index
    %get3A_82 = arith.constant 0 : index
    %get3A_83 = arith.constant 0 : index
    %get3A_84 = vector.load %arg1[%get3A_80, %get3A_81, %get3A_82, %get3A_83] : memref<8x8x13x1024xf32, #tpu.memory_space<vmem>>, vector<1x8x13x1024xf32>
    %get3A_85 = vector.shape_cast %get3A_84 : vector<1x8x13x1024xf32> to vector<8x13x1024xf32>
    %reshape3A_86 = vector.shape_cast %get3A_85 : vector<8x13x1024xf32> to vector<104x1024xf32>
    %convert_element_type3A_87 = arith.truncf %reshape3A_86 : vector<104x1024xf32> to vector<104x1024xbf16>
    %convert_element_type3A_88 = arith.extf %convert_element_type3A_87 : vector<104x1024xbf16> to vector<104x1024xf32>
    %sub3A_89 = arith.subf %reshape3A_86, %convert_element_type3A_88 : vector<104x1024xf32>
    %convert_element_type3A_90 = arith.truncf %sub3A_89 : vector<104x1024xf32> to vector<104x1024xbf16>
    %swap3A_91 = arith.constant 0 : index
    %swap3A_92 = arith.constant 5120 : index
    %swap3A_93 = vector.load %arg6[%swap3A_91, %swap3A_92] : memref<208x8192xbf16, #tpu.memory_space<vmem>>, vector<104x1024xbf16>
    tpu.vector_store %arg6[%swap3A_91, %swap3A_92], %convert_element_type3A_87 {strides = array<i32>} : memref<208x8192xbf16, #tpu.memory_space<vmem>>, vector<104x1024xbf16>,
    %swap3A_94 = arith.constant 104 : index
    %swap3A_95 = arith.constant 5120 : index
    %swap3A_96 = vector.load %arg6[%swap3A_94, %swap3A_95] : memref<208x8192xbf16, #tpu.memory_space<vmem>>, vector<104x1024xbf16>
    tpu.vector_store %arg6[%swap3A_94, %swap3A_95], %convert_element_type3A_90 {strides = array<i32>} : memref<208x8192xbf16, #tpu.memory_space<vmem>>, vector<104x1024xbf16>,
    %get3A_97 = arith.constant 6 : index
    %get3A_98 = arith.constant 0 : index
    %get3A_99 = arith.constant 0 : index
    %get3A_100 = arith.constant 0 : index
    %get3A_101 = vector.load %arg1[%get3A_97, %get3A_98, %get3A_99, %get3A_100] : memref<8x8x13x1024xf32, #tpu.memory_space<vmem>>, vector<1x8x13x1024xf32>
    %get3A_102 = vector.shape_cast %get3A_101 : vector<1x8x13x1024xf32> to vector<8x13x1024xf32>
    %reshape3A_103 = vector.shape_cast %get3A_102 : vector<8x13x1024xf32> to vector<104x1024xf32>
    %convert_element_type3A_104 = arith.truncf %reshape3A_103 : vector<104x1024xf32> to vector<104x1024xbf16>
    %convert_element_type3A_105 = arith.extf %convert_element_type3A_104 : vector<104x1024xbf16> to vector<104x1024xf32>
    %sub3A_106 = arith.subf %reshape3A_103, %convert_element_type3A_105 : vector<104x1024xf32>
    %convert_element_type3A_107 = arith.truncf %sub3A_106 : vector<104x1024xf32> to vector<104x1024xbf16>
    %swap3A_108 = arith.constant 0 : index
    %swap3A_109 = arith.constant 6144 : index
    %swap3A_110 = vector.load %arg6[%swap3A_108, %swap3A_109] : memref<208x8192xbf16, #tpu.memory_space<vmem>>, vector<104x1024xbf16>
    tpu.vector_store %arg6[%swap3A_108, %swap3A_109], %convert_element_type3A_104 {strides = array<i32>} : memref<208x8192xbf16, #tpu.memory_space<vmem>>, vector<104x1024xbf16>,
    %swap3A_111 = arith.constant 104 : index
    %swap3A_112 = arith.constant 6144 : index
    %swap3A_113 = vector.load %arg6[%swap3A_111, %swap3A_112] : memref<208x8192xbf16, #tpu.memory_space<vmem>>, vector<104x1024xbf16>
    tpu.vector_store %arg6[%swap3A_111, %swap3A_112], %convert_element_type3A_107 {strides = array<i32>} : memref<208x8192xbf16, #tpu.memory_space<vmem>>, vector<104x1024xbf16>,
    %get3A_114 = arith.constant 7 : index
    %get3A_115 = arith.constant 0 : index
    %get3A_116 = arith.constant 0 : index
    %get3A_117 = arith.constant 0 : index
    %get3A_118 = vector.load %arg1[%get3A_114, %get3A_115, %get3A_116, %get3A_117] : memref<8x8x13x1024xf32, #tpu.memory_space<vmem>>, vector<1x8x13x1024xf32>
    %get3A_119 = vector.shape_cast %get3A_118 : vector<1x8x13x1024xf32> to vector<8x13x1024xf32>
    %reshape3A_120 = vector.shape_cast %get3A_119 : vector<8x13x1024xf32> to vector<104x1024xf32>
    %convert_element_type3A_121 = arith.truncf %reshape3A_120 : vector<104x1024xf32> to vector<104x1024xbf16>
    %convert_element_type3A_122 = arith.extf %convert_element_type3A_121 : vector<104x1024xbf16> to vector<104x1024xf32>
    %sub3A_123 = arith.subf %reshape3A_120, %convert_element_type3A_122 : vector<104x1024xf32>
    %convert_element_type3A_124 = arith.truncf %sub3A_123 : vector<104x1024xf32> to vector<104x1024xbf16>
    %swap3A_125 = arith.constant 0 : index
    %swap3A_126 = arith.constant 7168 : index
    %swap3A_127 = vector.load %arg6[%swap3A_125, %swap3A_126] : memref<208x8192xbf16, #tpu.memory_space<vmem>>, vector<104x1024xbf16>
    tpu.vector_store %arg6[%swap3A_125, %swap3A_126], %convert_element_type3A_121 {strides = array<i32>} : memref<208x8192xbf16, #tpu.memory_space<vmem>>, vector<104x1024xbf16>,
    %swap3A_128 = arith.constant 104 : index
    %swap3A_129 = arith.constant 7168 : index
    %swap3A_130 = vector.load %arg6[%swap3A_128, %swap3A_129] : memref<208x8192xbf16, #tpu.memory_space<vmem>>, vector<104x1024xbf16>
    tpu.vector_store %arg6[%swap3A_128, %swap3A_129], %convert_element_type3A_124 {strides = array<i32>} : memref<208x8192xbf16, #tpu.memory_space<vmem>>, vector<104x1024xbf16>,
    %get3A_131 = arith.constant 0 : index
    %get3A_132 = arith.constant 0 : index
    %get3A_133 = vector.load %arg6[%get3A_131, %get3A_132] : memref<208x8192xbf16, #tpu.memory_space<vmem>>, vector<208x8192xbf16>
    %get3A_134 = arith.constant 0 : index
    %get3A_135 = arith.constant 0 : index
    %get3A_136 = vector.load %arg2[%get3A_134, %get3A_135] : memref<48x208xbf16, #tpu.memory_space<vmem>>, vector<48x208xbf16>
    %dot_general3A = arith.constant dense<0.000000e+00> : vector<48x8192xf32>
    %dot_general3A_137 = tpu.matmul %get3A_136, %get3A_133, %dot_general3A {dimension_numbers = #tpu.dot_dimension_numbers<[1], [0], [0], [1], [0, 0, 1, 1], [], []>, transpose_lhs_hint = false} : vector<48x208xbf16>, vector<208x8192xbf16>, vector<48x8192xf32> -> vector<48x8192xf32>
    %get3A_138 = arith.constant 0 : index
    %get3A_139 = arith.constant 0 : index
    %get3A_140 = vector.load %arg3[%get3A_138, %get3A_139] : memref<48x104xbf16, #tpu.memory_space<vmem>>, vector<48x104xbf16>
    %slice3A = vector.extract_strided_slice %get3A_133 {offsets = [0, 0], sizes = [104, 8192], strides = [1, 1]} : vector<208x8192xbf16> to vector<104x8192xbf16>
    %dot_general3A_141 = arith.constant dense<0.000000e+00> : vector<48x8192xf32>
    %dot_general3A_142 = tpu.matmul %get3A_140, %slice3A, %dot_general3A_141 {dimension_numbers = #tpu.dot_dimension_numbers<[1], [0], [0], [1], [0, 0, 1, 1], [], []>, transpose_lhs_hint = false} : vector<48x104xbf16>, vector<104x8192xbf16>, vector<48x8192xf32> -> vector<48x8192xf32>
    %add3A = arith.addf %dot_general3A_137, %dot_general3A_142 : vector<48x8192xf32>
    %get3A_143 = arith.constant 0 : index
    %get3A_144 = arith.constant 0 : index
    %get3A_145 = vector.load %arg4[%get3A_143, %get3A_144] : memref<48x1xf32, #tpu.memory_space<vmem>>, vector<48x1xf32>
    %add3A_146 = vector.broadcast %get3A_145 : vector<48x1xf32> to vector<48x8192xf32>
    %add3A_147 = arith.addf %add3A, %add3A_146 : vector<48x8192xf32>
    %max3A = arith.constant 0.000000e+00 : f32
    %max3A_148 = vector.broadcast %max3A : f32 to vector<48x8192xf32>
    %max3A_149 = arith.maximumf %add3A_147, %max3A_148 : vector<48x8192xf32>
    %abs3A = math.absf %add3A_147 : vector<48x8192xf32>
    %neg3A = arith.constant 0.000000e+00 : f32
    %neg3A_150 = vector.broadcast %neg3A : f32 to vector<48x8192xf32>
    %neg3A_151 = arith.subf %neg3A_150, %abs3A : vector<48x8192xf32>
    %exp3A = math.exp %neg3A_151 : vector<48x8192xf32>
    %log1p3A = math.log1p %exp3A : vector<48x8192xf32>
    %add3A_152 = arith.addf %max3A_149, %log1p3A : vector<48x8192xf32>
    %reshape3A_153 = vector.shape_cast %add3A_152 : vector<48x8192xf32> to vector<1x48x8192xf32>
    %reduce_sum3A = arith.constant dense<0.000000e+00> : vector<1x8192xf32>
    %reduce_sum3A_154 = vector.multi_reduction <add>, %reshape3A_153, %reduce_sum3A [1] : vector<1x48x8192xf32> to vector<1x8192xf32>
    %mul3A = arith.constant 0.020833334 : f32
    %mul3A_155 = vector.broadcast %mul3A : f32 to vector<1x8192xf32>
    %mul3A_156 = arith.mulf %reduce_sum3A_154, %mul3A_155 : vector<1x8192xf32>
    %slice3A_157 = vector.extract_strided_slice %mul3A_156 {offsets = [0, 0], sizes = [1, 1024], strides = [1, 1]} : vector<1x8192xf32> to vector<1x1024xf32>
    %swap3A_158 = arith.constant 0 : index
    %swap3A_159 = arith.constant 0 : index
    %swap3A_160 = vector.load %arg5[%swap3A_158, %swap3A_159] : memref<8x1024xf32, #tpu.memory_space<vmem>>, vector<1x1024xf32>
    tpu.vector_store %arg5[%swap3A_158, %swap3A_159], %slice3A_157 {strides = array<i32>} : memref<8x1024xf32, #tpu.memory_space<vmem>>, vector<1x1024xf32>,
    %slice3A_161 = vector.extract_strided_slice %mul3A_156 {offsets = [0, 1024], sizes = [1, 1024], strides = [1, 1]} : vector<1x8192xf32> to vector<1x1024xf32>
    %swap3A_162 = arith.constant 1 : index
    %swap3A_163 = arith.constant 0 : index
    %swap3A_164 = vector.load %arg5[%swap3A_162, %swap3A_163] : memref<8x1024xf32, #tpu.memory_space<vmem>>, vector<1x1024xf32>
    tpu.vector_store %arg5[%swap3A_162, %swap3A_163], %slice3A_161 {strides = array<i32>} : memref<8x1024xf32, #tpu.memory_space<vmem>>, vector<1x1024xf32>,
    %slice3A_165 = vector.extract_strided_slice %mul3A_156 {offsets = [0, 2048], sizes = [1, 1024], strides = [1, 1]} : vector<1x8192xf32> to vector<1x1024xf32>
    %swap3A_166 = arith.constant 2 : index
    %swap3A_167 = arith.constant 0 : index
    %swap3A_168 = vector.load %arg5[%swap3A_166, %swap3A_167] : memref<8x1024xf32, #tpu.memory_space<vmem>>, vector<1x1024xf32>
    tpu.vector_store %arg5[%swap3A_166, %swap3A_167], %slice3A_165 {strides = array<i32>} : memref<8x1024xf32, #tpu.memory_space<vmem>>, vector<1x1024xf32>,
    %slice3A_169 = vector.extract_strided_slice %mul3A_156 {offsets = [0, 3072], sizes = [1, 1024], strides = [1, 1]} : vector<1x8192xf32> to vector<1x1024xf32>
    %swap3A_170 = arith.constant 3 : index
    %swap3A_171 = arith.constant 0 : index
    %swap3A_172 = vector.load %arg5[%swap3A_170, %swap3A_171] : memref<8x1024xf32, #tpu.memory_space<vmem>>, vector<1x1024xf32>
    tpu.vector_store %arg5[%swap3A_170, %swap3A_171], %slice3A_169 {strides = array<i32>} : memref<8x1024xf32, #tpu.memory_space<vmem>>, vector<1x1024xf32>,
    %slice3A_173 = vector.extract_strided_slice %mul3A_156 {offsets = [0, 4096], sizes = [1, 1024], strides = [1, 1]} : vector<1x8192xf32> to vector<1x1024xf32>
    %swap3A_174 = arith.constant 4 : index
    %swap3A_175 = arith.constant 0 : index
    %swap3A_176 = vector.load %arg5[%swap3A_174, %swap3A_175] : memref<8x1024xf32, #tpu.memory_space<vmem>>, vector<1x1024xf32>
    tpu.vector_store %arg5[%swap3A_174, %swap3A_175], %slice3A_173 {strides = array<i32>} : memref<8x1024xf32, #tpu.memory_space<vmem>>, vector<1x1024xf32>,
    %slice3A_177 = vector.extract_strided_slice %mul3A_156 {offsets = [0, 5120], sizes = [1, 1024], strides = [1, 1]} : vector<1x8192xf32> to vector<1x1024xf32>
    %swap3A_178 = arith.constant 5 : index
    %swap3A_179 = arith.constant 0 : index
    %swap3A_180 = vector.load %arg5[%swap3A_178, %swap3A_179] : memref<8x1024xf32, #tpu.memory_space<vmem>>, vector<1x1024xf32>
    tpu.vector_store %arg5[%swap3A_178, %swap3A_179], %slice3A_177 {strides = array<i32>} : memref<8x1024xf32, #tpu.memory_space<vmem>>, vector<1x1024xf32>,
    %slice3A_181 = vector.extract_strided_slice %mul3A_156 {offsets = [0, 6144], sizes = [1, 1024], strides = [1, 1]} : vector<1x8192xf32> to vector<1x1024xf32>
    %swap3A_182 = arith.constant 6 : index
    %swap3A_183 = arith.constant 0 : index
    %swap3A_184 = vector.load %arg5[%swap3A_182, %swap3A_183] : memref<8x1024xf32, #tpu.memory_space<vmem>>, vector<1x1024xf32>
    tpu.vector_store %arg5[%swap3A_182, %swap3A_183], %slice3A_181 {strides = array<i32>} : memref<8x1024xf32, #tpu.memory_space<vmem>>, vector<1x1024xf32>,
    %slice3A_185 = vector.extract_strided_slice %mul3A_156 {offsets = [0, 7168], sizes = [1, 1024], strides = [1, 1]} : vector<1x8192xf32> to vector<1x1024xf32>
    %swap3A_186 = arith.constant 7 : index
    %swap3A_187 = arith.constant 0 : index
    %swap3A_188 = vector.load %arg5[%swap3A_186, %swap3A_187] : memref<8x1024xf32, #tpu.memory_space<vmem>>, vector<1x1024xf32>
    tpu.vector_store %arg5[%swap3A_186, %swap3A_187], %slice3A_185 {strides = array<i32>} : memref<8x1024xf32, #tpu.memory_space<vmem>>, vector<1x1024xf32>,
    return
  }
  func.func @transform_0(%arg0: i32) -> (i32, i32, i32, i32) {
    %c0_i32 = arith.constant 0 : i32
    %c0_i32_0 = arith.constant 0 : i32
    %c0_i32_1 = arith.constant 0 : i32
    %c0_i32_2 = arith.constant 0 : i32
    return %arg0, %c0_i32, %c0_i32_0, %c0_i32_1 : i32, i32, i32, i32
  }
  func.func @transform_1(%arg0: i32) -> (i32, i32) {
    %c0_i32 = arith.constant 0 : i32
    %c0_i32_0 = arith.constant 0 : i32
    %c0_i32_1 = arith.constant 0 : i32
    return %c0_i32, %c0_i32_0 : i32, i32
  }
  func.func @transform_2(%arg0: i32) -> (i32, i32) {
    %c0_i32 = arith.constant 0 : i32
    %c0_i32_0 = arith.constant 0 : i32
    %c0_i32_1 = arith.constant 0 : i32
    return %c0_i32, %c0_i32_0 : i32, i32
  }
  func.func @transform_3(%arg0: i32) -> (i32, i32) {
    %c0_i32 = arith.constant 0 : i32
    %c0_i32_0 = arith.constant 0 : i32
    %c0_i32_1 = arith.constant 0 : i32
    return %c0_i32, %c0_i32_0 : i32, i32
  }
  func.func @transform_4(%arg0: i32) -> (i32, i32) {
    %c0_i32 = arith.constant 0 : i32
    %c0_i32_0 = arith.constant 0 : i32
    return %arg0, %c0_i32 : i32, i32
  }
}

module attributes {stable_mosaic.version = 14 : i64} {
  func.func @body(%arg0: i32, %arg1: memref<16x1x13x1024xf32, #tpu.memory_space<vmem>>, %arg2: memref<144x144xbf16, #tpu.memory_space<vmem>>, %arg3: memref<144x144xbf16, #tpu.memory_space<vmem>>, %arg4: memref<144x13xbf16, #tpu.memory_space<vmem>>, %arg5: memref<144x13xbf16, #tpu.memory_space<vmem>>, %arg6: memref<16x3x1024xf32, #tpu.memory_space<vmem>>) attributes {dimension_semantics = [#tpu.dimension_semantics<arbitrary>], iteration_bounds = array<i64: 8>, scalar_prefetch = 0 : i64, scratch_operands = 0 : i64, tpu.core_type = #tpu.core_type<tc>, window_params = [{transform_indices = @transform_0, window_bounds = array<i64: 16, 1, 13, 1024>}, {pipeline_mode = #tpu.pipeline_mode<synchronous>, transform_indices = @transform_1, window_bounds = array<i64: 144, 144>}, {pipeline_mode = #tpu.pipeline_mode<synchronous>, transform_indices = @transform_2, window_bounds = array<i64: 144, 144>}, {pipeline_mode = #tpu.pipeline_mode<synchronous>, transform_indices = @transform_3, window_bounds = array<i64: 144, 13>}, {pipeline_mode = #tpu.pipeline_mode<synchronous>, transform_indices = @transform_4, window_bounds = array<i64: 144, 13>}, {transform_indices = @transform_5, window_bounds = array<i64: 16, 3, 1024>}]} {
    %get3A = arith.constant 0 : index
    %get3A_0 = arith.constant 0 : index
    %get3A_1 = vector.load %arg2[%get3A, %get3A_0] : memref<144x144xbf16, #tpu.memory_space<vmem>>, vector<144x144xbf16>
    %get3A_2 = arith.constant 0 : index
    %get3A_3 = arith.constant 0 : index
    %get3A_4 = vector.load %arg3[%get3A_2, %get3A_3] : memref<144x144xbf16, #tpu.memory_space<vmem>>, vector<144x144xbf16>
    %get3A_5 = arith.constant 0 : index
    %get3A_6 = arith.constant 0 : index
    %get3A_7 = vector.load %arg4[%get3A_5, %get3A_6] : memref<144x13xbf16, #tpu.memory_space<vmem>>, vector<144x13xbf16>
    %get3A_8 = arith.constant 0 : index
    %get3A_9 = arith.constant 0 : index
    %get3A_10 = vector.load %arg5[%get3A_8, %get3A_9] : memref<144x13xbf16, #tpu.memory_space<vmem>>, vector<144x13xbf16>
    %dot_general3A = arith.constant dense<0.000000e+00> : vector<144x13xf32>
    %dot_general3A_11 = tpu.matmul %get3A_1, %get3A_7, %dot_general3A {dimension_numbers = #tpu.dot_dimension_numbers<[1], [0], [0], [1], [0, 0, 1, 1], [], []>, transpose_lhs_hint = false} : vector<144x144xbf16>, vector<144x13xbf16>, vector<144x13xf32> -> vector<144x13xf32>
    %dot_general3A_12 = arith.constant dense<0.000000e+00> : vector<144x13xf32>
    %dot_general3A_13 = tpu.matmul %get3A_1, %get3A_10, %dot_general3A_12 {dimension_numbers = #tpu.dot_dimension_numbers<[1], [0], [0], [1], [0, 0, 1, 1], [], []>, transpose_lhs_hint = false} : vector<144x144xbf16>, vector<144x13xbf16>, vector<144x13xf32> -> vector<144x13xf32>
    %add3A = arith.addf %dot_general3A_11, %dot_general3A_13 : vector<144x13xf32>
    %dot_general3A_14 = arith.constant dense<0.000000e+00> : vector<144x13xf32>
    %dot_general3A_15 = tpu.matmul %get3A_4, %get3A_7, %dot_general3A_14 {dimension_numbers = #tpu.dot_dimension_numbers<[1], [0], [0], [1], [0, 0, 1, 1], [], []>, transpose_lhs_hint = false} : vector<144x144xbf16>, vector<144x13xbf16>, vector<144x13xf32> -> vector<144x13xf32>
    %add3A_16 = arith.addf %add3A, %dot_general3A_15 : vector<144x13xf32>
    %convert_element_type3A = arith.truncf %add3A_16 : vector<144x13xf32> to vector<144x13xbf16>
    %convert_element_type3A_17 = arith.extf %convert_element_type3A : vector<144x13xbf16> to vector<144x13xf32>
    %sub3A = arith.subf %add3A_16, %convert_element_type3A_17 : vector<144x13xf32>
    %convert_element_type3A_18 = arith.truncf %sub3A : vector<144x13xf32> to vector<144x13xbf16>
    %scan3A = arith.constant 0 : i32
    %scan3A_19 = arith.constant 16 : i32
    %scan3A_20 = arith.addi %scan3A, %scan3A_19 : i32
    %scan3A_21 = arith.constant 1 : i32
    scf.for %scan3A_23 = %scan3A to %scan3A_20 step %scan3A_21  : i32 {
      %get3A_24 = arith.index_cast %scan3A_23 : i32 to index
      %get3A_25 = arith.constant 0 : index
      %get3A_26 = arith.constant 0 : index
      %get3A_27 = arith.constant 0 : index
      %get3A_28 = vector.load %arg1[%get3A_24, %get3A_25, %get3A_26, %get3A_27] : memref<16x1x13x1024xf32, #tpu.memory_space<vmem>>, vector<1x1x13x1024xf32>
      %get3A_29 = vector.shape_cast %get3A_28 : vector<1x1x13x1024xf32> to vector<1x13x1024xf32>
      %reshape3A = vector.shape_cast %get3A_29 : vector<1x13x1024xf32> to vector<13x1024xf32>
      %convert_element_type3A_30 = arith.truncf %reshape3A : vector<13x1024xf32> to vector<13x1024xbf16>
      %convert_element_type3A_31 = arith.extf %convert_element_type3A_30 : vector<13x1024xbf16> to vector<13x1024xf32>
      %sub3A_32 = arith.subf %reshape3A, %convert_element_type3A_31 : vector<13x1024xf32>
      %convert_element_type3A_33 = arith.truncf %sub3A_32 : vector<13x1024xf32> to vector<13x1024xbf16>
      %dot_general3A_34 = arith.constant dense<0.000000e+00> : vector<144x1024xf32>
      %dot_general3A_35 = tpu.matmul %convert_element_type3A, %convert_element_type3A_30, %dot_general3A_34 {dimension_numbers = #tpu.dot_dimension_numbers<[1], [0], [0], [1], [0, 0, 1, 1], [], []>, transpose_lhs_hint = false} : vector<144x13xbf16>, vector<13x1024xbf16>, vector<144x1024xf32> -> vector<144x1024xf32>
      %dot_general3A_36 = arith.constant dense<0.000000e+00> : vector<144x1024xf32>
      %dot_general3A_37 = tpu.matmul %convert_element_type3A, %convert_element_type3A_33, %dot_general3A_36 {dimension_numbers = #tpu.dot_dimension_numbers<[1], [0], [0], [1], [0, 0, 1, 1], [], []>, transpose_lhs_hint = false} : vector<144x13xbf16>, vector<13x1024xbf16>, vector<144x1024xf32> -> vector<144x1024xf32>
      %add3A_38 = arith.addf %dot_general3A_35, %dot_general3A_37 : vector<144x1024xf32>
      %dot_general3A_39 = arith.constant dense<0.000000e+00> : vector<144x1024xf32>
      %dot_general3A_40 = tpu.matmul %convert_element_type3A_18, %convert_element_type3A_30, %dot_general3A_39 {dimension_numbers = #tpu.dot_dimension_numbers<[1], [0], [0], [1], [0, 0, 1, 1], [], []>, transpose_lhs_hint = false} : vector<144x13xbf16>, vector<13x1024xbf16>, vector<144x1024xf32> -> vector<144x1024xf32>
      %add3A_41 = arith.addf %add3A_38, %dot_general3A_40 : vector<144x1024xf32>
      %reshape3A_42 = vector.shape_cast %add3A_41 : vector<144x1024xf32> to vector<48x3x1024xf32>
      %reduce_sum3A = arith.constant dense<0.000000e+00> : vector<3x1024xf32>
      %reduce_sum3A_43 = vector.multi_reduction <add>, %reshape3A_42, %reduce_sum3A [0] : vector<48x3x1024xf32> to vector<3x1024xf32>
      %mul3A = arith.constant 0.020833334 : f32
      %mul3A_44 = vector.broadcast %mul3A : f32 to vector<3x1024xf32>
      %mul3A_45 = arith.mulf %reduce_sum3A_43, %mul3A_44 : vector<3x1024xf32>
      %swap3A = arith.index_cast %scan3A_23 : i32 to index
      %swap3A_46 = arith.constant 0 : index
      %swap3A_47 = arith.constant 0 : index
      %swap3A_48 = vector.load %arg6[%swap3A, %swap3A_46, %swap3A_47] : memref<16x3x1024xf32, #tpu.memory_space<vmem>>, vector<1x3x1024xf32>
      %swap3A_49 = vector.shape_cast %swap3A_48 : vector<1x3x1024xf32> to vector<3x1024xf32>
      %swap3A_50 = vector.shape_cast %mul3A_45 : vector<3x1024xf32> to vector<1x3x1024xf32>
      tpu.vector_store %arg6[%swap3A, %swap3A_46, %swap3A_47], %swap3A_50 {strides = array<i32>} : memref<16x3x1024xf32, #tpu.memory_space<vmem>>, vector<1x3x1024xf32>,
    }
    %scan3A_22 = arith.constant 16 : i32
    return
  }
  func.func @transform_0(%arg0: i32) -> (i32, i32, i32, i32) {
    %c0_i32 = arith.constant 0 : i32
    %c0_i32_0 = arith.constant 0 : i32
    %c0_i32_1 = arith.constant 0 : i32
    %c0_i32_2 = arith.constant 0 : i32
    return %arg0, %c0_i32, %c0_i32_0, %c0_i32_1 : i32, i32, i32, i32
  }
  func.func @transform_1(%arg0: i32) -> (i32, i32) {
    %c0_i32 = arith.constant 0 : i32
    %c0_i32_0 = arith.constant 0 : i32
    %c0_i32_1 = arith.constant 0 : i32
    return %c0_i32, %c0_i32_0 : i32, i32
  }
  func.func @transform_2(%arg0: i32) -> (i32, i32) {
    %c0_i32 = arith.constant 0 : i32
    %c0_i32_0 = arith.constant 0 : i32
    %c0_i32_1 = arith.constant 0 : i32
    return %c0_i32, %c0_i32_0 : i32, i32
  }
  func.func @transform_3(%arg0: i32) -> (i32, i32) {
    %c0_i32 = arith.constant 0 : i32
    %c0_i32_0 = arith.constant 0 : i32
    %c0_i32_1 = arith.constant 0 : i32
    return %c0_i32, %c0_i32_0 : i32, i32
  }
  func.func @transform_4(%arg0: i32) -> (i32, i32) {
    %c0_i32 = arith.constant 0 : i32
    %c0_i32_0 = arith.constant 0 : i32
    %c0_i32_1 = arith.constant 0 : i32
    return %c0_i32, %c0_i32_0 : i32, i32
  }
  func.func @transform_5(%arg0: i32) -> (i32, i32, i32) {
    %c0_i32 = arith.constant 0 : i32
    %c0_i32_0 = arith.constant 0 : i32
    %c0_i32_1 = arith.constant 0 : i32
    return %arg0, %c0_i32, %c0_i32_0 : i32, i32, i32
  }
}

</mosaic_0001>

<sc_bundles>
// kernel: gather_offload_async_start.1
scs
__scs_entry_jumppad:
0x0: {  	(pc) =	sbr.rel $0x88, $3  }
0x1: {  	(tag) =	ssettag $0x0;
	lr =	simm.s32 $0x1  }
0x2: {  	[smem:$0x3F92] =	sst lr;
	_ =	strace $0xD0000000  }
0x3: {  	_ = 	snop  }
0x4: {  	_ = 	snop  }
0x5: {  	_ = 	snop  }
0x6: {  	_ = 	snop  }
0x7: {  	_ = 	snop  }
__scs_overlays_trampoline_lowered:
0x8: {  	[smem:$0x3FA1] =	sst s0  }
0x9: {  	[smem:$0x3FA2] =	sst s1  }
0xa: {  	[smem:$0x3FA3] =	sst s2  }
0xb: {  	[smem:$0x3FA4] =	sst s3  }
0xc: {  	[smem:$0x3FA5] =	sst s4  }
0xd: {  	[smem:$0x3FA6] =	sst s5  }
0xe: {  	[smem:$0x3FA7] =	sst s6  }
0xf: {  	[smem:$0x3FA8] =	sst s7  }
0x10: {  	[smem:$0x3FA9] =	sst s8  }
0x11: {  	[smem:$0x3FAA] =	sst s9;
	s0 =	simm.s32 @!p0 $0x0  }
0x12: {  	s1 =	sld [smem:$0x3F90];
	s0 =	simm.s32 @p0 $0x1  }
0x13: {  	[smem:$0x3FAB] =	sst s0;
	s0 =	simm.s32 @!p1 $0x0  }
0x14: {  	s2 =	sld [smem:$0x3F8F];
	s0 =	simm.s32 @p1 $0x1  }
0x15: {  	[smem:$0x3FAC] =	sst s0;
	s0 =	simm.s32 @!p2 $0x0  }
0x16: {  	s3 =	sld [smem:$0x3FDB];
	s0 =	simm.s32 @p2 $0x1  }
0x17: {  	s4 =	simm.s32 $0x1BF5;
	[smem:$0x3FAE] =	sst s0  }
0x18: {  	s0 =	sld [smem:$0x3F91];
	_ =	swait.ge [sflag:s4], $0x0  }
0x19: {  	s7 =	sld [smem:$0x3F92]  }
0x1a: {  	s8 =	sadd.s32 $0xFFFFE003, lr  }
0x1b: {  	s9 =	sadd.s32 $0xFFFFFEF7, lr;
	s5 =	simm.s32 $0xFFFFFFFF;
	p2 =	slt.u32 s8, $0xFFFFF086  }
0x1c: {  	p1 =	slt.u32 s9, $0xF7A;
	s5 =	simm.s32 @!p2 $0x0  }
0x1d: {  	s5 =	simm.s32 @p1 $0x1;
	p0 =	seq.s32 s7, s2  }
0x1e: {  	s7 =	smul.u32 @!p0 $0xF7A, s2;
	p2 =	seq.s32 @!p0 s5, $0x0  }
0x1f: {  	s9 =	smul.u32 $0xF7A, s1;
	s8 =	simm.s32 @!p0 $0x1BF5;
	p2 =	por !p2, p0  }
0x20: {  	[sflag:s8] =	ssyncset.s32 @!p0 $0xFFFFF086;
	s6 =	sadd.s32 @!p0 s3, s7;
	s7 =	simm.s32 @!p0 $0x108  }
0x21: {  	s3 =	sadd.s32 s3, s9;
	s6 =	sadd.s32 @!p0 $0x88, s6;
	s7 =	simm.s32 @p2 $0x1082  }
0x22: {  	[simem:s7], [sflag:s8] =	dma.local @!p0 [hbm:s6], $0xF7A  }
0x23: {  	s9 =	sor.u32 $0xD0000000, s2;
	s6 =	simm.s32 $0x108;
	_ =	swait.ge @!p0 [sflag:s8], $0x0  }
0x24: {  	s3 =	sadd.s32 $0x88, s3;
	s6 =	simm.s32 @!p1 $0x1082;
	[sflag:s4] =	ssyncset.s32 $0xFFFFF086  }
0x25: {  	[simem:s6], [sflag:s4] =	dma.local [hbm:s3], $0xF7A  }
0x26: {  	[smem:$0x3F92] =	sst s1;
	(tag) =	ssettag s2;
	_ =	strace s9  }
0x27: {  	s1 =	sld [smem:$0x3FA2]  }
0x28: {  	s2 =	sld [smem:$0x3FA3]  }
0x29: {  	s4 =	sld [smem:$0x3FA5]  }
0x2a: {  	p0 =	seq.s32 s5, $0x0;
	s5 =	sld [smem:$0x3FA6]  }
0x2b: {  	s6 =	sld [smem:$0x3FA7]  }
0x2c: {  	s7 =	sld [smem:$0x3FA8]  }
0x2d: {  	s3 =	simm.s32 $0x108;
	s8 =	sld [smem:$0x3FA9]  }
0x2e: {  	s3 =	simm.s32 @!p0 $0x1082;
	s9 =	sld [smem:$0x3FAA]  }
0x2f: {  	lr =	sadd.s32 s0, s3;
	s0 =	sld [smem:$0x3FA1]  }
0x30: {  	s3 =	sld [smem:$0x3FA4]  }
0x31: {  	[smem:$0x3FAD] =	sst s10  }
0x32: {  	s10 =	sld [smem:$0x3FAB];
	_ =	sdelay $0x3  }
0x33: {  	p0 =	seq.s32 s10, $0x1;
	s10 =	sld [smem:$0x3FAD];
	_ =	sdelay $0x3  }
0x34: {  	[smem:$0x3FAD] =	sst s10  }
0x35: {  	s10 =	sld [smem:$0x3FAC];
	_ =	sdelay $0x3  }
0x36: {  	p1 =	seq.s32 s10, $0x1;
	s10 =	sld [smem:$0x3FAD];
	_ =	sdelay $0x3  }
0x37: {  	[smem:$0x3FAD] =	sst s10  }
0x38: {  	s10 =	sld [smem:$0x3FAE]  }
0x39: {  	_ = 	snop;
	(pc) =	sbr.ind lr, $3  }
0x3a: {  	_ = 	snop  }
0x3b: {  	_ = 	snop  }
0x3c: {  	p2 =	seq.s32 s10, $0x1;
	s10 =	sld [smem:$0x3FAD]  }
0x3d: {  	_ =	shalt  }
0x3e: {  	_ =	shalt  }
0x3f: {  	_ =	shalt  }
0x40: {  	_ =	shalt  }
0x41: {  	_ =	shalt  }
0x42: {  	_ =	shalt  }
0x43: {  	_ =	shalt  }
0x44: {  	_ =	shalt  }
0x45: {  	_ =	shalt  }
0x46: {  	_ =	shalt  }
0x47: {  	_ =	shalt  }
0x48: {  	_ =	shalt  }
0x49: {  	_ =	shalt  }
0x4a: {  	_ =	shalt  }
0x4b: {  	_ =	shalt  }
0x4c: {  	_ =	shalt  }
0x4d: {  	_ =	shalt  }
0x4e: {  	_ =	shalt  }
0x4f: {  	_ =	shalt  }
0x50: {  	_ =	shalt  }
0x51: {  	_ =	shalt  }
0x52: {  	_ =	shalt  }
0x53: {  	_ =	shalt  }
0x54: {  	_ =	shalt  }
0x55: {  	_ =	shalt  }
0x56: {  	_ =	shalt  }
0x57: {  	_ =	shalt  }
0x58: {  	_ =	shalt  }
0x59: {  	_ =	shalt  }
0x5a: {  	_ =	shalt  }
0x5b: {  	_ =	shalt  }
0x5c: {  	_ =	shalt  }
0x5d: {  	_ =	shalt  }
0x5e: {  	_ =	shalt  }
0x5f: {  	_ =	shalt  }
0x60: {  	_ =	shalt  }
0x61: {  	_ =	shalt  }
0x62: {  	_ =	shalt  }
0x63: {  	_ =	shalt  }
0x64: {  	_ =	shalt  }
0x65: {  	_ =	shalt  }
0x66: {  	_ =	shalt  }
0x67: {  	_ =	shalt  }
0x68: {  	_ =	shalt  }
0x69: {  	_ =	shalt  }
0x6a: {  	_ =	shalt  }
0x6b: {  	_ =	shalt  }
0x6c: {  	_ =	shalt  }
0x6d: {  	_ =	shalt  }
0x6e: {  	_ =	shalt  }
0x6f: {  	_ =	shalt  }
0x70: {  	_ =	shalt  }
0x71: {  	_ =	shalt  }
0x72: {  	_ =	shalt  }
0x73: {  	_ =	shalt  }
0x74: {  	_ =	shalt  }
0x75: {  	_ =	shalt  }
0x76: {  	_ =	shalt  }
0x77: {  	_ =	shalt  }
0x78: {  	_ =	shalt  }
0x79: {  	_ =	shalt  }
0x7a: {  	_ =	shalt  }
0x7b: {  	_ =	shalt  }
0x7c: {  	_ =	shalt  }
0x7d: {  	_ =	shalt  }
0x7e: {  	_ =	shalt  }
0x7f: {  	_ =	shalt  }
0x80: {  	_ =	shalt  }
0x81: {  	_ =	shalt  }
0x82: {  	_ =	shalt  }
0x83: {  	_ =	shalt  }
0x84: {  	_ =	shalt  }
0x85: {  	_ =	shalt  }
0x86: {  	_ =	shalt  }
0x87: {  	_ =	shalt  }
.Lfunc_end0:
.L_simem_size_0:
called_computation.1_lowered:
.L_overlay_start_0:
0x88: {  	s2 =	sld [smem:$0x3FD9]  }
0x89: {  	s3 =	sld [smem:$0x3FFE];
	_ =	sdelay $0x1  }
0x8a: {  	s1 =	srdreg.scid  }
0x8b: {  	s0 =	sand.u32 $0x1, s1  }
0x8c: {  	s17 =	sshll.u32 s0, $0xA;
	s2 =	sadd.s32 s3, s2  }
0x8d: {  	s2 =	sadd.s32 s2, s17  }
0x8e: {  	[smem:$0x3FB9] =	sst s2  }
0x8f: {  	_ = 	snop  }
0x90: {  	s2 =	sld [smem:$0x3FD0];
	(tm) =	ssettm $0x1  }
0x91: {  	s18 =	sld [smem:$0x3FFB];
	_ =	sdelay $0x3  }
0x92: {  	_ =	strace s18  }
0x93: {  	s3 =	sld [smem:$0x3FFC];
	_ =	sdelay $0x3  }
0x94: {  	_ =	strace s3  }
0x95: {  	s3 =	sld [smem:$0x3FFD];
	_ =	sdelay $0x3  }
0x96: {  	_ =	strace s3  }
0x97: {  	_ =	strace $0x8FFFFFFF  }
0x98: {  	s19 =	sld [smem:$0x3FDB];
	_ =	sdelay $0x1  }
0x99: {  	s4 =	simm.s32 $_scs_section_size  }
0x9a: {  	s5 =	simm.s32 $_size__tile_overlayer_lowered;
	s6 =	simm.s32 $_tile_overlayer_lowered  }
0x9b: {  	s22 =	simm.s32 $0x1BFF;
	s21 =	sshll.u32 s6, $0x1;
	s3 =	sadd.s32 s4, s19  }
0x9c: {  	s7 =	simm.s32 $0x0;
	s20 =	sshll.u32 s5, $0x1;
	s5 =	sadd.s32 s21, s3  }
0x9d: {  	[timem:s7], [sflag:s22] =	dma.local [hbm:s5], s20  }
0x9e: {  	_ =	swait.ge [sflag:s22], s20  }
0x9f: {  	s4 =	ssub.s32 $0x0, s20;
	[sflag:s22] =	ssyncset.done $0x0  }
0xa0: {  	[sflag:s22] =	ssyncadd.s32 s4;
	_ =	sdelay $0x1  }
0xa1: {  	s23 =	simm.s32 $0x1B8B  }
0xa2: {  	_ =	swait.ge [sflag:s23], $0x1  }
0xa3: {  	[sflag:s23] =	ssyncset.done $0x0  }
0xa4: {  	s25 =	simm.s32 $0x1B8E;
	s24 =	sld [smem:$0x3FFE];
	[sflag:s23] =	ssyncadd.s32 $0xFFFFFFFF  }
0xa5: {  	s26 =	simm.s32 $execute0_lowered;
	[smem:$0x3FD2] =	sst s25  }
0xa6: {  	s5 =	sshll.u32 s26, $0x1;
	_ =	strace $0x8000005E;
	[dreg:$0x1] =	wrdreg $0xFFFFFFFF  }
0xa7: {  	s28 =	simm.s32 $_size_execute0_lowered;
	s3 =	sadd.s32 s3, s5;
	[dreg:$0x0] =	wrdreg $0x0  }
0xa8: {  	s5 =	sshll.u32 s28, $0x1;
	[dreg:$0x2] =	wrdreg s3  }
0xa9: {  	[dreg:$0x3] =	wrdreg s5  }
0xaa: {  	[dreg:$0x4] =	wrdreg $0xC0  }
0xab: {  	_ =	task [dreg:s7], $0x5FFFF  }
0xac: {  	[dreg:$0x1] =	wrdreg $0xFFFFFFFF  }
0xad: {  	[dreg:$0x0] =	wrdreg $0x60  }
0xae: {  	[dreg:$0x2] =	wrdreg s2  }
0xaf: {  	[dreg:$0x3] =	wrdreg s24  }
0xb0: {  	[dreg:$0x4] =	wrdreg $0x9  }
0xb1: {  	_ =	task.clear_ibuf [dreg:s7], $0x5FFFF;
	_ =	strace $0x9000005E  }
0xb2: {  	s29 =	simm.s32 $0x9;
	_ =	strace $0x80000060  }
0xb3: {  	_ =	swait.ge [sflag:s29], $0x1  }
0xb4: {  	[sflag:s29] =	ssyncadd.s32 $0xFFFFFFFF  }
0xb5: {  	_ =	strace $0x90000060  }
0xb6: {  	_ =	sfence  }
0xb7: {  	s30 =	sld [smem:$0x0];
	_ =	sdelay $0x2  }
0xb8: {  	s31 =	sshll.u32 s1, $0xD;
	s1 =	sshrl.u32 s1, $0x2  }
0xb9: {  	s3 =	sand.u32 $0x4000, s31;
	s1 =	sadd.s32 s1, s30  }
0xba: {  	s0 =	sor.u32 s3, s0;
	s1 =	sshll.u32 s1, $0x11  }
0xbb: {  	s0 =	sor.u32 s1, s0  }
0xbc: {  	s0 =	sadd.s32 $0x8F2B, s0  }
0xbd: {  	[sflag:s0] =	ssyncadd.remote.s32 $0x1  }
0xbe: {  	_ =	sfence.sel $0xFFFF  }
0xbf: {  	[dreg:$0x0] =	wrdreg $0xFFFFFFFF;
	(pc) =	sbr.abs _section_cstart, $3  }
0xc0: {  	[dreg:$0x1] =	wrdreg $0xFFFFFFFF  }
0xc1: {  	_ =	task.clear_ibuf [dreg:s7], $0x2FFFF;
	_ =	strace $0x9FFFFFFF  }
0xc2: {  	(tm) =	ssettm $0x7FFFFFFF  }
0xc3: {  	_ =	shalt  }
tec
execute0_lowered:
.L_overlay_start_1:
0x0: {  	(tag) =	ssettag $0x1  }
0x1: {  	s2 =	rddreg [dreg:$0x0]  }
0x2: {  	s8 =	rddreg [dreg:$0x1]  }
0x3: {  	s0 =	rddreg [dreg:$0x2];
	s1 =	stileid.u32  }
0x4: {  	s3 =	srdreg.scid;
	_ =	strace $0x8000005F;
	s4 =	simm.s32 $0x1  }
0x5: {  	s7 =	simm.s32 $0x1;
	s9 =	simm.s32 $0x1;
	s10 =	simm.s32 $0x3  }
0x6: {  	s13 =	simm.s32 $0x0;
	s5 =	sand.u32 $0x1, s3;
	s6 =	sshll.u32 s1, $0x1  }
0x7: {  	s12 =	simm.s32 $0x0;
	s3 =	sadd.s32 $0x1C7E00, s8;
	s5 =	sor.u32 s6, s5  }
.Ltmp0:
0x8: {  	[sflag:s4] =	ssyncpa.u1 $0x0;
	p0 =	slt.u32 s5, $0x15;
	(pc) =	sbr.rel .LBB2_1-.Ltmp0, $4  }
0x9: {  	s6 =	simm.s32 $0x2;
	s7 =	simm.s32 @!p0 $0x0;
	p0 =	sne.s32 s5, $0x14  }
0xa: {  	[sflag:s6] =	ssyncpa.u1 $0x0;
	s5 =	smul.u32 $0x60, s5;
	s9 =	simm.s32 @!p0 $0x0  }
0xb: {  	s8 =	sadd.s32 $0x27800, s8;
	[sflag:s10] =	ssyncpa.u1 $0x0;
	s7 =	sadd.s32 s9, s7  }
0xc: {  	vm0 =	vmmov $0xffff;
	s10 =	simm.s32 $0x0;
	s11 =	smov.u32 s5;
	s9 =	sadd.s32 $0x1, s7  }
.LBB2_4:
0xd: {  	v2 =	vand.u32 $0x7, v2;
	v3 =	vshrl.u32 v0, $0x9;
	v62 =	vshll.u32 v0, $0xA  }
0xe: {  	v2 =	vsel vm1, $0xFFFFFFFF, v2;
	v3 =	vand.u32 $0xF, v3;
	v0 =	vand.u32 $0xFC00, v62  }
0xf: {  	v3 =	vsel vm1, $0xFFFFFFFF, v3;
	v0 =	vsel vm1, $0xFFFFFC00, v0;
	v4 =	vand.u32 $0xFFFFFC00, v2  }
0x10: {  	v0 =	vadd.s32 v0, v4;
	v63 =	vand.u32 $0xFFFFFC00, v3  }
0x11: {  	v2 =	vshll.u32 v2, $0x7;
	v3 =	vand.u32 $0x7F, v3;
	v0 =	vadd.s32 v63, v0  }
0x12: {  	v2 =	vand.u32 $0x380, v2;
	v0 =	vor.u32 v3, v0  }
0x13: {  	v0 =	vor.u32 v2, v0;
	_ =	sdelay $0x1  }
0x14: {  	(ifvalue) =	ssetifvalue $0x7FFFFFFF;
	s15 =	sadd.s32 $0x10, s15  }
0x15: {  	[tilespmem:s15], [sflag:$0x1] =	stream.indirect_vreg.gather [hbm4b:s2+s10], $0x1, v1, vm0, $0x4038;
	[tilespmem:$0x180] =	vst v63  }
0x16: {  	(ifvalue) =	ssetifvalue $0x7FFFFFFF;
	s15 =	sadd.s32 $0x10, s15  }
0x17: {  	[tilespmem:s15], [sflag:$0x1] =	stream.indirect_vreg.gather [hbm4b:s2+s10], $0x1, v0, vm0, $0x4038;
	[tilespmem:$0x180] =	vst v63  }
0x18: {  	_ =	swait.ge [sflag:s4], $0x60  }
0x19: {  	s30 =	sshrl.u32 s13, $0x3;
	[sflag:s4] =	ssyncset.done $0x0  }
0x1a: {  	s31 =	sand.u32 $0x7, s13;
	s15 =	sadd.s32 s8, s30;
	[sflag:s4] =	ssyncadd.s32 $0xFFFFFFA0  }
0x1b: {  	[hbm4b:s15+s31] =	stream.linear.scatter [tilespmem:s14], [sflag:$0x3], $0x60, $0x38;
	[tilespmem:$0x180] =	vst v63  }
.LBB2_5:
0x1c: {  	s15 =	sadd.s32 $0xC00, s11  }
0x1d: {  	p1 =	sgt.s32 s15, $0x137F  }
0x1e: {  	s15 =	smov.u32 @p1 s5;
	p1 =	sne.s32 s12, s9  }
.Ltmp1:
0x1f: {  	p0 =	slt.u32 s12, $0x2;
	(pc) =	sbr.rel @!p1 .LBB2_6-.Ltmp1, $4  }
0x20: {  	s14 =	simm.s32 @!p0 $0x3  }
0x21: {  	_ =	swait.ge @!p0 [sflag:s14], $0x60  }
0x22: {  	s16 =	sadd.s32 $0x1, s12;
	s13 =	smov.u32 s11;
	[sflag:s14] =	ssyncset.done @!p0 $0x0  }
0x23: {  	s12 =	smov.u32 s16;
	s11 =	smov.u32 s15;
	[sflag:s14] =	ssyncadd.s32 @!p0 $0xFFFFFFA0  }
.LBB2_1:
0x24: {  	p0 =	sge.u32 s12, s7  }
0x25: {  	s14 =	sxor.u32 @!p0 $0x1, s12  }
0x26: {  	s14 =	smul.u32 @!p0 $0x180, s14  }
0x27: {  	s31 =	sadd.s32 $0xFFFFFFFF, s12;
	s15 =	sshrl.u32 @!p0 s11, $0x3  }
0x28: {  	s16 =	sand.u32 @!p0 $0x7, s11;
	s15 =	sadd.s32 @!p0 s3, s15;
	s14 =	sshra.s32 @!p0 s14, $0x2  }
0x29: {  	[tilespmem:s14], [sflag:$0x2] =	stream.linear.gather @!p0 [hbm4b:s15+s16], $0x60, $0x38;
	[tilespmem:$0x180] =	vst v63  }
0x2a: {  	p0 =	sge.u32 s31, s7  }
.Ltmp2:
0x2b: {  	_ = 	snop;
	(pc) =	sbr.rel @p0 .LBB2_5-.Ltmp2, $1  }
0x2c: {  	_ =	sdelay $0x3  }
0x2d: {  	s14 =	sand.u32 $0x1, s12  }
0x2e: {  	_ =	swait.ge [sflag:s6], $0x60;
	p0 =	seq.s32 s14, $0x1;
	s14 =	simm.s32 $0x60  }
0x2f: {  	[sflag:s6] =	ssyncset.done $0x0;
	s14 =	simm.s32 @!p0 $0x0  }
0x30: {  	[sflag:s6] =	ssyncadd.s32 $0xFFFFFFA0;
	(ifvalue) =	ssetifvalue $0x7FFFFFFF;
	v0 =	vld.msk [tilespmem:s14+$0x0 ss:$0x1], $0xffff  }
0x31: {  	s15 =	sadd.s32 $0x10, s14  }
0x32: {  	v3 =	vld.msk [tilespmem:s15+$0x0 ss:$0x1], $0xffff;
	_ =	sdelay $0x2  }
0x33: {  	vm1 =	veq.s32 v0, $0x80000000;
	v1 =	vshrl.u32 v0, $0x6;
	v2 =	vshrl.u32 v0, $0x9  }
0x34: {  	v0 =	vshll.u32 v0, $0xA;
	v1 =	vand.u32 $0x7, v1;
	v2 =	vand.u32 $0xF, v2  }
0x35: {  	v0 =	vand.u32 $0xFC00, v0;
	v62 =	vshrl.u32 v3, $0x9;
	v1 =	vsel vm1, $0xFFFFFFFF, v1  }
0x36: {  	v2 =	vsel vm1, $0xFFFFFFFF, v2;
	v0 =	vsel vm1, $0xFFFFFC00, v0;
	v4 =	vand.u32 $0xFFFFFC00, v1  }
0x37: {  	vm1 =	veq.s32 v3, $0x80000000;
	v61 =	vand.u32 $0xFFFFFC00, v2;
	v0 =	vadd.s32 v0, v4  }
0x38: {  	v2 =	vand.u32 $0x7F, v2;
	v1 =	vshll.u32 v1, $0x7;
	v0 =	vadd.s32 v61, v0  }
0x39: {  	v1 =	vand.u32 $0x380, v1;
	v0 =	vor.u32 v2, v0;
	v2 =	vshrl.u32 v3, $0x6  }
0x3a: {  	s15 =	sadd.s32 $0x10, s15;
	v3 =	vshll.u32 v3, $0xA;
	v1 =	vor.u32 v1, v0;
	v2 =	vand.u32 $0x7, v2  }
0x3b: {  	v4 =	vand.u32 $0xF, v62;
	v0 =	vld.msk [tilespmem:s15+$0x0 ss:$0x1], $0xffff;
	v3 =	vand.u32 $0xFC00, v3;
	v2 =	vsel vm1, $0xFFFFFFFF, v2  }
0x3c: {  	v4 =	vsel vm1, $0xFFFFFFFF, v4;
	v3 =	vsel vm1, $0xFFFFFC00, v3;
	v5 =	vand.u32 $0xFFFFFC00, v2  }
0x3d: {  	v63 =	vand.u32 $0xFFFFFC00, v4;
	v3 =	vadd.s32 v3, v5  }
0x3e: {  	s14 =	sadd.s32 $0xC0, s14;
	v4 =	vand.u32 $0x7F, v4;
	(ifvalue) =	ssetifvalue $0x7FFFFFFF;
	v2 =	vshll.u32 v2, $0x7;
	v3 =	vadd.s32 v63, v3  }
0x3f: {  	[tilespmem:s14], [sflag:$0x1] =	stream.indirect_vreg.gather [hbm4b:s2+s10], $0x1, v1, vm0, $0x4038;
	v1 =	vand.u32 $0x380, v2;
	v3 =	vor.u32 v4, v3;
	[tilespmem:$0x180] =	vst v63  }
0x40: {  	s16 =	simm.s32 $0x20;
	s17 =	sadd.s32 $0x10, s15;
	s15 =	smov.u32 s14;
	vm1 =	veq.s32 v0, $0x80000000;
	v2 =	vshrl.u32 v0, $0x6;
	v1 =	vor.u32 v1, v3  }
.LBB2_3:
0x41: {  	s16 =	sadd.s32 $0x10, s16;
	v2 =	vand.u32 $0x7, v2;
	v3 =	vshrl.u32 v0, $0x9;
	v4 =	vshll.u32 v0, $0xA;
	v0 =	vld.msk [tilespmem:s17+$0x0 ss:$0x1], $0xffff  }
0x42: {  	p0 =	slt.u32 s16, $0x50;
	v2 =	vsel vm1, $0xFFFFFFFF, v2;
	v3 =	vand.u32 $0xF, v3;
	v4 =	vand.u32 $0xFC00, v4  }
.Ltmp3:
0x43: {  	v3 =	vsel vm1, $0xFFFFFFFF, v3;
	v4 =	vsel vm1, $0xFFFFFC00, v4;
	v5 =	vand.u32 $0xFFFFFC00, v2;
	(pc) =	sbr.rel @p0 .LBB2_3-.Ltmp3, $4  }
0x44: {  	s15 =	sadd.s32 $0x10, s15;
	v4 =	vadd.s32 v4, v5;
	v5 =	vand.u32 $0xFFFFFC00, v3;
	(ifvalue) =	ssetifvalue $0x7FFFFFFF  }
0x45: {  	v2 =	vshll.u32 v2, $0x7;
	v3 =	vand.u32 $0x7F, v3;
	v4 =	vadd.s32 v5, v4;
	[tilespmem:s15], [sflag:$0x1] =	stream.indirect_vreg.gather [hbm4b:s2+s10], $0x1, v1, vm0, $0x4038;
	[tilespmem:$0x180] =	vst v63  }
0x46: {  	v1 =	vand.u32 $0x380, v2;
	v3 =	vor.u32 v3, v4  }
0x47: {  	s17 =	sadd.s32 $0x10, s17;
	vm1 =	veq.s32 v0, $0x80000000;
	v2 =	vshrl.u32 v0, $0x6;
	v1 =	vor.u32 v1, v3  }
.Ltmp4:
0x48: {  	_ = 	snop;
	(pc) =	sbr.rel .LBB2_4-.Ltmp4, $1  }
0x49: {  	_ =	sdelay $0x3  }
.LBB2_6:
0x4a: {  	_ =	sfence.sel $0x180000  }
0x4b: {  	s2 =	simm.s32 $0x2;
	[bflag:$0x0] =	sbarrier.arrive $0xFFFF  }
0x4c: {  	s30 =	simm.s32 $0x3;
	[sflag:s2] =	ssyncpa.u1 $0x1  }
0x4d: {  	s31 =	simm.s32 $0x1;
	[sflag:s30] =	ssyncpa.u1 $0x1  }
0x4e: {  	[sflag:s31] =	ssyncpa.u1 $0x1  }
0x4f: {  	p0 =	sne.s32 s1, $0x0;
	_ =	strace $0x9000005F  }
0x50: {  	s0 =	sadd.s32 @!p0 $0x100000, s0;
	[bflag:$0x2] =	sbarrier.arrive $0xFFFF  }
0x51: {  	[sflag:s0] =	ssyncadd.tile.s32 @!p0 $0x1;
	_ =	shalt  }
.Lfunc_end2:
_tile_overlayer_lowered:
.L_overlay_start_2:
0x52: {  	(tag) =	ssettag $0x2  }
0x53: {  	s0 =	rddreg [dreg:$0x0];
	s2 =	stileid.u32  }
0x54: {  	s1 =	rddreg [dreg:$0x1];
	p0 =	sne.s32 s2, $0x0  }
0x55: {  	s3 =	rddreg [dreg:$0x2];
	[bflag:$0x3] =	sbarrier.arrive $0xFFFF;
	s2 =	simm.s32 @!p0 $0x1C01  }
0x56: {  	[timem:s3], [sflag:s2] =	dma.local @!p0 [hbm:s0], s1  }
0x57: {  	s0 =	simm.s32 @!p0 $0x1  }
0x58: {  	_ =	swait.ge @!p0 [sflag:s0], s1  }
0x59: {  	s1 =	ssub.s32 @!p0 $0x0, s1;
	[sflag:s0] =	ssyncset.done @!p0 $0x0  }
0x5a: {  	[sflag:s0] =	ssyncadd.s32 @!p0 s1  }
0x5b: {  	[bflag:$0x3] =	sbarrier.arrive $0xFFFF  }
0x5c: {  	_ =	shalt  }

// kernel: gather_offload_async_start.2
scs
__scs_entry_jumppad:
0x0: {  	(pc) =	sbr.rel $0x88, $3  }
0x1: {  	(tag) =	ssettag $0x0;
	lr =	simm.s32 $0x1  }
0x2: {  	[smem:$0x3F92] =	sst lr;
	_ =	strace $0xD0000000  }
0x3: {  	_ = 	snop  }
0x4: {  	_ = 	snop  }
0x5: {  	_ = 	snop  }
0x6: {  	_ = 	snop  }
0x7: {  	_ = 	snop  }
__scs_overlays_trampoline_lowered:
0x8: {  	[smem:$0x3FA1] =	sst s0  }
0x9: {  	[smem:$0x3FA2] =	sst s1  }
0xa: {  	[smem:$0x3FA3] =	sst s2  }
0xb: {  	[smem:$0x3FA4] =	sst s3  }
0xc: {  	[smem:$0x3FA5] =	sst s4  }
0xd: {  	[smem:$0x3FA6] =	sst s5  }
0xe: {  	[smem:$0x3FA7] =	sst s6  }
0xf: {  	[smem:$0x3FA8] =	sst s7  }
0x10: {  	[smem:$0x3FA9] =	sst s8  }
0x11: {  	[smem:$0x3FAA] =	sst s9;
	s0 =	simm.s32 @!p0 $0x0  }
0x12: {  	s1 =	sld [smem:$0x3F90];
	s0 =	simm.s32 @p0 $0x1  }
0x13: {  	[smem:$0x3FAB] =	sst s0;
	s0 =	simm.s32 @!p1 $0x0  }
0x14: {  	s2 =	sld [smem:$0x3F8F];
	s0 =	simm.s32 @p1 $0x1  }
0x15: {  	[smem:$0x3FAC] =	sst s0;
	s0 =	simm.s32 @!p2 $0x0  }
0x16: {  	s3 =	sld [smem:$0x3FDB];
	s0 =	simm.s32 @p2 $0x1  }
0x17: {  	s4 =	simm.s32 $0x1BF5;
	[smem:$0x3FAE] =	sst s0  }
0x18: {  	s0 =	sld [smem:$0x3F91];
	_ =	swait.ge [sflag:s4], $0x0  }
0x19: {  	s7 =	sld [smem:$0x3F92]  }
0x1a: {  	s8 =	sadd.s32 $0xFFFFE003, lr  }
0x1b: {  	s9 =	sadd.s32 $0xFFFFFEF7, lr;
	s5 =	simm.s32 $0xFFFFFFFF;
	p2 =	slt.u32 s8, $0xFFFFF086  }
0x1c: {  	p1 =	slt.u32 s9, $0xF7A;
	s5 =	simm.s32 @!p2 $0x0  }
0x1d: {  	s5 =	simm.s32 @p1 $0x1;
	p0 =	seq.s32 s7, s2  }
0x1e: {  	s7 =	smul.u32 @!p0 $0xF7A, s2;
	p2 =	seq.s32 @!p0 s5, $0x0  }
0x1f: {  	s9 =	smul.u32 $0xF7A, s1;
	s8 =	simm.s32 @!p0 $0x1BF5;
	p2 =	por !p2, p0  }
0x20: {  	[sflag:s8] =	ssyncset.s32 @!p0 $0xFFFFF086;
	s6 =	sadd.s32 @!p0 s3, s7;
	s7 =	simm.s32 @!p0 $0x108  }
0x21: {  	s3 =	sadd.s32 s3, s9;
	s6 =	sadd.s32 @!p0 $0x88, s6;
	s7 =	simm.s32 @p2 $0x1082  }
0x22: {  	[simem:s7], [sflag:s8] =	dma.local @!p0 [hbm:s6], $0xF7A  }
0x23: {  	s9 =	sor.u32 $0xD0000000, s2;
	s6 =	simm.s32 $0x108;
	_ =	swait.ge @!p0 [sflag:s8], $0x0  }
0x24: {  	s3 =	sadd.s32 $0x88, s3;
	s6 =	simm.s32 @!p1 $0x1082;
	[sflag:s4] =	ssyncset.s32 $0xFFFFF086  }
0x25: {  	[simem:s6], [sflag:s4] =	dma.local [hbm:s3], $0xF7A  }
0x26: {  	[smem:$0x3F92] =	sst s1;
	(tag) =	ssettag s2;
	_ =	strace s9  }
0x27: {  	s1 =	sld [smem:$0x3FA2]  }
0x28: {  	s2 =	sld [smem:$0x3FA3]  }
0x29: {  	s4 =	sld [smem:$0x3FA5]  }
0x2a: {  	p0 =	seq.s32 s5, $0x0;
	s5 =	sld [smem:$0x3FA6]  }
0x2b: {  	s6 =	sld [smem:$0x3FA7]  }
0x2c: {  	s7 =	sld [smem:$0x3FA8]  }
0x2d: {  	s3 =	simm.s32 $0x108;
	s8 =	sld [smem:$0x3FA9]  }
0x2e: {  	s3 =	simm.s32 @!p0 $0x1082;
	s9 =	sld [smem:$0x3FAA]  }
0x2f: {  	lr =	sadd.s32 s0, s3;
	s0 =	sld [smem:$0x3FA1]  }
0x30: {  	s3 =	sld [smem:$0x3FA4]  }
0x31: {  	[smem:$0x3FAD] =	sst s10  }
0x32: {  	s10 =	sld [smem:$0x3FAB];
	_ =	sdelay $0x3  }
0x33: {  	p0 =	seq.s32 s10, $0x1;
	s10 =	sld [smem:$0x3FAD];
	_ =	sdelay $0x3  }
0x34: {  	[smem:$0x3FAD] =	sst s10  }
0x35: {  	s10 =	sld [smem:$0x3FAC];
	_ =	sdelay $0x3  }
0x36: {  	p1 =	seq.s32 s10, $0x1;
	s10 =	sld [smem:$0x3FAD];
	_ =	sdelay $0x3  }
0x37: {  	[smem:$0x3FAD] =	sst s10  }
0x38: {  	s10 =	sld [smem:$0x3FAE]  }
0x39: {  	_ = 	snop;
	(pc) =	sbr.ind lr, $3  }
0x3a: {  	_ = 	snop  }
0x3b: {  	_ = 	snop  }
0x3c: {  	p2 =	seq.s32 s10, $0x1;
	s10 =	sld [smem:$0x3FAD]  }
0x3d: {  	_ =	shalt  }
0x3e: {  	_ =	shalt  }
0x3f: {  	_ =	shalt  }
0x40: {  	_ =	shalt  }
0x41: {  	_ =	shalt  }
0x42: {  	_ =	shalt  }
0x43: {  	_ =	shalt  }
0x44: {  	_ =	shalt  }
0x45: {  	_ =	shalt  }
0x46: {  	_ =	shalt  }
0x47: {  	_ =	shalt  }
0x48: {  	_ =	shalt  }
0x49: {  	_ =	shalt  }
0x4a: {  	_ =	shalt  }
0x4b: {  	_ =	shalt  }
0x4c: {  	_ =	shalt  }
0x4d: {  	_ =	shalt  }
0x4e: {  	_ =	shalt  }
0x4f: {  	_ =	shalt  }
0x50: {  	_ =	shalt  }
0x51: {  	_ =	shalt  }
0x52: {  	_ =	shalt  }
0x53: {  	_ =	shalt  }
0x54: {  	_ =	shalt  }
0x55: {  	_ =	shalt  }
0x56: {  	_ =	shalt  }
0x57: {  	_ =	shalt  }
0x58: {  	_ =	shalt  }
0x59: {  	_ =	shalt  }
0x5a: {  	_ =	shalt  }
0x5b: {  	_ =	shalt  }
0x5c: {  	_ =	shalt  }
0x5d: {  	_ =	shalt  }
0x5e: {  	_ =	shalt  }
0x5f: {  	_ =	shalt  }
0x60: {  	_ =	shalt  }
0x61: {  	_ =	shalt  }
0x62: {  	_ =	shalt  }
0x63: {  	_ =	shalt  }
0x64: {  	_ =	shalt  }
0x65: {  	_ =	shalt  }
0x66: {  	_ =	shalt  }
0x67: {  	_ =	shalt  }
0x68: {  	_ =	shalt  }
0x69: {  	_ =	shalt  }
0x6a: {  	_ =	shalt  }
0x6b: {  	_ =	shalt  }
0x6c: {  	_ =	shalt  }
0x6d: {  	_ =	shalt  }
0x6e: {  	_ =	shalt  }
0x6f: {  	_ =	shalt  }
0x70: {  	_ =	shalt  }
0x71: {  	_ =	shalt  }
0x72: {  	_ =	shalt  }
0x73: {  	_ =	shalt  }
0x74: {  	_ =	shalt  }
0x75: {  	_ =	shalt  }
0x76: {  	_ =	shalt  }
0x77: {  	_ =	shalt  }
0x78: {  	_ =	shalt  }
0x79: {  	_ =	shalt  }
0x7a: {  	_ =	shalt  }
0x7b: {  	_ =	shalt  }
0x7c: {  	_ =	shalt  }
0x7d: {  	_ =	shalt  }
0x7e: {  	_ =	shalt  }
0x7f: {  	_ =	shalt  }
0x80: {  	_ =	shalt  }
0x81: {  	_ =	shalt  }
0x82: {  	_ =	shalt  }
0x83: {  	_ =	shalt  }
0x84: {  	_ =	shalt  }
0x85: {  	_ =	shalt  }
0x86: {  	_ =	shalt  }
0x87: {  	_ =	shalt  }
.Lfunc_end0:
.L_simem_size_0:
called_computation.2_lowered:
.L_overlay_start_0:
0x88: {  	s0 =	sld [smem:$0x3FD9]  }
0x89: {  	s1 =	sld [smem:$0x3FFE];
	_ =	sdelay $0x3  }
0x8a: {  	s0 =	sadd.s32 s1, s0  }
0x8b: {  	[smem:$0x3FB9] =	sst s0  }
0x8c: {  	_ = 	snop  }
0x8d: {  	(tm) =	ssettm $0x1  }
0x8e: {  	s15 =	sld [smem:$0x3FFB];
	_ =	sdelay $0x3  }
0x8f: {  	_ =	strace s15  }
0x90: {  	s0 =	sld [smem:$0x3FFC];
	_ =	sdelay $0x3  }
0x91: {  	_ =	strace s0  }
0x92: {  	s0 =	sld [smem:$0x3FFD];
	_ =	sdelay $0x3  }
0x93: {  	_ =	strace s0  }
0x94: {  	_ =	strace $0x8FFFFFFF  }
0x95: {  	s16 =	sld [smem:$0x3FDB];
	_ =	sdelay $0x1  }
0x96: {  	s17 =	simm.s32 $_scs_section_size  }
0x97: {  	s2 =	simm.s32 $_size__tile_overlayer_lowered;
	s3 =	simm.s32 $_tile_overlayer_lowered  }
0x98: {  	s20 =	simm.s32 $0x1BFF;
	s19 =	sshll.u32 s3, $0x1;
	s0 =	sadd.s32 s17, s16  }
0x99: {  	s4 =	simm.s32 $0x0;
	s18 =	sshll.u32 s2, $0x1;
	s2 =	sadd.s32 s19, s0  }
0x9a: {  	[timem:s4], [sflag:s20] =	dma.local [hbm:s2], s18  }
0x9b: {  	_ =	swait.ge [sflag:s20], s18  }
0x9c: {  	s1 =	ssub.s32 $0x0, s18;
	[sflag:s20] =	ssyncset.done $0x0  }
0x9d: {  	[sflag:s20] =	ssyncadd.s32 s1;
	_ =	sdelay $0x1  }
0x9e: {  	s21 =	simm.s32 $0x1B8B  }
0x9f: {  	_ =	swait.ge [sflag:s21], $0x1  }
0xa0: {  	[sflag:s21] =	ssyncset.done $0x0  }
0xa1: {  	s23 =	simm.s32 $0x1B8E;
	s22 =	sld [smem:$0x3FFE];
	[sflag:s21] =	ssyncadd.s32 $0xFFFFFFFF  }
0xa2: {  	s24 =	simm.s32 $execute0_lowered;
	[smem:$0x3FD2] =	sst s23  }
0xa3: {  	s2 =	sshll.u32 s24, $0x1;
	_ =	strace $0x80000064;
	[dreg:$0x1] =	wrdreg $0xFFFFFFFF  }
0xa4: {  	s25 =	simm.s32 $_size_execute0_lowered;
	s0 =	sadd.s32 s0, s2;
	[dreg:$0x0] =	wrdreg $0x0  }
0xa5: {  	s2 =	sshll.u32 s25, $0x1;
	[dreg:$0x2] =	wrdreg s0  }
0xa6: {  	[dreg:$0x3] =	wrdreg s2  }
0xa7: {  	[dreg:$0x4] =	wrdreg $0xC0  }
0xa8: {  	_ =	task [dreg:s4], $0x5FFFF  }
0xa9: {  	[dreg:$0x1] =	wrdreg $0xFFFFFFFF  }
0xaa: {  	[dreg:$0x0] =	wrdreg $0x60  }
0xab: {  	[dreg:$0x2] =	wrdreg s22  }
0xac: {  	[dreg:$0x3] =	wrdreg $0x9  }
0xad: {  	_ =	task.clear_ibuf [dreg:s4], $0x4FFFF;
	_ =	strace $0x90000064  }
0xae: {  	s26 =	simm.s32 $0x9;
	_ =	strace $0x80000066  }
0xaf: {  	_ =	swait.ge [sflag:s26], $0x1  }
0xb0: {  	[sflag:s26] =	ssyncadd.s32 $0xFFFFFFFF  }
0xb1: {  	_ =	strace $0x90000066  }
0xb2: {  	_ =	sfence  }
0xb3: {  	s28 =	sld [smem:$0x0];
	_ =	sdelay $0x1  }
0xb4: {  	s29 =	srdreg.scid  }
0xb5: {  	s30 =	sshll.u32 s29, $0xD;
	s31 =	sshrl.u32 s29, $0x2  }
0xb6: {  	s1 =	sand.u32 $0x1, s29;
	s2 =	sand.u32 $0x4000, s30;
	s0 =	sadd.s32 s31, s28  }
0xb7: {  	s1 =	sor.u32 s2, s1;
	s0 =	sshll.u32 s0, $0x11  }
0xb8: {  	s0 =	sor.u32 s0, s1  }
0xb9: {  	s0 =	sadd.s32 $0x8F2B, s0  }
0xba: {  	[sflag:s0] =	ssyncadd.remote.s32 $0x1  }
0xbb: {  	_ =	sfence.sel $0xFFFF  }
0xbc: {  	[dreg:$0x0] =	wrdreg $0xFFFFFFFF;
	(pc) =	sbr.abs _section_cstart, $3  }
0xbd: {  	[dreg:$0x1] =	wrdreg $0xFFFFFFFF  }
0xbe: {  	_ =	task.clear_ibuf [dreg:s4], $0x2FFFF;
	_ =	strace $0x9FFFFFFF  }
0xbf: {  	(tm) =	ssettm $0x7FFFFFFF  }
tec
execute0_lowered:
.L_overlay_start_1:
0x0: {  	(tag) =	ssettag $0x1  }
0x1: {  	s0 =	stileid.u32  }
0x2: {  	s2 =	smul.u32 $0x30, s0;
	_ =	sdelay $0x1  }
0x3: {  	s6 =	ssub.s32 $0x750, s2  }
0x4: {  	s1 =	smul.u32 $0x2AB, s6  }
0x5: {  	s8 =	rddreg [dreg:$0x0];
	s5 =	simm.s32 $0x1;
	s10 =	simm.s32 $0x3  }
0x6: {  	s13 =	simm.s32 $0x0;
	s12 =	simm.s32 $0x0;
	s7 =	sshrl.u32 s1, $0x13  }
0x7: {  	s3 =	sadd.s32 $0x27E00, s8;
	s4 =	sadd.s32 $0x6C00, s8;
	s9 =	smul.u32 $0x300, s7  }
.Ltmp0:
0x8: {  	s8 =	sadd.s32 $0x6E00, s8;
	s1 =	rddreg [dreg:$0x1];
	(pc) =	sbr.rel .LBB2_1-.Ltmp0, $4  }
0x9: {  	_ =	strace $0x80000065;
	p0 =	sne.s32 s6, s9;
	s9 =	simm.s32 $0x1  }
0xa: {  	[sflag:s5] =	ssyncpa.u1 $0x0;
	s6 =	simm.s32 $0x2;
	s9 =	simm.s32 @!p0 $0x0  }
0xb: {  	s11 =	smov.u32 s2;
	[sflag:s6] =	ssyncpa.u1 $0x0;
	s7 =	sadd.s32 s7, s9  }
0xc: {  	vm0 =	vmmov $0xffff;
	[sflag:s10] =	ssyncpa.u1 $0x0;
	s10 =	simm.s32 $0x0;
	s9 =	sadd.s32 $0x1, s7  }
.LBB2_4:
0xd: {  	v2 =	vand.u32 $0xFFFFFC00, v1;
	v3 =	vand.u32 $0xFFFFFC00, v0  }
0xe: {  	v62 =	vand.u32 $0x380, v1;
	v2 =	vadd.s32 v3, v2  }
0xf: {  	v63 =	vand.u32 $0x7F, v0;
	v1 =	vor.u32 v62, v2  }
0x10: {  	v0 =	vor.u32 v63, v1;
	_ =	sdelay $0x3  }
0x11: {  	(ifvalue) =	ssetifvalue $0x7FFFFFFF;
	s15 =	sadd.s32 $0x10, s15  }
0x12: {  	[tilespmem:s15], [sflag:$0x1] =	stream.indirect_vreg.gather [hbm4b:s3+s10], $0x1, v0, vm0, $0x4038;
	[tilespmem:$0xC0] =	vst v63  }
0x13: {  	_ =	swait.ge [sflag:s5], $0x30  }
0x14: {  	s30 =	sshrl.u32 s13, $0x3;
	[sflag:s5] =	ssyncset.done $0x0  }
0x15: {  	s31 =	sand.u32 $0x7, s13;
	s15 =	sadd.s32 s8, s30;
	[sflag:s5] =	ssyncadd.s32 $0xFFFFFFD0  }
0x16: {  	[hbm4b:s15+s31] =	stream.linear.scatter [tilespmem:s14], [sflag:$0x3], $0x30, $0x38;
	[tilespmem:$0xC0] =	vst v63  }
.LBB2_5:
0x17: {  	s15 =	sadd.s32 $0x300, s11  }
0x18: {  	p1 =	sgt.s32 s15, $0x74F  }
0x19: {  	s15 =	smov.u32 @p1 s2;
	p1 =	sne.s32 s12, s9  }
.Ltmp1:
0x1a: {  	p0 =	slt.u32 s12, $0x2;
	(pc) =	sbr.rel @!p1 .LBB2_6-.Ltmp1, $4  }
0x1b: {  	s14 =	simm.s32 @!p0 $0x3  }
0x1c: {  	_ =	swait.ge @!p0 [sflag:s14], $0x30  }
0x1d: {  	s16 =	sadd.s32 $0x1, s12;
	s13 =	smov.u32 s11;
	[sflag:s14] =	ssyncset.done @!p0 $0x0  }
0x1e: {  	s12 =	smov.u32 s16;
	s11 =	smov.u32 s15;
	[sflag:s14] =	ssyncadd.s32 @!p0 $0xFFFFFFD0  }
.LBB2_1:
0x1f: {  	p0 =	sge.u32 s12, s7  }
0x20: {  	s14 =	sxor.u32 @!p0 $0xFFFFFFFF, s12  }
0x21: {  	s14 =	sand.u32 @!p0 $0x1, s14  }
0x22: {  	s14 =	smul.u32 @!p0 $0xC0, s14  }
0x23: {  	s31 =	sadd.s32 $0xFFFFFFFF, s12;
	s15 =	sshrl.u32 @!p0 s11, $0x3  }
0x24: {  	s16 =	sand.u32 @!p0 $0x7, s11;
	s15 =	sadd.s32 @!p0 s4, s15;
	s14 =	sshrl.u32 @!p0 s14, $0x2  }
0x25: {  	[tilespmem:s14], [sflag:$0x2] =	stream.linear.gather @!p0 [hbm4b:s15+s16], $0x30, $0x38;
	[tilespmem:$0xC0] =	vst v63  }
0x26: {  	p0 =	sge.u32 s31, s7  }
.Ltmp2:
0x27: {  	_ = 	snop;
	(pc) =	sbr.rel @p0 .LBB2_5-.Ltmp2, $1  }
0x28: {  	_ =	sdelay $0x3  }
0x29: {  	s14 =	sand.u32 $0x1, s12  }
0x2a: {  	_ =	swait.ge [sflag:s6], $0x30;
	p0 =	seq.s32 s14, $0x1;
	s14 =	simm.s32 $0x30  }
0x2b: {  	[sflag:s6] =	ssyncset.done $0x0;
	s14 =	simm.s32 @!p0 $0x0  }
0x2c: {  	[sflag:s6] =	ssyncadd.s32 $0xFFFFFFD0;
	(ifvalue) =	ssetifvalue $0x7FFFFFFF;
	v0 =	vld.msk [tilespmem:s14+$0x0 ss:$0x1], $0xffff;
	_ =	sdelay $0x4  }
0x2d: {  	v1 =	vshrl.u32 v0, $0x8;
	v2 =	vshll.u32 v0, $0x7  }
0x2e: {  	vm1 =	veq.s32 v0, $0x80000000;
	v0 =	vand.u32 $0xF, v1;
	v1 =	vand.u32 $0x7F80, v2  }
0x2f: {  	v0 =	vsel vm1, $0xFFFFFFFF, v0;
	v1 =	vsel vm1, $0xFFFFFF80, v1  }
0x30: {  	v2 =	vand.u32 $0xFFFFFC00, v1;
	v3 =	vand.u32 $0xFFFFFC00, v0  }
0x31: {  	s15 =	sadd.s32 $0x10, s14;
	v1 =	vand.u32 $0x380, v1;
	v2 =	vadd.s32 v3, v2  }
0x32: {  	v0 =	vand.u32 $0x7F, v0;
	v1 =	vor.u32 v1, v2;
	v2 =	vld.msk [tilespmem:s15+$0x0 ss:$0x1], $0xffff  }
0x33: {  	v0 =	vor.u32 v0, v1;
	_ =	sdelay $0x3  }
0x34: {  	s14 =	sadd.s32 $0x60, s14;
	(ifvalue) =	ssetifvalue $0x7FFFFFFF;
	v1 =	vshrl.u32 v2, $0x8;
	v3 =	vshll.u32 v2, $0x7  }
0x35: {  	vm1 =	veq.s32 v2, $0x80000000;
	[tilespmem:s14], [sflag:$0x1] =	stream.indirect_vreg.gather [hbm4b:s3+s10], $0x1, v0, vm0, $0x4038;
	v0 =	vand.u32 $0xF, v1;
	v1 =	vand.u32 $0x7F80, v3;
	[tilespmem:$0xC0] =	vst v63  }
0x36: {  	s16 =	simm.s32 $0x10;
	s17 =	sadd.s32 $0x10, s15;
	s15 =	smov.u32 s14;
	v0 =	vsel vm1, $0xFFFFFFFF, v0;
	v1 =	vsel vm1, $0xFFFFFF80, v1  }
.LBB2_3:
0x37: {  	v2 =	vld.msk [tilespmem:s17+$0x0 ss:$0x1], $0xffff;
	s16 =	sadd.s32 $0x10, s16;
	v3 =	vand.u32 $0xFFFFFC00, v1;
	v4 =	vand.u32 $0xFFFFFC00, v0  }
0x38: {  	v1 =	vand.u32 $0x380, v1;
	p0 =	slt.u32 s16, $0x20;
	v3 =	vadd.s32 v4, v3  }
0x39: {  	v0 =	vand.u32 $0x7F, v0;
	v1 =	vor.u32 v1, v3  }
0x3a: {  	v3 =	vor.u32 v0, v1  }
.Ltmp3:
0x3b: {  	(pc) =	sbr.rel @p0 .LBB2_3-.Ltmp3, $4  }
0x3c: {  	_ = 	snop  }
0x3d: {  	v0 =	vshrl.u32 v2, $0x8;
	v1 =	vshll.u32 v2, $0x7  }
0x3e: {  	s17 =	sadd.s32 $0x10, s17;
	s15 =	sadd.s32 $0x10, s15;
	vm1 =	veq.s32 v2, $0x80000000;
	v0 =	vand.u32 $0xF, v0;
	v1 =	vand.u32 $0x7F80, v1;
	(ifvalue) =	ssetifvalue $0x7FFFFFFF  }
0x3f: {  	v0 =	vsel vm1, $0xFFFFFFFF, v0;
	v1 =	vsel vm1, $0xFFFFFF80, v1;
	[tilespmem:s15], [sflag:$0x1] =	stream.indirect_vreg.gather [hbm4b:s3+s10], $0x1, v3, vm0, $0x4038;
	[tilespmem:$0xC0] =	vst v63  }
.Ltmp4:
0x40: {  	_ = 	snop;
	(pc) =	sbr.rel .LBB2_4-.Ltmp4, $1  }
0x41: {  	_ =	sdelay $0x3  }
.LBB2_6:
0x42: {  	_ =	sfence.sel $0x180000  }
0x43: {  	s2 =	simm.s32 $0x2;
	[bflag:$0x0] =	sbarrier.arrive $0xFFFF  }
0x44: {  	s30 =	simm.s32 $0x3;
	[sflag:s2] =	ssyncpa.u1 $0x1  }
0x45: {  	s31 =	simm.s32 $0x1;
	[sflag:s30] =	ssyncpa.u1 $0x1  }
0x46: {  	[sflag:s31] =	ssyncpa.u1 $0x1  }
0x47: {  	p0 =	sne.s32 s0, $0x0;
	_ =	strace $0x90000065  }
0x48: {  	s0 =	sadd.s32 @!p0 $0x100000, s1;
	[bflag:$0x2] =	sbarrier.arrive $0xFFFF  }
0x49: {  	[sflag:s0] =	ssyncadd.tile.s32 @!p0 $0x1;
	_ =	shalt  }
.Lfunc_end2:
_tile_overlayer_lowered:
.L_overlay_start_2:
0x4a: {  	(tag) =	ssettag $0x2  }
0x4b: {  	s0 =	rddreg [dreg:$0x0];
	s2 =	stileid.u32  }
0x4c: {  	s1 =	rddreg [dreg:$0x1];
	p0 =	sne.s32 s2, $0x0  }
0x4d: {  	s3 =	rddreg [dreg:$0x2];
	[bflag:$0x3] =	sbarrier.arrive $0xFFFF;
	s2 =	simm.s32 @!p0 $0x1C01  }
0x4e: {  	[timem:s3], [sflag:s2] =	dma.local @!p0 [hbm:s0], s1  }
0x4f: {  	s0 =	simm.s32 @!p0 $0x1  }
0x50: {  	_ =	swait.ge @!p0 [sflag:s0], s1  }
0x51: {  	s1 =	ssub.s32 @!p0 $0x0, s1;
	[sflag:s0] =	ssyncset.done @!p0 $0x0  }
0x52: {  	[sflag:s0] =	ssyncadd.s32 @!p0 s1  }
0x53: {  	[bflag:$0x3] =	sbarrier.arrive $0xFFFF  }
0x54: {  	_ =	shalt  }

// kernel: gather_offload_async_start.3
scs
__scs_entry_jumppad:
0x0: {  	(pc) =	sbr.rel $0x88, $3  }
0x1: {  	(tag) =	ssettag $0x0;
	lr =	simm.s32 $0x1  }
0x2: {  	[smem:$0x3F92] =	sst lr;
	_ =	strace $0xD0000000  }
0x3: {  	_ = 	snop  }
0x4: {  	_ = 	snop  }
0x5: {  	_ = 	snop  }
0x6: {  	_ = 	snop  }
0x7: {  	_ = 	snop  }
__scs_overlays_trampoline_lowered:
0x8: {  	[smem:$0x3FA1] =	sst s0  }
0x9: {  	[smem:$0x3FA2] =	sst s1  }
0xa: {  	[smem:$0x3FA3] =	sst s2  }
0xb: {  	[smem:$0x3FA4] =	sst s3  }
0xc: {  	[smem:$0x3FA5] =	sst s4  }
0xd: {  	[smem:$0x3FA6] =	sst s5  }
0xe: {  	[smem:$0x3FA7] =	sst s6  }
0xf: {  	[smem:$0x3FA8] =	sst s7  }
0x10: {  	[smem:$0x3FA9] =	sst s8  }
0x11: {  	[smem:$0x3FAA] =	sst s9;
	s0 =	simm.s32 @!p0 $0x0  }
0x12: {  	s1 =	sld [smem:$0x3F90];
	s0 =	simm.s32 @p0 $0x1  }
0x13: {  	[smem:$0x3FAB] =	sst s0;
	s0 =	simm.s32 @!p1 $0x0  }
0x14: {  	s2 =	sld [smem:$0x3F8F];
	s0 =	simm.s32 @p1 $0x1  }
0x15: {  	[smem:$0x3FAC] =	sst s0;
	s0 =	simm.s32 @!p2 $0x0  }
0x16: {  	s3 =	sld [smem:$0x3FDB];
	s0 =	simm.s32 @p2 $0x1  }
0x17: {  	s4 =	simm.s32 $0x1BF5;
	[smem:$0x3FAE] =	sst s0  }
0x18: {  	s0 =	sld [smem:$0x3F91];
	_ =	swait.ge [sflag:s4], $0x0  }
0x19: {  	s7 =	sld [smem:$0x3F92]  }
0x1a: {  	s8 =	sadd.s32 $0xFFFFE003, lr  }
0x1b: {  	s9 =	sadd.s32 $0xFFFFFEF7, lr;
	s5 =	simm.s32 $0xFFFFFFFF;
	p2 =	slt.u32 s8, $0xFFFFF086  }
0x1c: {  	p1 =	slt.u32 s9, $0xF7A;
	s5 =	simm.s32 @!p2 $0x0  }
0x1d: {  	s5 =	simm.s32 @p1 $0x1;
	p0 =	seq.s32 s7, s2  }
0x1e: {  	s7 =	smul.u32 @!p0 $0xF7A, s2;
	p2 =	seq.s32 @!p0 s5, $0x0  }
0x1f: {  	s9 =	smul.u32 $0xF7A, s1;
	s8 =	simm.s32 @!p0 $0x1BF5;
	p2 =	por !p2, p0  }
0x20: {  	[sflag:s8] =	ssyncset.s32 @!p0 $0xFFFFF086;
	s6 =	sadd.s32 @!p0 s3, s7;
	s7 =	simm.s32 @!p0 $0x108  }
0x21: {  	s3 =	sadd.s32 s3, s9;
	s6 =	sadd.s32 @!p0 $0x88, s6;
	s7 =	simm.s32 @p2 $0x1082  }
0x22: {  	[simem:s7], [sflag:s8] =	dma.local @!p0 [hbm:s6], $0xF7A  }
0x23: {  	s9 =	sor.u32 $0xD0000000, s2;
	s6 =	simm.s32 $0x108;
	_ =	swait.ge @!p0 [sflag:s8], $0x0  }
0x24: {  	s3 =	sadd.s32 $0x88, s3;
	s6 =	simm.s32 @!p1 $0x1082;
	[sflag:s4] =	ssyncset.s32 $0xFFFFF086  }
0x25: {  	[simem:s6], [sflag:s4] =	dma.local [hbm:s3], $0xF7A  }
0x26: {  	[smem:$0x3F92] =	sst s1;
	(tag) =	ssettag s2;
	_ =	strace s9  }
0x27: {  	s1 =	sld [smem:$0x3FA2]  }
0x28: {  	s2 =	sld [smem:$0x3FA3]  }
0x29: {  	s4 =	sld [smem:$0x3FA5]  }
0x2a: {  	p0 =	seq.s32 s5, $0x0;
	s5 =	sld [smem:$0x3FA6]  }
0x2b: {  	s6 =	sld [smem:$0x3FA7]  }
0x2c: {  	s7 =	sld [smem:$0x3FA8]  }
0x2d: {  	s3 =	simm.s32 $0x108;
	s8 =	sld [smem:$0x3FA9]  }
0x2e: {  	s3 =	simm.s32 @!p0 $0x1082;
	s9 =	sld [smem:$0x3FAA]  }
0x2f: {  	lr =	sadd.s32 s0, s3;
	s0 =	sld [smem:$0x3FA1]  }
0x30: {  	s3 =	sld [smem:$0x3FA4]  }
0x31: {  	[smem:$0x3FAD] =	sst s10  }
0x32: {  	s10 =	sld [smem:$0x3FAB];
	_ =	sdelay $0x3  }
0x33: {  	p0 =	seq.s32 s10, $0x1;
	s10 =	sld [smem:$0x3FAD];
	_ =	sdelay $0x3  }
0x34: {  	[smem:$0x3FAD] =	sst s10  }
0x35: {  	s10 =	sld [smem:$0x3FAC];
	_ =	sdelay $0x3  }
0x36: {  	p1 =	seq.s32 s10, $0x1;
	s10 =	sld [smem:$0x3FAD];
	_ =	sdelay $0x3  }
0x37: {  	[smem:$0x3FAD] =	sst s10  }
0x38: {  	s10 =	sld [smem:$0x3FAE]  }
0x39: {  	_ = 	snop;
	(pc) =	sbr.ind lr, $3  }
0x3a: {  	_ = 	snop  }
0x3b: {  	_ = 	snop  }
0x3c: {  	p2 =	seq.s32 s10, $0x1;
	s10 =	sld [smem:$0x3FAD]  }
0x3d: {  	_ =	shalt  }
0x3e: {  	_ =	shalt  }
0x3f: {  	_ =	shalt  }
0x40: {  	_ =	shalt  }
0x41: {  	_ =	shalt  }
0x42: {  	_ =	shalt  }
0x43: {  	_ =	shalt  }
0x44: {  	_ =	shalt  }
0x45: {  	_ =	shalt  }
0x46: {  	_ =	shalt  }
0x47: {  	_ =	shalt  }
0x48: {  	_ =	shalt  }
0x49: {  	_ =	shalt  }
0x4a: {  	_ =	shalt  }
0x4b: {  	_ =	shalt  }
0x4c: {  	_ =	shalt  }
0x4d: {  	_ =	shalt  }
0x4e: {  	_ =	shalt  }
0x4f: {  	_ =	shalt  }
0x50: {  	_ =	shalt  }
0x51: {  	_ =	shalt  }
0x52: {  	_ =	shalt  }
0x53: {  	_ =	shalt  }
0x54: {  	_ =	shalt  }
0x55: {  	_ =	shalt  }
0x56: {  	_ =	shalt  }
0x57: {  	_ =	shalt  }
0x58: {  	_ =	shalt  }
0x59: {  	_ =	shalt  }
0x5a: {  	_ =	shalt  }
0x5b: {  	_ =	shalt  }
0x5c: {  	_ =	shalt  }
0x5d: {  	_ =	shalt  }
0x5e: {  	_ =	shalt  }
0x5f: {  	_ =	shalt  }
0x60: {  	_ =	shalt  }
0x61: {  	_ =	shalt  }
0x62: {  	_ =	shalt  }
0x63: {  	_ =	shalt  }
0x64: {  	_ =	shalt  }
0x65: {  	_ =	shalt  }
0x66: {  	_ =	shalt  }
0x67: {  	_ =	shalt  }
0x68: {  	_ =	shalt  }
0x69: {  	_ =	shalt  }
0x6a: {  	_ =	shalt  }
0x6b: {  	_ =	shalt  }
0x6c: {  	_ =	shalt  }
0x6d: {  	_ =	shalt  }
0x6e: {  	_ =	shalt  }
0x6f: {  	_ =	shalt  }
0x70: {  	_ =	shalt  }
0x71: {  	_ =	shalt  }
0x72: {  	_ =	shalt  }
0x73: {  	_ =	shalt  }
0x74: {  	_ =	shalt  }
0x75: {  	_ =	shalt  }
0x76: {  	_ =	shalt  }
0x77: {  	_ =	shalt  }
0x78: {  	_ =	shalt  }
0x79: {  	_ =	shalt  }
0x7a: {  	_ =	shalt  }
0x7b: {  	_ =	shalt  }
0x7c: {  	_ =	shalt  }
0x7d: {  	_ =	shalt  }
0x7e: {  	_ =	shalt  }
0x7f: {  	_ =	shalt  }
0x80: {  	_ =	shalt  }
0x81: {  	_ =	shalt  }
0x82: {  	_ =	shalt  }
0x83: {  	_ =	shalt  }
0x84: {  	_ =	shalt  }
0x85: {  	_ =	shalt  }
0x86: {  	_ =	shalt  }
0x87: {  	_ =	shalt  }
.Lfunc_end0:
.L_simem_size_0:
called_computation.3_lowered:
.L_overlay_start_0:
0x88: {  	s2 =	sld [smem:$0x3FD9]  }
0x89: {  	s3 =	sld [smem:$0x3FFE];
	_ =	sdelay $0x1  }
0x8a: {  	s1 =	srdreg.scid  }
0x8b: {  	s0 =	sand.u32 $0x1, s1  }
0x8c: {  	s16 =	sshll.u32 s0, $0xA;
	s2 =	sadd.s32 s3, s2  }
0x8d: {  	s2 =	sadd.s32 s2, s16  }
0x8e: {  	[smem:$0x3FB9] =	sst s2  }
0x8f: {  	_ = 	snop  }
0x90: {  	(tm) =	ssettm $0x1  }
0x91: {  	s17 =	sld [smem:$0x3FFB];
	_ =	sdelay $0x3  }
0x92: {  	_ =	strace s17  }
0x93: {  	s2 =	sld [smem:$0x3FFC];
	_ =	sdelay $0x3  }
0x94: {  	_ =	strace s2  }
0x95: {  	s2 =	sld [smem:$0x3FFD];
	_ =	sdelay $0x3  }
0x96: {  	_ =	strace s2  }
0x97: {  	_ =	strace $0x8FFFFFFF  }
0x98: {  	s18 =	sld [smem:$0x3FDB];
	_ =	sdelay $0x1  }
0x99: {  	s19 =	simm.s32 $_scs_section_size  }
0x9a: {  	s4 =	simm.s32 $_size__tile_overlayer_lowered;
	s5 =	simm.s32 $_tile_overlayer_lowered  }
0x9b: {  	s22 =	simm.s32 $0x1BFF;
	s21 =	sshll.u32 s5, $0x1;
	s2 =	sadd.s32 s19, s18  }
0x9c: {  	s6 =	simm.s32 $0x0;
	s20 =	sshll.u32 s4, $0x1;
	s4 =	sadd.s32 s21, s2  }
0x9d: {  	[timem:s6], [sflag:s22] =	dma.local [hbm:s4], s20  }
0x9e: {  	_ =	swait.ge [sflag:s22], s20  }
0x9f: {  	s3 =	ssub.s32 $0x0, s20;
	[sflag:s22] =	ssyncset.done $0x0  }
0xa0: {  	[sflag:s22] =	ssyncadd.s32 s3;
	_ =	sdelay $0x1  }
0xa1: {  	s23 =	simm.s32 $0x1B8B  }
0xa2: {  	_ =	swait.ge [sflag:s23], $0x1  }
0xa3: {  	[sflag:s23] =	ssyncset.done $0x0  }
0xa4: {  	s25 =	simm.s32 $0x1B8E;
	s24 =	sld [smem:$0x3FFE];
	[sflag:s23] =	ssyncadd.s32 $0xFFFFFFFF  }
0xa5: {  	s26 =	simm.s32 $execute0_lowered;
	[smem:$0x3FD2] =	sst s25  }
0xa6: {  	s4 =	sshll.u32 s26, $0x1;
	_ =	strace $0x8000004C;
	[dreg:$0x1] =	wrdreg $0xFFFFFFFF  }
0xa7: {  	s28 =	simm.s32 $_size_execute0_lowered;
	s2 =	sadd.s32 s2, s4;
	[dreg:$0x0] =	wrdreg $0x0  }
0xa8: {  	s4 =	sshll.u32 s28, $0x1;
	[dreg:$0x2] =	wrdreg s2  }
0xa9: {  	[dreg:$0x3] =	wrdreg s4  }
0xaa: {  	[dreg:$0x4] =	wrdreg $0xC0  }
0xab: {  	_ =	task [dreg:s6], $0x5FFFF  }
0xac: {  	[dreg:$0x1] =	wrdreg $0xFFFFFFFF  }
0xad: {  	[dreg:$0x0] =	wrdreg $0x60  }
0xae: {  	[dreg:$0x2] =	wrdreg s24  }
0xaf: {  	[dreg:$0x3] =	wrdreg $0x9  }
0xb0: {  	_ =	task.clear_ibuf [dreg:s6], $0x4FFFF;
	_ =	strace $0x9000004C  }
0xb1: {  	s29 =	simm.s32 $0x9;
	_ =	strace $0x8000004E  }
0xb2: {  	_ =	swait.ge [sflag:s29], $0x1  }
0xb3: {  	[sflag:s29] =	ssyncadd.s32 $0xFFFFFFFF  }
0xb4: {  	_ =	strace $0x9000004E  }
0xb5: {  	_ =	sfence  }
0xb6: {  	s30 =	sld [smem:$0x0];
	_ =	sdelay $0x2  }
0xb7: {  	s31 =	sshll.u32 s1, $0xD;
	s1 =	sshrl.u32 s1, $0x2  }
0xb8: {  	s3 =	sand.u32 $0x4000, s31;
	s1 =	sadd.s32 s1, s30  }
0xb9: {  	s0 =	sor.u32 s3, s0;
	s1 =	sshll.u32 s1, $0x11  }
0xba: {  	s0 =	sor.u32 s1, s0  }
0xbb: {  	s0 =	sadd.s32 $0x8F2B, s0  }
0xbc: {  	[sflag:s0] =	ssyncadd.remote.s32 $0x1  }
0xbd: {  	_ =	sfence.sel $0xFFFF  }
0xbe: {  	[dreg:$0x0] =	wrdreg $0xFFFFFFFF;
	(pc) =	sbr.abs _section_cstart, $3  }
0xbf: {  	[dreg:$0x1] =	wrdreg $0xFFFFFFFF  }
0xc0: {  	_ =	task.clear_ibuf [dreg:s6], $0x2FFFF;
	_ =	strace $0x9FFFFFFF  }
0xc1: {  	(tm) =	ssettm $0x7FFFFFFF  }
tec
execute0_lowered:
.L_overlay_start_1:
0x0: {  	(tag) =	ssettag $0x1  }
0x1: {  	s8 =	rddreg [dreg:$0x0]  }
0x2: {  	s0 =	rddreg [dreg:$0x1];
	_ =	strace $0x8000004D;
	s1 =	stileid.u32  }
0x3: {  	s3 =	srdreg.scid;
	s4 =	simm.s32 $0x1;
	s7 =	simm.s32 $0x1  }
0x4: {  	s9 =	simm.s32 $0x1;
	s10 =	simm.s32 $0x3;
	s13 =	simm.s32 $0x0  }
0x5: {  	s12 =	simm.s32 $0x0;
	s5 =	sand.u32 $0x1, s3;
	s6 =	sshll.u32 s1, $0x1  }
0x6: {  	s2 =	sadd.s32 $0x27800, s8;
	s3 =	sadd.s32 $0x76A00, s8;
	s5 =	sor.u32 s6, s5  }
.Ltmp0:
0x7: {  	[sflag:s4] =	ssyncpa.u1 $0x0;
	p0 =	slt.u32 s5, $0x11;
	(pc) =	sbr.rel .LBB2_1-.Ltmp0, $4  }
0x8: {  	s6 =	simm.s32 $0x2;
	s7 =	simm.s32 @!p0 $0x0;
	p0 =	sne.s32 s5, $0x10  }
0x9: {  	[sflag:s6] =	ssyncpa.u1 $0x0;
	s5 =	smul.u32 $0x340, s5;
	s9 =	simm.s32 @!p0 $0x0  }
0xa: {  	s8 =	sadd.s32 $0x33800, s8;
	[sflag:s10] =	ssyncpa.u1 $0x0;
	s7 =	sadd.s32 s9, s7  }
0xb: {  	vm0 =	vmmov $0xffff;
	s10 =	simm.s32 $0x0;
	s11 =	smov.u32 s5;
	s9 =	sadd.s32 $0x1, s7  }
.LBB2_4:
0xc: {  	v2 =	vand.u32 $0x7, v2;
	v3 =	vshrl.u32 v0, $0xC;
	v62 =	vshll.u32 v0, $0xA  }
0xd: {  	v2 =	vsel vm1, $0xFFFFFFFF, v2;
	v3 =	vand.u32 $0xF, v3;
	v0 =	vand.u32 $0x7FC00, v62  }
0xe: {  	v3 =	vsel vm1, $0xFFFFFFFF, v3;
	v0 =	vsel vm1, $0xFFFFFC00, v0;
	v4 =	vand.u32 $0xFFFFFC00, v2  }
0xf: {  	v0 =	vadd.s32 v0, v4;
	v63 =	vand.u32 $0xFFFFFC00, v3  }
0x10: {  	v2 =	vshll.u32 v2, $0x7;
	v3 =	vand.u32 $0x7F, v3;
	v0 =	vadd.s32 v63, v0  }
0x11: {  	v2 =	vand.u32 $0x380, v2;
	v0 =	vor.u32 v3, v0  }
0x12: {  	v0 =	vor.u32 v2, v0;
	_ =	sdelay $0x1  }
0x13: {  	(ifvalue) =	ssetifvalue $0x7FFFFFFF;
	s15 =	sadd.s32 $0x10, s15  }
0x14: {  	[tilespmem:s15], [sflag:$0x1] =	stream.indirect_vreg.gather [hbm4b:s2+s10], $0x1, v1, vm0, $0x4038;
	[tilespmem:$0xD00] =	vst v63  }
0x15: {  	(ifvalue) =	ssetifvalue $0x7FFFFFFF;
	s15 =	sadd.s32 $0x10, s15  }
0x16: {  	[tilespmem:s15], [sflag:$0x1] =	stream.indirect_vreg.gather [hbm4b:s2+s10], $0x1, v0, vm0, $0x4038;
	[tilespmem:$0xD00] =	vst v63  }
0x17: {  	_ =	swait.ge [sflag:s4], $0x340  }
0x18: {  	s30 =	sshrl.u32 s13, $0x3;
	[sflag:s4] =	ssyncset.done $0x0  }
0x19: {  	s31 =	sand.u32 $0x7, s13;
	s15 =	sadd.s32 s8, s30;
	[sflag:s4] =	ssyncadd.s32 $0xFFFFFCC0  }
0x1a: {  	[hbm4b:s15+s31] =	stream.linear.scatter [tilespmem:s14], [sflag:$0x3], $0x340, $0x38;
	[tilespmem:$0xD00] =	vst v63  }
.LBB2_5:
0x1b: {  	s15 =	sadd.s32 $0x6800, s11  }
0x1c: {  	p1 =	sgt.s32 s15, $0x9BFF  }
0x1d: {  	s15 =	smov.u32 @p1 s5;
	p1 =	sne.s32 s12, s9  }
.Ltmp1:
0x1e: {  	p0 =	slt.u32 s12, $0x2;
	(pc) =	sbr.rel @!p1 .LBB2_6-.Ltmp1, $4  }
0x1f: {  	s14 =	simm.s32 @!p0 $0x3  }
0x20: {  	_ =	swait.ge @!p0 [sflag:s14], $0x340  }
0x21: {  	s16 =	sadd.s32 $0x1, s12;
	s13 =	smov.u32 s11;
	[sflag:s14] =	ssyncset.done @!p0 $0x0  }
0x22: {  	s12 =	smov.u32 s16;
	s11 =	smov.u32 s15;
	[sflag:s14] =	ssyncadd.s32 @!p0 $0xFFFFFCC0  }
.LBB2_1:
0x23: {  	p0 =	sge.u32 s12, s7  }
0x24: {  	s14 =	sxor.u32 @!p0 $0x1, s12  }
0x25: {  	s14 =	smul.u32 @!p0 $0xD00, s14  }
0x26: {  	s31 =	sadd.s32 $0xFFFFFFFF, s12;
	s15 =	sshrl.u32 @!p0 s11, $0x3  }
0x27: {  	s16 =	sand.u32 @!p0 $0x7, s11;
	s15 =	sadd.s32 @!p0 s3, s15;
	s14 =	sshra.s32 @!p0 s14, $0x2  }
0x28: {  	[tilespmem:s14], [sflag:$0x2] =	stream.linear.gather @!p0 [hbm4b:s15+s16], $0x340, $0x38;
	[tilespmem:$0xD00] =	vst v63  }
0x29: {  	p0 =	sge.u32 s31, s7  }
.Ltmp2:
0x2a: {  	_ = 	snop;
	(pc) =	sbr.rel @p0 .LBB2_5-.Ltmp2, $1  }
0x2b: {  	_ =	sdelay $0x3  }
0x2c: {  	s14 =	sand.u32 $0x1, s12  }
0x2d: {  	_ =	swait.ge [sflag:s6], $0x340;
	p0 =	seq.s32 s14, $0x1;
	s14 =	simm.s32 $0x340  }
0x2e: {  	[sflag:s6] =	ssyncset.done $0x0;
	s14 =	simm.s32 @!p0 $0x0  }
0x2f: {  	[sflag:s6] =	ssyncadd.s32 $0xFFFFFCC0;
	(ifvalue) =	ssetifvalue $0x7FFFFFFF;
	v0 =	vld.msk [tilespmem:s14+$0x0 ss:$0x1], $0xffff  }
0x30: {  	s15 =	sadd.s32 $0x10, s14  }
0x31: {  	v3 =	vld.msk [tilespmem:s15+$0x0 ss:$0x1], $0xffff;
	_ =	sdelay $0x2  }
0x32: {  	vm1 =	veq.s32 v0, $0x80000000;
	v1 =	vshrl.u32 v0, $0x9;
	v2 =	vshrl.u32 v0, $0xC  }
0x33: {  	v0 =	vshll.u32 v0, $0xA;
	v1 =	vand.u32 $0x7, v1;
	v2 =	vand.u32 $0xF, v2  }
0x34: {  	v0 =	vand.u32 $0x7FC00, v0;
	v62 =	vshrl.u32 v3, $0xC;
	v1 =	vsel vm1, $0xFFFFFFFF, v1  }
0x35: {  	v2 =	vsel vm1, $0xFFFFFFFF, v2;
	v0 =	vsel vm1, $0xFFFFFC00, v0;
	v4 =	vand.u32 $0xFFFFFC00, v1  }
0x36: {  	vm1 =	veq.s32 v3, $0x80000000;
	v61 =	vand.u32 $0xFFFFFC00, v2;
	v0 =	vadd.s32 v0, v4  }
0x37: {  	v2 =	vand.u32 $0x7F, v2;
	v1 =	vshll.u32 v1, $0x7;
	v0 =	vadd.s32 v61, v0  }
0x38: {  	v1 =	vand.u32 $0x380, v1;
	v0 =	vor.u32 v2, v0;
	v2 =	vshrl.u32 v3, $0x9  }
0x39: {  	s15 =	sadd.s32 $0x10, s15;
	v3 =	vshll.u32 v3, $0xA;
	v1 =	vor.u32 v1, v0;
	v2 =	vand.u32 $0x7, v2  }
0x3a: {  	v4 =	vand.u32 $0xF, v62;
	v0 =	vld.msk [tilespmem:s15+$0x0 ss:$0x1], $0xffff;
	v3 =	vand.u32 $0x7FC00, v3;
	v2 =	vsel vm1, $0xFFFFFFFF, v2  }
0x3b: {  	v4 =	vsel vm1, $0xFFFFFFFF, v4;
	v3 =	vsel vm1, $0xFFFFFC00, v3;
	v5 =	vand.u32 $0xFFFFFC00, v2  }
0x3c: {  	v63 =	vand.u32 $0xFFFFFC00, v4;
	v3 =	vadd.s32 v3, v5  }
0x3d: {  	s14 =	sadd.s32 $0x680, s14;
	v4 =	vand.u32 $0x7F, v4;
	(ifvalue) =	ssetifvalue $0x7FFFFFFF;
	v2 =	vshll.u32 v2, $0x7;
	v3 =	vadd.s32 v63, v3  }
0x3e: {  	[tilespmem:s14], [sflag:$0x1] =	stream.indirect_vreg.gather [hbm4b:s2+s10], $0x1, v1, vm0, $0x4038;
	v1 =	vand.u32 $0x380, v2;
	v3 =	vor.u32 v4, v3;
	[tilespmem:$0xD00] =	vst v63  }
0x3f: {  	s16 =	simm.s32 $0x20;
	s17 =	sadd.s32 $0x10, s15;
	s15 =	smov.u32 s14;
	vm1 =	veq.s32 v0, $0x80000000;
	v2 =	vshrl.u32 v0, $0x9;
	v1 =	vor.u32 v1, v3  }
.LBB2_3:
0x40: {  	s16 =	sadd.s32 $0x10, s16;
	v2 =	vand.u32 $0x7, v2;
	v3 =	vshrl.u32 v0, $0xC;
	v4 =	vshll.u32 v0, $0xA;
	v0 =	vld.msk [tilespmem:s17+$0x0 ss:$0x1], $0xffff  }
0x41: {  	p0 =	slt.u32 s16, $0x330;
	v2 =	vsel vm1, $0xFFFFFFFF, v2;
	v3 =	vand.u32 $0xF, v3;
	v4 =	vand.u32 $0x7FC00, v4  }
.Ltmp3:
0x42: {  	v3 =	vsel vm1, $0xFFFFFFFF, v3;
	v4 =	vsel vm1, $0xFFFFFC00, v4;
	v5 =	vand.u32 $0xFFFFFC00, v2;
	(pc) =	sbr.rel @p0 .LBB2_3-.Ltmp3, $4  }
0x43: {  	s15 =	sadd.s32 $0x10, s15;
	v4 =	vadd.s32 v4, v5;
	v5 =	vand.u32 $0xFFFFFC00, v3;
	(ifvalue) =	ssetifvalue $0x7FFFFFFF  }
0x44: {  	v2 =	vshll.u32 v2, $0x7;
	v3 =	vand.u32 $0x7F, v3;
	v4 =	vadd.s32 v5, v4;
	[tilespmem:s15], [sflag:$0x1] =	stream.indirect_vreg.gather [hbm4b:s2+s10], $0x1, v1, vm0, $0x4038;
	[tilespmem:$0xD00] =	vst v63  }
0x45: {  	v1 =	vand.u32 $0x380, v2;
	v3 =	vor.u32 v3, v4  }
0x46: {  	s17 =	sadd.s32 $0x10, s17;
	vm1 =	veq.s32 v0, $0x80000000;
	v2 =	vshrl.u32 v0, $0x9;
	v1 =	vor.u32 v1, v3  }
.Ltmp4:
0x47: {  	_ = 	snop;
	(pc) =	sbr.rel .LBB2_4-.Ltmp4, $1  }
0x48: {  	_ =	sdelay $0x3  }
.LBB2_6:
0x49: {  	_ =	sfence.sel $0x180000  }
0x4a: {  	s2 =	simm.s32 $0x2;
	[bflag:$0x0] =	sbarrier.arrive $0xFFFF  }
0x4b: {  	s30 =	simm.s32 $0x3;
	[sflag:s2] =	ssyncpa.u1 $0x1  }
0x4c: {  	s31 =	simm.s32 $0x1;
	[sflag:s30] =	ssyncpa.u1 $0x1  }
0x4d: {  	[sflag:s31] =	ssyncpa.u1 $0x1  }
0x4e: {  	p0 =	sne.s32 s1, $0x0;
	_ =	strace $0x9000004D  }
0x4f: {  	s0 =	sadd.s32 @!p0 $0x100000, s0;
	[bflag:$0x2] =	sbarrier.arrive $0xFFFF  }
0x50: {  	[sflag:s0] =	ssyncadd.tile.s32 @!p0 $0x1;
	_ =	shalt  }
.Lfunc_end2:
_tile_overlayer_lowered:
.L_overlay_start_2:
0x51: {  	(tag) =	ssettag $0x2  }
0x52: {  	s0 =	rddreg [dreg:$0x0];
	s2 =	stileid.u32  }
0x53: {  	s1 =	rddreg [dreg:$0x1];
	p0 =	sne.s32 s2, $0x0  }
0x54: {  	s3 =	rddreg [dreg:$0x2];
	[bflag:$0x3] =	sbarrier.arrive $0xFFFF;
	s2 =	simm.s32 @!p0 $0x1C01  }
0x55: {  	[timem:s3], [sflag:s2] =	dma.local @!p0 [hbm:s0], s1  }
0x56: {  	s0 =	simm.s32 @!p0 $0x1  }
0x57: {  	_ =	swait.ge @!p0 [sflag:s0], s1  }
0x58: {  	s1 =	ssub.s32 @!p0 $0x0, s1;
	[sflag:s0] =	ssyncset.done @!p0 $0x0  }
0x59: {  	[sflag:s0] =	ssyncadd.s32 @!p0 s1  }
0x5a: {  	[bflag:$0x3] =	sbarrier.arrive $0xFFFF  }
0x5b: {  	_ =	shalt  }

// kernel: gather_offload_async_start.4
scs
__scs_entry_jumppad:
0x0: {  	(pc) =	sbr.rel $0x88, $3  }
0x1: {  	(tag) =	ssettag $0x0;
	lr =	simm.s32 $0x1  }
0x2: {  	[smem:$0x3F92] =	sst lr;
	_ =	strace $0xD0000000  }
0x3: {  	_ = 	snop  }
0x4: {  	_ = 	snop  }
0x5: {  	_ = 	snop  }
0x6: {  	_ = 	snop  }
0x7: {  	_ = 	snop  }
__scs_overlays_trampoline_lowered:
0x8: {  	[smem:$0x3FA1] =	sst s0  }
0x9: {  	[smem:$0x3FA2] =	sst s1  }
0xa: {  	[smem:$0x3FA3] =	sst s2  }
0xb: {  	[smem:$0x3FA4] =	sst s3  }
0xc: {  	[smem:$0x3FA5] =	sst s4  }
0xd: {  	[smem:$0x3FA6] =	sst s5  }
0xe: {  	[smem:$0x3FA7] =	sst s6  }
0xf: {  	[smem:$0x3FA8] =	sst s7  }
0x10: {  	[smem:$0x3FA9] =	sst s8  }
0x11: {  	[smem:$0x3FAA] =	sst s9;
	s0 =	simm.s32 @!p0 $0x0  }
0x12: {  	s1 =	sld [smem:$0x3F90];
	s0 =	simm.s32 @p0 $0x1  }
0x13: {  	[smem:$0x3FAB] =	sst s0;
	s0 =	simm.s32 @!p1 $0x0  }
0x14: {  	s2 =	sld [smem:$0x3F8F];
	s0 =	simm.s32 @p1 $0x1  }
0x15: {  	[smem:$0x3FAC] =	sst s0;
	s0 =	simm.s32 @!p2 $0x0  }
0x16: {  	s3 =	sld [smem:$0x3FDB];
	s0 =	simm.s32 @p2 $0x1  }
0x17: {  	s4 =	simm.s32 $0x1BF5;
	[smem:$0x3FAE] =	sst s0  }
0x18: {  	s0 =	sld [smem:$0x3F91];
	_ =	swait.ge [sflag:s4], $0x0  }
0x19: {  	s7 =	sld [smem:$0x3F92]  }
0x1a: {  	s8 =	sadd.s32 $0xFFFFE003, lr  }
0x1b: {  	s9 =	sadd.s32 $0xFFFFFEF7, lr;
	s5 =	simm.s32 $0xFFFFFFFF;
	p2 =	slt.u32 s8, $0xFFFFF086  }
0x1c: {  	p1 =	slt.u32 s9, $0xF7A;
	s5 =	simm.s32 @!p2 $0x0  }
0x1d: {  	s5 =	simm.s32 @p1 $0x1;
	p0 =	seq.s32 s7, s2  }
0x1e: {  	s7 =	smul.u32 @!p0 $0xF7A, s2;
	p2 =	seq.s32 @!p0 s5, $0x0  }
0x1f: {  	s9 =	smul.u32 $0xF7A, s1;
	s8 =	simm.s32 @!p0 $0x1BF5;
	p2 =	por !p2, p0  }
0x20: {  	[sflag:s8] =	ssyncset.s32 @!p0 $0xFFFFF086;
	s6 =	sadd.s32 @!p0 s3, s7;
	s7 =	simm.s32 @!p0 $0x108  }
0x21: {  	s3 =	sadd.s32 s3, s9;
	s6 =	sadd.s32 @!p0 $0x88, s6;
	s7 =	simm.s32 @p2 $0x1082  }
0x22: {  	[simem:s7], [sflag:s8] =	dma.local @!p0 [hbm:s6], $0xF7A  }
0x23: {  	s9 =	sor.u32 $0xD0000000, s2;
	s6 =	simm.s32 $0x108;
	_ =	swait.ge @!p0 [sflag:s8], $0x0  }
0x24: {  	s3 =	sadd.s32 $0x88, s3;
	s6 =	simm.s32 @!p1 $0x1082;
	[sflag:s4] =	ssyncset.s32 $0xFFFFF086  }
0x25: {  	[simem:s6], [sflag:s4] =	dma.local [hbm:s3], $0xF7A  }
0x26: {  	[smem:$0x3F92] =	sst s1;
	(tag) =	ssettag s2;
	_ =	strace s9  }
0x27: {  	s1 =	sld [smem:$0x3FA2]  }
0x28: {  	s2 =	sld [smem:$0x3FA3]  }
0x29: {  	s4 =	sld [smem:$0x3FA5]  }
0x2a: {  	p0 =	seq.s32 s5, $0x0;
	s5 =	sld [smem:$0x3FA6]  }
0x2b: {  	s6 =	sld [smem:$0x3FA7]  }
0x2c: {  	s7 =	sld [smem:$0x3FA8]  }
0x2d: {  	s3 =	simm.s32 $0x108;
	s8 =	sld [smem:$0x3FA9]  }
0x2e: {  	s3 =	simm.s32 @!p0 $0x1082;
	s9 =	sld [smem:$0x3FAA]  }
0x2f: {  	lr =	sadd.s32 s0, s3;
	s0 =	sld [smem:$0x3FA1]  }
0x30: {  	s3 =	sld [smem:$0x3FA4]  }
0x31: {  	[smem:$0x3FAD] =	sst s10  }
0x32: {  	s10 =	sld [smem:$0x3FAB];
	_ =	sdelay $0x3  }
0x33: {  	p0 =	seq.s32 s10, $0x1;
	s10 =	sld [smem:$0x3FAD];
	_ =	sdelay $0x3  }
0x34: {  	[smem:$0x3FAD] =	sst s10  }
0x35: {  	s10 =	sld [smem:$0x3FAC];
	_ =	sdelay $0x3  }
0x36: {  	p1 =	seq.s32 s10, $0x1;
	s10 =	sld [smem:$0x3FAD];
	_ =	sdelay $0x3  }
0x37: {  	[smem:$0x3FAD] =	sst s10  }
0x38: {  	s10 =	sld [smem:$0x3FAE]  }
0x39: {  	_ = 	snop;
	(pc) =	sbr.ind lr, $3  }
0x3a: {  	_ = 	snop  }
0x3b: {  	_ = 	snop  }
0x3c: {  	p2 =	seq.s32 s10, $0x1;
	s10 =	sld [smem:$0x3FAD]  }
0x3d: {  	_ =	shalt  }
0x3e: {  	_ =	shalt  }
0x3f: {  	_ =	shalt  }
0x40: {  	_ =	shalt  }
0x41: {  	_ =	shalt  }
0x42: {  	_ =	shalt  }
0x43: {  	_ =	shalt  }
0x44: {  	_ =	shalt  }
0x45: {  	_ =	shalt  }
0x46: {  	_ =	shalt  }
0x47: {  	_ =	shalt  }
0x48: {  	_ =	shalt  }
0x49: {  	_ =	shalt  }
0x4a: {  	_ =	shalt  }
0x4b: {  	_ =	shalt  }
0x4c: {  	_ =	shalt  }
0x4d: {  	_ =	shalt  }
0x4e: {  	_ =	shalt  }
0x4f: {  	_ =	shalt  }
0x50: {  	_ =	shalt  }
0x51: {  	_ =	shalt  }
0x52: {  	_ =	shalt  }
0x53: {  	_ =	shalt  }
0x54: {  	_ =	shalt  }
0x55: {  	_ =	shalt  }
0x56: {  	_ =	shalt  }
0x57: {  	_ =	shalt  }
0x58: {  	_ =	shalt  }
0x59: {  	_ =	shalt  }
0x5a: {  	_ =	shalt  }
0x5b: {  	_ =	shalt  }
0x5c: {  	_ =	shalt  }
0x5d: {  	_ =	shalt  }
0x5e: {  	_ =	shalt  }
0x5f: {  	_ =	shalt  }
0x60: {  	_ =	shalt  }
0x61: {  	_ =	shalt  }
0x62: {  	_ =	shalt  }
0x63: {  	_ =	shalt  }
0x64: {  	_ =	shalt  }
0x65: {  	_ =	shalt  }
0x66: {  	_ =	shalt  }
0x67: {  	_ =	shalt  }
0x68: {  	_ =	shalt  }
0x69: {  	_ =	shalt  }
0x6a: {  	_ =	shalt  }
0x6b: {  	_ =	shalt  }
0x6c: {  	_ =	shalt  }
0x6d: {  	_ =	shalt  }
0x6e: {  	_ =	shalt  }
0x6f: {  	_ =	shalt  }
0x70: {  	_ =	shalt  }
0x71: {  	_ =	shalt  }
0x72: {  	_ =	shalt  }
0x73: {  	_ =	shalt  }
0x74: {  	_ =	shalt  }
0x75: {  	_ =	shalt  }
0x76: {  	_ =	shalt  }
0x77: {  	_ =	shalt  }
0x78: {  	_ =	shalt  }
0x79: {  	_ =	shalt  }
0x7a: {  	_ =	shalt  }
0x7b: {  	_ =	shalt  }
0x7c: {  	_ =	shalt  }
0x7d: {  	_ =	shalt  }
0x7e: {  	_ =	shalt  }
0x7f: {  	_ =	shalt  }
0x80: {  	_ =	shalt  }
0x81: {  	_ =	shalt  }
0x82: {  	_ =	shalt  }
0x83: {  	_ =	shalt  }
0x84: {  	_ =	shalt  }
0x85: {  	_ =	shalt  }
0x86: {  	_ =	shalt  }
0x87: {  	_ =	shalt  }
.Lfunc_end0:
.L_simem_size_0:
called_computation.4_lowered:
.L_overlay_start_0:
0x88: {  	s2 =	sld [smem:$0x3FD9]  }
0x89: {  	s3 =	sld [smem:$0x3FFE];
	_ =	sdelay $0x1  }
0x8a: {  	s1 =	srdreg.scid  }
0x8b: {  	s0 =	sand.u32 $0x1, s1  }
0x8c: {  	s17 =	sshll.u32 s0, $0xA;
	s2 =	sadd.s32 s3, s2  }
0x8d: {  	s2 =	sadd.s32 s2, s17  }
0x8e: {  	[smem:$0x3FB9] =	sst s2  }
0x8f: {  	_ = 	snop  }
0x90: {  	(tm) =	ssettm $0x1  }
0x91: {  	s18 =	sld [smem:$0x3FFB];
	_ =	sdelay $0x3  }
0x92: {  	_ =	strace s18  }
0x93: {  	s2 =	sld [smem:$0x3FFC];
	_ =	sdelay $0x3  }
0x94: {  	_ =	strace s2  }
0x95: {  	s2 =	sld [smem:$0x3FFD];
	_ =	sdelay $0x3  }
0x96: {  	_ =	strace s2  }
0x97: {  	_ =	strace $0x8FFFFFFF  }
0x98: {  	s19 =	sld [smem:$0x3FDB];
	_ =	sdelay $0x1  }
0x99: {  	s20 =	simm.s32 $_scs_section_size  }
0x9a: {  	s4 =	simm.s32 $_size__tile_overlayer_lowered;
	s5 =	simm.s32 $_tile_overlayer_lowered  }
0x9b: {  	s6 =	simm.s32 $0x1BFF;
	s21 =	sshll.u32 s5, $0x1;
	s3 =	sadd.s32 s20, s19  }
0x9c: {  	s22 =	simm.s32 $0x0;
	s4 =	sshll.u32 s4, $0x1;
	s5 =	sadd.s32 s21, s3  }
0x9d: {  	[timem:s22], [sflag:s6] =	dma.local [hbm:s5], s4  }
0x9e: {  	_ =	swait.ge [sflag:s6], s4  }
0x9f: {  	s4 =	ssub.s32 $0x0, s4;
	[sflag:s6] =	ssyncset.done $0x0  }
0xa0: {  	[sflag:s6] =	ssyncadd.s32 s4;
	_ =	sdelay $0x1  }
0xa1: {  	s23 =	simm.s32 $0x1B8B  }
0xa2: {  	_ =	swait.ge [sflag:s23], $0x1  }
0xa3: {  	[sflag:s23] =	ssyncset.done $0x0  }
0xa4: {  	[sflag:s23] =	ssyncadd.s32 $0xFFFFFFFF  }
0xa5: {  	s4 =	sld [smem:$0x0]  }
0xa6: {  	s5 =	sand.u32 $0xFFFFFFFE, s1  }
0xa7: {  	p0 =	sne.s32 s1, s5  }
0xa8: {  	s5 =	sshll.u32 @p0 s5, $0xE  }
0xa9: {  	s5 =	sadd.s32 @p0 $0x11B8D, s5;
	s6 =	sshll.u32 @p0 s4, $0x11  }
0xaa: {  	s5 =	sor.u32 @p0 s6, s5  }
0xab: {  	[sflag:s5] =	ssyncadd.remote.s32 @p0 $0x1;
	_ =	sdelay $0x1  }
0xac: {  	s5 =	simm.s32 @p0 $0x1B8D  }
0xad: {  	_ =	swait.eq @p0 [sflag:s5], $0x1  }
0xae: {  	[sflag:s5] =	ssyncadd.s32 @p0 $0xFFFFFFFF  }
0xaf: {  	s6 =	sshll.u32 @!p0 s1, $0xE  }
0xb0: {  	s6 =	sor.u32 @!p0 $0x4000, s6;
	s5 =	simm.s32 @!p0 $0x1B8D  }
0xb1: {  	s4 =	sshll.u32 @!p0 s4, $0x11;
	s6 =	sadd.s32 @!p0 $0x11B8D, s6;
	_ =	swait.eq @!p0 [sflag:s5], $0x1  }
0xb2: {  	s4 =	sor.u32 @!p0 s4, s6;
	[sflag:s5] =	ssyncadd.s32 @!p0 $0xFFFFFFFF  }
0xb3: {  	s25 =	simm.s32 $0x1B8E;
	s24 =	sld [smem:$0x3FFE];
	[sflag:s4] =	ssyncadd.remote.s32 @!p0 $0x1  }
0xb4: {  	s26 =	simm.s32 $execute0_lowered;
	[smem:$0x3FD2] =	sst s25  }
0xb5: {  	s5 =	sshll.u32 s26, $0x1;
	_ =	strace $0x8000004F;
	[dreg:$0x1] =	wrdreg $0xFFFFFFFF  }
0xb6: {  	s28 =	simm.s32 $_size_execute0_lowered;
	s3 =	sadd.s32 s3, s5;
	[dreg:$0x0] =	wrdreg $0x0  }
0xb7: {  	s5 =	sshll.u32 s28, $0x1;
	[dreg:$0x2] =	wrdreg s3  }
0xb8: {  	[dreg:$0x3] =	wrdreg s5  }
0xb9: {  	[dreg:$0x4] =	wrdreg $0xC0  }
0xba: {  	_ =	task [dreg:s22], $0x5FFFF  }
0xbb: {  	[dreg:$0x1] =	wrdreg $0xFFFFFFFF  }
0xbc: {  	[dreg:$0x0] =	wrdreg $0x60  }
0xbd: {  	[dreg:$0x2] =	wrdreg s24  }
0xbe: {  	[dreg:$0x3] =	wrdreg $0xA  }
0xbf: {  	_ =	task.clear_ibuf [dreg:s22], $0x4FFFF;
	_ =	strace $0x9000004F  }
0xc0: {  	s29 =	simm.s32 $0xA;
	_ =	strace $0x80000051  }
0xc1: {  	_ =	swait.ge [sflag:s29], $0x1  }
0xc2: {  	[sflag:s29] =	ssyncadd.s32 $0xFFFFFFFF  }
0xc3: {  	_ =	strace $0x90000051  }
0xc4: {  	_ =	sfence  }
0xc5: {  	s30 =	sld [smem:$0x0];
	_ =	sdelay $0x2  }
0xc6: {  	s31 =	sshll.u32 s1, $0xD;
	s1 =	sshrl.u32 s1, $0x2  }
0xc7: {  	s4 =	sand.u32 $0x4000, s31;
	s1 =	sadd.s32 s1, s30  }
0xc8: {  	s0 =	sor.u32 s4, s0;
	s1 =	sshll.u32 s1, $0x11  }
0xc9: {  	s0 =	sor.u32 s1, s0  }
0xca: {  	s0 =	sadd.s32 $0x8F2B, s0  }
0xcb: {  	[sflag:s0] =	ssyncadd.remote.s32 $0x1  }
0xcc: {  	_ =	sfence.sel $0xFFFF  }
0xcd: {  	[dreg:$0x0] =	wrdreg $0xFFFFFFFF;
	(pc) =	sbr.abs _section_cstart, $3  }
0xce: {  	[dreg:$0x1] =	wrdreg $0xFFFFFFFF  }
0xcf: {  	_ =	task.clear_ibuf [dreg:s22], $0x2FFFF;
	_ =	strace $0x9FFFFFFF  }
0xd0: {  	(tm) =	ssettm $0x7FFFFFFF  }
0xd1: {  	_ =	shalt  }
tec
execute0_lowered:
.L_overlay_start_1:
0x0: {  	(tag) =	ssettag $0x1  }
0x1: {  	s8 =	rddreg [dreg:$0x0]  }
0x2: {  	s0 =	rddreg [dreg:$0x1];
	_ =	strace $0x80000050;
	s1 =	stileid.u32  }
0x3: {  	s3 =	srdreg.scid;
	s4 =	simm.s32 $0x1;
	s7 =	simm.s32 $0x1  }
0x4: {  	s9 =	simm.s32 $0x1;
	s10 =	simm.s32 $0x3;
	s13 =	simm.s32 $0x0  }
0x5: {  	s12 =	simm.s32 $0x0;
	s5 =	sand.u32 $0x1, s3;
	s6 =	sshll.u32 s1, $0x1  }
0x6: {  	s2 =	sadd.s32 $0x34C00, s8;
	s3 =	sadd.s32 $0x76A00, s8;
	s5 =	sor.u32 s6, s5  }
.Ltmp0:
0x7: {  	[sflag:s4] =	ssyncpa.u1 $0x0;
	p0 =	slt.u32 s5, $0x11;
	(pc) =	sbr.rel .LBB2_1-.Ltmp0, $4  }
0x8: {  	s6 =	simm.s32 $0x2;
	s7 =	simm.s32 @!p0 $0x0;
	p0 =	sne.s32 s5, $0x10  }
0x9: {  	[sflag:s6] =	ssyncpa.u1 $0x0;
	s5 =	smul.u32 $0x340, s5;
	s9 =	simm.s32 @!p0 $0x0  }
0xa: {  	s8 =	sadd.s32 $0x40C00, s8;
	[sflag:s10] =	ssyncpa.u1 $0x0;
	s7 =	sadd.s32 s9, s7  }
0xb: {  	vm0 =	vmmov $0xffff;
	s10 =	simm.s32 $0x0;
	s11 =	smov.u32 s5;
	s9 =	sadd.s32 $0x1, s7  }
.LBB2_4:
0xc: {  	v2 =	vand.u32 $0x7, v2;
	v3 =	vshrl.u32 v0, $0xC;
	v62 =	vshll.u32 v0, $0xA  }
0xd: {  	v2 =	vsel vm1, $0xFFFFFFFF, v2;
	v3 =	vand.u32 $0xF, v3;
	v0 =	vand.u32 $0x7FC00, v62  }
0xe: {  	v3 =	vsel vm1, $0xFFFFFFFF, v3;
	v0 =	vsel vm1, $0xFFFFFC00, v0;
	v4 =	vand.u32 $0xFFFFFC00, v2  }
0xf: {  	v0 =	vadd.s32 v0, v4;
	v63 =	vand.u32 $0xFFFFFC00, v3  }
0x10: {  	v2 =	vshll.u32 v2, $0x7;
	v3 =	vand.u32 $0x7F, v3;
	v0 =	vadd.s32 v63, v0  }
0x11: {  	v2 =	vand.u32 $0x380, v2;
	v0 =	vor.u32 v3, v0  }
0x12: {  	v0 =	vor.u32 v2, v0;
	_ =	sdelay $0x1  }
0x13: {  	(ifvalue) =	ssetifvalue $0x7FFFFFFF;
	s15 =	sadd.s32 $0x10, s15  }
0x14: {  	[tilespmem:s15], [sflag:$0x1] =	stream.indirect_vreg.gather [hbm4b:s2+s10], $0x1, v1, vm0, $0x4038;
	[tilespmem:$0xD00] =	vst v63  }
0x15: {  	(ifvalue) =	ssetifvalue $0x7FFFFFFF;
	s15 =	sadd.s32 $0x10, s15  }
0x16: {  	[tilespmem:s15], [sflag:$0x1] =	stream.indirect_vreg.gather [hbm4b:s2+s10], $0x1, v0, vm0, $0x4038;
	[tilespmem:$0xD00] =	vst v63  }
0x17: {  	_ =	swait.ge [sflag:s4], $0x340  }
0x18: {  	s30 =	sshrl.u32 s13, $0x3;
	[sflag:s4] =	ssyncset.done $0x0  }
0x19: {  	s31 =	sand.u32 $0x7, s13;
	s15 =	sadd.s32 s8, s30;
	[sflag:s4] =	ssyncadd.s32 $0xFFFFFCC0  }
0x1a: {  	[hbm4b:s15+s31] =	stream.linear.scatter [tilespmem:s14], [sflag:$0x3], $0x340, $0x38;
	[tilespmem:$0xD00] =	vst v63  }
.LBB2_5:
0x1b: {  	s15 =	sadd.s32 $0x6800, s11  }
0x1c: {  	p1 =	sgt.s32 s15, $0x9BFF  }
0x1d: {  	s15 =	smov.u32 @p1 s5;
	p1 =	sne.s32 s12, s9  }
.Ltmp1:
0x1e: {  	p0 =	slt.u32 s12, $0x2;
	(pc) =	sbr.rel @!p1 .LBB2_6-.Ltmp1, $4  }
0x1f: {  	s14 =	simm.s32 @!p0 $0x3  }
0x20: {  	_ =	swait.ge @!p0 [sflag:s14], $0x340  }
0x21: {  	s16 =	sadd.s32 $0x1, s12;
	s13 =	smov.u32 s11;
	[sflag:s14] =	ssyncset.done @!p0 $0x0  }
0x22: {  	s12 =	smov.u32 s16;
	s11 =	smov.u32 s15;
	[sflag:s14] =	ssyncadd.s32 @!p0 $0xFFFFFCC0  }
.LBB2_1:
0x23: {  	p0 =	sge.u32 s12, s7  }
0x24: {  	s14 =	sxor.u32 @!p0 $0x1, s12  }
0x25: {  	s14 =	smul.u32 @!p0 $0xD00, s14  }
0x26: {  	s31 =	sadd.s32 $0xFFFFFFFF, s12;
	s15 =	sshrl.u32 @!p0 s11, $0x3  }
0x27: {  	s16 =	sand.u32 @!p0 $0x7, s11;
	s15 =	sadd.s32 @!p0 s3, s15;
	s14 =	sshra.s32 @!p0 s14, $0x2  }
0x28: {  	[tilespmem:s14], [sflag:$0x2] =	stream.linear.gather @!p0 [hbm4b:s15+s16], $0x340, $0x38;
	[tilespmem:$0xD00] =	vst v63  }
0x29: {  	p0 =	sge.u32 s31, s7  }
.Ltmp2:
0x2a: {  	_ = 	snop;
	(pc) =	sbr.rel @p0 .LBB2_5-.Ltmp2, $1  }
0x2b: {  	_ =	sdelay $0x3  }
0x2c: {  	s14 =	sand.u32 $0x1, s12  }
0x2d: {  	_ =	swait.ge [sflag:s6], $0x340;
	p0 =	seq.s32 s14, $0x1;
	s14 =	simm.s32 $0x340  }
0x2e: {  	[sflag:s6] =	ssyncset.done $0x0;
	s14 =	simm.s32 @!p0 $0x0  }
0x2f: {  	[sflag:s6] =	ssyncadd.s32 $0xFFFFFCC0;
	(ifvalue) =	ssetifvalue $0x7FFFFFFF;
	v0 =	vld.msk [tilespmem:s14+$0x0 ss:$0x1], $0xffff  }
0x30: {  	s15 =	sadd.s32 $0x10, s14  }
0x31: {  	v3 =	vld.msk [tilespmem:s15+$0x0 ss:$0x1], $0xffff;
	_ =	sdelay $0x2  }
0x32: {  	vm1 =	veq.s32 v0, $0x80000000;
	v1 =	vshrl.u32 v0, $0x9;
	v2 =	vshrl.u32 v0, $0xC  }
0x33: {  	v0 =	vshll.u32 v0, $0xA;
	v1 =	vand.u32 $0x7, v1;
	v2 =	vand.u32 $0xF, v2  }
0x34: {  	v0 =	vand.u32 $0x7FC00, v0;
	v62 =	vshrl.u32 v3, $0xC;
	v1 =	vsel vm1, $0xFFFFFFFF, v1  }
0x35: {  	v2 =	vsel vm1, $0xFFFFFFFF, v2;
	v0 =	vsel vm1, $0xFFFFFC00, v0;
	v4 =	vand.u32 $0xFFFFFC00, v1  }
0x36: {  	vm1 =	veq.s32 v3, $0x80000000;
	v61 =	vand.u32 $0xFFFFFC00, v2;
	v0 =	vadd.s32 v0, v4  }
0x37: {  	v2 =	vand.u32 $0x7F, v2;
	v1 =	vshll.u32 v1, $0x7;
	v0 =	vadd.s32 v61, v0  }
0x38: {  	v1 =	vand.u32 $0x380, v1;
	v0 =	vor.u32 v2, v0;
	v2 =	vshrl.u32 v3, $0x9  }
0x39: {  	s15 =	sadd.s32 $0x10, s15;
	v3 =	vshll.u32 v3, $0xA;
	v1 =	vor.u32 v1, v0;
	v2 =	vand.u32 $0x7, v2  }
0x3a: {  	v4 =	vand.u32 $0xF, v62;
	v0 =	vld.msk [tilespmem:s15+$0x0 ss:$0x1], $0xffff;
	v3 =	vand.u32 $0x7FC00, v3;
	v2 =	vsel vm1, $0xFFFFFFFF, v2  }
0x3b: {  	v4 =	vsel vm1, $0xFFFFFFFF, v4;
	v3 =	vsel vm1, $0xFFFFFC00, v3;
	v5 =	vand.u32 $0xFFFFFC00, v2  }
0x3c: {  	v63 =	vand.u32 $0xFFFFFC00, v4;
	v3 =	vadd.s32 v3, v5  }
0x3d: {  	s14 =	sadd.s32 $0x680, s14;
	v4 =	vand.u32 $0x7F, v4;
	(ifvalue) =	ssetifvalue $0x7FFFFFFF;
	v2 =	vshll.u32 v2, $0x7;
	v3 =	vadd.s32 v63, v3  }
0x3e: {  	[tilespmem:s14], [sflag:$0x1] =	stream.indirect_vreg.gather [hbm4b:s2+s10], $0x1, v1, vm0, $0x4038;
	v1 =	vand.u32 $0x380, v2;
	v3 =	vor.u32 v4, v3;
	[tilespmem:$0xD00] =	vst v63  }
0x3f: {  	s16 =	simm.s32 $0x20;
	s17 =	sadd.s32 $0x10, s15;
	s15 =	smov.u32 s14;
	vm1 =	veq.s32 v0, $0x80000000;
	v2 =	vshrl.u32 v0, $0x9;
	v1 =	vor.u32 v1, v3  }
.LBB2_3:
0x40: {  	s16 =	sadd.s32 $0x10, s16;
	v2 =	vand.u32 $0x7, v2;
	v3 =	vshrl.u32 v0, $0xC;
	v4 =	vshll.u32 v0, $0xA;
	v0 =	vld.msk [tilespmem:s17+$0x0 ss:$0x1], $0xffff  }
0x41: {  	p0 =	slt.u32 s16, $0x330;
	v2 =	vsel vm1, $0xFFFFFFFF, v2;
	v3 =	vand.u32 $0xF, v3;
	v4 =	vand.u32 $0x7FC00, v4  }
.Ltmp3:
0x42: {  	v3 =	vsel vm1, $0xFFFFFFFF, v3;
	v4 =	vsel vm1, $0xFFFFFC00, v4;
	v5 =	vand.u32 $0xFFFFFC00, v2;
	(pc) =	sbr.rel @p0 .LBB2_3-.Ltmp3, $4  }
0x43: {  	s15 =	sadd.s32 $0x10, s15;
	v4 =	vadd.s32 v4, v5;
	v5 =	vand.u32 $0xFFFFFC00, v3;
	(ifvalue) =	ssetifvalue $0x7FFFFFFF  }
0x44: {  	v2 =	vshll.u32 v2, $0x7;
	v3 =	vand.u32 $0x7F, v3;
	v4 =	vadd.s32 v5, v4;
	[tilespmem:s15], [sflag:$0x1] =	stream.indirect_vreg.gather [hbm4b:s2+s10], $0x1, v1, vm0, $0x4038;
	[tilespmem:$0xD00] =	vst v63  }
0x45: {  	v1 =	vand.u32 $0x380, v2;
	v3 =	vor.u32 v3, v4  }
0x46: {  	s17 =	sadd.s32 $0x10, s17;
	vm1 =	veq.s32 v0, $0x80000000;
	v2 =	vshrl.u32 v0, $0x9;
	v1 =	vor.u32 v1, v3  }
.Ltmp4:
0x47: {  	_ = 	snop;
	(pc) =	sbr.rel .LBB2_4-.Ltmp4, $1  }
0x48: {  	_ =	sdelay $0x3  }
.LBB2_6:
0x49: {  	_ =	sfence.sel $0x180000  }
0x4a: {  	s2 =	simm.s32 $0x2;
	[bflag:$0x0] =	sbarrier.arrive $0xFFFF  }
0x4b: {  	s30 =	simm.s32 $0x3;
	[sflag:s2] =	ssyncpa.u1 $0x1  }
0x4c: {  	s31 =	simm.s32 $0x1;
	[sflag:s30] =	ssyncpa.u1 $0x1  }
0x4d: {  	[sflag:s31] =	ssyncpa.u1 $0x1  }
0x4e: {  	p0 =	sne.s32 s1, $0x0;
	_ =	strace $0x90000050  }
0x4f: {  	s0 =	sadd.s32 @!p0 $0x100000, s0;
	[bflag:$0x2] =	sbarrier.arrive $0xFFFF  }
0x50: {  	[sflag:s0] =	ssyncadd.tile.s32 @!p0 $0x1;
	_ =	shalt  }
.Lfunc_end2:
_tile_overlayer_lowered:
.L_overlay_start_2:
0x51: {  	(tag) =	ssettag $0x2  }
0x52: {  	s0 =	rddreg [dreg:$0x0];
	s2 =	stileid.u32  }
0x53: {  	s1 =	rddreg [dreg:$0x1];
	p0 =	sne.s32 s2, $0x0  }
0x54: {  	s3 =	rddreg [dreg:$0x2];
	[bflag:$0x3] =	sbarrier.arrive $0xFFFF;
	s2 =	simm.s32 @!p0 $0x1C01  }
0x55: {  	[timem:s3], [sflag:s2] =	dma.local @!p0 [hbm:s0], s1  }
0x56: {  	s0 =	simm.s32 @!p0 $0x1  }
0x57: {  	_ =	swait.ge @!p0 [sflag:s0], s1  }
0x58: {  	s1 =	ssub.s32 @!p0 $0x0, s1;
	[sflag:s0] =	ssyncset.done @!p0 $0x0  }
0x59: {  	[sflag:s0] =	ssyncadd.s32 @!p0 s1  }
0x5a: {  	[bflag:$0x3] =	sbarrier.arrive $0xFFFF  }
0x5b: {  	_ =	shalt  }

// kernel: gather_offload_async_start.5
scs
__scs_entry_jumppad:
0x0: {  	(pc) =	sbr.rel $0x88, $3  }
0x1: {  	(tag) =	ssettag $0x0;
	lr =	simm.s32 $0x1  }
0x2: {  	[smem:$0x3F92] =	sst lr;
	_ =	strace $0xD0000000  }
0x3: {  	_ = 	snop  }
0x4: {  	_ = 	snop  }
0x5: {  	_ = 	snop  }
0x6: {  	_ = 	snop  }
0x7: {  	_ = 	snop  }
__scs_overlays_trampoline_lowered:
0x8: {  	[smem:$0x3FA1] =	sst s0  }
0x9: {  	[smem:$0x3FA2] =	sst s1  }
0xa: {  	[smem:$0x3FA3] =	sst s2  }
0xb: {  	[smem:$0x3FA4] =	sst s3  }
0xc: {  	[smem:$0x3FA5] =	sst s4  }
0xd: {  	[smem:$0x3FA6] =	sst s5  }
0xe: {  	[smem:$0x3FA7] =	sst s6  }
0xf: {  	[smem:$0x3FA8] =	sst s7  }
0x10: {  	[smem:$0x3FA9] =	sst s8  }
0x11: {  	[smem:$0x3FAA] =	sst s9;
	s0 =	simm.s32 @!p0 $0x0  }
0x12: {  	s1 =	sld [smem:$0x3F90];
	s0 =	simm.s32 @p0 $0x1  }
0x13: {  	[smem:$0x3FAB] =	sst s0;
	s0 =	simm.s32 @!p1 $0x0  }
0x14: {  	s2 =	sld [smem:$0x3F8F];
	s0 =	simm.s32 @p1 $0x1  }
0x15: {  	[smem:$0x3FAC] =	sst s0;
	s0 =	simm.s32 @!p2 $0x0  }
0x16: {  	s3 =	sld [smem:$0x3FDB];
	s0 =	simm.s32 @p2 $0x1  }
0x17: {  	s4 =	simm.s32 $0x1BF5;
	[smem:$0x3FAE] =	sst s0  }
0x18: {  	s0 =	sld [smem:$0x3F91];
	_ =	swait.ge [sflag:s4], $0x0  }
0x19: {  	s7 =	sld [smem:$0x3F92]  }
0x1a: {  	s8 =	sadd.s32 $0xFFFFE003, lr  }
0x1b: {  	s9 =	sadd.s32 $0xFFFFFEF7, lr;
	s5 =	simm.s32 $0xFFFFFFFF;
	p2 =	slt.u32 s8, $0xFFFFF086  }
0x1c: {  	p1 =	slt.u32 s9, $0xF7A;
	s5 =	simm.s32 @!p2 $0x0  }
0x1d: {  	s5 =	simm.s32 @p1 $0x1;
	p0 =	seq.s32 s7, s2  }
0x1e: {  	s7 =	smul.u32 @!p0 $0xF7A, s2;
	p2 =	seq.s32 @!p0 s5, $0x0  }
0x1f: {  	s9 =	smul.u32 $0xF7A, s1;
	s8 =	simm.s32 @!p0 $0x1BF5;
	p2 =	por !p2, p0  }
0x20: {  	[sflag:s8] =	ssyncset.s32 @!p0 $0xFFFFF086;
	s6 =	sadd.s32 @!p0 s3, s7;
	s7 =	simm.s32 @!p0 $0x108  }
0x21: {  	s3 =	sadd.s32 s3, s9;
	s6 =	sadd.s32 @!p0 $0x88, s6;
	s7 =	simm.s32 @p2 $0x1082  }
0x22: {  	[simem:s7], [sflag:s8] =	dma.local @!p0 [hbm:s6], $0xF7A  }
0x23: {  	s9 =	sor.u32 $0xD0000000, s2;
	s6 =	simm.s32 $0x108;
	_ =	swait.ge @!p0 [sflag:s8], $0x0  }
0x24: {  	s3 =	sadd.s32 $0x88, s3;
	s6 =	simm.s32 @!p1 $0x1082;
	[sflag:s4] =	ssyncset.s32 $0xFFFFF086  }
0x25: {  	[simem:s6], [sflag:s4] =	dma.local [hbm:s3], $0xF7A  }
0x26: {  	[smem:$0x3F92] =	sst s1;
	(tag) =	ssettag s2;
	_ =	strace s9  }
0x27: {  	s1 =	sld [smem:$0x3FA2]  }
0x28: {  	s2 =	sld [smem:$0x3FA3]  }
0x29: {  	s4 =	sld [smem:$0x3FA5]  }
0x2a: {  	p0 =	seq.s32 s5, $0x0;
	s5 =	sld [smem:$0x3FA6]  }
0x2b: {  	s6 =	sld [smem:$0x3FA7]  }
0x2c: {  	s7 =	sld [smem:$0x3FA8]  }
0x2d: {  	s3 =	simm.s32 $0x108;
	s8 =	sld [smem:$0x3FA9]  }
0x2e: {  	s3 =	simm.s32 @!p0 $0x1082;
	s9 =	sld [smem:$0x3FAA]  }
0x2f: {  	lr =	sadd.s32 s0, s3;
	s0 =	sld [smem:$0x3FA1]  }
0x30: {  	s3 =	sld [smem:$0x3FA4]  }
0x31: {  	[smem:$0x3FAD] =	sst s10  }
0x32: {  	s10 =	sld [smem:$0x3FAB];
	_ =	sdelay $0x3  }
0x33: {  	p0 =	seq.s32 s10, $0x1;
	s10 =	sld [smem:$0x3FAD];
	_ =	sdelay $0x3  }
0x34: {  	[smem:$0x3FAD] =	sst s10  }
0x35: {  	s10 =	sld [smem:$0x3FAC];
	_ =	sdelay $0x3  }
0x36: {  	p1 =	seq.s32 s10, $0x1;
	s10 =	sld [smem:$0x3FAD];
	_ =	sdelay $0x3  }
0x37: {  	[smem:$0x3FAD] =	sst s10  }
0x38: {  	s10 =	sld [smem:$0x3FAE]  }
0x39: {  	_ = 	snop;
	(pc) =	sbr.ind lr, $3  }
0x3a: {  	_ = 	snop  }
0x3b: {  	_ = 	snop  }
0x3c: {  	p2 =	seq.s32 s10, $0x1;
	s10 =	sld [smem:$0x3FAD]  }
0x3d: {  	_ =	shalt  }
0x3e: {  	_ =	shalt  }
0x3f: {  	_ =	shalt  }
0x40: {  	_ =	shalt  }
0x41: {  	_ =	shalt  }
0x42: {  	_ =	shalt  }
0x43: {  	_ =	shalt  }
0x44: {  	_ =	shalt  }
0x45: {  	_ =	shalt  }
0x46: {  	_ =	shalt  }
0x47: {  	_ =	shalt  }
0x48: {  	_ =	shalt  }
0x49: {  	_ =	shalt  }
0x4a: {  	_ =	shalt  }
0x4b: {  	_ =	shalt  }
0x4c: {  	_ =	shalt  }
0x4d: {  	_ =	shalt  }
0x4e: {  	_ =	shalt  }
0x4f: {  	_ =	shalt  }
0x50: {  	_ =	shalt  }
0x51: {  	_ =	shalt  }
0x52: {  	_ =	shalt  }
0x53: {  	_ =	shalt  }
0x54: {  	_ =	shalt  }
0x55: {  	_ =	shalt  }
0x56: {  	_ =	shalt  }
0x57: {  	_ =	shalt  }
0x58: {  	_ =	shalt  }
0x59: {  	_ =	shalt  }
0x5a: {  	_ =	shalt  }
0x5b: {  	_ =	shalt  }
0x5c: {  	_ =	shalt  }
0x5d: {  	_ =	shalt  }
0x5e: {  	_ =	shalt  }
0x5f: {  	_ =	shalt  }
0x60: {  	_ =	shalt  }
0x61: {  	_ =	shalt  }
0x62: {  	_ =	shalt  }
0x63: {  	_ =	shalt  }
0x64: {  	_ =	shalt  }
0x65: {  	_ =	shalt  }
0x66: {  	_ =	shalt  }
0x67: {  	_ =	shalt  }
0x68: {  	_ =	shalt  }
0x69: {  	_ =	shalt  }
0x6a: {  	_ =	shalt  }
0x6b: {  	_ =	shalt  }
0x6c: {  	_ =	shalt  }
0x6d: {  	_ =	shalt  }
0x6e: {  	_ =	shalt  }
0x6f: {  	_ =	shalt  }
0x70: {  	_ =	shalt  }
0x71: {  	_ =	shalt  }
0x72: {  	_ =	shalt  }
0x73: {  	_ =	shalt  }
0x74: {  	_ =	shalt  }
0x75: {  	_ =	shalt  }
0x76: {  	_ =	shalt  }
0x77: {  	_ =	shalt  }
0x78: {  	_ =	shalt  }
0x79: {  	_ =	shalt  }
0x7a: {  	_ =	shalt  }
0x7b: {  	_ =	shalt  }
0x7c: {  	_ =	shalt  }
0x7d: {  	_ =	shalt  }
0x7e: {  	_ =	shalt  }
0x7f: {  	_ =	shalt  }
0x80: {  	_ =	shalt  }
0x81: {  	_ =	shalt  }
0x82: {  	_ =	shalt  }
0x83: {  	_ =	shalt  }
0x84: {  	_ =	shalt  }
0x85: {  	_ =	shalt  }
0x86: {  	_ =	shalt  }
0x87: {  	_ =	shalt  }
.Lfunc_end0:
.L_simem_size_0:
called_computation.5_lowered:
.L_overlay_start_0:
0x88: {  	s2 =	sld [smem:$0x3FD9]  }
0x89: {  	s3 =	sld [smem:$0x3FFE];
	_ =	sdelay $0x1  }
0x8a: {  	s1 =	srdreg.scid  }
0x8b: {  	s0 =	sand.u32 $0x1, s1  }
0x8c: {  	s17 =	sshll.u32 s0, $0xA;
	s2 =	sadd.s32 s3, s2  }
0x8d: {  	s2 =	sadd.s32 s2, s17  }
0x8e: {  	[smem:$0x3FB9] =	sst s2  }
0x8f: {  	_ = 	snop  }
0x90: {  	s18 =	sld [smem:$0x3FD0];
	(tm) =	ssettm $0x1  }
0x91: {  	s19 =	sld [smem:$0x3FFB];
	_ =	sdelay $0x3  }
0x92: {  	_ =	strace s19  }
0x93: {  	s2 =	sld [smem:$0x3FFC];
	_ =	sdelay $0x3  }
0x94: {  	_ =	strace s2  }
0x95: {  	s2 =	sld [smem:$0x3FFD];
	_ =	sdelay $0x3  }
0x96: {  	_ =	strace s2  }
0x97: {  	_ =	strace $0x8FFFFFFF  }
0x98: {  	s20 =	sld [smem:$0x3FDB];
	_ =	sdelay $0x1  }
0x99: {  	s4 =	simm.s32 $_scs_section_size  }
0x9a: {  	s5 =	simm.s32 $_size__tile_overlayer_lowered;
	s6 =	simm.s32 $_tile_overlayer_lowered  }
0x9b: {  	s7 =	simm.s32 $0x1BFF;
	s21 =	sshll.u32 s6, $0x1;
	s4 =	sadd.s32 s4, s20  }
0x9c: {  	s22 =	simm.s32 $0x0;
	s5 =	sshll.u32 s5, $0x1;
	s6 =	sadd.s32 s21, s4  }
0x9d: {  	[timem:s22], [sflag:s7] =	dma.local [hbm:s6], s5  }
0x9e: {  	_ =	swait.ge [sflag:s7], s5  }
0x9f: {  	s5 =	ssub.s32 $0x0, s5;
	[sflag:s7] =	ssyncset.done $0x0  }
0xa0: {  	[sflag:s7] =	ssyncadd.s32 s5;
	_ =	sdelay $0x1  }
0xa1: {  	s23 =	simm.s32 $0x1B8B  }
0xa2: {  	_ =	swait.ge [sflag:s23], $0x1  }
0xa3: {  	[sflag:s23] =	ssyncset.done $0x0  }
0xa4: {  	[sflag:s23] =	ssyncadd.s32 $0xFFFFFFFF  }
0xa5: {  	s5 =	sld [smem:$0x0]  }
0xa6: {  	s6 =	sand.u32 $0xFFFFFFFE, s1  }
0xa7: {  	p0 =	sne.s32 s1, s6  }
0xa8: {  	s6 =	sshll.u32 @p0 s6, $0xE  }
0xa9: {  	s6 =	sadd.s32 @p0 $0x11B8D, s6;
	s7 =	sshll.u32 @p0 s5, $0x11  }
0xaa: {  	s6 =	sor.u32 @p0 s7, s6  }
0xab: {  	[sflag:s6] =	ssyncadd.remote.s32 @p0 $0x1;
	_ =	sdelay $0x1  }
0xac: {  	s6 =	simm.s32 @p0 $0x1B8D  }
0xad: {  	_ =	swait.eq @p0 [sflag:s6], $0x1  }
0xae: {  	[sflag:s6] =	ssyncadd.s32 @p0 $0xFFFFFFFF  }
0xaf: {  	s7 =	sshll.u32 @!p0 s1, $0xE  }
0xb0: {  	s7 =	sor.u32 @!p0 $0x4000, s7;
	s6 =	simm.s32 @!p0 $0x1B8D  }
0xb1: {  	s5 =	sshll.u32 @!p0 s5, $0x11;
	s7 =	sadd.s32 @!p0 $0x11B8D, s7;
	_ =	swait.eq @!p0 [sflag:s6], $0x1  }
0xb2: {  	s5 =	sor.u32 @!p0 s5, s7;
	[sflag:s6] =	ssyncadd.s32 @!p0 $0xFFFFFFFF  }
0xb3: {  	s25 =	simm.s32 $0x1B8E;
	s24 =	sld [smem:$0x3FFE];
	[sflag:s5] =	ssyncadd.remote.s32 @!p0 $0x1  }
0xb4: {  	s26 =	simm.s32 $execute0_lowered;
	[smem:$0x3FD2] =	sst s25  }
0xb5: {  	s6 =	sshll.u32 s26, $0x1;
	_ =	strace $0x80000052;
	[dreg:$0x1] =	wrdreg $0xFFFFFFFF  }
0xb6: {  	s28 =	simm.s32 $_size_execute0_lowered;
	s4 =	sadd.s32 s4, s6;
	[dreg:$0x0] =	wrdreg $0x0  }
0xb7: {  	s6 =	sshll.u32 s28, $0x1;
	[dreg:$0x2] =	wrdreg s4  }
0xb8: {  	[dreg:$0x3] =	wrdreg s6  }
0xb9: {  	[dreg:$0x4] =	wrdreg $0xC0  }
0xba: {  	_ =	task [dreg:s22], $0x5FFFF  }
0xbb: {  	[dreg:$0x1] =	wrdreg $0xFFFFFFFF  }
0xbc: {  	[dreg:$0x0] =	wrdreg $0x60  }
0xbd: {  	[dreg:$0x2] =	wrdreg s18  }
0xbe: {  	[dreg:$0x3] =	wrdreg s24  }
0xbf: {  	[dreg:$0x4] =	wrdreg $0xB  }
0xc0: {  	_ =	task.clear_ibuf [dreg:s22], $0x5FFFF;
	_ =	strace $0x90000052  }
0xc1: {  	s29 =	simm.s32 $0xB;
	_ =	strace $0x80000054  }
0xc2: {  	_ =	swait.ge [sflag:s29], $0x1  }
0xc3: {  	[sflag:s29] =	ssyncadd.s32 $0xFFFFFFFF  }
0xc4: {  	_ =	strace $0x90000054  }
0xc5: {  	_ =	sfence  }
0xc6: {  	s30 =	sld [smem:$0x0];
	_ =	sdelay $0x2  }
0xc7: {  	s31 =	sshll.u32 s1, $0xD;
	s1 =	sshrl.u32 s1, $0x2  }
0xc8: {  	s4 =	sand.u32 $0x4000, s31;
	s1 =	sadd.s32 s1, s30  }
0xc9: {  	s0 =	sor.u32 s4, s0;
	s1 =	sshll.u32 s1, $0x11  }
0xca: {  	s0 =	sor.u32 s1, s0  }
0xcb: {  	s0 =	sadd.s32 $0x8F2B, s0  }
0xcc: {  	[sflag:s0] =	ssyncadd.remote.s32 $0x1  }
0xcd: {  	_ =	sfence.sel $0xFFFF  }
0xce: {  	[dreg:$0x0] =	wrdreg $0xFFFFFFFF;
	(pc) =	sbr.abs _section_cstart, $3  }
0xcf: {  	[dreg:$0x1] =	wrdreg $0xFFFFFFFF  }
0xd0: {  	_ =	task.clear_ibuf [dreg:s22], $0x2FFFF;
	_ =	strace $0x9FFFFFFF  }
0xd1: {  	(tm) =	ssettm $0x7FFFFFFF  }
tec
execute0_lowered:
.L_overlay_start_1:
0x0: {  	(tag) =	ssettag $0x1  }
0x1: {  	s2 =	rddreg [dreg:$0x0]  }
0x2: {  	s8 =	rddreg [dreg:$0x1]  }
0x3: {  	s0 =	rddreg [dreg:$0x2];
	s1 =	stileid.u32  }
0x4: {  	s3 =	srdreg.scid;
	_ =	strace $0x80000053;
	s4 =	simm.s32 $0x1  }
0x5: {  	s7 =	simm.s32 $0x1;
	s9 =	simm.s32 $0x1;
	s10 =	simm.s32 $0x3  }
0x6: {  	s13 =	simm.s32 $0x0;
	s5 =	sand.u32 $0x1, s3;
	s6 =	sshll.u32 s1, $0x1  }
0x7: {  	s12 =	simm.s32 $0x0;
	s3 =	sadd.s32 $0x76A00, s8;
	s5 =	sor.u32 s6, s5  }
.Ltmp0:
0x8: {  	[sflag:s4] =	ssyncpa.u1 $0x0;
	p0 =	slt.u32 s5, $0x11;
	(pc) =	sbr.rel .LBB2_1-.Ltmp0, $4  }
0x9: {  	s6 =	simm.s32 $0x2;
	s7 =	simm.s32 @!p0 $0x0;
	p0 =	sne.s32 s5, $0x10  }
0xa: {  	[sflag:s6] =	ssyncpa.u1 $0x0;
	s5 =	smul.u32 $0x340, s5;
	s9 =	simm.s32 @!p0 $0x0  }
0xb: {  	s8 =	sadd.s32 $0x42000, s8;
	[sflag:s10] =	ssyncpa.u1 $0x0;
	s7 =	sadd.s32 s9, s7  }
0xc: {  	vm0 =	vmmov $0xffff;
	s10 =	simm.s32 $0x0;
	s11 =	smov.u32 s5;
	s9 =	sadd.s32 $0x1, s7  }
.LBB2_4:
0xd: {  	v2 =	vand.u32 $0x7, v2;
	v3 =	vshrl.u32 v0, $0xC;
	v62 =	vshll.u32 v0, $0xA  }
0xe: {  	v2 =	vsel vm1, $0xFFFFFFFF, v2;
	v3 =	vand.u32 $0xF, v3;
	v0 =	vand.u32 $0x7FC00, v62  }
0xf: {  	v3 =	vsel vm1, $0xFFFFFFFF, v3;
	v0 =	vsel vm1, $0xFFFFFC00, v0;
	v4 =	vand.u32 $0xFFFFFC00, v2  }
0x10: {  	v0 =	vadd.s32 v0, v4;
	v63 =	vand.u32 $0xFFFFFC00, v3  }
0x11: {  	v2 =	vshll.u32 v2, $0x7;
	v3 =	vand.u32 $0x7F, v3;
	v0 =	vadd.s32 v63, v0  }
0x12: {  	v2 =	vand.u32 $0x380, v2;
	v0 =	vor.u32 v3, v0  }
0x13: {  	v0 =	vor.u32 v2, v0;
	_ =	sdelay $0x1  }
0x14: {  	(ifvalue) =	ssetifvalue $0x7FFFFFFF;
	s15 =	sadd.s32 $0x10, s15  }
0x15: {  	[tilespmem:s15], [sflag:$0x1] =	stream.indirect_vreg.gather [hbm4b:s2+s10], $0x1, v1, vm0, $0x4038;
	[tilespmem:$0xD00] =	vst v63  }
0x16: {  	(ifvalue) =	ssetifvalue $0x7FFFFFFF;
	s15 =	sadd.s32 $0x10, s15  }
0x17: {  	[tilespmem:s15], [sflag:$0x1] =	stream.indirect_vreg.gather [hbm4b:s2+s10], $0x1, v0, vm0, $0x4038;
	[tilespmem:$0xD00] =	vst v63  }
0x18: {  	_ =	swait.ge [sflag:s4], $0x340  }
0x19: {  	s30 =	sshrl.u32 s13, $0x3;
	[sflag:s4] =	ssyncset.done $0x0  }
0x1a: {  	s31 =	sand.u32 $0x7, s13;
	s15 =	sadd.s32 s8, s30;
	[sflag:s4] =	ssyncadd.s32 $0xFFFFFCC0  }
0x1b: {  	[hbm4b:s15+s31] =	stream.linear.scatter [tilespmem:s14], [sflag:$0x3], $0x340, $0x38;
	[tilespmem:$0xD00] =	vst v63  }
.LBB2_5:
0x1c: {  	s15 =	sadd.s32 $0x6800, s11  }
0x1d: {  	p1 =	sgt.s32 s15, $0x9BFF  }
0x1e: {  	s15 =	smov.u32 @p1 s5;
	p1 =	sne.s32 s12, s9  }
.Ltmp1:
0x1f: {  	p0 =	slt.u32 s12, $0x2;
	(pc) =	sbr.rel @!p1 .LBB2_6-.Ltmp1, $4  }
0x20: {  	s14 =	simm.s32 @!p0 $0x3  }
0x21: {  	_ =	swait.ge @!p0 [sflag:s14], $0x340  }
0x22: {  	s16 =	sadd.s32 $0x1, s12;
	s13 =	smov.u32 s11;
	[sflag:s14] =	ssyncset.done @!p0 $0x0  }
0x23: {  	s12 =	smov.u32 s16;
	s11 =	smov.u32 s15;
	[sflag:s14] =	ssyncadd.s32 @!p0 $0xFFFFFCC0  }
.LBB2_1:
0x24: {  	p0 =	sge.u32 s12, s7  }
0x25: {  	s14 =	sxor.u32 @!p0 $0x1, s12  }
0x26: {  	s14 =	smul.u32 @!p0 $0xD00, s14  }
0x27: {  	s31 =	sadd.s32 $0xFFFFFFFF, s12;
	s15 =	sshrl.u32 @!p0 s11, $0x3  }
0x28: {  	s16 =	sand.u32 @!p0 $0x7, s11;
	s15 =	sadd.s32 @!p0 s3, s15;
	s14 =	sshra.s32 @!p0 s14, $0x2  }
0x29: {  	[tilespmem:s14], [sflag:$0x2] =	stream.linear.gather @!p0 [hbm4b:s15+s16], $0x340, $0x38;
	[tilespmem:$0xD00] =	vst v63  }
0x2a: {  	p0 =	sge.u32 s31, s7  }
.Ltmp2:
0x2b: {  	_ = 	snop;
	(pc) =	sbr.rel @p0 .LBB2_5-.Ltmp2, $1  }
0x2c: {  	_ =	sdelay $0x3  }
0x2d: {  	s14 =	sand.u32 $0x1, s12  }
0x2e: {  	_ =	swait.ge [sflag:s6], $0x340;
	p0 =	seq.s32 s14, $0x1;
	s14 =	simm.s32 $0x340  }
0x2f: {  	[sflag:s6] =	ssyncset.done $0x0;
	s14 =	simm.s32 @!p0 $0x0  }
0x30: {  	[sflag:s6] =	ssyncadd.s32 $0xFFFFFCC0;
	(ifvalue) =	ssetifvalue $0x7FFFFFFF;
	v0 =	vld.msk [tilespmem:s14+$0x0 ss:$0x1], $0xffff  }
0x31: {  	s15 =	sadd.s32 $0x10, s14  }
0x32: {  	v3 =	vld.msk [tilespmem:s15+$0x0 ss:$0x1], $0xffff;
	_ =	sdelay $0x2  }
0x33: {  	vm1 =	veq.s32 v0, $0x80000000;
	v1 =	vshrl.u32 v0, $0x9;
	v2 =	vshrl.u32 v0, $0xC  }
0x34: {  	v0 =	vshll.u32 v0, $0xA;
	v1 =	vand.u32 $0x7, v1;
	v2 =	vand.u32 $0xF, v2  }
0x35: {  	v0 =	vand.u32 $0x7FC00, v0;
	v62 =	vshrl.u32 v3, $0xC;
	v1 =	vsel vm1, $0xFFFFFFFF, v1  }
0x36: {  	v2 =	vsel vm1, $0xFFFFFFFF, v2;
	v0 =	vsel vm1, $0xFFFFFC00, v0;
	v4 =	vand.u32 $0xFFFFFC00, v1  }
0x37: {  	vm1 =	veq.s32 v3, $0x80000000;
	v61 =	vand.u32 $0xFFFFFC00, v2;
	v0 =	vadd.s32 v0, v4  }
0x38: {  	v2 =	vand.u32 $0x7F, v2;
	v1 =	vshll.u32 v1, $0x7;
	v0 =	vadd.s32 v61, v0  }
0x39: {  	v1 =	vand.u32 $0x380, v1;
	v0 =	vor.u32 v2, v0;
	v2 =	vshrl.u32 v3, $0x9  }
0x3a: {  	s15 =	sadd.s32 $0x10, s15;
	v3 =	vshll.u32 v3, $0xA;
	v1 =	vor.u32 v1, v0;
	v2 =	vand.u32 $0x7, v2  }
0x3b: {  	v4 =	vand.u32 $0xF, v62;
	v0 =	vld.msk [tilespmem:s15+$0x0 ss:$0x1], $0xffff;
	v3 =	vand.u32 $0x7FC00, v3;
	v2 =	vsel vm1, $0xFFFFFFFF, v2  }
0x3c: {  	v4 =	vsel vm1, $0xFFFFFFFF, v4;
	v3 =	vsel vm1, $0xFFFFFC00, v3;
	v5 =	vand.u32 $0xFFFFFC00, v2  }
0x3d: {  	v63 =	vand.u32 $0xFFFFFC00, v4;
	v3 =	vadd.s32 v3, v5  }
0x3e: {  	s14 =	sadd.s32 $0x680, s14;
	v4 =	vand.u32 $0x7F, v4;
	(ifvalue) =	ssetifvalue $0x7FFFFFFF;
	v2 =	vshll.u32 v2, $0x7;
	v3 =	vadd.s32 v63, v3  }
0x3f: {  	[tilespmem:s14], [sflag:$0x1] =	stream.indirect_vreg.gather [hbm4b:s2+s10], $0x1, v1, vm0, $0x4038;
	v1 =	vand.u32 $0x380, v2;
	v3 =	vor.u32 v4, v3;
	[tilespmem:$0xD00] =	vst v63  }
0x40: {  	s16 =	simm.s32 $0x20;
	s17 =	sadd.s32 $0x10, s15;
	s15 =	smov.u32 s14;
	vm1 =	veq.s32 v0, $0x80000000;
	v2 =	vshrl.u32 v0, $0x9;
	v1 =	vor.u32 v1, v3  }
.LBB2_3:
0x41: {  	s16 =	sadd.s32 $0x10, s16;
	v2 =	vand.u32 $0x7, v2;
	v3 =	vshrl.u32 v0, $0xC;
	v4 =	vshll.u32 v0, $0xA;
	v0 =	vld.msk [tilespmem:s17+$0x0 ss:$0x1], $0xffff  }
0x42: {  	p0 =	slt.u32 s16, $0x330;
	v2 =	vsel vm1, $0xFFFFFFFF, v2;
	v3 =	vand.u32 $0xF, v3;
	v4 =	vand.u32 $0x7FC00, v4  }
.Ltmp3:
0x43: {  	v3 =	vsel vm1, $0xFFFFFFFF, v3;
	v4 =	vsel vm1, $0xFFFFFC00, v4;
	v5 =	vand.u32 $0xFFFFFC00, v2;
	(pc) =	sbr.rel @p0 .LBB2_3-.Ltmp3, $4  }
0x44: {  	s15 =	sadd.s32 $0x10, s15;
	v4 =	vadd.s32 v4, v5;
	v5 =	vand.u32 $0xFFFFFC00, v3;
	(ifvalue) =	ssetifvalue $0x7FFFFFFF  }
0x45: {  	v2 =	vshll.u32 v2, $0x7;
	v3 =	vand.u32 $0x7F, v3;
	v4 =	vadd.s32 v5, v4;
	[tilespmem:s15], [sflag:$0x1] =	stream.indirect_vreg.gather [hbm4b:s2+s10], $0x1, v1, vm0, $0x4038;
	[tilespmem:$0xD00] =	vst v63  }
0x46: {  	v1 =	vand.u32 $0x380, v2;
	v3 =	vor.u32 v3, v4  }
0x47: {  	s17 =	sadd.s32 $0x10, s17;
	vm1 =	veq.s32 v0, $0x80000000;
	v2 =	vshrl.u32 v0, $0x9;
	v1 =	vor.u32 v1, v3  }
.Ltmp4:
0x48: {  	_ = 	snop;
	(pc) =	sbr.rel .LBB2_4-.Ltmp4, $1  }
0x49: {  	_ =	sdelay $0x3  }
.LBB2_6:
0x4a: {  	_ =	sfence.sel $0x180000  }
0x4b: {  	s2 =	simm.s32 $0x2;
	[bflag:$0x0] =	sbarrier.arrive $0xFFFF  }
0x4c: {  	s30 =	simm.s32 $0x3;
	[sflag:s2] =	ssyncpa.u1 $0x1  }
0x4d: {  	s31 =	simm.s32 $0x1;
	[sflag:s30] =	ssyncpa.u1 $0x1  }
0x4e: {  	[sflag:s31] =	ssyncpa.u1 $0x1  }
0x4f: {  	p0 =	sne.s32 s1, $0x0;
	_ =	strace $0x90000053  }
0x50: {  	s0 =	sadd.s32 @!p0 $0x100000, s0;
	[bflag:$0x2] =	sbarrier.arrive $0xFFFF  }
0x51: {  	[sflag:s0] =	ssyncadd.tile.s32 @!p0 $0x1;
	_ =	shalt  }
.Lfunc_end2:
_tile_overlayer_lowered:
.L_overlay_start_2:
0x52: {  	(tag) =	ssettag $0x2  }
0x53: {  	s0 =	rddreg [dreg:$0x0];
	s2 =	stileid.u32  }
0x54: {  	s1 =	rddreg [dreg:$0x1];
	p0 =	sne.s32 s2, $0x0  }
0x55: {  	s3 =	rddreg [dreg:$0x2];
	[bflag:$0x3] =	sbarrier.arrive $0xFFFF;
	s2 =	simm.s32 @!p0 $0x1C01  }
0x56: {  	[timem:s3], [sflag:s2] =	dma.local @!p0 [hbm:s0], s1  }
0x57: {  	s0 =	simm.s32 @!p0 $0x1  }
0x58: {  	_ =	swait.ge @!p0 [sflag:s0], s1  }
0x59: {  	s1 =	ssub.s32 @!p0 $0x0, s1;
	[sflag:s0] =	ssyncset.done @!p0 $0x0  }
0x5a: {  	[sflag:s0] =	ssyncadd.s32 @!p0 s1  }
0x5b: {  	[bflag:$0x3] =	sbarrier.arrive $0xFFFF  }
0x5c: {  	_ =	shalt  }

// kernel: gather_offload_async_start
scs
__scs_entry_jumppad:
0x0: {  	(pc) =	sbr.rel $0x88, $3  }
0x1: {  	(tag) =	ssettag $0x0;
	lr =	simm.s32 $0x1  }
0x2: {  	[smem:$0x3F92] =	sst lr;
	_ =	strace $0xD0000000  }
0x3: {  	_ = 	snop  }
0x4: {  	_ = 	snop  }
0x5: {  	_ = 	snop  }
0x6: {  	_ = 	snop  }
0x7: {  	_ = 	snop  }
__scs_overlays_trampoline_lowered:
0x8: {  	[smem:$0x3FA1] =	sst s0  }
0x9: {  	[smem:$0x3FA2] =	sst s1  }
0xa: {  	[smem:$0x3FA3] =	sst s2  }
0xb: {  	[smem:$0x3FA4] =	sst s3  }
0xc: {  	[smem:$0x3FA5] =	sst s4  }
0xd: {  	[smem:$0x3FA6] =	sst s5  }
0xe: {  	[smem:$0x3FA7] =	sst s6  }
0xf: {  	[smem:$0x3FA8] =	sst s7  }
0x10: {  	[smem:$0x3FA9] =	sst s8  }
0x11: {  	[smem:$0x3FAA] =	sst s9;
	s0 =	simm.s32 @!p0 $0x0  }
0x12: {  	s1 =	sld [smem:$0x3F90];
	s0 =	simm.s32 @p0 $0x1  }
0x13: {  	[smem:$0x3FAB] =	sst s0;
	s0 =	simm.s32 @!p1 $0x0  }
0x14: {  	s2 =	sld [smem:$0x3F8F];
	s0 =	simm.s32 @p1 $0x1  }
0x15: {  	[smem:$0x3FAC] =	sst s0;
	s0 =	simm.s32 @!p2 $0x0  }
0x16: {  	s3 =	sld [smem:$0x3FDB];
	s0 =	simm.s32 @p2 $0x1  }
0x17: {  	s4 =	simm.s32 $0x1BF5;
	[smem:$0x3FAE] =	sst s0  }
0x18: {  	s0 =	sld [smem:$0x3F91];
	_ =	swait.ge [sflag:s4], $0x0  }
0x19: {  	s7 =	sld [smem:$0x3F92]  }
0x1a: {  	s8 =	sadd.s32 $0xFFFFE003, lr  }
0x1b: {  	s9 =	sadd.s32 $0xFFFFFEF7, lr;
	s5 =	simm.s32 $0xFFFFFFFF;
	p2 =	slt.u32 s8, $0xFFFFF086  }
0x1c: {  	p1 =	slt.u32 s9, $0xF7A;
	s5 =	simm.s32 @!p2 $0x0  }
0x1d: {  	s5 =	simm.s32 @p1 $0x1;
	p0 =	seq.s32 s7, s2  }
0x1e: {  	s7 =	smul.u32 @!p0 $0xF7A, s2;
	p2 =	seq.s32 @!p0 s5, $0x0  }
0x1f: {  	s9 =	smul.u32 $0xF7A, s1;
	s8 =	simm.s32 @!p0 $0x1BF5;
	p2 =	por !p2, p0  }
0x20: {  	[sflag:s8] =	ssyncset.s32 @!p0 $0xFFFFF086;
	s6 =	sadd.s32 @!p0 s3, s7;
	s7 =	simm.s32 @!p0 $0x108  }
0x21: {  	s3 =	sadd.s32 s3, s9;
	s6 =	sadd.s32 @!p0 $0x88, s6;
	s7 =	simm.s32 @p2 $0x1082  }
0x22: {  	[simem:s7], [sflag:s8] =	dma.local @!p0 [hbm:s6], $0xF7A  }
0x23: {  	s9 =	sor.u32 $0xD0000000, s2;
	s6 =	simm.s32 $0x108;
	_ =	swait.ge @!p0 [sflag:s8], $0x0  }
0x24: {  	s3 =	sadd.s32 $0x88, s3;
	s6 =	simm.s32 @!p1 $0x1082;
	[sflag:s4] =	ssyncset.s32 $0xFFFFF086  }
0x25: {  	[simem:s6], [sflag:s4] =	dma.local [hbm:s3], $0xF7A  }
0x26: {  	[smem:$0x3F92] =	sst s1;
	(tag) =	ssettag s2;
	_ =	strace s9  }
0x27: {  	s1 =	sld [smem:$0x3FA2]  }
0x28: {  	s2 =	sld [smem:$0x3FA3]  }
0x29: {  	s4 =	sld [smem:$0x3FA5]  }
0x2a: {  	p0 =	seq.s32 s5, $0x0;
	s5 =	sld [smem:$0x3FA6]  }
0x2b: {  	s6 =	sld [smem:$0x3FA7]  }
0x2c: {  	s7 =	sld [smem:$0x3FA8]  }
0x2d: {  	s3 =	simm.s32 $0x108;
	s8 =	sld [smem:$0x3FA9]  }
0x2e: {  	s3 =	simm.s32 @!p0 $0x1082;
	s9 =	sld [smem:$0x3FAA]  }
0x2f: {  	lr =	sadd.s32 s0, s3;
	s0 =	sld [smem:$0x3FA1]  }
0x30: {  	s3 =	sld [smem:$0x3FA4]  }
0x31: {  	[smem:$0x3FAD] =	sst s10  }
0x32: {  	s10 =	sld [smem:$0x3FAB];
	_ =	sdelay $0x3  }
0x33: {  	p0 =	seq.s32 s10, $0x1;
	s10 =	sld [smem:$0x3FAD];
	_ =	sdelay $0x3  }
0x34: {  	[smem:$0x3FAD] =	sst s10  }
0x35: {  	s10 =	sld [smem:$0x3FAC];
	_ =	sdelay $0x3  }
0x36: {  	p1 =	seq.s32 s10, $0x1;
	s10 =	sld [smem:$0x3FAD];
	_ =	sdelay $0x3  }
0x37: {  	[smem:$0x3FAD] =	sst s10  }
0x38: {  	s10 =	sld [smem:$0x3FAE]  }
0x39: {  	_ = 	snop;
	(pc) =	sbr.ind lr, $3  }
0x3a: {  	_ = 	snop  }
0x3b: {  	_ = 	snop  }
0x3c: {  	p2 =	seq.s32 s10, $0x1;
	s10 =	sld [smem:$0x3FAD]  }
0x3d: {  	_ =	shalt  }
0x3e: {  	_ =	shalt  }
0x3f: {  	_ =	shalt  }
0x40: {  	_ =	shalt  }
0x41: {  	_ =	shalt  }
0x42: {  	_ =	shalt  }
0x43: {  	_ =	shalt  }
0x44: {  	_ =	shalt  }
0x45: {  	_ =	shalt  }
0x46: {  	_ =	shalt  }
0x47: {  	_ =	shalt  }
0x48: {  	_ =	shalt  }
0x49: {  	_ =	shalt  }
0x4a: {  	_ =	shalt  }
0x4b: {  	_ =	shalt  }
0x4c: {  	_ =	shalt  }
0x4d: {  	_ =	shalt  }
0x4e: {  	_ =	shalt  }
0x4f: {  	_ =	shalt  }
0x50: {  	_ =	shalt  }
0x51: {  	_ =	shalt  }
0x52: {  	_ =	shalt  }
0x53: {  	_ =	shalt  }
0x54: {  	_ =	shalt  }
0x55: {  	_ =	shalt  }
0x56: {  	_ =	shalt  }
0x57: {  	_ =	shalt  }
0x58: {  	_ =	shalt  }
0x59: {  	_ =	shalt  }
0x5a: {  	_ =	shalt  }
0x5b: {  	_ =	shalt  }
0x5c: {  	_ =	shalt  }
0x5d: {  	_ =	shalt  }
0x5e: {  	_ =	shalt  }
0x5f: {  	_ =	shalt  }
0x60: {  	_ =	shalt  }
0x61: {  	_ =	shalt  }
0x62: {  	_ =	shalt  }
0x63: {  	_ =	shalt  }
0x64: {  	_ =	shalt  }
0x65: {  	_ =	shalt  }
0x66: {  	_ =	shalt  }
0x67: {  	_ =	shalt  }
0x68: {  	_ =	shalt  }
0x69: {  	_ =	shalt  }
0x6a: {  	_ =	shalt  }
0x6b: {  	_ =	shalt  }
0x6c: {  	_ =	shalt  }
0x6d: {  	_ =	shalt  }
0x6e: {  	_ =	shalt  }
0x6f: {  	_ =	shalt  }
0x70: {  	_ =	shalt  }
0x71: {  	_ =	shalt  }
0x72: {  	_ =	shalt  }
0x73: {  	_ =	shalt  }
0x74: {  	_ =	shalt  }
0x75: {  	_ =	shalt  }
0x76: {  	_ =	shalt  }
0x77: {  	_ =	shalt  }
0x78: {  	_ =	shalt  }
0x79: {  	_ =	shalt  }
0x7a: {  	_ =	shalt  }
0x7b: {  	_ =	shalt  }
0x7c: {  	_ =	shalt  }
0x7d: {  	_ =	shalt  }
0x7e: {  	_ =	shalt  }
0x7f: {  	_ =	shalt  }
0x80: {  	_ =	shalt  }
0x81: {  	_ =	shalt  }
0x82: {  	_ =	shalt  }
0x83: {  	_ =	shalt  }
0x84: {  	_ =	shalt  }
0x85: {  	_ =	shalt  }
0x86: {  	_ =	shalt  }
0x87: {  	_ =	shalt  }
.Lfunc_end0:
.L_simem_size_0:
called_computation_lowered:
.L_overlay_start_0:
0x88: {  	s2 =	sld [smem:$0x3FD9]  }
0x89: {  	s3 =	sld [smem:$0x3FFE];
	_ =	sdelay $0x1  }
0x8a: {  	s1 =	srdreg.scid  }
0x8b: {  	s0 =	sand.u32 $0x1, s1  }
0x8c: {  	s16 =	sshll.u32 s0, $0xA;
	s2 =	sadd.s32 s3, s2  }
0x8d: {  	s2 =	sadd.s32 s2, s16  }
0x8e: {  	[smem:$0x3FB9] =	sst s2  }
0x8f: {  	_ = 	snop  }
0x90: {  	(tm) =	ssettm $0x1  }
0x91: {  	s17 =	sld [smem:$0x3FFB];
	_ =	sdelay $0x3  }
0x92: {  	_ =	strace s17  }
0x93: {  	s2 =	sld [smem:$0x3FFC];
	_ =	sdelay $0x3  }
0x94: {  	_ =	strace s2  }
0x95: {  	s2 =	sld [smem:$0x3FFD];
	_ =	sdelay $0x3  }
0x96: {  	_ =	strace s2  }
0x97: {  	_ =	strace $0x8FFFFFFF  }
0x98: {  	s18 =	sld [smem:$0x3FDB];
	_ =	sdelay $0x1  }
0x99: {  	s19 =	simm.s32 $_scs_section_size  }
0x9a: {  	s4 =	simm.s32 $_size__tile_overlayer_lowered;
	s5 =	simm.s32 $_tile_overlayer_lowered  }
0x9b: {  	s22 =	simm.s32 $0x1BFF;
	s21 =	sshll.u32 s5, $0x1;
	s2 =	sadd.s32 s19, s18  }
0x9c: {  	s6 =	simm.s32 $0x0;
	s20 =	sshll.u32 s4, $0x1;
	s4 =	sadd.s32 s21, s2  }
0x9d: {  	[timem:s6], [sflag:s22] =	dma.local [hbm:s4], s20  }
0x9e: {  	_ =	swait.ge [sflag:s22], s20  }
0x9f: {  	s3 =	ssub.s32 $0x0, s20;
	[sflag:s22] =	ssyncset.done $0x0  }
0xa0: {  	[sflag:s22] =	ssyncadd.s32 s3;
	_ =	sdelay $0x1  }
0xa1: {  	s23 =	simm.s32 $0x1B8B  }
0xa2: {  	_ =	swait.ge [sflag:s23], $0x1  }
0xa3: {  	[sflag:s23] =	ssyncset.done $0x0  }
0xa4: {  	s25 =	simm.s32 $0x1B8E;
	s24 =	sld [smem:$0x3FFE];
	[sflag:s23] =	ssyncadd.s32 $0xFFFFFFFF  }
0xa5: {  	s26 =	simm.s32 $execute0_lowered;
	[smem:$0x3FD2] =	sst s25  }
0xa6: {  	s4 =	sshll.u32 s26, $0x1;
	_ =	strace $0x80000046;
	[dreg:$0x1] =	wrdreg $0xFFFFFFFF  }
0xa7: {  	s28 =	simm.s32 $_size_execute0_lowered;
	s2 =	sadd.s32 s2, s4;
	[dreg:$0x0] =	wrdreg $0x0  }
0xa8: {  	s4 =	sshll.u32 s28, $0x1;
	[dreg:$0x2] =	wrdreg s2  }
0xa9: {  	[dreg:$0x3] =	wrdreg s4  }
0xaa: {  	[dreg:$0x4] =	wrdreg $0xC0  }
0xab: {  	_ =	task [dreg:s6], $0x5FFFF  }
0xac: {  	[dreg:$0x1] =	wrdreg $0xFFFFFFFF  }
0xad: {  	[dreg:$0x0] =	wrdreg $0x60  }
0xae: {  	[dreg:$0x2] =	wrdreg s24  }
0xaf: {  	[dreg:$0x3] =	wrdreg $0x9  }
0xb0: {  	_ =	task.clear_ibuf [dreg:s6], $0x4FFFF;
	_ =	strace $0x90000046  }
0xb1: {  	s29 =	simm.s32 $0x9;
	_ =	strace $0x80000048  }
0xb2: {  	_ =	swait.ge [sflag:s29], $0x1  }
0xb3: {  	[sflag:s29] =	ssyncadd.s32 $0xFFFFFFFF  }
0xb4: {  	_ =	strace $0x90000048  }
0xb5: {  	_ =	sfence  }
0xb6: {  	s30 =	sld [smem:$0x0];
	_ =	sdelay $0x2  }
0xb7: {  	s31 =	sshll.u32 s1, $0xD;
	s1 =	sshrl.u32 s1, $0x2  }
0xb8: {  	s3 =	sand.u32 $0x4000, s31;
	s1 =	sadd.s32 s1, s30  }
0xb9: {  	s0 =	sor.u32 s3, s0;
	s1 =	sshll.u32 s1, $0x11  }
0xba: {  	s0 =	sor.u32 s1, s0  }
0xbb: {  	s0 =	sadd.s32 $0x8F2B, s0  }
0xbc: {  	[sflag:s0] =	ssyncadd.remote.s32 $0x1  }
0xbd: {  	_ =	sfence.sel $0xFFFF  }
0xbe: {  	[dreg:$0x0] =	wrdreg $0xFFFFFFFF;
	(pc) =	sbr.abs _section_cstart, $3  }
0xbf: {  	[dreg:$0x1] =	wrdreg $0xFFFFFFFF  }
0xc0: {  	_ =	task.clear_ibuf [dreg:s6], $0x2FFFF;
	_ =	strace $0x9FFFFFFF  }
0xc1: {  	(tm) =	ssettm $0x7FFFFFFF  }
tec
execute0_lowered:
.L_overlay_start_1:
0x0: {  	(tag) =	ssettag $0x1  }
0x1: {  	s8 =	rddreg [dreg:$0x0]  }
0x2: {  	s0 =	rddreg [dreg:$0x1];
	_ =	strace $0x80000047;
	s1 =	stileid.u32  }
0x3: {  	s3 =	srdreg.scid;
	s4 =	simm.s32 $0x1;
	s7 =	simm.s32 $0x1  }
0x4: {  	s9 =	simm.s32 $0x1;
	s10 =	simm.s32 $0x3;
	s13 =	simm.s32 $0x0  }
0x5: {  	s12 =	simm.s32 $0x0;
	s5 =	sand.u32 $0x1, s3;
	s6 =	sshll.u32 s1, $0x1  }
0x6: {  	s2 =	sadd.s32 $0x7E00, s8;
	s3 =	sadd.s32 $0x7800, s8;
	s5 =	sor.u32 s6, s5  }
.Ltmp0:
0x7: {  	[sflag:s4] =	ssyncpa.u1 $0x0;
	p0 =	slt.u32 s5, $0x11;
	(pc) =	sbr.rel .LBB2_1-.Ltmp0, $4  }
0x8: {  	s6 =	simm.s32 $0x2;
	s7 =	simm.s32 @!p0 $0x0;
	p0 =	sne.s32 s5, $0x10  }
0x9: {  	[sflag:s6] =	ssyncpa.u1 $0x0;
	s5 =	smul.u32 $0xD0, s5;
	s9 =	simm.s32 @!p0 $0x0  }
0xa: {  	s8 =	sadd.s32 $0xAE00, s8;
	[sflag:s10] =	ssyncpa.u1 $0x0;
	s7 =	sadd.s32 s9, s7  }
0xb: {  	vm0 =	vmmov $0xffff;
	s10 =	simm.s32 $0x0;
	s11 =	smov.u32 s5;
	s9 =	sadd.s32 $0x1, s7  }
.LBB2_4:
0xc: {  	v2 =	vand.u32 $0x1, v2;
	v3 =	vshrl.u32 v0, $0xA;
	v62 =	vshll.u32 v0, $0x8  }
0xd: {  	v2 =	vsel vm1, $0xFFFFFFFF, v2;
	v3 =	vand.u32 $0xF, v3;
	v0 =	vand.u32 $0x1FF00, v62  }
0xe: {  	v3 =	vsel vm1, $0xFFFFFFFF, v3;
	v0 =	vsel vm1, $0xFFFFFF00, v0;
	v4 =	vand.u32 $0xFFFFFF00, v2  }
0xf: {  	v0 =	vadd.s32 v0, v4;
	v63 =	vand.u32 $0xFFFFFF00, v3  }
0x10: {  	v2 =	vshll.u32 v2, $0x7;
	v3 =	vand.u32 $0x7F, v3;
	v0 =	vadd.s32 v63, v0  }
0x11: {  	v2 =	vand.u32 $0x80, v2;
	v0 =	vor.u32 v3, v0  }
0x12: {  	v0 =	vor.u32 v2, v0;
	_ =	sdelay $0x1  }
0x13: {  	(ifvalue) =	ssetifvalue $0x7FFFFFFF;
	s15 =	sadd.s32 $0x10, s15  }
0x14: {  	[tilespmem:s15], [sflag:$0x1] =	stream.indirect_vreg.gather [hbm4b:s2+s10], $0x1, v1, vm0, $0x4038;
	[tilespmem:$0x340] =	vst v63  }
0x15: {  	(ifvalue) =	ssetifvalue $0x7FFFFFFF;
	s15 =	sadd.s32 $0x10, s15  }
0x16: {  	[tilespmem:s15], [sflag:$0x1] =	stream.indirect_vreg.gather [hbm4b:s2+s10], $0x1, v0, vm0, $0x4038;
	[tilespmem:$0x340] =	vst v63  }
0x17: {  	_ =	swait.ge [sflag:s4], $0xD0  }
0x18: {  	s30 =	sshrl.u32 s13, $0x3;
	[sflag:s4] =	ssyncset.done $0x0  }
0x19: {  	s31 =	sand.u32 $0x7, s13;
	s15 =	sadd.s32 s8, s30;
	[sflag:s4] =	ssyncadd.s32 $0xFFFFFF30  }
0x1a: {  	[hbm4b:s15+s31] =	stream.linear.scatter [tilespmem:s14], [sflag:$0x3], $0xD0, $0x38;
	[tilespmem:$0x340] =	vst v63  }
.LBB2_5:
0x1b: {  	s15 =	sadd.s32 $0x1A00, s11  }
0x1c: {  	p1 =	sgt.s32 s15, $0x26FF  }
0x1d: {  	s15 =	smov.u32 @p1 s5;
	p1 =	sne.s32 s12, s9  }
.Ltmp1:
0x1e: {  	p0 =	slt.u32 s12, $0x2;
	(pc) =	sbr.rel @!p1 .LBB2_6-.Ltmp1, $4  }
0x1f: {  	s14 =	simm.s32 @!p0 $0x3  }
0x20: {  	_ =	swait.ge @!p0 [sflag:s14], $0xD0  }
0x21: {  	s16 =	sadd.s32 $0x1, s12;
	s13 =	smov.u32 s11;
	[sflag:s14] =	ssyncset.done @!p0 $0x0  }
0x22: {  	s12 =	smov.u32 s16;
	s11 =	smov.u32 s15;
	[sflag:s14] =	ssyncadd.s32 @!p0 $0xFFFFFF30  }
.LBB2_1:
0x23: {  	p0 =	sge.u32 s12, s7  }
0x24: {  	s14 =	sxor.u32 @!p0 $0x1, s12  }
0x25: {  	s14 =	smul.u32 @!p0 $0x340, s14  }
0x26: {  	s31 =	sadd.s32 $0xFFFFFFFF, s12;
	s15 =	sshrl.u32 @!p0 s11, $0x3  }
0x27: {  	s16 =	sand.u32 @!p0 $0x7, s11;
	s15 =	sadd.s32 @!p0 s3, s15;
	s14 =	sshra.s32 @!p0 s14, $0x2  }
0x28: {  	[tilespmem:s14], [sflag:$0x2] =	stream.linear.gather @!p0 [hbm4b:s15+s16], $0xD0, $0x38;
	[tilespmem:$0x340] =	vst v63  }
0x29: {  	p0 =	sge.u32 s31, s7  }
.Ltmp2:
0x2a: {  	_ = 	snop;
	(pc) =	sbr.rel @p0 .LBB2_5-.Ltmp2, $1  }
0x2b: {  	_ =	sdelay $0x3  }
0x2c: {  	s14 =	sand.u32 $0x1, s12  }
0x2d: {  	_ =	swait.ge [sflag:s6], $0xD0;
	p0 =	seq.s32 s14, $0x1;
	s14 =	simm.s32 $0xD0  }
0x2e: {  	[sflag:s6] =	ssyncset.done $0x0;
	s14 =	simm.s32 @!p0 $0x0  }
0x2f: {  	[sflag:s6] =	ssyncadd.s32 $0xFFFFFF30;
	(ifvalue) =	ssetifvalue $0x7FFFFFFF;
	v0 =	vld.msk [tilespmem:s14+$0x0 ss:$0x1], $0xffff  }
0x30: {  	s15 =	sadd.s32 $0x10, s14  }
0x31: {  	v3 =	vld.msk [tilespmem:s15+$0x0 ss:$0x1], $0xffff;
	_ =	sdelay $0x2  }
0x32: {  	vm1 =	veq.s32 v0, $0x80000000;
	v1 =	vshrl.u32 v0, $0x9;
	v2 =	vshrl.u32 v0, $0xA  }
0x33: {  	v0 =	vshll.u32 v0, $0x8;
	v1 =	vand.u32 $0x1, v1;
	v2 =	vand.u32 $0xF, v2  }
0x34: {  	v0 =	vand.u32 $0x1FF00, v0;
	v62 =	vshrl.u32 v3, $0xA;
	v1 =	vsel vm1, $0xFFFFFFFF, v1  }
0x35: {  	v2 =	vsel vm1, $0xFFFFFFFF, v2;
	v0 =	vsel vm1, $0xFFFFFF00, v0;
	v4 =	vand.u32 $0xFFFFFF00, v1  }
0x36: {  	vm1 =	veq.s32 v3, $0x80000000;
	v61 =	vand.u32 $0xFFFFFF00, v2;
	v0 =	vadd.s32 v0, v4  }
0x37: {  	v2 =	vand.u32 $0x7F, v2;
	v1 =	vshll.u32 v1, $0x7;
	v0 =	vadd.s32 v61, v0  }
0x38: {  	v1 =	vand.u32 $0x80, v1;
	v0 =	vor.u32 v2, v0;
	v2 =	vshrl.u32 v3, $0x9  }
0x39: {  	s15 =	sadd.s32 $0x10, s15;
	v3 =	vshll.u32 v3, $0x8;
	v1 =	vor.u32 v1, v0;
	v2 =	vand.u32 $0x1, v2  }
0x3a: {  	v4 =	vand.u32 $0xF, v62;
	v0 =	vld.msk [tilespmem:s15+$0x0 ss:$0x1], $0xffff;
	v3 =	vand.u32 $0x1FF00, v3;
	v2 =	vsel vm1, $0xFFFFFFFF, v2  }
0x3b: {  	v4 =	vsel vm1, $0xFFFFFFFF, v4;
	v3 =	vsel vm1, $0xFFFFFF00, v3;
	v5 =	vand.u32 $0xFFFFFF00, v2  }
0x3c: {  	v63 =	vand.u32 $0xFFFFFF00, v4;
	v3 =	vadd.s32 v3, v5  }
0x3d: {  	s14 =	sadd.s32 $0x1A0, s14;
	v4 =	vand.u32 $0x7F, v4;
	(ifvalue) =	ssetifvalue $0x7FFFFFFF;
	v2 =	vshll.u32 v2, $0x7;
	v3 =	vadd.s32 v63, v3  }
0x3e: {  	[tilespmem:s14], [sflag:$0x1] =	stream.indirect_vreg.gather [hbm4b:s2+s10], $0x1, v1, vm0, $0x4038;
	v1 =	vand.u32 $0x80, v2;
	v3 =	vor.u32 v4, v3;
	[tilespmem:$0x340] =	vst v63  }
0x3f: {  	s16 =	simm.s32 $0x20;
	s17 =	sadd.s32 $0x10, s15;
	s15 =	smov.u32 s14;
	vm1 =	veq.s32 v0, $0x80000000;
	v2 =	vshrl.u32 v0, $0x9;
	v1 =	vor.u32 v1, v3  }
.LBB2_3:
0x40: {  	s16 =	sadd.s32 $0x10, s16;
	v2 =	vand.u32 $0x1, v2;
	v3 =	vshrl.u32 v0, $0xA;
	v4 =	vshll.u32 v0, $0x8;
	v0 =	vld.msk [tilespmem:s17+$0x0 ss:$0x1], $0xffff  }
0x41: {  	p0 =	slt.u32 s16, $0xC0;
	v2 =	vsel vm1, $0xFFFFFFFF, v2;
	v3 =	vand.u32 $0xF, v3;
	v4 =	vand.u32 $0x1FF00, v4  }
.Ltmp3:
0x42: {  	v3 =	vsel vm1, $0xFFFFFFFF, v3;
	v4 =	vsel vm1, $0xFFFFFF00, v4;
	v5 =	vand.u32 $0xFFFFFF00, v2;
	(pc) =	sbr.rel @p0 .LBB2_3-.Ltmp3, $4  }
0x43: {  	s15 =	sadd.s32 $0x10, s15;
	v4 =	vadd.s32 v4, v5;
	v5 =	vand.u32 $0xFFFFFF00, v3;
	(ifvalue) =	ssetifvalue $0x7FFFFFFF  }
0x44: {  	v2 =	vshll.u32 v2, $0x7;
	v3 =	vand.u32 $0x7F, v3;
	v4 =	vadd.s32 v5, v4;
	[tilespmem:s15], [sflag:$0x1] =	stream.indirect_vreg.gather [hbm4b:s2+s10], $0x1, v1, vm0, $0x4038;
	[tilespmem:$0x340] =	vst v63  }
0x45: {  	v1 =	vand.u32 $0x80, v2;
	v3 =	vor.u32 v3, v4  }
0x46: {  	s17 =	sadd.s32 $0x10, s17;
	vm1 =	veq.s32 v0, $0x80000000;
	v2 =	vshrl.u32 v0, $0x9;
	v1 =	vor.u32 v1, v3  }
.Ltmp4:
0x47: {  	_ = 	snop;
	(pc) =	sbr.rel .LBB2_4-.Ltmp4, $1  }
0x48: {  	_ =	sdelay $0x3  }
.LBB2_6:
0x49: {  	_ =	sfence.sel $0x180000  }
0x4a: {  	s2 =	simm.s32 $0x2;
	[bflag:$0x0] =	sbarrier.arrive $0xFFFF  }
0x4b: {  	s30 =	simm.s32 $0x3;
	[sflag:s2] =	ssyncpa.u1 $0x1  }
0x4c: {  	s31 =	simm.s32 $0x1;
	[sflag:s30] =	ssyncpa.u1 $0x1  }
0x4d: {  	[sflag:s31] =	ssyncpa.u1 $0x1  }
0x4e: {  	p0 =	sne.s32 s1, $0x0;
	_ =	strace $0x90000047  }
0x4f: {  	s0 =	sadd.s32 @!p0 $0x100000, s0;
	[bflag:$0x2] =	sbarrier.arrive $0xFFFF  }
0x50: {  	[sflag:s0] =	ssyncadd.tile.s32 @!p0 $0x1;
	_ =	shalt  }
.Lfunc_end2:
_tile_overlayer_lowered:
.L_overlay_start_2:
0x51: {  	(tag) =	ssettag $0x2  }
0x52: {  	s0 =	rddreg [dreg:$0x0];
	s2 =	stileid.u32  }
0x53: {  	s1 =	rddreg [dreg:$0x1];
	p0 =	sne.s32 s2, $0x0  }
0x54: {  	s3 =	rddreg [dreg:$0x2];
	[bflag:$0x3] =	sbarrier.arrive $0xFFFF;
	s2 =	simm.s32 @!p0 $0x1C01  }
0x55: {  	[timem:s3], [sflag:s2] =	dma.local @!p0 [hbm:s0], s1  }
0x56: {  	s0 =	simm.s32 @!p0 $0x1  }
0x57: {  	_ =	swait.ge @!p0 [sflag:s0], s1  }
0x58: {  	s1 =	ssub.s32 @!p0 $0x0, s1;
	[sflag:s0] =	ssyncset.done @!p0 $0x0  }
0x59: {  	[sflag:s0] =	ssyncadd.s32 @!p0 s1  }
0x5a: {  	[bflag:$0x3] =	sbarrier.arrive $0xFFFF  }
0x5b: {  	_ =	shalt  }

// kernel: kernel.14.cloned.1.call-start
scs
__scs_entry_jumppad:
0x0: {  	(pc) =	sbr.rel $0x88, $3  }
0x1: {  	(tag) =	ssettag $0x0;
	lr =	simm.s32 $0x1  }
0x2: {  	[smem:$0x3F92] =	sst lr;
	_ =	strace $0xD0000000  }
0x3: {  	_ = 	snop  }
0x4: {  	_ = 	snop  }
0x5: {  	_ = 	snop  }
0x6: {  	_ = 	snop  }
0x7: {  	_ = 	snop  }
__scs_overlays_trampoline_lowered:
0x8: {  	[smem:$0x3FA1] =	sst s0  }
0x9: {  	[smem:$0x3FA2] =	sst s1  }
0xa: {  	[smem:$0x3FA3] =	sst s2  }
0xb: {  	[smem:$0x3FA4] =	sst s3  }
0xc: {  	[smem:$0x3FA5] =	sst s4  }
0xd: {  	[smem:$0x3FA6] =	sst s5  }
0xe: {  	[smem:$0x3FA7] =	sst s6  }
0xf: {  	[smem:$0x3FA8] =	sst s7  }
0x10: {  	[smem:$0x3FA9] =	sst s8  }
0x11: {  	[smem:$0x3FAA] =	sst s9;
	s0 =	simm.s32 @!p0 $0x0  }
0x12: {  	s1 =	sld [smem:$0x3F90];
	s0 =	simm.s32 @p0 $0x1  }
0x13: {  	[smem:$0x3FAB] =	sst s0;
	s0 =	simm.s32 @!p1 $0x0  }
0x14: {  	s2 =	sld [smem:$0x3F8F];
	s0 =	simm.s32 @p1 $0x1  }
0x15: {  	[smem:$0x3FAC] =	sst s0;
	s0 =	simm.s32 @!p2 $0x0  }
0x16: {  	s3 =	sld [smem:$0x3FDB];
	s0 =	simm.s32 @p2 $0x1  }
0x17: {  	s4 =	simm.s32 $0x1BF5;
	[smem:$0x3FAE] =	sst s0  }
0x18: {  	s0 =	sld [smem:$0x3F91];
	_ =	swait.ge [sflag:s4], $0x0  }
0x19: {  	s7 =	sld [smem:$0x3F92]  }
0x1a: {  	s8 =	sadd.s32 $0xFFFFE003, lr  }
0x1b: {  	s9 =	sadd.s32 $0xFFFFFEF7, lr;
	s5 =	simm.s32 $0xFFFFFFFF;
	p2 =	slt.u32 s8, $0xFFFFF086  }
0x1c: {  	p1 =	slt.u32 s9, $0xF7A;
	s5 =	simm.s32 @!p2 $0x0  }
0x1d: {  	s5 =	simm.s32 @p1 $0x1;
	p0 =	seq.s32 s7, s2  }
0x1e: {  	s7 =	smul.u32 @!p0 $0xF7A, s2;
	p2 =	seq.s32 @!p0 s5, $0x0  }
0x1f: {  	s9 =	smul.u32 $0xF7A, s1;
	s8 =	simm.s32 @!p0 $0x1BF5;
	p2 =	por !p2, p0  }
0x20: {  	[sflag:s8] =	ssyncset.s32 @!p0 $0xFFFFF086;
	s6 =	sadd.s32 @!p0 s3, s7;
	s7 =	simm.s32 @!p0 $0x108  }
0x21: {  	s3 =	sadd.s32 s3, s9;
	s6 =	sadd.s32 @!p0 $0x88, s6;
	s7 =	simm.s32 @p2 $0x1082  }
0x22: {  	[simem:s7], [sflag:s8] =	dma.local @!p0 [hbm:s6], $0xF7A  }
0x23: {  	s9 =	sor.u32 $0xD0000000, s2;
	s6 =	simm.s32 $0x108;
	_ =	swait.ge @!p0 [sflag:s8], $0x0  }
0x24: {  	s3 =	sadd.s32 $0x88, s3;
	s6 =	simm.s32 @!p1 $0x1082;
	[sflag:s4] =	ssyncset.s32 $0xFFFFF086  }
0x25: {  	[simem:s6], [sflag:s4] =	dma.local [hbm:s3], $0xF7A  }
0x26: {  	[smem:$0x3F92] =	sst s1;
	(tag) =	ssettag s2;
	_ =	strace s9  }
0x27: {  	s1 =	sld [smem:$0x3FA2]  }
0x28: {  	s2 =	sld [smem:$0x3FA3]  }
0x29: {  	s4 =	sld [smem:$0x3FA5]  }
0x2a: {  	p0 =	seq.s32 s5, $0x0;
	s5 =	sld [smem:$0x3FA6]  }
0x2b: {  	s6 =	sld [smem:$0x3FA7]  }
0x2c: {  	s7 =	sld [smem:$0x3FA8]  }
0x2d: {  	s3 =	simm.s32 $0x108;
	s8 =	sld [smem:$0x3FA9]  }
0x2e: {  	s3 =	simm.s32 @!p0 $0x1082;
	s9 =	sld [smem:$0x3FAA]  }
0x2f: {  	lr =	sadd.s32 s0, s3;
	s0 =	sld [smem:$0x3FA1]  }
0x30: {  	s3 =	sld [smem:$0x3FA4]  }
0x31: {  	[smem:$0x3FAD] =	sst s10  }
0x32: {  	s10 =	sld [smem:$0x3FAB];
	_ =	sdelay $0x3  }
0x33: {  	p0 =	seq.s32 s10, $0x1;
	s10 =	sld [smem:$0x3FAD];
	_ =	sdelay $0x3  }
0x34: {  	[smem:$0x3FAD] =	sst s10  }
0x35: {  	s10 =	sld [smem:$0x3FAC];
	_ =	sdelay $0x3  }
0x36: {  	p1 =	seq.s32 s10, $0x1;
	s10 =	sld [smem:$0x3FAD];
	_ =	sdelay $0x3  }
0x37: {  	[smem:$0x3FAD] =	sst s10  }
0x38: {  	s10 =	sld [smem:$0x3FAE]  }
0x39: {  	_ = 	snop;
	(pc) =	sbr.ind lr, $3  }
0x3a: {  	_ = 	snop  }
0x3b: {  	_ = 	snop  }
0x3c: {  	p2 =	seq.s32 s10, $0x1;
	s10 =	sld [smem:$0x3FAD]  }
0x3d: {  	_ =	shalt  }
0x3e: {  	_ =	shalt  }
0x3f: {  	_ =	shalt  }
0x40: {  	_ =	shalt  }
0x41: {  	_ =	shalt  }
0x42: {  	_ =	shalt  }
0x43: {  	_ =	shalt  }
0x44: {  	_ =	shalt  }
0x45: {  	_ =	shalt  }
0x46: {  	_ =	shalt  }
0x47: {  	_ =	shalt  }
0x48: {  	_ =	shalt  }
0x49: {  	_ =	shalt  }
0x4a: {  	_ =	shalt  }
0x4b: {  	_ =	shalt  }
0x4c: {  	_ =	shalt  }
0x4d: {  	_ =	shalt  }
0x4e: {  	_ =	shalt  }
0x4f: {  	_ =	shalt  }
0x50: {  	_ =	shalt  }
0x51: {  	_ =	shalt  }
0x52: {  	_ =	shalt  }
0x53: {  	_ =	shalt  }
0x54: {  	_ =	shalt  }
0x55: {  	_ =	shalt  }
0x56: {  	_ =	shalt  }
0x57: {  	_ =	shalt  }
0x58: {  	_ =	shalt  }
0x59: {  	_ =	shalt  }
0x5a: {  	_ =	shalt  }
0x5b: {  	_ =	shalt  }
0x5c: {  	_ =	shalt  }
0x5d: {  	_ =	shalt  }
0x5e: {  	_ =	shalt  }
0x5f: {  	_ =	shalt  }
0x60: {  	_ =	shalt  }
0x61: {  	_ =	shalt  }
0x62: {  	_ =	shalt  }
0x63: {  	_ =	shalt  }
0x64: {  	_ =	shalt  }
0x65: {  	_ =	shalt  }
0x66: {  	_ =	shalt  }
0x67: {  	_ =	shalt  }
0x68: {  	_ =	shalt  }
0x69: {  	_ =	shalt  }
0x6a: {  	_ =	shalt  }
0x6b: {  	_ =	shalt  }
0x6c: {  	_ =	shalt  }
0x6d: {  	_ =	shalt  }
0x6e: {  	_ =	shalt  }
0x6f: {  	_ =	shalt  }
0x70: {  	_ =	shalt  }
0x71: {  	_ =	shalt  }
0x72: {  	_ =	shalt  }
0x73: {  	_ =	shalt  }
0x74: {  	_ =	shalt  }
0x75: {  	_ =	shalt  }
0x76: {  	_ =	shalt  }
0x77: {  	_ =	shalt  }
0x78: {  	_ =	shalt  }
0x79: {  	_ =	shalt  }
0x7a: {  	_ =	shalt  }
0x7b: {  	_ =	shalt  }
0x7c: {  	_ =	shalt  }
0x7d: {  	_ =	shalt  }
0x7e: {  	_ =	shalt  }
0x7f: {  	_ =	shalt  }
0x80: {  	_ =	shalt  }
0x81: {  	_ =	shalt  }
0x82: {  	_ =	shalt  }
0x83: {  	_ =	shalt  }
0x84: {  	_ =	shalt  }
0x85: {  	_ =	shalt  }
0x86: {  	_ =	shalt  }
0x87: {  	_ =	shalt  }
.Lfunc_end0:
.L_simem_size_0:
called_computation.6_lowered:
.L_overlay_start_0:
0x88: {  	s2 =	sld [smem:$0x3FD9]  }
0x89: {  	s3 =	sld [smem:$0x3FFE];
	_ =	sdelay $0x1  }
0x8a: {  	s1 =	srdreg.scid  }
0x8b: {  	s0 =	sand.u32 $0x1, s1  }
0x8c: {  	s17 =	sshll.u32 s0, $0xA;
	s2 =	sadd.s32 s3, s2  }
0x8d: {  	s2 =	sadd.s32 s2, s17  }
0x8e: {  	[smem:$0x3FB9] =	sst s2  }
0x8f: {  	_ = 	snop  }
0x90: {  	s18 =	sld [smem:$0x3FD0];
	(tm) =	ssettm $0x1  }
0x91: {  	s19 =	sld [smem:$0x3FFB];
	_ =	sdelay $0x3  }
0x92: {  	_ =	strace s19  }
0x93: {  	s2 =	sld [smem:$0x3FFC];
	_ =	sdelay $0x3  }
0x94: {  	_ =	strace s2  }
0x95: {  	s2 =	sld [smem:$0x3FFD];
	_ =	sdelay $0x3  }
0x96: {  	_ =	strace s2  }
0x97: {  	_ =	strace $0x8FFFFFFF  }
0x98: {  	s20 =	sld [smem:$0x3FDB];
	_ =	sdelay $0x1  }
0x99: {  	s4 =	simm.s32 $_scs_section_size  }
0x9a: {  	s5 =	simm.s32 $_size__tile_overlayer_lowered;
	s6 =	simm.s32 $_tile_overlayer_lowered  }
0x9b: {  	s7 =	simm.s32 $0x1BFF;
	s21 =	sshll.u32 s6, $0x1;
	s4 =	sadd.s32 s4, s20  }
0x9c: {  	s22 =	simm.s32 $0x0;
	s5 =	sshll.u32 s5, $0x1;
	s6 =	sadd.s32 s21, s4  }
0x9d: {  	[timem:s22], [sflag:s7] =	dma.local [hbm:s6], s5  }
0x9e: {  	_ =	swait.ge [sflag:s7], s5  }
0x9f: {  	s5 =	ssub.s32 $0x0, s5;
	[sflag:s7] =	ssyncset.done $0x0  }
0xa0: {  	[sflag:s7] =	ssyncadd.s32 s5;
	_ =	sdelay $0x1  }
0xa1: {  	s23 =	simm.s32 $0x1B8B  }
0xa2: {  	_ =	swait.ge [sflag:s23], $0x1  }
0xa3: {  	[sflag:s23] =	ssyncset.done $0x0  }
0xa4: {  	[sflag:s23] =	ssyncadd.s32 $0xFFFFFFFF  }
0xa5: {  	s5 =	sld [smem:$0x0]  }
0xa6: {  	s6 =	sand.u32 $0xFFFFFFFE, s1  }
0xa7: {  	p0 =	sne.s32 s1, s6  }
0xa8: {  	s6 =	sshll.u32 @p0 s6, $0xE  }
0xa9: {  	s6 =	sadd.s32 @p0 $0x11B8D, s6;
	s7 =	sshll.u32 @p0 s5, $0x11  }
0xaa: {  	s6 =	sor.u32 @p0 s7, s6  }
0xab: {  	[sflag:s6] =	ssyncadd.remote.s32 @p0 $0x1;
	_ =	sdelay $0x1  }
0xac: {  	s6 =	simm.s32 @p0 $0x1B8D  }
0xad: {  	_ =	swait.eq @p0 [sflag:s6], $0x1  }
0xae: {  	[sflag:s6] =	ssyncadd.s32 @p0 $0xFFFFFFFF  }
0xaf: {  	s7 =	sshll.u32 @!p0 s1, $0xE  }
0xb0: {  	s7 =	sor.u32 @!p0 $0x4000, s7;
	s6 =	simm.s32 @!p0 $0x1B8D  }
0xb1: {  	s5 =	sshll.u32 @!p0 s5, $0x11;
	s7 =	sadd.s32 @!p0 $0x11B8D, s7;
	_ =	swait.eq @!p0 [sflag:s6], $0x1  }
0xb2: {  	s5 =	sor.u32 @!p0 s5, s7;
	[sflag:s6] =	ssyncadd.s32 @!p0 $0xFFFFFFFF  }
0xb3: {  	s25 =	simm.s32 $0x1B8E;
	s24 =	sld [smem:$0x3FFE];
	[sflag:s5] =	ssyncadd.remote.s32 @!p0 $0x1  }
0xb4: {  	s26 =	simm.s32 $execute0_lowered;
	[smem:$0x3FD2] =	sst s25  }
0xb5: {  	s6 =	sshll.u32 s26, $0x1;
	_ =	strace $0x80000049;
	[dreg:$0x1] =	wrdreg $0xFFFFFFFF  }
0xb6: {  	s28 =	simm.s32 $_size_execute0_lowered;
	s4 =	sadd.s32 s4, s6;
	[dreg:$0x0] =	wrdreg $0x0  }
0xb7: {  	s6 =	sshll.u32 s28, $0x1;
	[dreg:$0x2] =	wrdreg s4  }
0xb8: {  	[dreg:$0x3] =	wrdreg s6  }
0xb9: {  	[dreg:$0x4] =	wrdreg $0xC0  }
0xba: {  	_ =	task [dreg:s22], $0x5FFFF  }
0xbb: {  	[dreg:$0x1] =	wrdreg $0xFFFFFFFF  }
0xbc: {  	[dreg:$0x0] =	wrdreg $0x60  }
0xbd: {  	[dreg:$0x2] =	wrdreg s18  }
0xbe: {  	[dreg:$0x3] =	wrdreg s24  }
0xbf: {  	[dreg:$0x4] =	wrdreg $0xA  }
0xc0: {  	_ =	task.clear_ibuf [dreg:s22], $0x5FFFF;
	_ =	strace $0x90000049  }
0xc1: {  	s29 =	simm.s32 $0xA;
	_ =	strace $0x8000004B  }
0xc2: {  	_ =	swait.ge [sflag:s29], $0x1  }
0xc3: {  	[sflag:s29] =	ssyncadd.s32 $0xFFFFFFFF  }
0xc4: {  	_ =	strace $0x9000004B  }
0xc5: {  	_ =	sfence  }
0xc6: {  	s30 =	sld [smem:$0x0];
	_ =	sdelay $0x2  }
0xc7: {  	s31 =	sshll.u32 s1, $0xD;
	s1 =	sshrl.u32 s1, $0x2  }
0xc8: {  	s4 =	sand.u32 $0x4000, s31;
	s1 =	sadd.s32 s1, s30  }
0xc9: {  	s0 =	sor.u32 s4, s0;
	s1 =	sshll.u32 s1, $0x11  }
0xca: {  	s0 =	sor.u32 s1, s0  }
0xcb: {  	s0 =	sadd.s32 $0x8F2B, s0  }
0xcc: {  	[sflag:s0] =	ssyncadd.remote.s32 $0x1  }
0xcd: {  	_ =	sfence.sel $0xFFFF  }
0xce: {  	[dreg:$0x0] =	wrdreg $0xFFFFFFFF;
	(pc) =	sbr.abs _section_cstart, $3  }
0xcf: {  	[dreg:$0x1] =	wrdreg $0xFFFFFFFF  }
0xd0: {  	_ =	task.clear_ibuf [dreg:s22], $0x2FFFF;
	_ =	strace $0x9FFFFFFF  }
0xd1: {  	(tm) =	ssettm $0x7FFFFFFF  }
tec
execute0_lowered:
.L_overlay_start_1:
0x0: {  	(tag) =	ssettag $0x1  }
0x1: {  	s5 =	rddreg [dreg:$0x0]  }
0x2: {  	s4 =	rddreg [dreg:$0x1]  }
0x3: {  	s0 =	rddreg [dreg:$0x2];
	s2 =	simm.s32 $0x0  }
0x4: {  	s3 =	srdreg.scid;
	s1 =	stileid.u32;
	s10 =	simm.s32 $0x1  }
0x5: {  	s11 =	simm.s32 $0x2;
	s12 =	simm.s32 $0x0;
	[smem:$0x7FF] =	sst s2  }
0x6: {  	s6 =	sand.u32 $0x1, s3;
	s7 =	sshll.u32 s1, $0x1;
	s3 =	sadd.s32 $0x7000, s4  }
0x7: {  	s4 =	sadd.s32 $0xB400, s4;
	s8 =	ssub.s32 $0x2, s6;
	s6 =	sor.u32 s6, s7  }
0x8: {  	_ =	strace $0x8000004A;
	s31 =	sshrl.u32 s8, $0x1;
	s9 =	sshll.u32 s6, $0xA  }
0x9: {  	s6 =	sshll.u32 s6, $0x3;
	s7 =	ssub.s32 s8, s31;
	s5 =	sadd.s32 s5, s9  }
0xa: {  	s8 =	simm.s32 $0x3;
	s9 =	simm.s32 $0x3400;
	s7 =	smax.u32 s7, $0x1  }
.LBB2_1:
0xb: {  	[tilespmem:s2], [sflag:$0x3] =	stream.linear.gather [hbm4b:s3+s2], $0x3400, $0x38;
	[tilespmem:$0xBC00] =	vst v63  }
0xc: {  	_ =	swait.ge [sflag:s8], $0x3400  }
0xd: {  	[sflag:s8] =	ssyncset.done $0x0  }
0xe: {  	[sflag:s8] =	ssyncadd.s32 $0xFFFFCC00  }
0xf: {  	[tilespmem:s9], [sflag:$0x3] =	stream.linear.gather [hbm4b:s5+s2], $0x2000, $0x38;
	[tilespmem:$0xBC00] =	vst v63  }
0x10: {  	_ =	swait.ge [sflag:s8], $0x2000  }
0x11: {  	[sflag:s8] =	ssyncset.done $0x0  }
0x12: {  	s13 =	simm.s32 $0x0;
	[sflag:s8] =	ssyncadd.s32 $0xFFFFE000  }
.LBB2_2:
0x13: {  	p0 =	seq.s32 s13, $0x0  }
0x14: {  	s14 =	simm.s32 @!p0 $0x1  }
0x15: {  	_ =	swait.ge @!p0 [sflag:s14], $0x3400  }
0x16: {  	[sflag:s14] =	ssyncset.done @!p0 $0x0  }
0x17: {  	s31 =	simm.s32 $0x80;
	[sflag:s14] =	ssyncadd.s32 @!p0 $0xFFFFCC00  }
0x18: {  	v1 =	vld [tilespmem:s31+$0x70]  }
0x19: {  	v2 =	vld [tilespmem:s31+$0xFFFFFF90]  }
0x1a: {  	v3 =	vld [tilespmem:s31+$0xFFFFFFA0]  }
0x1b: {  	v4 =	vld [tilespmem:s31+$0xFFFFFFB0]  }
0x1c: {  	v5 =	vld [tilespmem:s31+$0xFFFFFFC0]  }
0x1d: {  	v6 =	vld [tilespmem:s31+$0xFFFFFFD0]  }
0x1e: {  	v7 =	vld [tilespmem:s31+$0xFFFFFFE0]  }
0x1f: {  	v8 =	vld [tilespmem:s31+$0xFFFFFFF0]  }
0x20: {  	v9 =	vld [tilespmem:s31+$0x0]  }
0x21: {  	s15 =	sshll.u32 s13, $0xB;
	v10 =	vld [tilespmem:s31+$0x10]  }
0x22: {  	v0 =	vmov s15;
	v11 =	vld [tilespmem:s31+$0x20]  }
0x23: {  	v12 =	vld [tilespmem:s31+$0x30];
	v1 =	vadd.s32 v0, v1  }
0x24: {  	v13 =	vld [tilespmem:s31+$0x40];
	v2 =	vadd.s32 v0, v2  }
0x25: {  	v14 =	vld [tilespmem:s31+$0x50];
	v3 =	vadd.s32 v0, v3  }
0x26: {  	v15 =	vld [tilespmem:s31+$0x60];
	v4 =	vadd.s32 v0, v4  }
0x27: {  	v16 =	vld [tilespmem:s31+$0xFFFFFF80];
	v5 =	vadd.s32 v0, v5  }
0x28: {  	v6 =	vadd.s32 v0, v6;
	v1 =	vld.idx.msk [tilespmem:v1+s9+$0x0], $0xffff  }
0x29: {  	v7 =	vadd.s32 v0, v7;
	v2 =	vld.idx.msk [tilespmem:v2+s9+$0x0], $0xffff  }
0x2a: {  	v8 =	vadd.s32 v0, v8;
	v3 =	vld.idx.msk [tilespmem:v3+s9+$0x0], $0xffff  }
0x2b: {  	v9 =	vadd.s32 v0, v9;
	v4 =	vld.idx.msk [tilespmem:v4+s9+$0x0], $0xffff  }
0x2c: {  	v10 =	vadd.s32 v0, v10;
	v5 =	vld.idx.msk [tilespmem:v5+s9+$0x0], $0xffff  }
0x2d: {  	s15 =	simm.s32 $0x5500;
	v16 =	vadd.s32 v0, v16;
	v6 =	vld.idx.msk [tilespmem:v6+s9+$0x0], $0xffff  }
0x2e: {  	v11 =	vadd.s32 v0, v11;
	v7 =	vld.idx.msk [tilespmem:v7+s9+$0x0], $0xffff;
	[tilespmem:s15+$0x70] =	vst v1  }
0x2f: {  	v12 =	vadd.s32 v0, v12;
	v8 =	vld.idx.msk [tilespmem:v8+s9+$0x0], $0xffff;
	[tilespmem:s15+$0xFFFFFF10] =	vst v2  }
0x30: {  	v13 =	vadd.s32 v0, v13;
	v9 =	vld.idx.msk [tilespmem:v9+s9+$0x0], $0xffff;
	[tilespmem:s15+$0xFFFFFF20] =	vst v3  }
0x31: {  	v14 =	vadd.s32 v0, v14;
	v10 =	vld.idx.msk [tilespmem:v10+s9+$0x0], $0xffff;
	[tilespmem:s15+$0xFFFFFF30] =	vst v4  }
0x32: {  	v15 =	vadd.s32 v0, v15;
	v1 =	vld.idx.msk [tilespmem:v16+s9+$0x0], $0xffff;
	[tilespmem:s15+$0xFFFFFF40] =	vst v5  }
0x33: {  	[tilespmem:s15+$0xFFFFFF50] =	vst v6;
	v2 =	vld.idx.msk [tilespmem:v11+s9+$0x0], $0xffff  }
0x34: {  	[tilespmem:s15+$0xFFFFFF60] =	vst v7;
	v3 =	vld.idx.msk [tilespmem:v12+s9+$0x0], $0xffff  }
0x35: {  	[tilespmem:s15+$0xFFFFFF70] =	vst v8;
	v4 =	vld.idx.msk [tilespmem:v13+s9+$0x0], $0xffff  }
0x36: {  	[tilespmem:s15+$0x0] =	vst v9;
	v5 =	vld.idx.msk [tilespmem:v14+s9+$0x0], $0xffff  }
0x37: {  	s16 =	simm.s32 $0x0;
	s17 =	simm.s32 $0x180;
	s14 =	sshll.u32 s13, $0x1;
	[tilespmem:s15+$0x10] =	vst v10;
	v6 =	vld.idx.msk [tilespmem:v15+s9+$0x0], $0xffff  }
.LBB2_3:
0x38: {  	v7 =	vld [tilespmem:s17+$0x70];
	s16 =	sadd.s32 $0x10, s16;
	[tilespmem:s15+$0xFFFFFF00] =	vst v1  }
0x39: {  	v1 =	vld [tilespmem:s17+$0xFFFFFF90];
	p1 =	slt.u32 s16, $0x330;
	[tilespmem:s15+$0x20] =	vst v2  }
0x3a: {  	v2 =	vld [tilespmem:s17+$0xFFFFFFA0];
	[tilespmem:s15+$0x30] =	vst v3  }
0x3b: {  	v3 =	vld [tilespmem:s17+$0xFFFFFFB0];
	[tilespmem:s15+$0x40] =	vst v4  }
0x3c: {  	v4 =	vld [tilespmem:s17+$0xFFFFFFC0];
	[tilespmem:s15+$0x50] =	vst v5  }
0x3d: {  	v5 =	vld [tilespmem:s17+$0xFFFFFFD0];
	v7 =	vadd.s32 v0, v7;
	[tilespmem:s15+$0x60] =	vst v6  }
0x3e: {  	v1 =	vadd.s32 v0, v1;
	v6 =	vld [tilespmem:s17+$0xFFFFFFE0]  }
0x3f: {  	v2 =	vadd.s32 v0, v2;
	v8 =	vld [tilespmem:s17+$0xFFFFFFF0]  }
0x40: {  	v3 =	vadd.s32 v0, v3;
	v9 =	vld [tilespmem:s17+$0x0]  }
0x41: {  	v4 =	vadd.s32 v0, v4;
	v10 =	vld [tilespmem:s17+$0x10]  }
0x42: {  	v5 =	vadd.s32 v0, v5;
	v7 =	vld.idx.msk [tilespmem:v7+s9+$0x0], $0xffff  }
0x43: {  	v6 =	vadd.s32 v0, v6;
	v11 =	vld [tilespmem:s17+$0x20]  }
0x44: {  	v8 =	vadd.s32 v0, v8;
	v12 =	vld [tilespmem:s17+$0x30]  }
0x45: {  	v9 =	vadd.s32 v0, v9;
	v13 =	vld [tilespmem:s17+$0x40]  }
0x46: {  	v10 =	vadd.s32 v0, v10;
	v14 =	vld [tilespmem:s17+$0x50]  }
0x47: {  	s15 =	sadd.s32 $0x200, s15;
	v15 =	vld [tilespmem:s17+$0x60]  }
0x48: {  	v16 =	vld [tilespmem:s17+$0xFFFFFF80];
	v11 =	vadd.s32 v0, v11;
	[tilespmem:s15+$0x70] =	vst v7  }
0x49: {  	v1 =	vld.idx.msk [tilespmem:v1+s9+$0x0], $0xffff;
	v7 =	vadd.s32 v0, v12  }
0x4a: {  	v2 =	vld.idx.msk [tilespmem:v2+s9+$0x0], $0xffff;
	v12 =	vadd.s32 v0, v13  }
0x4b: {  	v3 =	vld.idx.msk [tilespmem:v3+s9+$0x0], $0xffff;
	v13 =	vadd.s32 v0, v14  }
0x4c: {  	v4 =	vld.idx.msk [tilespmem:v4+s9+$0x0], $0xffff;
	v14 =	vadd.s32 v0, v15  }
0x4d: {  	v15 =	vadd.s32 v0, v16;
	v5 =	vld.idx.msk [tilespmem:v5+s9+$0x0], $0xffff  }
0x4e: {  	v6 =	vld.idx.msk [tilespmem:v6+s9+$0x0], $0xffff  }
0x4f: {  	[tilespmem:s15+$0xFFFFFF10] =	vst v1;
	v8 =	vld.idx.msk [tilespmem:v8+s9+$0x0], $0xffff  }
0x50: {  	[tilespmem:s15+$0xFFFFFF20] =	vst v2;
	v9 =	vld.idx.msk [tilespmem:v9+s9+$0x0], $0xffff  }
0x51: {  	[tilespmem:s15+$0xFFFFFF30] =	vst v3;
	v10 =	vld.idx.msk [tilespmem:v10+s9+$0x0], $0xffff  }
0x52: {  	v1 =	vld.idx.msk [tilespmem:v15+s9+$0x0], $0xffff;
	[tilespmem:s15+$0xFFFFFF40] =	vst v4  }
.Ltmp0:
0x53: {  	[tilespmem:s15+$0xFFFFFF50] =	vst v5;
	v2 =	vld.idx.msk [tilespmem:v11+s9+$0x0], $0xffff;
	(pc) =	sbr.rel @p1 .LBB2_3-.Ltmp0, $4  }
0x54: {  	[tilespmem:s15+$0xFFFFFF60] =	vst v6;
	v3 =	vld.idx.msk [tilespmem:v7+s9+$0x0], $0xffff  }
0x55: {  	[tilespmem:s15+$0xFFFFFF70] =	vst v8;
	v4 =	vld.idx.msk [tilespmem:v12+s9+$0x0], $0xffff  }
0x56: {  	[tilespmem:s15+$0x0] =	vst v9;
	v5 =	vld.idx.msk [tilespmem:v13+s9+$0x0], $0xffff  }
0x57: {  	s17 =	sadd.s32 $0x100, s17;
	[tilespmem:s15+$0x10] =	vst v10;
	v6 =	vld.idx.msk [tilespmem:v14+s9+$0x0], $0xffff  }
0x58: {  	[tilespmem:s15+$0xFFFFFF00] =	vst v1  }
0x59: {  	[tilespmem:s15+$0x20] =	vst v2;
	s16 =	sadd.s32 s6, s14  }
0x5a: {  	[tilespmem:s15+$0x30] =	vst v3;
	s16 =	smul.u32 $0x680, s16  }
0x5b: {  	[tilespmem:s15+$0x40] =	vst v4  }
0x5c: {  	s17 =	simm.s32 $0x5400;
	[tilespmem:s15+$0x50] =	vst v5;
	s16 =	sadd.s32 s4, s16  }
0x5d: {  	s18 =	simm.s32 $0x5500;
	[tilespmem:s15+$0x60] =	vst v6;
	s15 =	simm.s32 $0x10;
	s19 =	sadd.s32 $0x0, s16  }
.LBB2_5:
0x5e: {  	[hbm4b:s19+s2] =	stream.linear.scatter [tilespmem:s17], [sflag:$0x1], $0x80, $0x38;
	[tilespmem:$0xBC00] =	vst v63  }
0x5f: {  	s19 =	smov.u32 s15;
	s17 =	smov.u32 s18;
	p1 =	sne.s32 s15, $0x670  }
.Ltmp1:
0x60: {  	s15 =	sadd.s32 $0x10, s15;
	(pc) =	sbr.rel @p1 .LBB2_5-.Ltmp1, $2  }
0x61: {  	_ =	sdelay $0x2  }
0x62: {  	s18 =	sadd.s32 $0x100, s18;
	s19 =	sadd.s32 s19, s16  }
0x63: {  	[hbm4b:s19+s2] =	stream.linear.scatter [tilespmem:s17], [sflag:$0x1], $0x80, $0x38;
	[tilespmem:$0xBC00] =	vst v63  }
0x64: {  	s15 =	simm.s32 @!p0 $0x2  }
0x65: {  	_ =	swait.ge @!p0 [sflag:s15], $0x3400  }
0x66: {  	[sflag:s15] =	ssyncset.done @!p0 $0x0  }
0x67: {  	s31 =	simm.s32 $0x80;
	[sflag:s15] =	ssyncadd.s32 @!p0 $0xFFFFCC00  }
0x68: {  	v1 =	vld [tilespmem:s31+$0x70]  }
0x69: {  	v2 =	vld [tilespmem:s31+$0xFFFFFF90]  }
0x6a: {  	v3 =	vld [tilespmem:s31+$0xFFFFFFA0]  }
0x6b: {  	v4 =	vld [tilespmem:s31+$0xFFFFFFB0]  }
0x6c: {  	v5 =	vld [tilespmem:s31+$0xFFFFFFC0]  }
0x6d: {  	v6 =	vld [tilespmem:s31+$0xFFFFFFD0]  }
0x6e: {  	v7 =	vld [tilespmem:s31+$0xFFFFFFE0]  }
0x6f: {  	v8 =	vld [tilespmem:s31+$0xFFFFFFF0]  }
0x70: {  	s14 =	sor.u32 $0x1, s14;
	v9 =	vld [tilespmem:s31+$0x0]  }
0x71: {  	s16 =	sshll.u32 s14, $0xA;
	v10 =	vld [tilespmem:s31+$0x10]  }
0x72: {  	v0 =	vmov s16;
	v11 =	vld [tilespmem:s31+$0x20]  }
0x73: {  	v12 =	vld [tilespmem:s31+$0x30];
	v1 =	vadd.s32 v0, v1  }
0x74: {  	v13 =	vld [tilespmem:s31+$0x40];
	v2 =	vadd.s32 v0, v2  }
0x75: {  	v14 =	vld [tilespmem:s31+$0x50];
	v3 =	vadd.s32 v0, v3  }
0x76: {  	v15 =	vld [tilespmem:s31+$0x60];
	v4 =	vadd.s32 v0, v4  }
0x77: {  	v16 =	vld [tilespmem:s31+$0xFFFFFF80];
	v5 =	vadd.s32 v0, v5  }
0x78: {  	v6 =	vadd.s32 v0, v6;
	v1 =	vld.idx.msk [tilespmem:v1+s9+$0x0], $0xffff  }
0x79: {  	v7 =	vadd.s32 v0, v7;
	v2 =	vld.idx.msk [tilespmem:v2+s9+$0x0], $0xffff  }
0x7a: {  	v8 =	vadd.s32 v0, v8;
	v3 =	vld.idx.msk [tilespmem:v3+s9+$0x0], $0xffff  }
0x7b: {  	v9 =	vadd.s32 v0, v9;
	v4 =	vld.idx.msk [tilespmem:v4+s9+$0x0], $0xffff  }
0x7c: {  	v10 =	vadd.s32 v0, v10;
	v5 =	vld.idx.msk [tilespmem:v5+s9+$0x0], $0xffff  }
0x7d: {  	s15 =	simm.s32 $0x5580;
	v16 =	vadd.s32 v0, v16;
	v6 =	vld.idx.msk [tilespmem:v6+s9+$0x0], $0xffff  }
0x7e: {  	v11 =	vadd.s32 v0, v11;
	v7 =	vld.idx.msk [tilespmem:v7+s9+$0x0], $0xffff;
	[tilespmem:s15+$0x70] =	vst v1  }
0x7f: {  	v12 =	vadd.s32 v0, v12;
	v8 =	vld.idx.msk [tilespmem:v8+s9+$0x0], $0xffff;
	[tilespmem:s15+$0xFFFFFF10] =	vst v2  }
0x80: {  	v13 =	vadd.s32 v0, v13;
	v9 =	vld.idx.msk [tilespmem:v9+s9+$0x0], $0xffff;
	[tilespmem:s15+$0xFFFFFF20] =	vst v3  }
0x81: {  	v14 =	vadd.s32 v0, v14;
	v10 =	vld.idx.msk [tilespmem:v10+s9+$0x0], $0xffff;
	[tilespmem:s15+$0xFFFFFF30] =	vst v4  }
0x82: {  	v15 =	vadd.s32 v0, v15;
	v1 =	vld.idx.msk [tilespmem:v16+s9+$0x0], $0xffff;
	[tilespmem:s15+$0xFFFFFF40] =	vst v5  }
0x83: {  	[tilespmem:s15+$0xFFFFFF50] =	vst v6;
	v2 =	vld.idx.msk [tilespmem:v11+s9+$0x0], $0xffff  }
0x84: {  	[tilespmem:s15+$0xFFFFFF60] =	vst v7;
	v3 =	vld.idx.msk [tilespmem:v12+s9+$0x0], $0xffff  }
0x85: {  	[tilespmem:s15+$0xFFFFFF70] =	vst v8;
	v4 =	vld.idx.msk [tilespmem:v13+s9+$0x0], $0xffff  }
0x86: {  	[tilespmem:s15+$0x0] =	vst v9;
	v6 =	vld.idx.msk [tilespmem:v14+s9+$0x0], $0xffff  }
0x87: {  	s17 =	simm.s32 $0x180;
	s16 =	simm.s32 $0x0;
	[tilespmem:s15+$0x10] =	vst v10;
	v5 =	vld.idx.msk [tilespmem:v15+s9+$0x0], $0xffff  }
.LBB2_7:
0x88: {  	v7 =	vld [tilespmem:s17+$0x70];
	s16 =	sadd.s32 $0x10, s16;
	[tilespmem:s15+$0xFFFFFF00] =	vst v1  }
0x89: {  	v1 =	vld [tilespmem:s17+$0xFFFFFF90];
	p0 =	slt.u32 s16, $0x330;
	[tilespmem:s15+$0x20] =	vst v2  }
0x8a: {  	v2 =	vld [tilespmem:s17+$0xFFFFFFA0];
	[tilespmem:s15+$0x30] =	vst v3  }
0x8b: {  	v3 =	vld [tilespmem:s17+$0xFFFFFFB0];
	[tilespmem:s15+$0x40] =	vst v4  }
0x8c: {  	v4 =	vld [tilespmem:s17+$0xFFFFFFC0];
	[tilespmem:s15+$0x50] =	vst v6  }
0x8d: {  	v6 =	vld [tilespmem:s17+$0xFFFFFFD0];
	v7 =	vadd.s32 v0, v7;
	[tilespmem:s15+$0x60] =	vst v5  }
0x8e: {  	v1 =	vadd.s32 v0, v1;
	v5 =	vld [tilespmem:s17+$0xFFFFFFE0]  }
0x8f: {  	v2 =	vadd.s32 v0, v2;
	v8 =	vld [tilespmem:s17+$0xFFFFFFF0]  }
0x90: {  	v3 =	vadd.s32 v0, v3;
	v9 =	vld [tilespmem:s17+$0x0]  }
0x91: {  	v4 =	vadd.s32 v0, v4;
	v10 =	vld [tilespmem:s17+$0x10]  }
0x92: {  	v6 =	vadd.s32 v0, v6;
	v7 =	vld.idx.msk [tilespmem:v7+s9+$0x0], $0xffff  }
0x93: {  	v5 =	vadd.s32 v0, v5;
	v11 =	vld [tilespmem:s17+$0x20]  }
0x94: {  	v8 =	vadd.s32 v0, v8;
	v12 =	vld [tilespmem:s17+$0x30]  }
0x95: {  	v9 =	vadd.s32 v0, v9;
	v13 =	vld [tilespmem:s17+$0x40]  }
0x96: {  	v10 =	vadd.s32 v0, v10;
	v14 =	vld [tilespmem:s17+$0x50]  }
0x97: {  	s15 =	sadd.s32 $0x200, s15;
	v15 =	vld [tilespmem:s17+$0x60]  }
0x98: {  	v16 =	vld [tilespmem:s17+$0xFFFFFF80];
	v11 =	vadd.s32 v0, v11;
	[tilespmem:s15+$0x70] =	vst v7  }
0x99: {  	v1 =	vld.idx.msk [tilespmem:v1+s9+$0x0], $0xffff;
	v7 =	vadd.s32 v0, v12  }
0x9a: {  	v2 =	vld.idx.msk [tilespmem:v2+s9+$0x0], $0xffff;
	v12 =	vadd.s32 v0, v13  }
0x9b: {  	v3 =	vld.idx.msk [tilespmem:v3+s9+$0x0], $0xffff;
	v13 =	vadd.s32 v0, v14  }
0x9c: {  	v4 =	vld.idx.msk [tilespmem:v4+s9+$0x0], $0xffff;
	v14 =	vadd.s32 v0, v15  }
0x9d: {  	v15 =	vadd.s32 v0, v16;
	v6 =	vld.idx.msk [tilespmem:v6+s9+$0x0], $0xffff  }
0x9e: {  	v5 =	vld.idx.msk [tilespmem:v5+s9+$0x0], $0xffff  }
0x9f: {  	[tilespmem:s15+$0xFFFFFF10] =	vst v1;
	v8 =	vld.idx.msk [tilespmem:v8+s9+$0x0], $0xffff  }
0xa0: {  	[tilespmem:s15+$0xFFFFFF20] =	vst v2;
	v9 =	vld.idx.msk [tilespmem:v9+s9+$0x0], $0xffff  }
0xa1: {  	[tilespmem:s15+$0xFFFFFF30] =	vst v3;
	v10 =	vld.idx.msk [tilespmem:v10+s9+$0x0], $0xffff  }
0xa2: {  	v1 =	vld.idx.msk [tilespmem:v15+s9+$0x0], $0xffff;
	[tilespmem:s15+$0xFFFFFF40] =	vst v4  }
.Ltmp2:
0xa3: {  	[tilespmem:s15+$0xFFFFFF50] =	vst v6;
	v2 =	vld.idx.msk [tilespmem:v11+s9+$0x0], $0xffff;
	(pc) =	sbr.rel @p0 .LBB2_7-.Ltmp2, $4  }
0xa4: {  	[tilespmem:s15+$0xFFFFFF60] =	vst v5;
	v3 =	vld.idx.msk [tilespmem:v7+s9+$0x0], $0xffff  }
0xa5: {  	[tilespmem:s15+$0xFFFFFF70] =	vst v8;
	v4 =	vld.idx.msk [tilespmem:v12+s9+$0x0], $0xffff  }
0xa6: {  	[tilespmem:s15+$0x0] =	vst v9;
	v6 =	vld.idx.msk [tilespmem:v13+s9+$0x0], $0xffff  }
0xa7: {  	s17 =	sadd.s32 $0x100, s17;
	[tilespmem:s15+$0x10] =	vst v10;
	v5 =	vld.idx.msk [tilespmem:v14+s9+$0x0], $0xffff  }
0xa8: {  	[tilespmem:s15+$0xFFFFFF00] =	vst v1  }
0xa9: {  	[tilespmem:s15+$0x20] =	vst v2;
	s14 =	sadd.s32 s6, s14  }
0xaa: {  	[tilespmem:s15+$0x30] =	vst v3;
	s14 =	smul.u32 $0x680, s14  }
0xab: {  	[tilespmem:s15+$0x40] =	vst v4  }
0xac: {  	s16 =	simm.s32 $0x5480;
	[tilespmem:s15+$0x50] =	vst v6;
	s14 =	sadd.s32 s4, s14  }
0xad: {  	s17 =	simm.s32 $0x5580;
	[tilespmem:s15+$0x60] =	vst v5;
	s15 =	simm.s32 $0x10;
	s18 =	sadd.s32 $0x0, s14  }
.LBB2_9:
0xae: {  	[hbm4b:s18+s2] =	stream.linear.scatter [tilespmem:s16], [sflag:$0x2], $0x80, $0x38;
	[tilespmem:$0xBC00] =	vst v63  }
0xaf: {  	s18 =	smov.u32 s15;
	s16 =	smov.u32 s17;
	p0 =	sne.s32 s15, $0x670  }
.Ltmp3:
0xb0: {  	s15 =	sadd.s32 $0x10, s15;
	(pc) =	sbr.rel @p0 .LBB2_9-.Ltmp3, $2  }
0xb1: {  	_ =	sdelay $0x2  }
0xb2: {  	s17 =	sadd.s32 $0x100, s17;
	s18 =	sadd.s32 s18, s14  }
0xb3: {  	s13 =	sadd.s32 $0x1, s13  }
0xb4: {  	p0 =	sne.s32 s13, $0x4  }
.Ltmp4:
0xb5: {  	_ = 	snop;
	(pc) =	sbr.rel @p0 .LBB2_2-.Ltmp4, $2  }
0xb6: {  	_ =	sdelay $0x2  }
0xb7: {  	[hbm4b:s18+s2] =	stream.linear.scatter [tilespmem:s16], [sflag:$0x2], $0x80, $0x38;
	[tilespmem:$0xBC00] =	vst v63  }
0xb8: {  	s12 =	sadd.s32 $0x1, s12  }
0xb9: {  	_ =	swait.ge [sflag:s10], $0x3400;
	p0 =	sne.s32 s12, s7  }
.Ltmp5:
0xba: {  	[sflag:s10] =	ssyncset.done $0x0;
	(pc) =	sbr.rel @p0 .LBB2_1-.Ltmp5, $4  }
0xbb: {  	[sflag:s10] =	ssyncadd.s32 $0xFFFFCC00  }
0xbc: {  	_ =	swait.ge [sflag:s11], $0x3400  }
0xbd: {  	[sflag:s11] =	ssyncset.done $0x0  }
0xbe: {  	[sflag:s11] =	ssyncadd.s32 $0xFFFFCC00  }
0xbf: {  	_ =	sfence.sel $0x180000  }
0xc0: {  	[bflag:$0x0] =	sbarrier.arrive $0xFFFF  }
0xc1: {  	p0 =	sne.s32 s1, $0x0;
	_ =	strace $0x9000004A  }
0xc2: {  	s0 =	sadd.s32 @!p0 $0x100000, s0;
	[bflag:$0x2] =	sbarrier.arrive $0xFFFF  }
0xc3: {  	[sflag:s0] =	ssyncadd.tile.s32 @!p0 $0x1;
	_ =	shalt  }
.Lfunc_end2:
_tile_overlayer_lowered:
.L_overlay_start_2:
0xc4: {  	(tag) =	ssettag $0x2  }
0xc5: {  	s0 =	rddreg [dreg:$0x0];
	s2 =	stileid.u32  }
0xc6: {  	s1 =	rddreg [dreg:$0x1];
	p0 =	sne.s32 s2, $0x0  }
0xc7: {  	s3 =	rddreg [dreg:$0x2];
	[bflag:$0x3] =	sbarrier.arrive $0xFFFF;
	s2 =	simm.s32 @!p0 $0x1C03  }
0xc8: {  	[timem:s3], [sflag:s2] =	dma.local @!p0 [hbm:s0], s1  }
0xc9: {  	s0 =	simm.s32 @!p0 $0x3  }
0xca: {  	_ =	swait.ge @!p0 [sflag:s0], s1  }
0xcb: {  	s1 =	ssub.s32 @!p0 $0x0, s1;
	[sflag:s0] =	ssyncset.done @!p0 $0x0  }
0xcc: {  	[sflag:s0] =	ssyncadd.s32 @!p0 s1  }
0xcd: {  	[bflag:$0x3] =	sbarrier.arrive $0xFFFF  }
0xce: {  	_ =	shalt  }

// kernel: kernel.17.cloned.1.call-start
scs
__scs_entry_jumppad:
0x0: {  	(pc) =	sbr.rel $0x88, $3  }
0x1: {  	(tag) =	ssettag $0x0;
	lr =	simm.s32 $0x1  }
0x2: {  	[smem:$0x3F92] =	sst lr;
	_ =	strace $0xD0000000  }
0x3: {  	_ = 	snop  }
0x4: {  	_ = 	snop  }
0x5: {  	_ = 	snop  }
0x6: {  	_ = 	snop  }
0x7: {  	_ = 	snop  }
__scs_overlays_trampoline_lowered:
0x8: {  	[smem:$0x3FA1] =	sst s0  }
0x9: {  	[smem:$0x3FA2] =	sst s1  }
0xa: {  	[smem:$0x3FA3] =	sst s2  }
0xb: {  	[smem:$0x3FA4] =	sst s3  }
0xc: {  	[smem:$0x3FA5] =	sst s4  }
0xd: {  	[smem:$0x3FA6] =	sst s5  }
0xe: {  	[smem:$0x3FA7] =	sst s6  }
0xf: {  	[smem:$0x3FA8] =	sst s7  }
0x10: {  	[smem:$0x3FA9] =	sst s8  }
0x11: {  	[smem:$0x3FAA] =	sst s9;
	s0 =	simm.s32 @!p0 $0x0  }
0x12: {  	s1 =	sld [smem:$0x3F90];
	s0 =	simm.s32 @p0 $0x1  }
0x13: {  	[smem:$0x3FAB] =	sst s0;
	s0 =	simm.s32 @!p1 $0x0  }
0x14: {  	s2 =	sld [smem:$0x3F8F];
	s0 =	simm.s32 @p1 $0x1  }
0x15: {  	[smem:$0x3FAC] =	sst s0;
	s0 =	simm.s32 @!p2 $0x0  }
0x16: {  	s3 =	sld [smem:$0x3FDB];
	s0 =	simm.s32 @p2 $0x1  }
0x17: {  	s4 =	simm.s32 $0x1BF5;
	[smem:$0x3FAE] =	sst s0  }
0x18: {  	s0 =	sld [smem:$0x3F91];
	_ =	swait.ge [sflag:s4], $0x0  }
0x19: {  	s7 =	sld [smem:$0x3F92]  }
0x1a: {  	s8 =	sadd.s32 $0xFFFFE003, lr  }
0x1b: {  	s9 =	sadd.s32 $0xFFFFFEF7, lr;
	s5 =	simm.s32 $0xFFFFFFFF;
	p2 =	slt.u32 s8, $0xFFFFF086  }
0x1c: {  	p1 =	slt.u32 s9, $0xF7A;
	s5 =	simm.s32 @!p2 $0x0  }
0x1d: {  	s5 =	simm.s32 @p1 $0x1;
	p0 =	seq.s32 s7, s2  }
0x1e: {  	s7 =	smul.u32 @!p0 $0xF7A, s2;
	p2 =	seq.s32 @!p0 s5, $0x0  }
0x1f: {  	s9 =	smul.u32 $0xF7A, s1;
	s8 =	simm.s32 @!p0 $0x1BF5;
	p2 =	por !p2, p0  }
0x20: {  	[sflag:s8] =	ssyncset.s32 @!p0 $0xFFFFF086;
	s6 =	sadd.s32 @!p0 s3, s7;
	s7 =	simm.s32 @!p0 $0x108  }
0x21: {  	s3 =	sadd.s32 s3, s9;
	s6 =	sadd.s32 @!p0 $0x88, s6;
	s7 =	simm.s32 @p2 $0x1082  }
0x22: {  	[simem:s7], [sflag:s8] =	dma.local @!p0 [hbm:s6], $0xF7A  }
0x23: {  	s9 =	sor.u32 $0xD0000000, s2;
	s6 =	simm.s32 $0x108;
	_ =	swait.ge @!p0 [sflag:s8], $0x0  }
0x24: {  	s3 =	sadd.s32 $0x88, s3;
	s6 =	simm.s32 @!p1 $0x1082;
	[sflag:s4] =	ssyncset.s32 $0xFFFFF086  }
0x25: {  	[simem:s6], [sflag:s4] =	dma.local [hbm:s3], $0xF7A  }
0x26: {  	[smem:$0x3F92] =	sst s1;
	(tag) =	ssettag s2;
	_ =	strace s9  }
0x27: {  	s1 =	sld [smem:$0x3FA2]  }
0x28: {  	s2 =	sld [smem:$0x3FA3]  }
0x29: {  	s4 =	sld [smem:$0x3FA5]  }
0x2a: {  	p0 =	seq.s32 s5, $0x0;
	s5 =	sld [smem:$0x3FA6]  }
0x2b: {  	s6 =	sld [smem:$0x3FA7]  }
0x2c: {  	s7 =	sld [smem:$0x3FA8]  }
0x2d: {  	s3 =	simm.s32 $0x108;
	s8 =	sld [smem:$0x3FA9]  }
0x2e: {  	s3 =	simm.s32 @!p0 $0x1082;
	s9 =	sld [smem:$0x3FAA]  }
0x2f: {  	lr =	sadd.s32 s0, s3;
	s0 =	sld [smem:$0x3FA1]  }
0x30: {  	s3 =	sld [smem:$0x3FA4]  }
0x31: {  	[smem:$0x3FAD] =	sst s10  }
0x32: {  	s10 =	sld [smem:$0x3FAB];
	_ =	sdelay $0x3  }
0x33: {  	p0 =	seq.s32 s10, $0x1;
	s10 =	sld [smem:$0x3FAD];
	_ =	sdelay $0x3  }
0x34: {  	[smem:$0x3FAD] =	sst s10  }
0x35: {  	s10 =	sld [smem:$0x3FAC];
	_ =	sdelay $0x3  }
0x36: {  	p1 =	seq.s32 s10, $0x1;
	s10 =	sld [smem:$0x3FAD];
	_ =	sdelay $0x3  }
0x37: {  	[smem:$0x3FAD] =	sst s10  }
0x38: {  	s10 =	sld [smem:$0x3FAE]  }
0x39: {  	_ = 	snop;
	(pc) =	sbr.ind lr, $3  }
0x3a: {  	_ = 	snop  }
0x3b: {  	_ = 	snop  }
0x3c: {  	p2 =	seq.s32 s10, $0x1;
	s10 =	sld [smem:$0x3FAD]  }
0x3d: {  	_ =	shalt  }
0x3e: {  	_ =	shalt  }
0x3f: {  	_ =	shalt  }
0x40: {  	_ =	shalt  }
0x41: {  	_ =	shalt  }
0x42: {  	_ =	shalt  }
0x43: {  	_ =	shalt  }
0x44: {  	_ =	shalt  }
0x45: {  	_ =	shalt  }
0x46: {  	_ =	shalt  }
0x47: {  	_ =	shalt  }
0x48: {  	_ =	shalt  }
0x49: {  	_ =	shalt  }
0x4a: {  	_ =	shalt  }
0x4b: {  	_ =	shalt  }
0x4c: {  	_ =	shalt  }
0x4d: {  	_ =	shalt  }
0x4e: {  	_ =	shalt  }
0x4f: {  	_ =	shalt  }
0x50: {  	_ =	shalt  }
0x51: {  	_ =	shalt  }
0x52: {  	_ =	shalt  }
0x53: {  	_ =	shalt  }
0x54: {  	_ =	shalt  }
0x55: {  	_ =	shalt  }
0x56: {  	_ =	shalt  }
0x57: {  	_ =	shalt  }
0x58: {  	_ =	shalt  }
0x59: {  	_ =	shalt  }
0x5a: {  	_ =	shalt  }
0x5b: {  	_ =	shalt  }
0x5c: {  	_ =	shalt  }
0x5d: {  	_ =	shalt  }
0x5e: {  	_ =	shalt  }
0x5f: {  	_ =	shalt  }
0x60: {  	_ =	shalt  }
0x61: {  	_ =	shalt  }
0x62: {  	_ =	shalt  }
0x63: {  	_ =	shalt  }
0x64: {  	_ =	shalt  }
0x65: {  	_ =	shalt  }
0x66: {  	_ =	shalt  }
0x67: {  	_ =	shalt  }
0x68: {  	_ =	shalt  }
0x69: {  	_ =	shalt  }
0x6a: {  	_ =	shalt  }
0x6b: {  	_ =	shalt  }
0x6c: {  	_ =	shalt  }
0x6d: {  	_ =	shalt  }
0x6e: {  	_ =	shalt  }
0x6f: {  	_ =	shalt  }
0x70: {  	_ =	shalt  }
0x71: {  	_ =	shalt  }
0x72: {  	_ =	shalt  }
0x73: {  	_ =	shalt  }
0x74: {  	_ =	shalt  }
0x75: {  	_ =	shalt  }
0x76: {  	_ =	shalt  }
0x77: {  	_ =	shalt  }
0x78: {  	_ =	shalt  }
0x79: {  	_ =	shalt  }
0x7a: {  	_ =	shalt  }
0x7b: {  	_ =	shalt  }
0x7c: {  	_ =	shalt  }
0x7d: {  	_ =	shalt  }
0x7e: {  	_ =	shalt  }
0x7f: {  	_ =	shalt  }
0x80: {  	_ =	shalt  }
0x81: {  	_ =	shalt  }
0x82: {  	_ =	shalt  }
0x83: {  	_ =	shalt  }
0x84: {  	_ =	shalt  }
0x85: {  	_ =	shalt  }
0x86: {  	_ =	shalt  }
0x87: {  	_ =	shalt  }
.Lfunc_end0:
.L_simem_size_0:
called_computation.7_lowered:
.L_overlay_start_0:
0x88: {  	s2 =	sld [smem:$0x3FD9]  }
0x89: {  	s3 =	sld [smem:$0x3FFE];
	_ =	sdelay $0x1  }
0x8a: {  	s1 =	srdreg.scid  }
0x8b: {  	s0 =	sand.u32 $0x1, s1  }
0x8c: {  	s17 =	sshll.u32 s0, $0xA;
	s2 =	sadd.s32 s3, s2  }
0x8d: {  	s2 =	sadd.s32 s2, s17  }
0x8e: {  	[smem:$0x3FB9] =	sst s2  }
0x8f: {  	_ = 	snop  }
0x90: {  	(tm) =	ssettm $0x1  }
0x91: {  	s18 =	sld [smem:$0x3FFB];
	_ =	sdelay $0x3  }
0x92: {  	_ =	strace s18  }
0x93: {  	s2 =	sld [smem:$0x3FFC];
	_ =	sdelay $0x3  }
0x94: {  	_ =	strace s2  }
0x95: {  	s2 =	sld [smem:$0x3FFD];
	_ =	sdelay $0x3  }
0x96: {  	_ =	strace s2  }
0x97: {  	_ =	strace $0x8FFFFFFF  }
0x98: {  	s19 =	sld [smem:$0x3FDB];
	_ =	sdelay $0x1  }
0x99: {  	s20 =	simm.s32 $_scs_section_size  }
0x9a: {  	s4 =	simm.s32 $_size__tile_overlayer_lowered;
	s5 =	simm.s32 $_tile_overlayer_lowered  }
0x9b: {  	s6 =	simm.s32 $0x1BFF;
	s21 =	sshll.u32 s5, $0x1;
	s3 =	sadd.s32 s20, s19  }
0x9c: {  	s22 =	simm.s32 $0x0;
	s4 =	sshll.u32 s4, $0x1;
	s5 =	sadd.s32 s21, s3  }
0x9d: {  	[timem:s22], [sflag:s6] =	dma.local [hbm:s5], s4  }
0x9e: {  	_ =	swait.ge [sflag:s6], s4  }
0x9f: {  	s4 =	ssub.s32 $0x0, s4;
	[sflag:s6] =	ssyncset.done $0x0  }
0xa0: {  	[sflag:s6] =	ssyncadd.s32 s4;
	_ =	sdelay $0x1  }
0xa1: {  	s23 =	simm.s32 $0x1B8B  }
0xa2: {  	_ =	swait.ge [sflag:s23], $0x1  }
0xa3: {  	[sflag:s23] =	ssyncset.done $0x0  }
0xa4: {  	[sflag:s23] =	ssyncadd.s32 $0xFFFFFFFF  }
0xa5: {  	s4 =	sld [smem:$0x0]  }
0xa6: {  	s5 =	sand.u32 $0xFFFFFFFE, s1  }
0xa7: {  	p0 =	sne.s32 s1, s5  }
0xa8: {  	s5 =	sshll.u32 @p0 s5, $0xE  }
0xa9: {  	s5 =	sadd.s32 @p0 $0x11B8D, s5;
	s6 =	sshll.u32 @p0 s4, $0x11  }
0xaa: {  	s5 =	sor.u32 @p0 s6, s5  }
0xab: {  	[sflag:s5] =	ssyncadd.remote.s32 @p0 $0x1;
	_ =	sdelay $0x1  }
0xac: {  	s5 =	simm.s32 @p0 $0x1B8D  }
0xad: {  	_ =	swait.eq @p0 [sflag:s5], $0x1  }
0xae: {  	[sflag:s5] =	ssyncadd.s32 @p0 $0xFFFFFFFF  }
0xaf: {  	s6 =	sshll.u32 @!p0 s1, $0xE  }
0xb0: {  	s6 =	sor.u32 @!p0 $0x4000, s6;
	s5 =	simm.s32 @!p0 $0x1B8D  }
0xb1: {  	s4 =	sshll.u32 @!p0 s4, $0x11;
	s6 =	sadd.s32 @!p0 $0x11B8D, s6;
	_ =	swait.eq @!p0 [sflag:s5], $0x1  }
0xb2: {  	s4 =	sor.u32 @!p0 s4, s6;
	[sflag:s5] =	ssyncadd.s32 @!p0 $0xFFFFFFFF  }
0xb3: {  	s25 =	simm.s32 $0x1B8E;
	s24 =	sld [smem:$0x3FFE];
	[sflag:s4] =	ssyncadd.remote.s32 @!p0 $0x1  }
0xb4: {  	s26 =	simm.s32 $execute0_lowered;
	[smem:$0x3FD2] =	sst s25  }
0xb5: {  	s5 =	sshll.u32 s26, $0x1;
	_ =	strace $0x80000055;
	[dreg:$0x1] =	wrdreg $0xFFFFFFFF  }
0xb6: {  	s28 =	simm.s32 $_size_execute0_lowered;
	s3 =	sadd.s32 s3, s5;
	[dreg:$0x0] =	wrdreg $0x0  }
0xb7: {  	s5 =	sshll.u32 s28, $0x1;
	[dreg:$0x2] =	wrdreg s3  }
0xb8: {  	[dreg:$0x3] =	wrdreg s5  }
0xb9: {  	[dreg:$0x4] =	wrdreg $0xC0  }
0xba: {  	_ =	task [dreg:s22], $0x5FFFF  }
0xbb: {  	[dreg:$0x1] =	wrdreg $0xFFFFFFFF  }
0xbc: {  	[dreg:$0x0] =	wrdreg $0x60  }
0xbd: {  	[dreg:$0x2] =	wrdreg s24  }
0xbe: {  	[dreg:$0x3] =	wrdreg $0xC  }
0xbf: {  	_ =	task.clear_ibuf [dreg:s22], $0x4FFFF;
	_ =	strace $0x90000055  }
0xc0: {  	s29 =	simm.s32 $0xC;
	_ =	strace $0x80000057  }
0xc1: {  	_ =	swait.ge [sflag:s29], $0x1  }
0xc2: {  	[sflag:s29] =	ssyncadd.s32 $0xFFFFFFFF  }
0xc3: {  	_ =	strace $0x90000057  }
0xc4: {  	_ =	sfence  }
0xc5: {  	s30 =	sld [smem:$0x0];
	_ =	sdelay $0x2  }
0xc6: {  	s31 =	sshll.u32 s1, $0xD;
	s1 =	sshrl.u32 s1, $0x2  }
0xc7: {  	s4 =	sand.u32 $0x4000, s31;
	s1 =	sadd.s32 s1, s30  }
0xc8: {  	s0 =	sor.u32 s4, s0;
	s1 =	sshll.u32 s1, $0x11  }
0xc9: {  	s0 =	sor.u32 s1, s0  }
0xca: {  	s0 =	sadd.s32 $0x8F2B, s0  }
0xcb: {  	[sflag:s0] =	ssyncadd.remote.s32 $0x1  }
0xcc: {  	_ =	sfence.sel $0xFFFF  }
0xcd: {  	[dreg:$0x0] =	wrdreg $0xFFFFFFFF;
	(pc) =	sbr.abs _section_cstart, $3  }
0xce: {  	[dreg:$0x1] =	wrdreg $0xFFFFFFFF  }
0xcf: {  	_ =	task.clear_ibuf [dreg:s22], $0x2FFFF;
	_ =	strace $0x9FFFFFFF  }
0xd0: {  	(tm) =	ssettm $0x7FFFFFFF  }
0xd1: {  	_ =	shalt  }
tec
execute0_lowered:
.L_overlay_start_1:
0x0: {  	(tag) =	ssettag $0x1  }
0x1: {  	s1 =	srdreg.scid  }
0x2: {  	s0 =	stileid.u32;
	s4 =	rddreg [dreg:$0x0];
	s2 =	simm.s32 $0x0  }
0x3: {  	s9 =	simm.s32 $0x3400;
	s10 =	simm.s32 $0x1;
	s11 =	simm.s32 $0x2  }
0x4: {  	s3 =	sand.u32 $0x1, s1;
	s5 =	sshll.u32 s0, $0x1;
	s1 =	rddreg [dreg:$0x1]  }
0x5: {  	s12 =	simm.s32 $0x0;
	[smem:$0x7FF] =	sst s2;
	s6 =	sor.u32 s3, s5  }
0x6: {  	_ =	strace $0x80000056;
	s7 =	ssub.s32 $0x2, s3;
	s3 =	sadd.s32 $0x7000, s4  }
0x7: {  	s5 =	sshll.u32 s6, $0xC;
	s8 =	sshrl.u32 s7, $0x1;
	s6 =	sshll.u32 s6, $0x5  }
0x8: {  	s5 =	sadd.s32 s5, s4;
	s4 =	sadd.s32 $0x77E00, s4;
	s7 =	ssub.s32 s7, s8  }
0x9: {  	s8 =	simm.s32 $0x3;
	s5 =	sadd.s32 $0x7800, s5;
	s7 =	smax.u32 s7, $0x1  }
.LBB2_1:
0xa: {  	[tilespmem:s2], [sflag:$0x3] =	stream.linear.gather [hbm4b:s3+s2], $0x3400, $0x38;
	[tilespmem:$0x11C00] =	vst v63  }
0xb: {  	_ =	swait.ge [sflag:s8], $0x3400  }
0xc: {  	[sflag:s8] =	ssyncset.done $0x0  }
0xd: {  	[sflag:s8] =	ssyncadd.s32 $0xFFFFCC00  }
0xe: {  	[tilespmem:s9], [sflag:$0x3] =	stream.linear.gather [hbm4b:s5+s2], $0x8000, $0x38;
	[tilespmem:$0x11C00] =	vst v63  }
0xf: {  	_ =	swait.ge [sflag:s8], $0x8000  }
0x10: {  	[sflag:s8] =	ssyncset.done $0x0  }
0x11: {  	s13 =	simm.s32 $0x0;
	[sflag:s8] =	ssyncadd.s32 $0xFFFF8000  }
.LBB2_2:
0x12: {  	p0 =	seq.s32 s13, $0x0  }
0x13: {  	s14 =	simm.s32 @!p0 $0x1  }
0x14: {  	_ =	swait.ge @!p0 [sflag:s14], $0x3400  }
0x15: {  	[sflag:s14] =	ssyncset.done @!p0 $0x0  }
0x16: {  	s31 =	simm.s32 $0x80;
	[sflag:s14] =	ssyncadd.s32 @!p0 $0xFFFFCC00  }
0x17: {  	v1 =	vld [tilespmem:s31+$0x70]  }
0x18: {  	v2 =	vld [tilespmem:s31+$0xFFFFFF90]  }
0x19: {  	v3 =	vld [tilespmem:s31+$0xFFFFFFA0]  }
0x1a: {  	v4 =	vld [tilespmem:s31+$0xFFFFFFB0]  }
0x1b: {  	v5 =	vld [tilespmem:s31+$0xFFFFFFC0]  }
0x1c: {  	v6 =	vld [tilespmem:s31+$0xFFFFFFD0]  }
0x1d: {  	v7 =	vld [tilespmem:s31+$0xFFFFFFE0]  }
0x1e: {  	v8 =	vld [tilespmem:s31+$0xFFFFFFF0]  }
0x1f: {  	v9 =	vld [tilespmem:s31+$0x0]  }
0x20: {  	s15 =	sshll.u32 s13, $0xB;
	v10 =	vld [tilespmem:s31+$0x10]  }
0x21: {  	v0 =	vmov s15;
	v11 =	vld [tilespmem:s31+$0x20]  }
0x22: {  	v12 =	vld [tilespmem:s31+$0x30];
	v1 =	vadd.s32 v0, v1  }
0x23: {  	v13 =	vld [tilespmem:s31+$0x40];
	v2 =	vadd.s32 v0, v2  }
0x24: {  	v14 =	vld [tilespmem:s31+$0x50];
	v3 =	vadd.s32 v0, v3  }
0x25: {  	v15 =	vld [tilespmem:s31+$0x60];
	v4 =	vadd.s32 v0, v4  }
0x26: {  	v16 =	vld [tilespmem:s31+$0xFFFFFF80];
	v5 =	vadd.s32 v0, v5  }
0x27: {  	v6 =	vadd.s32 v0, v6;
	v1 =	vld.idx.msk [tilespmem:v1+s9+$0x0], $0xffff  }
0x28: {  	v7 =	vadd.s32 v0, v7;
	v2 =	vld.idx.msk [tilespmem:v2+s9+$0x0], $0xffff  }
0x29: {  	v8 =	vadd.s32 v0, v8;
	v3 =	vld.idx.msk [tilespmem:v3+s9+$0x0], $0xffff  }
0x2a: {  	v9 =	vadd.s32 v0, v9;
	v4 =	vld.idx.msk [tilespmem:v4+s9+$0x0], $0xffff  }
0x2b: {  	v10 =	vadd.s32 v0, v10;
	v5 =	vld.idx.msk [tilespmem:v5+s9+$0x0], $0xffff  }
0x2c: {  	s15 =	simm.s32 $0xB500;
	v16 =	vadd.s32 v0, v16;
	v6 =	vld.idx.msk [tilespmem:v6+s9+$0x0], $0xffff  }
0x2d: {  	v11 =	vadd.s32 v0, v11;
	v7 =	vld.idx.msk [tilespmem:v7+s9+$0x0], $0xffff;
	[tilespmem:s15+$0x70] =	vst v1  }
0x2e: {  	v12 =	vadd.s32 v0, v12;
	v8 =	vld.idx.msk [tilespmem:v8+s9+$0x0], $0xffff;
	[tilespmem:s15+$0xFFFFFF10] =	vst v2  }
0x2f: {  	v13 =	vadd.s32 v0, v13;
	v9 =	vld.idx.msk [tilespmem:v9+s9+$0x0], $0xffff;
	[tilespmem:s15+$0xFFFFFF20] =	vst v3  }
0x30: {  	v14 =	vadd.s32 v0, v14;
	v10 =	vld.idx.msk [tilespmem:v10+s9+$0x0], $0xffff;
	[tilespmem:s15+$0xFFFFFF30] =	vst v4  }
0x31: {  	v15 =	vadd.s32 v0, v15;
	v1 =	vld.idx.msk [tilespmem:v16+s9+$0x0], $0xffff;
	[tilespmem:s15+$0xFFFFFF40] =	vst v5  }
0x32: {  	[tilespmem:s15+$0xFFFFFF50] =	vst v6;
	v2 =	vld.idx.msk [tilespmem:v11+s9+$0x0], $0xffff  }
0x33: {  	[tilespmem:s15+$0xFFFFFF60] =	vst v7;
	v3 =	vld.idx.msk [tilespmem:v12+s9+$0x0], $0xffff  }
0x34: {  	[tilespmem:s15+$0xFFFFFF70] =	vst v8;
	v4 =	vld.idx.msk [tilespmem:v13+s9+$0x0], $0xffff  }
0x35: {  	[tilespmem:s15+$0x0] =	vst v9;
	v5 =	vld.idx.msk [tilespmem:v14+s9+$0x0], $0xffff  }
0x36: {  	s16 =	simm.s32 $0x0;
	s17 =	simm.s32 $0x180;
	s14 =	sshll.u32 s13, $0x1;
	[tilespmem:s15+$0x10] =	vst v10;
	v6 =	vld.idx.msk [tilespmem:v15+s9+$0x0], $0xffff  }
.LBB2_3:
0x37: {  	v7 =	vld [tilespmem:s17+$0x70];
	s16 =	sadd.s32 $0x10, s16;
	[tilespmem:s15+$0xFFFFFF00] =	vst v1  }
0x38: {  	v1 =	vld [tilespmem:s17+$0xFFFFFF90];
	p1 =	slt.u32 s16, $0x330;
	[tilespmem:s15+$0x20] =	vst v2  }
0x39: {  	v2 =	vld [tilespmem:s17+$0xFFFFFFA0];
	[tilespmem:s15+$0x30] =	vst v3  }
0x3a: {  	v3 =	vld [tilespmem:s17+$0xFFFFFFB0];
	[tilespmem:s15+$0x40] =	vst v4  }
0x3b: {  	v4 =	vld [tilespmem:s17+$0xFFFFFFC0];
	[tilespmem:s15+$0x50] =	vst v5  }
0x3c: {  	v5 =	vld [tilespmem:s17+$0xFFFFFFD0];
	v7 =	vadd.s32 v0, v7;
	[tilespmem:s15+$0x60] =	vst v6  }
0x3d: {  	v1 =	vadd.s32 v0, v1;
	v6 =	vld [tilespmem:s17+$0xFFFFFFE0]  }
0x3e: {  	v2 =	vadd.s32 v0, v2;
	v8 =	vld [tilespmem:s17+$0xFFFFFFF0]  }
0x3f: {  	v3 =	vadd.s32 v0, v3;
	v9 =	vld [tilespmem:s17+$0x0]  }
0x40: {  	v4 =	vadd.s32 v0, v4;
	v10 =	vld [tilespmem:s17+$0x10]  }
0x41: {  	v5 =	vadd.s32 v0, v5;
	v7 =	vld.idx.msk [tilespmem:v7+s9+$0x0], $0xffff  }
0x42: {  	v6 =	vadd.s32 v0, v6;
	v11 =	vld [tilespmem:s17+$0x20]  }
0x43: {  	v8 =	vadd.s32 v0, v8;
	v12 =	vld [tilespmem:s17+$0x30]  }
0x44: {  	v9 =	vadd.s32 v0, v9;
	v13 =	vld [tilespmem:s17+$0x40]  }
0x45: {  	v10 =	vadd.s32 v0, v10;
	v14 =	vld [tilespmem:s17+$0x50]  }
0x46: {  	s15 =	sadd.s32 $0x200, s15;
	v15 =	vld [tilespmem:s17+$0x60]  }
0x47: {  	v16 =	vld [tilespmem:s17+$0xFFFFFF80];
	v11 =	vadd.s32 v0, v11;
	[tilespmem:s15+$0x70] =	vst v7  }
0x48: {  	v1 =	vld.idx.msk [tilespmem:v1+s9+$0x0], $0xffff;
	v7 =	vadd.s32 v0, v12  }
0x49: {  	v2 =	vld.idx.msk [tilespmem:v2+s9+$0x0], $0xffff;
	v12 =	vadd.s32 v0, v13  }
0x4a: {  	v3 =	vld.idx.msk [tilespmem:v3+s9+$0x0], $0xffff;
	v13 =	vadd.s32 v0, v14  }
0x4b: {  	v4 =	vld.idx.msk [tilespmem:v4+s9+$0x0], $0xffff;
	v14 =	vadd.s32 v0, v15  }
0x4c: {  	v15 =	vadd.s32 v0, v16;
	v5 =	vld.idx.msk [tilespmem:v5+s9+$0x0], $0xffff  }
0x4d: {  	v6 =	vld.idx.msk [tilespmem:v6+s9+$0x0], $0xffff  }
0x4e: {  	[tilespmem:s15+$0xFFFFFF10] =	vst v1;
	v8 =	vld.idx.msk [tilespmem:v8+s9+$0x0], $0xffff  }
0x4f: {  	[tilespmem:s15+$0xFFFFFF20] =	vst v2;
	v9 =	vld.idx.msk [tilespmem:v9+s9+$0x0], $0xffff  }
0x50: {  	[tilespmem:s15+$0xFFFFFF30] =	vst v3;
	v10 =	vld.idx.msk [tilespmem:v10+s9+$0x0], $0xffff  }
0x51: {  	v1 =	vld.idx.msk [tilespmem:v15+s9+$0x0], $0xffff;
	[tilespmem:s15+$0xFFFFFF40] =	vst v4  }
.Ltmp0:
0x52: {  	[tilespmem:s15+$0xFFFFFF50] =	vst v5;
	v2 =	vld.idx.msk [tilespmem:v11+s9+$0x0], $0xffff;
	(pc) =	sbr.rel @p1 .LBB2_3-.Ltmp0, $4  }
0x53: {  	[tilespmem:s15+$0xFFFFFF60] =	vst v6;
	v3 =	vld.idx.msk [tilespmem:v7+s9+$0x0], $0xffff  }
0x54: {  	[tilespmem:s15+$0xFFFFFF70] =	vst v8;
	v4 =	vld.idx.msk [tilespmem:v12+s9+$0x0], $0xffff  }
0x55: {  	[tilespmem:s15+$0x0] =	vst v9;
	v5 =	vld.idx.msk [tilespmem:v13+s9+$0x0], $0xffff  }
0x56: {  	s17 =	sadd.s32 $0x100, s17;
	[tilespmem:s15+$0x10] =	vst v10;
	v6 =	vld.idx.msk [tilespmem:v14+s9+$0x0], $0xffff  }
0x57: {  	[tilespmem:s15+$0xFFFFFF00] =	vst v1  }
0x58: {  	[tilespmem:s15+$0x20] =	vst v2;
	s16 =	sadd.s32 s6, s14  }
0x59: {  	[tilespmem:s15+$0x30] =	vst v3;
	s16 =	smul.u32 $0x680, s16  }
0x5a: {  	[tilespmem:s15+$0x40] =	vst v4  }
0x5b: {  	s17 =	simm.s32 $0xB400;
	[tilespmem:s15+$0x50] =	vst v5;
	s16 =	sadd.s32 s4, s16  }
0x5c: {  	s18 =	simm.s32 $0xB500;
	[tilespmem:s15+$0x60] =	vst v6;
	s15 =	simm.s32 $0x10;
	s19 =	sadd.s32 $0x0, s16  }
.LBB2_5:
0x5d: {  	[hbm4b:s19+s2] =	stream.linear.scatter [tilespmem:s17], [sflag:$0x1], $0x80, $0x38;
	[tilespmem:$0x11C00] =	vst v63  }
0x5e: {  	s19 =	smov.u32 s15;
	s17 =	smov.u32 s18;
	p1 =	sne.s32 s15, $0x670  }
.Ltmp1:
0x5f: {  	s15 =	sadd.s32 $0x10, s15;
	(pc) =	sbr.rel @p1 .LBB2_5-.Ltmp1, $2  }
0x60: {  	_ =	sdelay $0x2  }
0x61: {  	s18 =	sadd.s32 $0x100, s18;
	s19 =	sadd.s32 s19, s16  }
0x62: {  	[hbm4b:s19+s2] =	stream.linear.scatter [tilespmem:s17], [sflag:$0x1], $0x80, $0x38;
	[tilespmem:$0x11C00] =	vst v63  }
0x63: {  	s15 =	simm.s32 @!p0 $0x2  }
0x64: {  	_ =	swait.ge @!p0 [sflag:s15], $0x3400  }
0x65: {  	[sflag:s15] =	ssyncset.done @!p0 $0x0  }
0x66: {  	s31 =	simm.s32 $0x80;
	[sflag:s15] =	ssyncadd.s32 @!p0 $0xFFFFCC00  }
0x67: {  	v1 =	vld [tilespmem:s31+$0x70]  }
0x68: {  	v2 =	vld [tilespmem:s31+$0xFFFFFF90]  }
0x69: {  	v3 =	vld [tilespmem:s31+$0xFFFFFFA0]  }
0x6a: {  	v4 =	vld [tilespmem:s31+$0xFFFFFFB0]  }
0x6b: {  	v5 =	vld [tilespmem:s31+$0xFFFFFFC0]  }
0x6c: {  	v6 =	vld [tilespmem:s31+$0xFFFFFFD0]  }
0x6d: {  	v7 =	vld [tilespmem:s31+$0xFFFFFFE0]  }
0x6e: {  	v8 =	vld [tilespmem:s31+$0xFFFFFFF0]  }
0x6f: {  	s14 =	sor.u32 $0x1, s14;
	v9 =	vld [tilespmem:s31+$0x0]  }
0x70: {  	s16 =	sshll.u32 s14, $0xA;
	v10 =	vld [tilespmem:s31+$0x10]  }
0x71: {  	v0 =	vmov s16;
	v11 =	vld [tilespmem:s31+$0x20]  }
0x72: {  	v12 =	vld [tilespmem:s31+$0x30];
	v1 =	vadd.s32 v0, v1  }
0x73: {  	v13 =	vld [tilespmem:s31+$0x40];
	v2 =	vadd.s32 v0, v2  }
0x74: {  	v14 =	vld [tilespmem:s31+$0x50];
	v3 =	vadd.s32 v0, v3  }
0x75: {  	v15 =	vld [tilespmem:s31+$0x60];
	v4 =	vadd.s32 v0, v4  }
0x76: {  	v16 =	vld [tilespmem:s31+$0xFFFFFF80];
	v5 =	vadd.s32 v0, v5  }
0x77: {  	v6 =	vadd.s32 v0, v6;
	v1 =	vld.idx.msk [tilespmem:v1+s9+$0x0], $0xffff  }
0x78: {  	v7 =	vadd.s32 v0, v7;
	v2 =	vld.idx.msk [tilespmem:v2+s9+$0x0], $0xffff  }
0x79: {  	v8 =	vadd.s32 v0, v8;
	v3 =	vld.idx.msk [tilespmem:v3+s9+$0x0], $0xffff  }
0x7a: {  	v9 =	vadd.s32 v0, v9;
	v4 =	vld.idx.msk [tilespmem:v4+s9+$0x0], $0xffff  }
0x7b: {  	v10 =	vadd.s32 v0, v10;
	v5 =	vld.idx.msk [tilespmem:v5+s9+$0x0], $0xffff  }
0x7c: {  	s15 =	simm.s32 $0xB580;
	v16 =	vadd.s32 v0, v16;
	v6 =	vld.idx.msk [tilespmem:v6+s9+$0x0], $0xffff  }
0x7d: {  	v11 =	vadd.s32 v0, v11;
	v7 =	vld.idx.msk [tilespmem:v7+s9+$0x0], $0xffff;
	[tilespmem:s15+$0x70] =	vst v1  }
0x7e: {  	v12 =	vadd.s32 v0, v12;
	v8 =	vld.idx.msk [tilespmem:v8+s9+$0x0], $0xffff;
	[tilespmem:s15+$0xFFFFFF10] =	vst v2  }
0x7f: {  	v13 =	vadd.s32 v0, v13;
	v9 =	vld.idx.msk [tilespmem:v9+s9+$0x0], $0xffff;
	[tilespmem:s15+$0xFFFFFF20] =	vst v3  }
0x80: {  	v14 =	vadd.s32 v0, v14;
	v10 =	vld.idx.msk [tilespmem:v10+s9+$0x0], $0xffff;
	[tilespmem:s15+$0xFFFFFF30] =	vst v4  }
0x81: {  	v15 =	vadd.s32 v0, v15;
	v1 =	vld.idx.msk [tilespmem:v16+s9+$0x0], $0xffff;
	[tilespmem:s15+$0xFFFFFF40] =	vst v5  }
0x82: {  	[tilespmem:s15+$0xFFFFFF50] =	vst v6;
	v2 =	vld.idx.msk [tilespmem:v11+s9+$0x0], $0xffff  }
0x83: {  	[tilespmem:s15+$0xFFFFFF60] =	vst v7;
	v3 =	vld.idx.msk [tilespmem:v12+s9+$0x0], $0xffff  }
0x84: {  	[tilespmem:s15+$0xFFFFFF70] =	vst v8;
	v4 =	vld.idx.msk [tilespmem:v13+s9+$0x0], $0xffff  }
0x85: {  	[tilespmem:s15+$0x0] =	vst v9;
	v6 =	vld.idx.msk [tilespmem:v14+s9+$0x0], $0xffff  }
0x86: {  	s17 =	simm.s32 $0x180;
	s16 =	simm.s32 $0x0;
	[tilespmem:s15+$0x10] =	vst v10;
	v5 =	vld.idx.msk [tilespmem:v15+s9+$0x0], $0xffff  }
.LBB2_7:
0x87: {  	v7 =	vld [tilespmem:s17+$0x70];
	s16 =	sadd.s32 $0x10, s16;
	[tilespmem:s15+$0xFFFFFF00] =	vst v1  }
0x88: {  	v1 =	vld [tilespmem:s17+$0xFFFFFF90];
	p0 =	slt.u32 s16, $0x330;
	[tilespmem:s15+$0x20] =	vst v2  }
0x89: {  	v2 =	vld [tilespmem:s17+$0xFFFFFFA0];
	[tilespmem:s15+$0x30] =	vst v3  }
0x8a: {  	v3 =	vld [tilespmem:s17+$0xFFFFFFB0];
	[tilespmem:s15+$0x40] =	vst v4  }
0x8b: {  	v4 =	vld [tilespmem:s17+$0xFFFFFFC0];
	[tilespmem:s15+$0x50] =	vst v6  }
0x8c: {  	v6 =	vld [tilespmem:s17+$0xFFFFFFD0];
	v7 =	vadd.s32 v0, v7;
	[tilespmem:s15+$0x60] =	vst v5  }
0x8d: {  	v1 =	vadd.s32 v0, v1;
	v5 =	vld [tilespmem:s17+$0xFFFFFFE0]  }
0x8e: {  	v2 =	vadd.s32 v0, v2;
	v8 =	vld [tilespmem:s17+$0xFFFFFFF0]  }
0x8f: {  	v3 =	vadd.s32 v0, v3;
	v9 =	vld [tilespmem:s17+$0x0]  }
0x90: {  	v4 =	vadd.s32 v0, v4;
	v10 =	vld [tilespmem:s17+$0x10]  }
0x91: {  	v6 =	vadd.s32 v0, v6;
	v7 =	vld.idx.msk [tilespmem:v7+s9+$0x0], $0xffff  }
0x92: {  	v5 =	vadd.s32 v0, v5;
	v11 =	vld [tilespmem:s17+$0x20]  }
0x93: {  	v8 =	vadd.s32 v0, v8;
	v12 =	vld [tilespmem:s17+$0x30]  }
0x94: {  	v9 =	vadd.s32 v0, v9;
	v13 =	vld [tilespmem:s17+$0x40]  }
0x95: {  	v10 =	vadd.s32 v0, v10;
	v14 =	vld [tilespmem:s17+$0x50]  }
0x96: {  	s15 =	sadd.s32 $0x200, s15;
	v15 =	vld [tilespmem:s17+$0x60]  }
0x97: {  	v16 =	vld [tilespmem:s17+$0xFFFFFF80];
	v11 =	vadd.s32 v0, v11;
	[tilespmem:s15+$0x70] =	vst v7  }
0x98: {  	v1 =	vld.idx.msk [tilespmem:v1+s9+$0x0], $0xffff;
	v7 =	vadd.s32 v0, v12  }
0x99: {  	v2 =	vld.idx.msk [tilespmem:v2+s9+$0x0], $0xffff;
	v12 =	vadd.s32 v0, v13  }
0x9a: {  	v3 =	vld.idx.msk [tilespmem:v3+s9+$0x0], $0xffff;
	v13 =	vadd.s32 v0, v14  }
0x9b: {  	v4 =	vld.idx.msk [tilespmem:v4+s9+$0x0], $0xffff;
	v14 =	vadd.s32 v0, v15  }
0x9c: {  	v15 =	vadd.s32 v0, v16;
	v6 =	vld.idx.msk [tilespmem:v6+s9+$0x0], $0xffff  }
0x9d: {  	v5 =	vld.idx.msk [tilespmem:v5+s9+$0x0], $0xffff  }
0x9e: {  	[tilespmem:s15+$0xFFFFFF10] =	vst v1;
	v8 =	vld.idx.msk [tilespmem:v8+s9+$0x0], $0xffff  }
0x9f: {  	[tilespmem:s15+$0xFFFFFF20] =	vst v2;
	v9 =	vld.idx.msk [tilespmem:v9+s9+$0x0], $0xffff  }
0xa0: {  	[tilespmem:s15+$0xFFFFFF30] =	vst v3;
	v10 =	vld.idx.msk [tilespmem:v10+s9+$0x0], $0xffff  }
0xa1: {  	v1 =	vld.idx.msk [tilespmem:v15+s9+$0x0], $0xffff;
	[tilespmem:s15+$0xFFFFFF40] =	vst v4  }
.Ltmp2:
0xa2: {  	[tilespmem:s15+$0xFFFFFF50] =	vst v6;
	v2 =	vld.idx.msk [tilespmem:v11+s9+$0x0], $0xffff;
	(pc) =	sbr.rel @p0 .LBB2_7-.Ltmp2, $4  }
0xa3: {  	[tilespmem:s15+$0xFFFFFF60] =	vst v5;
	v3 =	vld.idx.msk [tilespmem:v7+s9+$0x0], $0xffff  }
0xa4: {  	[tilespmem:s15+$0xFFFFFF70] =	vst v8;
	v4 =	vld.idx.msk [tilespmem:v12+s9+$0x0], $0xffff  }
0xa5: {  	[tilespmem:s15+$0x0] =	vst v9;
	v6 =	vld.idx.msk [tilespmem:v13+s9+$0x0], $0xffff  }
0xa6: {  	s17 =	sadd.s32 $0x100, s17;
	[tilespmem:s15+$0x10] =	vst v10;
	v5 =	vld.idx.msk [tilespmem:v14+s9+$0x0], $0xffff  }
0xa7: {  	[tilespmem:s15+$0xFFFFFF00] =	vst v1  }
0xa8: {  	[tilespmem:s15+$0x20] =	vst v2;
	s14 =	sadd.s32 s6, s14  }
0xa9: {  	[tilespmem:s15+$0x30] =	vst v3;
	s14 =	smul.u32 $0x680, s14  }
0xaa: {  	[tilespmem:s15+$0x40] =	vst v4  }
0xab: {  	s16 =	simm.s32 $0xB480;
	[tilespmem:s15+$0x50] =	vst v6;
	s14 =	sadd.s32 s4, s14  }
0xac: {  	s17 =	simm.s32 $0xB580;
	[tilespmem:s15+$0x60] =	vst v5;
	s15 =	simm.s32 $0x10;
	s18 =	sadd.s32 $0x0, s14  }
.LBB2_9:
0xad: {  	[hbm4b:s18+s2] =	stream.linear.scatter [tilespmem:s16], [sflag:$0x2], $0x80, $0x38;
	[tilespmem:$0x11C00] =	vst v63  }
0xae: {  	s18 =	smov.u32 s15;
	s16 =	smov.u32 s17;
	p0 =	sne.s32 s15, $0x670  }
.Ltmp3:
0xaf: {  	s15 =	sadd.s32 $0x10, s15;
	(pc) =	sbr.rel @p0 .LBB2_9-.Ltmp3, $2  }
0xb0: {  	_ =	sdelay $0x2  }
0xb1: {  	s17 =	sadd.s32 $0x100, s17;
	s18 =	sadd.s32 s18, s14  }
0xb2: {  	s13 =	sadd.s32 $0x1, s13  }
0xb3: {  	p0 =	sne.s32 s13, $0x10  }
.Ltmp4:
0xb4: {  	_ = 	snop;
	(pc) =	sbr.rel @p0 .LBB2_2-.Ltmp4, $2  }
0xb5: {  	_ =	sdelay $0x2  }
0xb6: {  	[hbm4b:s18+s2] =	stream.linear.scatter [tilespmem:s16], [sflag:$0x2], $0x80, $0x38;
	[tilespmem:$0x11C00] =	vst v63  }
0xb7: {  	s12 =	sadd.s32 $0x1, s12  }
0xb8: {  	_ =	swait.ge [sflag:s10], $0x3400;
	p0 =	sne.s32 s12, s7  }
.Ltmp5:
0xb9: {  	[sflag:s10] =	ssyncset.done $0x0;
	(pc) =	sbr.rel @p0 .LBB2_1-.Ltmp5, $4  }
0xba: {  	[sflag:s10] =	ssyncadd.s32 $0xFFFFCC00  }
0xbb: {  	_ =	swait.ge [sflag:s11], $0x3400  }
0xbc: {  	[sflag:s11] =	ssyncset.done $0x0  }
0xbd: {  	[sflag:s11] =	ssyncadd.s32 $0xFFFFCC00  }
0xbe: {  	_ =	sfence.sel $0x180000  }
0xbf: {  	[bflag:$0x0] =	sbarrier.arrive $0xFFFF  }
0xc0: {  	p0 =	sne.s32 s0, $0x0;
	_ =	strace $0x90000056  }
0xc1: {  	s0 =	sadd.s32 @!p0 $0x100000, s1;
	[bflag:$0x2] =	sbarrier.arrive $0xFFFF  }
0xc2: {  	[sflag:s0] =	ssyncadd.tile.s32 @!p0 $0x1;
	_ =	shalt  }
.Lfunc_end2:
_tile_overlayer_lowered:
.L_overlay_start_2:
0xc3: {  	(tag) =	ssettag $0x2  }
0xc4: {  	s0 =	rddreg [dreg:$0x0];
	s2 =	stileid.u32  }
0xc5: {  	s1 =	rddreg [dreg:$0x1];
	p0 =	sne.s32 s2, $0x0  }
0xc6: {  	s3 =	rddreg [dreg:$0x2];
	[bflag:$0x3] =	sbarrier.arrive $0xFFFF;
	s2 =	simm.s32 @!p0 $0x1C03  }
0xc7: {  	[timem:s3], [sflag:s2] =	dma.local @!p0 [hbm:s0], s1  }
0xc8: {  	s0 =	simm.s32 @!p0 $0x3  }
0xc9: {  	_ =	swait.ge @!p0 [sflag:s0], s1  }
0xca: {  	s1 =	ssub.s32 @!p0 $0x0, s1;
	[sflag:s0] =	ssyncset.done @!p0 $0x0  }
0xcb: {  	[sflag:s0] =	ssyncadd.s32 @!p0 s1  }
0xcc: {  	[bflag:$0x3] =	sbarrier.arrive $0xFFFF  }
0xcd: {  	_ =	shalt  }

// kernel: kernel.20.cloned.1.call-start
scs
__scs_entry_jumppad:
0x0: {  	(pc) =	sbr.rel $0x88, $3  }
0x1: {  	(tag) =	ssettag $0x0;
	lr =	simm.s32 $0x1  }
0x2: {  	[smem:$0x3F92] =	sst lr;
	_ =	strace $0xD0000000  }
0x3: {  	_ = 	snop  }
0x4: {  	_ = 	snop  }
0x5: {  	_ = 	snop  }
0x6: {  	_ = 	snop  }
0x7: {  	_ = 	snop  }
__scs_overlays_trampoline_lowered:
0x8: {  	[smem:$0x3FA1] =	sst s0  }
0x9: {  	[smem:$0x3FA2] =	sst s1  }
0xa: {  	[smem:$0x3FA3] =	sst s2  }
0xb: {  	[smem:$0x3FA4] =	sst s3  }
0xc: {  	[smem:$0x3FA5] =	sst s4  }
0xd: {  	[smem:$0x3FA6] =	sst s5  }
0xe: {  	[smem:$0x3FA7] =	sst s6  }
0xf: {  	[smem:$0x3FA8] =	sst s7  }
0x10: {  	[smem:$0x3FA9] =	sst s8  }
0x11: {  	[smem:$0x3FAA] =	sst s9;
	s0 =	simm.s32 @!p0 $0x0  }
0x12: {  	s1 =	sld [smem:$0x3F90];
	s0 =	simm.s32 @p0 $0x1  }
0x13: {  	[smem:$0x3FAB] =	sst s0;
	s0 =	simm.s32 @!p1 $0x0  }
0x14: {  	s2 =	sld [smem:$0x3F8F];
	s0 =	simm.s32 @p1 $0x1  }
0x15: {  	[smem:$0x3FAC] =	sst s0;
	s0 =	simm.s32 @!p2 $0x0  }
0x16: {  	s3 =	sld [smem:$0x3FDB];
	s0 =	simm.s32 @p2 $0x1  }
0x17: {  	s4 =	simm.s32 $0x1BF5;
	[smem:$0x3FAE] =	sst s0  }
0x18: {  	s0 =	sld [smem:$0x3F91];
	_ =	swait.ge [sflag:s4], $0x0  }
0x19: {  	s7 =	sld [smem:$0x3F92]  }
0x1a: {  	s8 =	sadd.s32 $0xFFFFE003, lr  }
0x1b: {  	s9 =	sadd.s32 $0xFFFFFEF7, lr;
	s5 =	simm.s32 $0xFFFFFFFF;
	p2 =	slt.u32 s8, $0xFFFFF086  }
0x1c: {  	p1 =	slt.u32 s9, $0xF7A;
	s5 =	simm.s32 @!p2 $0x0  }
0x1d: {  	s5 =	simm.s32 @p1 $0x1;
	p0 =	seq.s32 s7, s2  }
0x1e: {  	s7 =	smul.u32 @!p0 $0xF7A, s2;
	p2 =	seq.s32 @!p0 s5, $0x0  }
0x1f: {  	s9 =	smul.u32 $0xF7A, s1;
	s8 =	simm.s32 @!p0 $0x1BF5;
	p2 =	por !p2, p0  }
0x20: {  	[sflag:s8] =	ssyncset.s32 @!p0 $0xFFFFF086;
	s6 =	sadd.s32 @!p0 s3, s7;
	s7 =	simm.s32 @!p0 $0x108  }
0x21: {  	s3 =	sadd.s32 s3, s9;
	s6 =	sadd.s32 @!p0 $0x88, s6;
	s7 =	simm.s32 @p2 $0x1082  }
0x22: {  	[simem:s7], [sflag:s8] =	dma.local @!p0 [hbm:s6], $0xF7A  }
0x23: {  	s9 =	sor.u32 $0xD0000000, s2;
	s6 =	simm.s32 $0x108;
	_ =	swait.ge @!p0 [sflag:s8], $0x0  }
0x24: {  	s3 =	sadd.s32 $0x88, s3;
	s6 =	simm.s32 @!p1 $0x1082;
	[sflag:s4] =	ssyncset.s32 $0xFFFFF086  }
0x25: {  	[simem:s6], [sflag:s4] =	dma.local [hbm:s3], $0xF7A  }
0x26: {  	[smem:$0x3F92] =	sst s1;
	(tag) =	ssettag s2;
	_ =	strace s9  }
0x27: {  	s1 =	sld [smem:$0x3FA2]  }
0x28: {  	s2 =	sld [smem:$0x3FA3]  }
0x29: {  	s4 =	sld [smem:$0x3FA5]  }
0x2a: {  	p0 =	seq.s32 s5, $0x0;
	s5 =	sld [smem:$0x3FA6]  }
0x2b: {  	s6 =	sld [smem:$0x3FA7]  }
0x2c: {  	s7 =	sld [smem:$0x3FA8]  }
0x2d: {  	s3 =	simm.s32 $0x108;
	s8 =	sld [smem:$0x3FA9]  }
0x2e: {  	s3 =	simm.s32 @!p0 $0x1082;
	s9 =	sld [smem:$0x3FAA]  }
0x2f: {  	lr =	sadd.s32 s0, s3;
	s0 =	sld [smem:$0x3FA1]  }
0x30: {  	s3 =	sld [smem:$0x3FA4]  }
0x31: {  	[smem:$0x3FAD] =	sst s10  }
0x32: {  	s10 =	sld [smem:$0x3FAB];
	_ =	sdelay $0x3  }
0x33: {  	p0 =	seq.s32 s10, $0x1;
	s10 =	sld [smem:$0x3FAD];
	_ =	sdelay $0x3  }
0x34: {  	[smem:$0x3FAD] =	sst s10  }
0x35: {  	s10 =	sld [smem:$0x3FAC];
	_ =	sdelay $0x3  }
0x36: {  	p1 =	seq.s32 s10, $0x1;
	s10 =	sld [smem:$0x3FAD];
	_ =	sdelay $0x3  }
0x37: {  	[smem:$0x3FAD] =	sst s10  }
0x38: {  	s10 =	sld [smem:$0x3FAE]  }
0x39: {  	_ = 	snop;
	(pc) =	sbr.ind lr, $3  }
0x3a: {  	_ = 	snop  }
0x3b: {  	_ = 	snop  }
0x3c: {  	p2 =	seq.s32 s10, $0x1;
	s10 =	sld [smem:$0x3FAD]  }
0x3d: {  	_ =	shalt  }
0x3e: {  	_ =	shalt  }
0x3f: {  	_ =	shalt  }
0x40: {  	_ =	shalt  }
0x41: {  	_ =	shalt  }
0x42: {  	_ =	shalt  }
0x43: {  	_ =	shalt  }
0x44: {  	_ =	shalt  }
0x45: {  	_ =	shalt  }
0x46: {  	_ =	shalt  }
0x47: {  	_ =	shalt  }
0x48: {  	_ =	shalt  }
0x49: {  	_ =	shalt  }
0x4a: {  	_ =	shalt  }
0x4b: {  	_ =	shalt  }
0x4c: {  	_ =	shalt  }
0x4d: {  	_ =	shalt  }
0x4e: {  	_ =	shalt  }
0x4f: {  	_ =	shalt  }
0x50: {  	_ =	shalt  }
0x51: {  	_ =	shalt  }
0x52: {  	_ =	shalt  }
0x53: {  	_ =	shalt  }
0x54: {  	_ =	shalt  }
0x55: {  	_ =	shalt  }
0x56: {  	_ =	shalt  }
0x57: {  	_ =	shalt  }
0x58: {  	_ =	shalt  }
0x59: {  	_ =	shalt  }
0x5a: {  	_ =	shalt  }
0x5b: {  	_ =	shalt  }
0x5c: {  	_ =	shalt  }
0x5d: {  	_ =	shalt  }
0x5e: {  	_ =	shalt  }
0x5f: {  	_ =	shalt  }
0x60: {  	_ =	shalt  }
0x61: {  	_ =	shalt  }
0x62: {  	_ =	shalt  }
0x63: {  	_ =	shalt  }
0x64: {  	_ =	shalt  }
0x65: {  	_ =	shalt  }
0x66: {  	_ =	shalt  }
0x67: {  	_ =	shalt  }
0x68: {  	_ =	shalt  }
0x69: {  	_ =	shalt  }
0x6a: {  	_ =	shalt  }
0x6b: {  	_ =	shalt  }
0x6c: {  	_ =	shalt  }
0x6d: {  	_ =	shalt  }
0x6e: {  	_ =	shalt  }
0x6f: {  	_ =	shalt  }
0x70: {  	_ =	shalt  }
0x71: {  	_ =	shalt  }
0x72: {  	_ =	shalt  }
0x73: {  	_ =	shalt  }
0x74: {  	_ =	shalt  }
0x75: {  	_ =	shalt  }
0x76: {  	_ =	shalt  }
0x77: {  	_ =	shalt  }
0x78: {  	_ =	shalt  }
0x79: {  	_ =	shalt  }
0x7a: {  	_ =	shalt  }
0x7b: {  	_ =	shalt  }
0x7c: {  	_ =	shalt  }
0x7d: {  	_ =	shalt  }
0x7e: {  	_ =	shalt  }
0x7f: {  	_ =	shalt  }
0x80: {  	_ =	shalt  }
0x81: {  	_ =	shalt  }
0x82: {  	_ =	shalt  }
0x83: {  	_ =	shalt  }
0x84: {  	_ =	shalt  }
0x85: {  	_ =	shalt  }
0x86: {  	_ =	shalt  }
0x87: {  	_ =	shalt  }
.Lfunc_end0:
.L_simem_size_0:
called_computation.8_lowered:
.L_overlay_start_0:
0x88: {  	s2 =	sld [smem:$0x3FD9]  }
0x89: {  	s3 =	sld [smem:$0x3FFE];
	_ =	sdelay $0x1  }
0x8a: {  	s1 =	srdreg.scid  }
0x8b: {  	s0 =	sand.u32 $0x1, s1  }
0x8c: {  	s16 =	sshll.u32 s0, $0xA;
	s2 =	sadd.s32 s3, s2  }
0x8d: {  	s2 =	sadd.s32 s2, s16  }
0x8e: {  	[smem:$0x3FB9] =	sst s2  }
0x8f: {  	_ = 	snop  }
0x90: {  	(tm) =	ssettm $0x1  }
0x91: {  	s17 =	sld [smem:$0x3FFB];
	_ =	sdelay $0x3  }
0x92: {  	_ =	strace s17  }
0x93: {  	s2 =	sld [smem:$0x3FFC];
	_ =	sdelay $0x3  }
0x94: {  	_ =	strace s2  }
0x95: {  	s2 =	sld [smem:$0x3FFD];
	_ =	sdelay $0x3  }
0x96: {  	_ =	strace s2  }
0x97: {  	_ =	strace $0x8FFFFFFF  }
0x98: {  	s18 =	sld [smem:$0x3FDB];
	_ =	sdelay $0x1  }
0x99: {  	s19 =	simm.s32 $_scs_section_size  }
0x9a: {  	s4 =	simm.s32 $_size__tile_overlayer_lowered;
	s5 =	simm.s32 $_tile_overlayer_lowered  }
0x9b: {  	s22 =	simm.s32 $0x1BFF;
	s21 =	sshll.u32 s5, $0x1;
	s2 =	sadd.s32 s19, s18  }
0x9c: {  	s6 =	simm.s32 $0x0;
	s20 =	sshll.u32 s4, $0x1;
	s4 =	sadd.s32 s21, s2  }
0x9d: {  	[timem:s6], [sflag:s22] =	dma.local [hbm:s4], s20  }
0x9e: {  	_ =	swait.ge [sflag:s22], s20  }
0x9f: {  	s3 =	ssub.s32 $0x0, s20;
	[sflag:s22] =	ssyncset.done $0x0  }
0xa0: {  	[sflag:s22] =	ssyncadd.s32 s3;
	_ =	sdelay $0x1  }
0xa1: {  	s23 =	simm.s32 $0x1B8B  }
0xa2: {  	_ =	swait.ge [sflag:s23], $0x1  }
0xa3: {  	[sflag:s23] =	ssyncset.done $0x0  }
0xa4: {  	s25 =	simm.s32 $0x1B8E;
	s24 =	sld [smem:$0x3FFE];
	[sflag:s23] =	ssyncadd.s32 $0xFFFFFFFF  }
0xa5: {  	s26 =	simm.s32 $execute0_lowered;
	[smem:$0x3FD2] =	sst s25  }
0xa6: {  	s4 =	sshll.u32 s26, $0x1;
	_ =	strace $0x80000058;
	[dreg:$0x1] =	wrdreg $0xFFFFFFFF  }
0xa7: {  	s28 =	simm.s32 $_size_execute0_lowered;
	s2 =	sadd.s32 s2, s4;
	[dreg:$0x0] =	wrdreg $0x0  }
0xa8: {  	s4 =	sshll.u32 s28, $0x1;
	[dreg:$0x2] =	wrdreg s2  }
0xa9: {  	[dreg:$0x3] =	wrdreg s4  }
0xaa: {  	[dreg:$0x4] =	wrdreg $0xC0  }
0xab: {  	_ =	task [dreg:s6], $0x5FFFF  }
0xac: {  	[dreg:$0x1] =	wrdreg $0xFFFFFFFF  }
0xad: {  	[dreg:$0x0] =	wrdreg $0x60  }
0xae: {  	[dreg:$0x2] =	wrdreg s24  }
0xaf: {  	[dreg:$0x3] =	wrdreg $0x9  }
0xb0: {  	_ =	task.clear_ibuf [dreg:s6], $0x4FFFF;
	_ =	strace $0x90000058  }
0xb1: {  	s29 =	simm.s32 $0x9;
	_ =	strace $0x8000005A  }
0xb2: {  	_ =	swait.ge [sflag:s29], $0x1  }
0xb3: {  	[sflag:s29] =	ssyncadd.s32 $0xFFFFFFFF  }
0xb4: {  	_ =	strace $0x9000005A  }
0xb5: {  	_ =	sfence  }
0xb6: {  	s30 =	sld [smem:$0x0];
	_ =	sdelay $0x2  }
0xb7: {  	s31 =	sshll.u32 s1, $0xD;
	s1 =	sshrl.u32 s1, $0x2  }
0xb8: {  	s3 =	sand.u32 $0x4000, s31;
	s1 =	sadd.s32 s1, s30  }
0xb9: {  	s0 =	sor.u32 s3, s0;
	s1 =	sshll.u32 s1, $0x11  }
0xba: {  	s0 =	sor.u32 s1, s0  }
0xbb: {  	s0 =	sadd.s32 $0x8F2B, s0  }
0xbc: {  	[sflag:s0] =	ssyncadd.remote.s32 $0x1  }
0xbd: {  	_ =	sfence.sel $0xFFFF  }
0xbe: {  	[dreg:$0x0] =	wrdreg $0xFFFFFFFF;
	(pc) =	sbr.abs _section_cstart, $3  }
0xbf: {  	[dreg:$0x1] =	wrdreg $0xFFFFFFFF  }
0xc0: {  	_ =	task.clear_ibuf [dreg:s6], $0x2FFFF;
	_ =	strace $0x9FFFFFFF  }
0xc1: {  	(tm) =	ssettm $0x7FFFFFFF  }
tec
execute0_lowered:
.L_overlay_start_1:
0x0: {  	(tag) =	ssettag $0x1  }
0x1: {  	s1 =	srdreg.scid  }
0x2: {  	s0 =	stileid.u32;
	s4 =	rddreg [dreg:$0x0];
	s2 =	simm.s32 $0x0  }
0x3: {  	s9 =	simm.s32 $0x3400;
	s10 =	simm.s32 $0x1;
	s11 =	simm.s32 $0x2  }
0x4: {  	s3 =	sand.u32 $0x1, s1;
	s5 =	sshll.u32 s0, $0x1;
	s1 =	rddreg [dreg:$0x1]  }
0x5: {  	s12 =	simm.s32 $0x0;
	[smem:$0x7FF] =	sst s2;
	s6 =	sor.u32 s3, s5  }
0x6: {  	_ =	strace $0x80000059;
	s7 =	ssub.s32 $0x2, s3;
	s3 =	sadd.s32 $0x7000, s4  }
0x7: {  	s5 =	sshll.u32 s6, $0xC;
	s8 =	sshrl.u32 s7, $0x1;
	s6 =	sshll.u32 s6, $0x5  }
0x8: {  	s5 =	sadd.s32 s5, s4;
	s4 =	sadd.s32 $0x27800, s4;
	s7 =	ssub.s32 s7, s8  }
0x9: {  	s8 =	simm.s32 $0x3;
	s5 =	sadd.s32 $0x7800, s5;
	s7 =	smax.u32 s7, $0x1  }
.LBB2_1:
0xa: {  	[tilespmem:s2], [sflag:$0x3] =	stream.linear.gather [hbm4b:s3+s2], $0x3400, $0x38;
	[tilespmem:$0x11C00] =	vst v63  }
0xb: {  	_ =	swait.ge [sflag:s8], $0x3400  }
0xc: {  	[sflag:s8] =	ssyncset.done $0x0  }
0xd: {  	[sflag:s8] =	ssyncadd.s32 $0xFFFFCC00  }
0xe: {  	[tilespmem:s9], [sflag:$0x3] =	stream.linear.gather [hbm4b:s5+s2], $0x8000, $0x38;
	[tilespmem:$0x11C00] =	vst v63  }
0xf: {  	_ =	swait.ge [sflag:s8], $0x8000  }
0x10: {  	[sflag:s8] =	ssyncset.done $0x0  }
0x11: {  	s13 =	simm.s32 $0x0;
	[sflag:s8] =	ssyncadd.s32 $0xFFFF8000  }
.LBB2_2:
0x12: {  	p0 =	seq.s32 s13, $0x0  }
0x13: {  	s14 =	simm.s32 @!p0 $0x1  }
0x14: {  	_ =	swait.ge @!p0 [sflag:s14], $0x3400  }
0x15: {  	[sflag:s14] =	ssyncset.done @!p0 $0x0  }
0x16: {  	s31 =	simm.s32 $0x80;
	[sflag:s14] =	ssyncadd.s32 @!p0 $0xFFFFCC00  }
0x17: {  	v1 =	vld [tilespmem:s31+$0x70]  }
0x18: {  	v2 =	vld [tilespmem:s31+$0xFFFFFF90]  }
0x19: {  	v3 =	vld [tilespmem:s31+$0xFFFFFFA0]  }
0x1a: {  	v4 =	vld [tilespmem:s31+$0xFFFFFFB0]  }
0x1b: {  	v5 =	vld [tilespmem:s31+$0xFFFFFFC0]  }
0x1c: {  	v6 =	vld [tilespmem:s31+$0xFFFFFFD0]  }
0x1d: {  	v7 =	vld [tilespmem:s31+$0xFFFFFFE0]  }
0x1e: {  	v8 =	vld [tilespmem:s31+$0xFFFFFFF0]  }
0x1f: {  	v9 =	vld [tilespmem:s31+$0x0]  }
0x20: {  	s15 =	sshll.u32 s13, $0xB;
	v10 =	vld [tilespmem:s31+$0x10]  }
0x21: {  	v0 =	vmov s15;
	v11 =	vld [tilespmem:s31+$0x20]  }
0x22: {  	v12 =	vld [tilespmem:s31+$0x30];
	v1 =	vadd.s32 v0, v1  }
0x23: {  	v13 =	vld [tilespmem:s31+$0x40];
	v2 =	vadd.s32 v0, v2  }
0x24: {  	v14 =	vld [tilespmem:s31+$0x50];
	v3 =	vadd.s32 v0, v3  }
0x25: {  	v15 =	vld [tilespmem:s31+$0x60];
	v4 =	vadd.s32 v0, v4  }
0x26: {  	v16 =	vld [tilespmem:s31+$0xFFFFFF80];
	v5 =	vadd.s32 v0, v5  }
0x27: {  	v6 =	vadd.s32 v0, v6;
	v1 =	vld.idx.msk [tilespmem:v1+s9+$0x0], $0xffff  }
0x28: {  	v7 =	vadd.s32 v0, v7;
	v2 =	vld.idx.msk [tilespmem:v2+s9+$0x0], $0xffff  }
0x29: {  	v8 =	vadd.s32 v0, v8;
	v3 =	vld.idx.msk [tilespmem:v3+s9+$0x0], $0xffff  }
0x2a: {  	v9 =	vadd.s32 v0, v9;
	v4 =	vld.idx.msk [tilespmem:v4+s9+$0x0], $0xffff  }
0x2b: {  	v10 =	vadd.s32 v0, v10;
	v5 =	vld.idx.msk [tilespmem:v5+s9+$0x0], $0xffff  }
0x2c: {  	s15 =	simm.s32 $0xB500;
	v16 =	vadd.s32 v0, v16;
	v6 =	vld.idx.msk [tilespmem:v6+s9+$0x0], $0xffff  }
0x2d: {  	v11 =	vadd.s32 v0, v11;
	v7 =	vld.idx.msk [tilespmem:v7+s9+$0x0], $0xffff;
	[tilespmem:s15+$0x70] =	vst v1  }
0x2e: {  	v12 =	vadd.s32 v0, v12;
	v8 =	vld.idx.msk [tilespmem:v8+s9+$0x0], $0xffff;
	[tilespmem:s15+$0xFFFFFF10] =	vst v2  }
0x2f: {  	v13 =	vadd.s32 v0, v13;
	v9 =	vld.idx.msk [tilespmem:v9+s9+$0x0], $0xffff;
	[tilespmem:s15+$0xFFFFFF20] =	vst v3  }
0x30: {  	v14 =	vadd.s32 v0, v14;
	v10 =	vld.idx.msk [tilespmem:v10+s9+$0x0], $0xffff;
	[tilespmem:s15+$0xFFFFFF30] =	vst v4  }
0x31: {  	v15 =	vadd.s32 v0, v15;
	v1 =	vld.idx.msk [tilespmem:v16+s9+$0x0], $0xffff;
	[tilespmem:s15+$0xFFFFFF40] =	vst v5  }
0x32: {  	[tilespmem:s15+$0xFFFFFF50] =	vst v6;
	v2 =	vld.idx.msk [tilespmem:v11+s9+$0x0], $0xffff  }
0x33: {  	[tilespmem:s15+$0xFFFFFF60] =	vst v7;
	v3 =	vld.idx.msk [tilespmem:v12+s9+$0x0], $0xffff  }
0x34: {  	[tilespmem:s15+$0xFFFFFF70] =	vst v8;
	v4 =	vld.idx.msk [tilespmem:v13+s9+$0x0], $0xffff  }
0x35: {  	[tilespmem:s15+$0x0] =	vst v9;
	v5 =	vld.idx.msk [tilespmem:v14+s9+$0x0], $0xffff  }
0x36: {  	s16 =	simm.s32 $0x0;
	s17 =	simm.s32 $0x180;
	s14 =	sshll.u32 s13, $0x1;
	[tilespmem:s15+$0x10] =	vst v10;
	v6 =	vld.idx.msk [tilespmem:v15+s9+$0x0], $0xffff  }
.LBB2_3:
0x37: {  	v7 =	vld [tilespmem:s17+$0x70];
	s16 =	sadd.s32 $0x10, s16;
	[tilespmem:s15+$0xFFFFFF00] =	vst v1  }
0x38: {  	v1 =	vld [tilespmem:s17+$0xFFFFFF90];
	p1 =	slt.u32 s16, $0x330;
	[tilespmem:s15+$0x20] =	vst v2  }
0x39: {  	v2 =	vld [tilespmem:s17+$0xFFFFFFA0];
	[tilespmem:s15+$0x30] =	vst v3  }
0x3a: {  	v3 =	vld [tilespmem:s17+$0xFFFFFFB0];
	[tilespmem:s15+$0x40] =	vst v4  }
0x3b: {  	v4 =	vld [tilespmem:s17+$0xFFFFFFC0];
	[tilespmem:s15+$0x50] =	vst v5  }
0x3c: {  	v5 =	vld [tilespmem:s17+$0xFFFFFFD0];
	v7 =	vadd.s32 v0, v7;
	[tilespmem:s15+$0x60] =	vst v6  }
0x3d: {  	v1 =	vadd.s32 v0, v1;
	v6 =	vld [tilespmem:s17+$0xFFFFFFE0]  }
0x3e: {  	v2 =	vadd.s32 v0, v2;
	v8 =	vld [tilespmem:s17+$0xFFFFFFF0]  }
0x3f: {  	v3 =	vadd.s32 v0, v3;
	v9 =	vld [tilespmem:s17+$0x0]  }
0x40: {  	v4 =	vadd.s32 v0, v4;
	v10 =	vld [tilespmem:s17+$0x10]  }
0x41: {  	v5 =	vadd.s32 v0, v5;
	v7 =	vld.idx.msk [tilespmem:v7+s9+$0x0], $0xffff  }
0x42: {  	v6 =	vadd.s32 v0, v6;
	v11 =	vld [tilespmem:s17+$0x20]  }
0x43: {  	v8 =	vadd.s32 v0, v8;
	v12 =	vld [tilespmem:s17+$0x30]  }
0x44: {  	v9 =	vadd.s32 v0, v9;
	v13 =	vld [tilespmem:s17+$0x40]  }
0x45: {  	v10 =	vadd.s32 v0, v10;
	v14 =	vld [tilespmem:s17+$0x50]  }
0x46: {  	s15 =	sadd.s32 $0x200, s15;
	v15 =	vld [tilespmem:s17+$0x60]  }
0x47: {  	v16 =	vld [tilespmem:s17+$0xFFFFFF80];
	v11 =	vadd.s32 v0, v11;
	[tilespmem:s15+$0x70] =	vst v7  }
0x48: {  	v1 =	vld.idx.msk [tilespmem:v1+s9+$0x0], $0xffff;
	v7 =	vadd.s32 v0, v12  }
0x49: {  	v2 =	vld.idx.msk [tilespmem:v2+s9+$0x0], $0xffff;
	v12 =	vadd.s32 v0, v13  }
0x4a: {  	v3 =	vld.idx.msk [tilespmem:v3+s9+$0x0], $0xffff;
	v13 =	vadd.s32 v0, v14  }
0x4b: {  	v4 =	vld.idx.msk [tilespmem:v4+s9+$0x0], $0xffff;
	v14 =	vadd.s32 v0, v15  }
0x4c: {  	v15 =	vadd.s32 v0, v16;
	v5 =	vld.idx.msk [tilespmem:v5+s9+$0x0], $0xffff  }
0x4d: {  	v6 =	vld.idx.msk [tilespmem:v6+s9+$0x0], $0xffff  }
0x4e: {  	[tilespmem:s15+$0xFFFFFF10] =	vst v1;
	v8 =	vld.idx.msk [tilespmem:v8+s9+$0x0], $0xffff  }
0x4f: {  	[tilespmem:s15+$0xFFFFFF20] =	vst v2;
	v9 =	vld.idx.msk [tilespmem:v9+s9+$0x0], $0xffff  }
0x50: {  	[tilespmem:s15+$0xFFFFFF30] =	vst v3;
	v10 =	vld.idx.msk [tilespmem:v10+s9+$0x0], $0xffff  }
0x51: {  	v1 =	vld.idx.msk [tilespmem:v15+s9+$0x0], $0xffff;
	[tilespmem:s15+$0xFFFFFF40] =	vst v4  }
.Ltmp0:
0x52: {  	[tilespmem:s15+$0xFFFFFF50] =	vst v5;
	v2 =	vld.idx.msk [tilespmem:v11+s9+$0x0], $0xffff;
	(pc) =	sbr.rel @p1 .LBB2_3-.Ltmp0, $4  }
0x53: {  	[tilespmem:s15+$0xFFFFFF60] =	vst v6;
	v3 =	vld.idx.msk [tilespmem:v7+s9+$0x0], $0xffff  }
0x54: {  	[tilespmem:s15+$0xFFFFFF70] =	vst v8;
	v4 =	vld.idx.msk [tilespmem:v12+s9+$0x0], $0xffff  }
0x55: {  	[tilespmem:s15+$0x0] =	vst v9;
	v5 =	vld.idx.msk [tilespmem:v13+s9+$0x0], $0xffff  }
0x56: {  	s17 =	sadd.s32 $0x100, s17;
	[tilespmem:s15+$0x10] =	vst v10;
	v6 =	vld.idx.msk [tilespmem:v14+s9+$0x0], $0xffff  }
0x57: {  	[tilespmem:s15+$0xFFFFFF00] =	vst v1  }
0x58: {  	[tilespmem:s15+$0x20] =	vst v2;
	s16 =	sadd.s32 s6, s14  }
0x59: {  	[tilespmem:s15+$0x30] =	vst v3;
	s16 =	smul.u32 $0x680, s16  }
0x5a: {  	[tilespmem:s15+$0x40] =	vst v4  }
0x5b: {  	s17 =	simm.s32 $0xB400;
	[tilespmem:s15+$0x50] =	vst v5;
	s16 =	sadd.s32 s4, s16  }
0x5c: {  	s18 =	simm.s32 $0xB500;
	[tilespmem:s15+$0x60] =	vst v6;
	s15 =	simm.s32 $0x10;
	s19 =	sadd.s32 $0x0, s16  }
.LBB2_5:
0x5d: {  	[hbm4b:s19+s2] =	stream.linear.scatter [tilespmem:s17], [sflag:$0x1], $0x80, $0x38;
	[tilespmem:$0x11C00] =	vst v63  }
0x5e: {  	s19 =	smov.u32 s15;
	s17 =	smov.u32 s18;
	p1 =	sne.s32 s15, $0x670  }
.Ltmp1:
0x5f: {  	s15 =	sadd.s32 $0x10, s15;
	(pc) =	sbr.rel @p1 .LBB2_5-.Ltmp1, $2  }
0x60: {  	_ =	sdelay $0x2  }
0x61: {  	s18 =	sadd.s32 $0x100, s18;
	s19 =	sadd.s32 s19, s16  }
0x62: {  	[hbm4b:s19+s2] =	stream.linear.scatter [tilespmem:s17], [sflag:$0x1], $0x80, $0x38;
	[tilespmem:$0x11C00] =	vst v63  }
0x63: {  	s15 =	simm.s32 @!p0 $0x2  }
0x64: {  	_ =	swait.ge @!p0 [sflag:s15], $0x3400  }
0x65: {  	[sflag:s15] =	ssyncset.done @!p0 $0x0  }
0x66: {  	s31 =	simm.s32 $0x80;
	[sflag:s15] =	ssyncadd.s32 @!p0 $0xFFFFCC00  }
0x67: {  	v1 =	vld [tilespmem:s31+$0x70]  }
0x68: {  	v2 =	vld [tilespmem:s31+$0xFFFFFF90]  }
0x69: {  	v3 =	vld [tilespmem:s31+$0xFFFFFFA0]  }
0x6a: {  	v4 =	vld [tilespmem:s31+$0xFFFFFFB0]  }
0x6b: {  	v5 =	vld [tilespmem:s31+$0xFFFFFFC0]  }
0x6c: {  	v6 =	vld [tilespmem:s31+$0xFFFFFFD0]  }
0x6d: {  	v7 =	vld [tilespmem:s31+$0xFFFFFFE0]  }
0x6e: {  	v8 =	vld [tilespmem:s31+$0xFFFFFFF0]  }
0x6f: {  	s14 =	sor.u32 $0x1, s14;
	v9 =	vld [tilespmem:s31+$0x0]  }
0x70: {  	s16 =	sshll.u32 s14, $0xA;
	v10 =	vld [tilespmem:s31+$0x10]  }
0x71: {  	v0 =	vmov s16;
	v11 =	vld [tilespmem:s31+$0x20]  }
0x72: {  	v12 =	vld [tilespmem:s31+$0x30];
	v1 =	vadd.s32 v0, v1  }
0x73: {  	v13 =	vld [tilespmem:s31+$0x40];
	v2 =	vadd.s32 v0, v2  }
0x74: {  	v14 =	vld [tilespmem:s31+$0x50];
	v3 =	vadd.s32 v0, v3  }
0x75: {  	v15 =	vld [tilespmem:s31+$0x60];
	v4 =	vadd.s32 v0, v4  }
0x76: {  	v16 =	vld [tilespmem:s31+$0xFFFFFF80];
	v5 =	vadd.s32 v0, v5  }
0x77: {  	v6 =	vadd.s32 v0, v6;
	v1 =	vld.idx.msk [tilespmem:v1+s9+$0x0], $0xffff  }
0x78: {  	v7 =	vadd.s32 v0, v7;
	v2 =	vld.idx.msk [tilespmem:v2+s9+$0x0], $0xffff  }
0x79: {  	v8 =	vadd.s32 v0, v8;
	v3 =	vld.idx.msk [tilespmem:v3+s9+$0x0], $0xffff  }
0x7a: {  	v9 =	vadd.s32 v0, v9;
	v4 =	vld.idx.msk [tilespmem:v4+s9+$0x0], $0xffff  }
0x7b: {  	v10 =	vadd.s32 v0, v10;
	v5 =	vld.idx.msk [tilespmem:v5+s9+$0x0], $0xffff  }
0x7c: {  	s15 =	simm.s32 $0xB580;
	v16 =	vadd.s32 v0, v16;
	v6 =	vld.idx.msk [tilespmem:v6+s9+$0x0], $0xffff  }
0x7d: {  	v11 =	vadd.s32 v0, v11;
	v7 =	vld.idx.msk [tilespmem:v7+s9+$0x0], $0xffff;
	[tilespmem:s15+$0x70] =	vst v1  }
0x7e: {  	v12 =	vadd.s32 v0, v12;
	v8 =	vld.idx.msk [tilespmem:v8+s9+$0x0], $0xffff;
	[tilespmem:s15+$0xFFFFFF10] =	vst v2  }
0x7f: {  	v13 =	vadd.s32 v0, v13;
	v9 =	vld.idx.msk [tilespmem:v9+s9+$0x0], $0xffff;
	[tilespmem:s15+$0xFFFFFF20] =	vst v3  }
0x80: {  	v14 =	vadd.s32 v0, v14;
	v10 =	vld.idx.msk [tilespmem:v10+s9+$0x0], $0xffff;
	[tilespmem:s15+$0xFFFFFF30] =	vst v4  }
0x81: {  	v15 =	vadd.s32 v0, v15;
	v1 =	vld.idx.msk [tilespmem:v16+s9+$0x0], $0xffff;
	[tilespmem:s15+$0xFFFFFF40] =	vst v5  }
0x82: {  	[tilespmem:s15+$0xFFFFFF50] =	vst v6;
	v2 =	vld.idx.msk [tilespmem:v11+s9+$0x0], $0xffff  }
0x83: {  	[tilespmem:s15+$0xFFFFFF60] =	vst v7;
	v3 =	vld.idx.msk [tilespmem:v12+s9+$0x0], $0xffff  }
0x84: {  	[tilespmem:s15+$0xFFFFFF70] =	vst v8;
	v4 =	vld.idx.msk [tilespmem:v13+s9+$0x0], $0xffff  }
0x85: {  	[tilespmem:s15+$0x0] =	vst v9;
	v6 =	vld.idx.msk [tilespmem:v14+s9+$0x0], $0xffff  }
0x86: {  	s17 =	simm.s32 $0x180;
	s16 =	simm.s32 $0x0;
	[tilespmem:s15+$0x10] =	vst v10;
	v5 =	vld.idx.msk [tilespmem:v15+s9+$0x0], $0xffff  }
.LBB2_7:
0x87: {  	v7 =	vld [tilespmem:s17+$0x70];
	s16 =	sadd.s32 $0x10, s16;
	[tilespmem:s15+$0xFFFFFF00] =	vst v1  }
0x88: {  	v1 =	vld [tilespmem:s17+$0xFFFFFF90];
	p0 =	slt.u32 s16, $0x330;
	[tilespmem:s15+$0x20] =	vst v2  }
0x89: {  	v2 =	vld [tilespmem:s17+$0xFFFFFFA0];
	[tilespmem:s15+$0x30] =	vst v3  }
0x8a: {  	v3 =	vld [tilespmem:s17+$0xFFFFFFB0];
	[tilespmem:s15+$0x40] =	vst v4  }
0x8b: {  	v4 =	vld [tilespmem:s17+$0xFFFFFFC0];
	[tilespmem:s15+$0x50] =	vst v6  }
0x8c: {  	v6 =	vld [tilespmem:s17+$0xFFFFFFD0];
	v7 =	vadd.s32 v0, v7;
	[tilespmem:s15+$0x60] =	vst v5  }
0x8d: {  	v1 =	vadd.s32 v0, v1;
	v5 =	vld [tilespmem:s17+$0xFFFFFFE0]  }
0x8e: {  	v2 =	vadd.s32 v0, v2;
	v8 =	vld [tilespmem:s17+$0xFFFFFFF0]  }
0x8f: {  	v3 =	vadd.s32 v0, v3;
	v9 =	vld [tilespmem:s17+$0x0]  }
0x90: {  	v4 =	vadd.s32 v0, v4;
	v10 =	vld [tilespmem:s17+$0x10]  }
0x91: {  	v6 =	vadd.s32 v0, v6;
	v7 =	vld.idx.msk [tilespmem:v7+s9+$0x0], $0xffff  }
0x92: {  	v5 =	vadd.s32 v0, v5;
	v11 =	vld [tilespmem:s17+$0x20]  }
0x93: {  	v8 =	vadd.s32 v0, v8;
	v12 =	vld [tilespmem:s17+$0x30]  }
0x94: {  	v9 =	vadd.s32 v0, v9;
	v13 =	vld [tilespmem:s17+$0x40]  }
0x95: {  	v10 =	vadd.s32 v0, v10;
	v14 =	vld [tilespmem:s17+$0x50]  }
0x96: {  	s15 =	sadd.s32 $0x200, s15;
	v15 =	vld [tilespmem:s17+$0x60]  }
0x97: {  	v16 =	vld [tilespmem:s17+$0xFFFFFF80];
	v11 =	vadd.s32 v0, v11;
	[tilespmem:s15+$0x70] =	vst v7  }
0x98: {  	v1 =	vld.idx.msk [tilespmem:v1+s9+$0x0], $0xffff;
	v7 =	vadd.s32 v0, v12  }
0x99: {  	v2 =	vld.idx.msk [tilespmem:v2+s9+$0x0], $0xffff;
	v12 =	vadd.s32 v0, v13  }
0x9a: {  	v3 =	vld.idx.msk [tilespmem:v3+s9+$0x0], $0xffff;
	v13 =	vadd.s32 v0, v14  }
0x9b: {  	v4 =	vld.idx.msk [tilespmem:v4+s9+$0x0], $0xffff;
	v14 =	vadd.s32 v0, v15  }
0x9c: {  	v15 =	vadd.s32 v0, v16;
	v6 =	vld.idx.msk [tilespmem:v6+s9+$0x0], $0xffff  }
0x9d: {  	v5 =	vld.idx.msk [tilespmem:v5+s9+$0x0], $0xffff  }
0x9e: {  	[tilespmem:s15+$0xFFFFFF10] =	vst v1;
	v8 =	vld.idx.msk [tilespmem:v8+s9+$0x0], $0xffff  }
0x9f: {  	[tilespmem:s15+$0xFFFFFF20] =	vst v2;
	v9 =	vld.idx.msk [tilespmem:v9+s9+$0x0], $0xffff  }
0xa0: {  	[tilespmem:s15+$0xFFFFFF30] =	vst v3;
	v10 =	vld.idx.msk [tilespmem:v10+s9+$0x0], $0xffff  }
0xa1: {  	v1 =	vld.idx.msk [tilespmem:v15+s9+$0x0], $0xffff;
	[tilespmem:s15+$0xFFFFFF40] =	vst v4  }
.Ltmp2:
0xa2: {  	[tilespmem:s15+$0xFFFFFF50] =	vst v6;
	v2 =	vld.idx.msk [tilespmem:v11+s9+$0x0], $0xffff;
	(pc) =	sbr.rel @p0 .LBB2_7-.Ltmp2, $4  }
0xa3: {  	[tilespmem:s15+$0xFFFFFF60] =	vst v5;
	v3 =	vld.idx.msk [tilespmem:v7+s9+$0x0], $0xffff  }
0xa4: {  	[tilespmem:s15+$0xFFFFFF70] =	vst v8;
	v4 =	vld.idx.msk [tilespmem:v12+s9+$0x0], $0xffff  }
0xa5: {  	[tilespmem:s15+$0x0] =	vst v9;
	v6 =	vld.idx.msk [tilespmem:v13+s9+$0x0], $0xffff  }
0xa6: {  	s17 =	sadd.s32 $0x100, s17;
	[tilespmem:s15+$0x10] =	vst v10;
	v5 =	vld.idx.msk [tilespmem:v14+s9+$0x0], $0xffff  }
0xa7: {  	[tilespmem:s15+$0xFFFFFF00] =	vst v1  }
0xa8: {  	[tilespmem:s15+$0x20] =	vst v2;
	s14 =	sadd.s32 s6, s14  }
0xa9: {  	[tilespmem:s15+$0x30] =	vst v3;
	s14 =	smul.u32 $0x680, s14  }
0xaa: {  	[tilespmem:s15+$0x40] =	vst v4  }
0xab: {  	s16 =	simm.s32 $0xB480;
	[tilespmem:s15+$0x50] =	vst v6;
	s14 =	sadd.s32 s4, s14  }
0xac: {  	s17 =	simm.s32 $0xB580;
	[tilespmem:s15+$0x60] =	vst v5;
	s15 =	simm.s32 $0x10;
	s18 =	sadd.s32 $0x0, s14  }
.LBB2_9:
0xad: {  	[hbm4b:s18+s2] =	stream.linear.scatter [tilespmem:s16], [sflag:$0x2], $0x80, $0x38;
	[tilespmem:$0x11C00] =	vst v63  }
0xae: {  	s18 =	smov.u32 s15;
	s16 =	smov.u32 s17;
	p0 =	sne.s32 s15, $0x670  }
.Ltmp3:
0xaf: {  	s15 =	sadd.s32 $0x10, s15;
	(pc) =	sbr.rel @p0 .LBB2_9-.Ltmp3, $2  }
0xb0: {  	_ =	sdelay $0x2  }
0xb1: {  	s17 =	sadd.s32 $0x100, s17;
	s18 =	sadd.s32 s18, s14  }
0xb2: {  	s13 =	sadd.s32 $0x1, s13  }
0xb3: {  	p0 =	sne.s32 s13, $0x10  }
.Ltmp4:
0xb4: {  	_ = 	snop;
	(pc) =	sbr.rel @p0 .LBB2_2-.Ltmp4, $2  }
0xb5: {  	_ =	sdelay $0x2  }
0xb6: {  	[hbm4b:s18+s2] =	stream.linear.scatter [tilespmem:s16], [sflag:$0x2], $0x80, $0x38;
	[tilespmem:$0x11C00] =	vst v63  }
0xb7: {  	s12 =	sadd.s32 $0x1, s12  }
0xb8: {  	_ =	swait.ge [sflag:s10], $0x3400;
	p0 =	sne.s32 s12, s7  }
.Ltmp5:
0xb9: {  	[sflag:s10] =	ssyncset.done $0x0;
	(pc) =	sbr.rel @p0 .LBB2_1-.Ltmp5, $4  }
0xba: {  	[sflag:s10] =	ssyncadd.s32 $0xFFFFCC00  }
0xbb: {  	_ =	swait.ge [sflag:s11], $0x3400  }
0xbc: {  	[sflag:s11] =	ssyncset.done $0x0  }
0xbd: {  	[sflag:s11] =	ssyncadd.s32 $0xFFFFCC00  }
0xbe: {  	_ =	sfence.sel $0x180000  }
0xbf: {  	[bflag:$0x0] =	sbarrier.arrive $0xFFFF  }
0xc0: {  	p0 =	sne.s32 s0, $0x0;
	_ =	strace $0x90000059  }
0xc1: {  	s0 =	sadd.s32 @!p0 $0x100000, s1;
	[bflag:$0x2] =	sbarrier.arrive $0xFFFF  }
0xc2: {  	[sflag:s0] =	ssyncadd.tile.s32 @!p0 $0x1;
	_ =	shalt  }
.Lfunc_end2:
_tile_overlayer_lowered:
.L_overlay_start_2:
0xc3: {  	(tag) =	ssettag $0x2  }
0xc4: {  	s0 =	rddreg [dreg:$0x0];
	s2 =	stileid.u32  }
0xc5: {  	s1 =	rddreg [dreg:$0x1];
	p0 =	sne.s32 s2, $0x0  }
0xc6: {  	s3 =	rddreg [dreg:$0x2];
	[bflag:$0x3] =	sbarrier.arrive $0xFFFF;
	s2 =	simm.s32 @!p0 $0x1C03  }
0xc7: {  	[timem:s3], [sflag:s2] =	dma.local @!p0 [hbm:s0], s1  }
0xc8: {  	s0 =	simm.s32 @!p0 $0x3  }
0xc9: {  	_ =	swait.ge @!p0 [sflag:s0], s1  }
0xca: {  	s1 =	ssub.s32 @!p0 $0x0, s1;
	[sflag:s0] =	ssyncset.done @!p0 $0x0  }
0xcb: {  	[sflag:s0] =	ssyncadd.s32 @!p0 s1  }
0xcc: {  	[bflag:$0x3] =	sbarrier.arrive $0xFFFF  }
0xcd: {  	_ =	shalt  }

// kernel: kernel.23.cloned.1.call-start
scs
__scs_entry_jumppad:
0x0: {  	(pc) =	sbr.rel $0x88, $3  }
0x1: {  	(tag) =	ssettag $0x0;
	lr =	simm.s32 $0x1  }
0x2: {  	[smem:$0x3F92] =	sst lr;
	_ =	strace $0xD0000000  }
0x3: {  	_ = 	snop  }
0x4: {  	_ = 	snop  }
0x5: {  	_ = 	snop  }
0x6: {  	_ = 	snop  }
0x7: {  	_ = 	snop  }
__scs_overlays_trampoline_lowered:
0x8: {  	[smem:$0x3FA1] =	sst s0  }
0x9: {  	[smem:$0x3FA2] =	sst s1  }
0xa: {  	[smem:$0x3FA3] =	sst s2  }
0xb: {  	[smem:$0x3FA4] =	sst s3  }
0xc: {  	[smem:$0x3FA5] =	sst s4  }
0xd: {  	[smem:$0x3FA6] =	sst s5  }
0xe: {  	[smem:$0x3FA7] =	sst s6  }
0xf: {  	[smem:$0x3FA8] =	sst s7  }
0x10: {  	[smem:$0x3FA9] =	sst s8  }
0x11: {  	[smem:$0x3FAA] =	sst s9;
	s0 =	simm.s32 @!p0 $0x0  }
0x12: {  	s1 =	sld [smem:$0x3F90];
	s0 =	simm.s32 @p0 $0x1  }
0x13: {  	[smem:$0x3FAB] =	sst s0;
	s0 =	simm.s32 @!p1 $0x0  }
0x14: {  	s2 =	sld [smem:$0x3F8F];
	s0 =	simm.s32 @p1 $0x1  }
0x15: {  	[smem:$0x3FAC] =	sst s0;
	s0 =	simm.s32 @!p2 $0x0  }
0x16: {  	s3 =	sld [smem:$0x3FDB];
	s0 =	simm.s32 @p2 $0x1  }
0x17: {  	s4 =	simm.s32 $0x1BF5;
	[smem:$0x3FAE] =	sst s0  }
0x18: {  	s0 =	sld [smem:$0x3F91];
	_ =	swait.ge [sflag:s4], $0x0  }
0x19: {  	s7 =	sld [smem:$0x3F92]  }
0x1a: {  	s8 =	sadd.s32 $0xFFFFE003, lr  }
0x1b: {  	s9 =	sadd.s32 $0xFFFFFEF7, lr;
	s5 =	simm.s32 $0xFFFFFFFF;
	p2 =	slt.u32 s8, $0xFFFFF086  }
0x1c: {  	p1 =	slt.u32 s9, $0xF7A;
	s5 =	simm.s32 @!p2 $0x0  }
0x1d: {  	s5 =	simm.s32 @p1 $0x1;
	p0 =	seq.s32 s7, s2  }
0x1e: {  	s7 =	smul.u32 @!p0 $0xF7A, s2;
	p2 =	seq.s32 @!p0 s5, $0x0  }
0x1f: {  	s9 =	smul.u32 $0xF7A, s1;
	s8 =	simm.s32 @!p0 $0x1BF5;
	p2 =	por !p2, p0  }
0x20: {  	[sflag:s8] =	ssyncset.s32 @!p0 $0xFFFFF086;
	s6 =	sadd.s32 @!p0 s3, s7;
	s7 =	simm.s32 @!p0 $0x108  }
0x21: {  	s3 =	sadd.s32 s3, s9;
	s6 =	sadd.s32 @!p0 $0x88, s6;
	s7 =	simm.s32 @p2 $0x1082  }
0x22: {  	[simem:s7], [sflag:s8] =	dma.local @!p0 [hbm:s6], $0xF7A  }
0x23: {  	s9 =	sor.u32 $0xD0000000, s2;
	s6 =	simm.s32 $0x108;
	_ =	swait.ge @!p0 [sflag:s8], $0x0  }
0x24: {  	s3 =	sadd.s32 $0x88, s3;
	s6 =	simm.s32 @!p1 $0x1082;
	[sflag:s4] =	ssyncset.s32 $0xFFFFF086  }
0x25: {  	[simem:s6], [sflag:s4] =	dma.local [hbm:s3], $0xF7A  }
0x26: {  	[smem:$0x3F92] =	sst s1;
	(tag) =	ssettag s2;
	_ =	strace s9  }
0x27: {  	s1 =	sld [smem:$0x3FA2]  }
0x28: {  	s2 =	sld [smem:$0x3FA3]  }
0x29: {  	s4 =	sld [smem:$0x3FA5]  }
0x2a: {  	p0 =	seq.s32 s5, $0x0;
	s5 =	sld [smem:$0x3FA6]  }
0x2b: {  	s6 =	sld [smem:$0x3FA7]  }
0x2c: {  	s7 =	sld [smem:$0x3FA8]  }
0x2d: {  	s3 =	simm.s32 $0x108;
	s8 =	sld [smem:$0x3FA9]  }
0x2e: {  	s3 =	simm.s32 @!p0 $0x1082;
	s9 =	sld [smem:$0x3FAA]  }
0x2f: {  	lr =	sadd.s32 s0, s3;
	s0 =	sld [smem:$0x3FA1]  }
0x30: {  	s3 =	sld [smem:$0x3FA4]  }
0x31: {  	[smem:$0x3FAD] =	sst s10  }
0x32: {  	s10 =	sld [smem:$0x3FAB];
	_ =	sdelay $0x3  }
0x33: {  	p0 =	seq.s32 s10, $0x1;
	s10 =	sld [smem:$0x3FAD];
	_ =	sdelay $0x3  }
0x34: {  	[smem:$0x3FAD] =	sst s10  }
0x35: {  	s10 =	sld [smem:$0x3FAC];
	_ =	sdelay $0x3  }
0x36: {  	p1 =	seq.s32 s10, $0x1;
	s10 =	sld [smem:$0x3FAD];
	_ =	sdelay $0x3  }
0x37: {  	[smem:$0x3FAD] =	sst s10  }
0x38: {  	s10 =	sld [smem:$0x3FAE]  }
0x39: {  	_ = 	snop;
	(pc) =	sbr.ind lr, $3  }
0x3a: {  	_ = 	snop  }
0x3b: {  	_ = 	snop  }
0x3c: {  	p2 =	seq.s32 s10, $0x1;
	s10 =	sld [smem:$0x3FAD]  }
0x3d: {  	_ =	shalt  }
0x3e: {  	_ =	shalt  }
0x3f: {  	_ =	shalt  }
0x40: {  	_ =	shalt  }
0x41: {  	_ =	shalt  }
0x42: {  	_ =	shalt  }
0x43: {  	_ =	shalt  }
0x44: {  	_ =	shalt  }
0x45: {  	_ =	shalt  }
0x46: {  	_ =	shalt  }
0x47: {  	_ =	shalt  }
0x48: {  	_ =	shalt  }
0x49: {  	_ =	shalt  }
0x4a: {  	_ =	shalt  }
0x4b: {  	_ =	shalt  }
0x4c: {  	_ =	shalt  }
0x4d: {  	_ =	shalt  }
0x4e: {  	_ =	shalt  }
0x4f: {  	_ =	shalt  }
0x50: {  	_ =	shalt  }
0x51: {  	_ =	shalt  }
0x52: {  	_ =	shalt  }
0x53: {  	_ =	shalt  }
0x54: {  	_ =	shalt  }
0x55: {  	_ =	shalt  }
0x56: {  	_ =	shalt  }
0x57: {  	_ =	shalt  }
0x58: {  	_ =	shalt  }
0x59: {  	_ =	shalt  }
0x5a: {  	_ =	shalt  }
0x5b: {  	_ =	shalt  }
0x5c: {  	_ =	shalt  }
0x5d: {  	_ =	shalt  }
0x5e: {  	_ =	shalt  }
0x5f: {  	_ =	shalt  }
0x60: {  	_ =	shalt  }
0x61: {  	_ =	shalt  }
0x62: {  	_ =	shalt  }
0x63: {  	_ =	shalt  }
0x64: {  	_ =	shalt  }
0x65: {  	_ =	shalt  }
0x66: {  	_ =	shalt  }
0x67: {  	_ =	shalt  }
0x68: {  	_ =	shalt  }
0x69: {  	_ =	shalt  }
0x6a: {  	_ =	shalt  }
0x6b: {  	_ =	shalt  }
0x6c: {  	_ =	shalt  }
0x6d: {  	_ =	shalt  }
0x6e: {  	_ =	shalt  }
0x6f: {  	_ =	shalt  }
0x70: {  	_ =	shalt  }
0x71: {  	_ =	shalt  }
0x72: {  	_ =	shalt  }
0x73: {  	_ =	shalt  }
0x74: {  	_ =	shalt  }
0x75: {  	_ =	shalt  }
0x76: {  	_ =	shalt  }
0x77: {  	_ =	shalt  }
0x78: {  	_ =	shalt  }
0x79: {  	_ =	shalt  }
0x7a: {  	_ =	shalt  }
0x7b: {  	_ =	shalt  }
0x7c: {  	_ =	shalt  }
0x7d: {  	_ =	shalt  }
0x7e: {  	_ =	shalt  }
0x7f: {  	_ =	shalt  }
0x80: {  	_ =	shalt  }
0x81: {  	_ =	shalt  }
0x82: {  	_ =	shalt  }
0x83: {  	_ =	shalt  }
0x84: {  	_ =	shalt  }
0x85: {  	_ =	shalt  }
0x86: {  	_ =	shalt  }
0x87: {  	_ =	shalt  }
.Lfunc_end0:
.L_simem_size_0:
called_computation.9_lowered:
.L_overlay_start_0:
0x88: {  	s2 =	sld [smem:$0x3FD9]  }
0x89: {  	s3 =	sld [smem:$0x3FFE];
	_ =	sdelay $0x1  }
0x8a: {  	s1 =	srdreg.scid  }
0x8b: {  	s0 =	sand.u32 $0x1, s1  }
0x8c: {  	s16 =	sshll.u32 s0, $0xA;
	s2 =	sadd.s32 s3, s2  }
0x8d: {  	s2 =	sadd.s32 s2, s16  }
0x8e: {  	[smem:$0x3FB9] =	sst s2  }
0x8f: {  	_ = 	snop  }
0x90: {  	(tm) =	ssettm $0x1  }
0x91: {  	s17 =	sld [smem:$0x3FFB];
	_ =	sdelay $0x3  }
0x92: {  	_ =	strace s17  }
0x93: {  	s2 =	sld [smem:$0x3FFC];
	_ =	sdelay $0x3  }
0x94: {  	_ =	strace s2  }
0x95: {  	s2 =	sld [smem:$0x3FFD];
	_ =	sdelay $0x3  }
0x96: {  	_ =	strace s2  }
0x97: {  	_ =	strace $0x8FFFFFFF  }
0x98: {  	s18 =	sld [smem:$0x3FDB];
	_ =	sdelay $0x1  }
0x99: {  	s19 =	simm.s32 $_scs_section_size  }
0x9a: {  	s4 =	simm.s32 $_size__tile_overlayer_lowered;
	s5 =	simm.s32 $_tile_overlayer_lowered  }
0x9b: {  	s22 =	simm.s32 $0x1BFF;
	s21 =	sshll.u32 s5, $0x1;
	s2 =	sadd.s32 s19, s18  }
0x9c: {  	s6 =	simm.s32 $0x0;
	s20 =	sshll.u32 s4, $0x1;
	s4 =	sadd.s32 s21, s2  }
0x9d: {  	[timem:s6], [sflag:s22] =	dma.local [hbm:s4], s20  }
0x9e: {  	_ =	swait.ge [sflag:s22], s20  }
0x9f: {  	s3 =	ssub.s32 $0x0, s20;
	[sflag:s22] =	ssyncset.done $0x0  }
0xa0: {  	[sflag:s22] =	ssyncadd.s32 s3;
	_ =	sdelay $0x1  }
0xa1: {  	s23 =	simm.s32 $0x1B8B  }
0xa2: {  	_ =	swait.ge [sflag:s23], $0x1  }
0xa3: {  	[sflag:s23] =	ssyncset.done $0x0  }
0xa4: {  	s25 =	simm.s32 $0x1B8E;
	s24 =	sld [smem:$0x3FFE];
	[sflag:s23] =	ssyncadd.s32 $0xFFFFFFFF  }
0xa5: {  	s26 =	simm.s32 $execute0_lowered;
	[smem:$0x3FD2] =	sst s25  }
0xa6: {  	s4 =	sshll.u32 s26, $0x1;
	_ =	strace $0x8000005B;
	[dreg:$0x1] =	wrdreg $0xFFFFFFFF  }
0xa7: {  	s28 =	simm.s32 $_size_execute0_lowered;
	s2 =	sadd.s32 s2, s4;
	[dreg:$0x0] =	wrdreg $0x0  }
0xa8: {  	s4 =	sshll.u32 s28, $0x1;
	[dreg:$0x2] =	wrdreg s2  }
0xa9: {  	[dreg:$0x3] =	wrdreg s4  }
0xaa: {  	[dreg:$0x4] =	wrdreg $0xC0  }
0xab: {  	_ =	task [dreg:s6], $0x5FFFF  }
0xac: {  	[dreg:$0x1] =	wrdreg $0xFFFFFFFF  }
0xad: {  	[dreg:$0x0] =	wrdreg $0x60  }
0xae: {  	[dreg:$0x2] =	wrdreg s24  }
0xaf: {  	[dreg:$0x3] =	wrdreg $0x9  }
0xb0: {  	_ =	task.clear_ibuf [dreg:s6], $0x4FFFF;
	_ =	strace $0x9000005B  }
0xb1: {  	s29 =	simm.s32 $0x9;
	_ =	strace $0x8000005D  }
0xb2: {  	_ =	swait.ge [sflag:s29], $0x1  }
0xb3: {  	[sflag:s29] =	ssyncadd.s32 $0xFFFFFFFF  }
0xb4: {  	_ =	strace $0x9000005D  }
0xb5: {  	_ =	sfence  }
0xb6: {  	s30 =	sld [smem:$0x0];
	_ =	sdelay $0x2  }
0xb7: {  	s31 =	sshll.u32 s1, $0xD;
	s1 =	sshrl.u32 s1, $0x2  }
0xb8: {  	s3 =	sand.u32 $0x4000, s31;
	s1 =	sadd.s32 s1, s30  }
0xb9: {  	s0 =	sor.u32 s3, s0;
	s1 =	sshll.u32 s1, $0x11  }
0xba: {  	s0 =	sor.u32 s1, s0  }
0xbb: {  	s0 =	sadd.s32 $0x8F2B, s0  }
0xbc: {  	[sflag:s0] =	ssyncadd.remote.s32 $0x1  }
0xbd: {  	_ =	sfence.sel $0xFFFF  }
0xbe: {  	[dreg:$0x0] =	wrdreg $0xFFFFFFFF;
	(pc) =	sbr.abs _section_cstart, $3  }
0xbf: {  	[dreg:$0x1] =	wrdreg $0xFFFFFFFF  }
0xc0: {  	_ =	task.clear_ibuf [dreg:s6], $0x2FFFF;
	_ =	strace $0x9FFFFFFF  }
0xc1: {  	(tm) =	ssettm $0x7FFFFFFF  }
tec
execute0_lowered:
.L_overlay_start_1:
0x0: {  	(tag) =	ssettag $0x1  }
0x1: {  	s1 =	srdreg.scid  }
0x2: {  	s0 =	stileid.u32;
	s4 =	rddreg [dreg:$0x0];
	s2 =	simm.s32 $0x0  }
0x3: {  	s9 =	simm.s32 $0x3400;
	s10 =	simm.s32 $0x1;
	s11 =	simm.s32 $0x2  }
0x4: {  	s3 =	sand.u32 $0x1, s1;
	s5 =	sshll.u32 s0, $0x1;
	s1 =	rddreg [dreg:$0x1]  }
0x5: {  	s12 =	simm.s32 $0x0;
	[smem:$0x7FF] =	sst s2;
	s6 =	sor.u32 s3, s5  }
0x6: {  	_ =	strace $0x8000005C;
	s7 =	ssub.s32 $0x2, s3;
	s3 =	sadd.s32 $0x7000, s4  }
0x7: {  	s5 =	sshll.u32 s6, $0xC;
	s8 =	sshrl.u32 s7, $0x1;
	s6 =	sshll.u32 s6, $0x5  }
0x8: {  	s5 =	sadd.s32 s5, s4;
	s4 =	sadd.s32 $0x27800, s4;
	s7 =	ssub.s32 s7, s8  }
0x9: {  	s8 =	simm.s32 $0x3;
	s5 =	sadd.s32 $0x7800, s5;
	s7 =	smax.u32 s7, $0x1  }
.LBB2_1:
0xa: {  	[tilespmem:s2], [sflag:$0x3] =	stream.linear.gather [hbm4b:s3+s2], $0x3400, $0x38;
	[tilespmem:$0x11C00] =	vst v63  }
0xb: {  	_ =	swait.ge [sflag:s8], $0x3400  }
0xc: {  	[sflag:s8] =	ssyncset.done $0x0  }
0xd: {  	[sflag:s8] =	ssyncadd.s32 $0xFFFFCC00  }
0xe: {  	[tilespmem:s9], [sflag:$0x3] =	stream.linear.gather [hbm4b:s5+s2], $0x8000, $0x38;
	[tilespmem:$0x11C00] =	vst v63  }
0xf: {  	_ =	swait.ge [sflag:s8], $0x8000  }
0x10: {  	[sflag:s8] =	ssyncset.done $0x0  }
0x11: {  	s13 =	simm.s32 $0x0;
	[sflag:s8] =	ssyncadd.s32 $0xFFFF8000  }
.LBB2_2:
0x12: {  	p0 =	seq.s32 s13, $0x0  }
0x13: {  	s14 =	simm.s32 @!p0 $0x1  }
0x14: {  	_ =	swait.ge @!p0 [sflag:s14], $0x3400  }
0x15: {  	[sflag:s14] =	ssyncset.done @!p0 $0x0  }
0x16: {  	s31 =	simm.s32 $0x80;
	[sflag:s14] =	ssyncadd.s32 @!p0 $0xFFFFCC00  }
0x17: {  	v1 =	vld [tilespmem:s31+$0x70]  }
0x18: {  	v2 =	vld [tilespmem:s31+$0xFFFFFF90]  }
0x19: {  	v3 =	vld [tilespmem:s31+$0xFFFFFFA0]  }
0x1a: {  	v4 =	vld [tilespmem:s31+$0xFFFFFFB0]  }
0x1b: {  	v5 =	vld [tilespmem:s31+$0xFFFFFFC0]  }
0x1c: {  	v6 =	vld [tilespmem:s31+$0xFFFFFFD0]  }
0x1d: {  	v7 =	vld [tilespmem:s31+$0xFFFFFFE0]  }
0x1e: {  	v8 =	vld [tilespmem:s31+$0xFFFFFFF0]  }
0x1f: {  	v9 =	vld [tilespmem:s31+$0x0]  }
0x20: {  	s15 =	sshll.u32 s13, $0xB;
	v10 =	vld [tilespmem:s31+$0x10]  }
0x21: {  	v0 =	vmov s15;
	v11 =	vld [tilespmem:s31+$0x20]  }
0x22: {  	v12 =	vld [tilespmem:s31+$0x30];
	v1 =	vadd.s32 v0, v1  }
0x23: {  	v13 =	vld [tilespmem:s31+$0x40];
	v2 =	vadd.s32 v0, v2  }
0x24: {  	v14 =	vld [tilespmem:s31+$0x50];
	v3 =	vadd.s32 v0, v3  }
0x25: {  	v15 =	vld [tilespmem:s31+$0x60];
	v4 =	vadd.s32 v0, v4  }
0x26: {  	v16 =	vld [tilespmem:s31+$0xFFFFFF80];
	v5 =	vadd.s32 v0, v5  }
0x27: {  	v6 =	vadd.s32 v0, v6;
	v1 =	vld.idx.msk [tilespmem:v1+s9+$0x0], $0xffff  }
0x28: {  	v7 =	vadd.s32 v0, v7;
	v2 =	vld.idx.msk [tilespmem:v2+s9+$0x0], $0xffff  }
0x29: {  	v8 =	vadd.s32 v0, v8;
	v3 =	vld.idx.msk [tilespmem:v3+s9+$0x0], $0xffff  }
0x2a: {  	v9 =	vadd.s32 v0, v9;
	v4 =	vld.idx.msk [tilespmem:v4+s9+$0x0], $0xffff  }
0x2b: {  	v10 =	vadd.s32 v0, v10;
	v5 =	vld.idx.msk [tilespmem:v5+s9+$0x0], $0xffff  }
0x2c: {  	s15 =	simm.s32 $0xB500;
	v16 =	vadd.s32 v0, v16;
	v6 =	vld.idx.msk [tilespmem:v6+s9+$0x0], $0xffff  }
0x2d: {  	v11 =	vadd.s32 v0, v11;
	v7 =	vld.idx.msk [tilespmem:v7+s9+$0x0], $0xffff;
	[tilespmem:s15+$0x70] =	vst v1  }
0x2e: {  	v12 =	vadd.s32 v0, v12;
	v8 =	vld.idx.msk [tilespmem:v8+s9+$0x0], $0xffff;
	[tilespmem:s15+$0xFFFFFF10] =	vst v2  }
0x2f: {  	v13 =	vadd.s32 v0, v13;
	v9 =	vld.idx.msk [tilespmem:v9+s9+$0x0], $0xffff;
	[tilespmem:s15+$0xFFFFFF20] =	vst v3  }
0x30: {  	v14 =	vadd.s32 v0, v14;
	v10 =	vld.idx.msk [tilespmem:v10+s9+$0x0], $0xffff;
	[tilespmem:s15+$0xFFFFFF30] =	vst v4  }
0x31: {  	v15 =	vadd.s32 v0, v15;
	v1 =	vld.idx.msk [tilespmem:v16+s9+$0x0], $0xffff;
	[tilespmem:s15+$0xFFFFFF40] =	vst v5  }
0x32: {  	[tilespmem:s15+$0xFFFFFF50] =	vst v6;
	v2 =	vld.idx.msk [tilespmem:v11+s9+$0x0], $0xffff  }
0x33: {  	[tilespmem:s15+$0xFFFFFF60] =	vst v7;
	v3 =	vld.idx.msk [tilespmem:v12+s9+$0x0], $0xffff  }
0x34: {  	[tilespmem:s15+$0xFFFFFF70] =	vst v8;
	v4 =	vld.idx.msk [tilespmem:v13+s9+$0x0], $0xffff  }
0x35: {  	[tilespmem:s15+$0x0] =	vst v9;
	v5 =	vld.idx.msk [tilespmem:v14+s9+$0x0], $0xffff  }
0x36: {  	s16 =	simm.s32 $0x0;
	s17 =	simm.s32 $0x180;
	s14 =	sshll.u32 s13, $0x1;
	[tilespmem:s15+$0x10] =	vst v10;
	v6 =	vld.idx.msk [tilespmem:v15+s9+$0x0], $0xffff  }
.LBB2_3:
0x37: {  	v7 =	vld [tilespmem:s17+$0x70];
	s16 =	sadd.s32 $0x10, s16;
	[tilespmem:s15+$0xFFFFFF00] =	vst v1  }
0x38: {  	v1 =	vld [tilespmem:s17+$0xFFFFFF90];
	p1 =	slt.u32 s16, $0x330;
	[tilespmem:s15+$0x20] =	vst v2  }
0x39: {  	v2 =	vld [tilespmem:s17+$0xFFFFFFA0];
	[tilespmem:s15+$0x30] =	vst v3  }
0x3a: {  	v3 =	vld [tilespmem:s17+$0xFFFFFFB0];
	[tilespmem:s15+$0x40] =	vst v4  }
0x3b: {  	v4 =	vld [tilespmem:s17+$0xFFFFFFC0];
	[tilespmem:s15+$0x50] =	vst v5  }
0x3c: {  	v5 =	vld [tilespmem:s17+$0xFFFFFFD0];
	v7 =	vadd.s32 v0, v7;
	[tilespmem:s15+$0x60] =	vst v6  }
0x3d: {  	v1 =	vadd.s32 v0, v1;
	v6 =	vld [tilespmem:s17+$0xFFFFFFE0]  }
0x3e: {  	v2 =	vadd.s32 v0, v2;
	v8 =	vld [tilespmem:s17+$0xFFFFFFF0]  }
0x3f: {  	v3 =	vadd.s32 v0, v3;
	v9 =	vld [tilespmem:s17+$0x0]  }
0x40: {  	v4 =	vadd.s32 v0, v4;
	v10 =	vld [tilespmem:s17+$0x10]  }
0x41: {  	v5 =	vadd.s32 v0, v5;
	v7 =	vld.idx.msk [tilespmem:v7+s9+$0x0], $0xffff  }
0x42: {  	v6 =	vadd.s32 v0, v6;
	v11 =	vld [tilespmem:s17+$0x20]  }
0x43: {  	v8 =	vadd.s32 v0, v8;
	v12 =	vld [tilespmem:s17+$0x30]  }
0x44: {  	v9 =	vadd.s32 v0, v9;
	v13 =	vld [tilespmem:s17+$0x40]  }
0x45: {  	v10 =	vadd.s32 v0, v10;
	v14 =	vld [tilespmem:s17+$0x50]  }
0x46: {  	s15 =	sadd.s32 $0x200, s15;
	v15 =	vld [tilespmem:s17+$0x60]  }
0x47: {  	v16 =	vld [tilespmem:s17+$0xFFFFFF80];
	v11 =	vadd.s32 v0, v11;
	[tilespmem:s15+$0x70] =	vst v7  }
0x48: {  	v1 =	vld.idx.msk [tilespmem:v1+s9+$0x0], $0xffff;
	v7 =	vadd.s32 v0, v12  }
0x49: {  	v2 =	vld.idx.msk [tilespmem:v2+s9+$0x0], $0xffff;
	v12 =	vadd.s32 v0, v13  }
0x4a: {  	v3 =	vld.idx.msk [tilespmem:v3+s9+$0x0], $0xffff;
	v13 =	vadd.s32 v0, v14  }
0x4b: {  	v4 =	vld.idx.msk [tilespmem:v4+s9+$0x0], $0xffff;
	v14 =	vadd.s32 v0, v15  }
0x4c: {  	v15 =	vadd.s32 v0, v16;
	v5 =	vld.idx.msk [tilespmem:v5+s9+$0x0], $0xffff  }
0x4d: {  	v6 =	vld.idx.msk [tilespmem:v6+s9+$0x0], $0xffff  }
0x4e: {  	[tilespmem:s15+$0xFFFFFF10] =	vst v1;
	v8 =	vld.idx.msk [tilespmem:v8+s9+$0x0], $0xffff  }
0x4f: {  	[tilespmem:s15+$0xFFFFFF20] =	vst v2;
	v9 =	vld.idx.msk [tilespmem:v9+s9+$0x0], $0xffff  }
0x50: {  	[tilespmem:s15+$0xFFFFFF30] =	vst v3;
	v10 =	vld.idx.msk [tilespmem:v10+s9+$0x0], $0xffff  }
0x51: {  	v1 =	vld.idx.msk [tilespmem:v15+s9+$0x0], $0xffff;
	[tilespmem:s15+$0xFFFFFF40] =	vst v4  }
.Ltmp0:
0x52: {  	[tilespmem:s15+$0xFFFFFF50] =	vst v5;
	v2 =	vld.idx.msk [tilespmem:v11+s9+$0x0], $0xffff;
	(pc) =	sbr.rel @p1 .LBB2_3-.Ltmp0, $4  }
0x53: {  	[tilespmem:s15+$0xFFFFFF60] =	vst v6;
	v3 =	vld.idx.msk [tilespmem:v7+s9+$0x0], $0xffff  }
0x54: {  	[tilespmem:s15+$0xFFFFFF70] =	vst v8;
	v4 =	vld.idx.msk [tilespmem:v12+s9+$0x0], $0xffff  }
0x55: {  	[tilespmem:s15+$0x0] =	vst v9;
	v5 =	vld.idx.msk [tilespmem:v13+s9+$0x0], $0xffff  }
0x56: {  	s17 =	sadd.s32 $0x100, s17;
	[tilespmem:s15+$0x10] =	vst v10;
	v6 =	vld.idx.msk [tilespmem:v14+s9+$0x0], $0xffff  }
0x57: {  	[tilespmem:s15+$0xFFFFFF00] =	vst v1  }
0x58: {  	[tilespmem:s15+$0x20] =	vst v2;
	s16 =	sadd.s32 s6, s14  }
0x59: {  	[tilespmem:s15+$0x30] =	vst v3;
	s16 =	smul.u32 $0x680, s16  }
0x5a: {  	[tilespmem:s15+$0x40] =	vst v4  }
0x5b: {  	s17 =	simm.s32 $0xB400;
	[tilespmem:s15+$0x50] =	vst v5;
	s16 =	sadd.s32 s4, s16  }
0x5c: {  	s18 =	simm.s32 $0xB500;
	[tilespmem:s15+$0x60] =	vst v6;
	s15 =	simm.s32 $0x10;
	s19 =	sadd.s32 $0x0, s16  }
.LBB2_5:
0x5d: {  	[hbm4b:s19+s2] =	stream.linear.scatter [tilespmem:s17], [sflag:$0x1], $0x80, $0x38;
	[tilespmem:$0x11C00] =	vst v63  }
0x5e: {  	s19 =	smov.u32 s15;
	s17 =	smov.u32 s18;
	p1 =	sne.s32 s15, $0x670  }
.Ltmp1:
0x5f: {  	s15 =	sadd.s32 $0x10, s15;
	(pc) =	sbr.rel @p1 .LBB2_5-.Ltmp1, $2  }
0x60: {  	_ =	sdelay $0x2  }
0x61: {  	s18 =	sadd.s32 $0x100, s18;
	s19 =	sadd.s32 s19, s16  }
0x62: {  	[hbm4b:s19+s2] =	stream.linear.scatter [tilespmem:s17], [sflag:$0x1], $0x80, $0x38;
	[tilespmem:$0x11C00] =	vst v63  }
0x63: {  	s15 =	simm.s32 @!p0 $0x2  }
0x64: {  	_ =	swait.ge @!p0 [sflag:s15], $0x3400  }
0x65: {  	[sflag:s15] =	ssyncset.done @!p0 $0x0  }
0x66: {  	s31 =	simm.s32 $0x80;
	[sflag:s15] =	ssyncadd.s32 @!p0 $0xFFFFCC00  }
0x67: {  	v1 =	vld [tilespmem:s31+$0x70]  }
0x68: {  	v2 =	vld [tilespmem:s31+$0xFFFFFF90]  }
0x69: {  	v3 =	vld [tilespmem:s31+$0xFFFFFFA0]  }
0x6a: {  	v4 =	vld [tilespmem:s31+$0xFFFFFFB0]  }
0x6b: {  	v5 =	vld [tilespmem:s31+$0xFFFFFFC0]  }
0x6c: {  	v6 =	vld [tilespmem:s31+$0xFFFFFFD0]  }
0x6d: {  	v7 =	vld [tilespmem:s31+$0xFFFFFFE0]  }
0x6e: {  	v8 =	vld [tilespmem:s31+$0xFFFFFFF0]  }
0x6f: {  	s14 =	sor.u32 $0x1, s14;
	v9 =	vld [tilespmem:s31+$0x0]  }
0x70: {  	s16 =	sshll.u32 s14, $0xA;
	v10 =	vld [tilespmem:s31+$0x10]  }
0x71: {  	v0 =	vmov s16;
	v11 =	vld [tilespmem:s31+$0x20]  }
0x72: {  	v12 =	vld [tilespmem:s31+$0x30];
	v1 =	vadd.s32 v0, v1  }
0x73: {  	v13 =	vld [tilespmem:s31+$0x40];
	v2 =	vadd.s32 v0, v2  }
0x74: {  	v14 =	vld [tilespmem:s31+$0x50];
	v3 =	vadd.s32 v0, v3  }
0x75: {  	v15 =	vld [tilespmem:s31+$0x60];
	v4 =	vadd.s32 v0, v4  }
0x76: {  	v16 =	vld [tilespmem:s31+$0xFFFFFF80];
	v5 =	vadd.s32 v0, v5  }
0x77: {  	v6 =	vadd.s32 v0, v6;
	v1 =	vld.idx.msk [tilespmem:v1+s9+$0x0], $0xffff  }
0x78: {  	v7 =	vadd.s32 v0, v7;
	v2 =	vld.idx.msk [tilespmem:v2+s9+$0x0], $0xffff  }
0x79: {  	v8 =	vadd.s32 v0, v8;
	v3 =	vld.idx.msk [tilespmem:v3+s9+$0x0], $0xffff  }
0x7a: {  	v9 =	vadd.s32 v0, v9;
	v4 =	vld.idx.msk [tilespmem:v4+s9+$0x0], $0xffff  }
0x7b: {  	v10 =	vadd.s32 v0, v10;
	v5 =	vld.idx.msk [tilespmem:v5+s9+$0x0], $0xffff  }
0x7c: {  	s15 =	simm.s32 $0xB580;
	v16 =	vadd.s32 v0, v16;
	v6 =	vld.idx.msk [tilespmem:v6+s9+$0x0], $0xffff  }
0x7d: {  	v11 =	vadd.s32 v0, v11;
	v7 =	vld.idx.msk [tilespmem:v7+s9+$0x0], $0xffff;
	[tilespmem:s15+$0x70] =	vst v1  }
0x7e: {  	v12 =	vadd.s32 v0, v12;
	v8 =	vld.idx.msk [tilespmem:v8+s9+$0x0], $0xffff;
	[tilespmem:s15+$0xFFFFFF10] =	vst v2  }
0x7f: {  	v13 =	vadd.s32 v0, v13;
	v9 =	vld.idx.msk [tilespmem:v9+s9+$0x0], $0xffff;
	[tilespmem:s15+$0xFFFFFF20] =	vst v3  }
0x80: {  	v14 =	vadd.s32 v0, v14;
	v10 =	vld.idx.msk [tilespmem:v10+s9+$0x0], $0xffff;
	[tilespmem:s15+$0xFFFFFF30] =	vst v4  }
0x81: {  	v15 =	vadd.s32 v0, v15;
	v1 =	vld.idx.msk [tilespmem:v16+s9+$0x0], $0xffff;
	[tilespmem:s15+$0xFFFFFF40] =	vst v5  }
0x82: {  	[tilespmem:s15+$0xFFFFFF50] =	vst v6;
	v2 =	vld.idx.msk [tilespmem:v11+s9+$0x0], $0xffff  }
0x83: {  	[tilespmem:s15+$0xFFFFFF60] =	vst v7;
	v3 =	vld.idx.msk [tilespmem:v12+s9+$0x0], $0xffff  }
0x84: {  	[tilespmem:s15+$0xFFFFFF70] =	vst v8;
	v4 =	vld.idx.msk [tilespmem:v13+s9+$0x0], $0xffff  }
0x85: {  	[tilespmem:s15+$0x0] =	vst v9;
	v6 =	vld.idx.msk [tilespmem:v14+s9+$0x0], $0xffff  }
0x86: {  	s17 =	simm.s32 $0x180;
	s16 =	simm.s32 $0x0;
	[tilespmem:s15+$0x10] =	vst v10;
	v5 =	vld.idx.msk [tilespmem:v15+s9+$0x0], $0xffff  }
.LBB2_7:
0x87: {  	v7 =	vld [tilespmem:s17+$0x70];
	s16 =	sadd.s32 $0x10, s16;
	[tilespmem:s15+$0xFFFFFF00] =	vst v1  }
0x88: {  	v1 =	vld [tilespmem:s17+$0xFFFFFF90];
	p0 =	slt.u32 s16, $0x330;
	[tilespmem:s15+$0x20] =	vst v2  }
0x89: {  	v2 =	vld [tilespmem:s17+$0xFFFFFFA0];
	[tilespmem:s15+$0x30] =	vst v3  }
0x8a: {  	v3 =	vld [tilespmem:s17+$0xFFFFFFB0];
	[tilespmem:s15+$0x40] =	vst v4  }
0x8b: {  	v4 =	vld [tilespmem:s17+$0xFFFFFFC0];
	[tilespmem:s15+$0x50] =	vst v6  }
0x8c: {  	v6 =	vld [tilespmem:s17+$0xFFFFFFD0];
	v7 =	vadd.s32 v0, v7;
	[tilespmem:s15+$0x60] =	vst v5  }
0x8d: {  	v1 =	vadd.s32 v0, v1;
	v5 =	vld [tilespmem:s17+$0xFFFFFFE0]  }
0x8e: {  	v2 =	vadd.s32 v0, v2;
	v8 =	vld [tilespmem:s17+$0xFFFFFFF0]  }
0x8f: {  	v3 =	vadd.s32 v0, v3;
	v9 =	vld [tilespmem:s17+$0x0]  }
0x90: {  	v4 =	vadd.s32 v0, v4;
	v10 =	vld [tilespmem:s17+$0x10]  }
0x91: {  	v6 =	vadd.s32 v0, v6;
	v7 =	vld.idx.msk [tilespmem:v7+s9+$0x0], $0xffff  }
0x92: {  	v5 =	vadd.s32 v0, v5;
	v11 =	vld [tilespmem:s17+$0x20]  }
0x93: {  	v8 =	vadd.s32 v0, v8;
	v12 =	vld [tilespmem:s17+$0x30]  }
0x94: {  	v9 =	vadd.s32 v0, v9;
	v13 =	vld [tilespmem:s17+$0x40]  }
0x95: {  	v10 =	vadd.s32 v0, v10;
	v14 =	vld [tilespmem:s17+$0x50]  }
0x96: {  	s15 =	sadd.s32 $0x200, s15;
	v15 =	vld [tilespmem:s17+$0x60]  }
0x97: {  	v16 =	vld [tilespmem:s17+$0xFFFFFF80];
	v11 =	vadd.s32 v0, v11;
	[tilespmem:s15+$0x70] =	vst v7  }
0x98: {  	v1 =	vld.idx.msk [tilespmem:v1+s9+$0x0], $0xffff;
	v7 =	vadd.s32 v0, v12  }
0x99: {  	v2 =	vld.idx.msk [tilespmem:v2+s9+$0x0], $0xffff;
	v12 =	vadd.s32 v0, v13  }
0x9a: {  	v3 =	vld.idx.msk [tilespmem:v3+s9+$0x0], $0xffff;
	v13 =	vadd.s32 v0, v14  }
0x9b: {  	v4 =	vld.idx.msk [tilespmem:v4+s9+$0x0], $0xffff;
	v14 =	vadd.s32 v0, v15  }
0x9c: {  	v15 =	vadd.s32 v0, v16;
	v6 =	vld.idx.msk [tilespmem:v6+s9+$0x0], $0xffff  }
0x9d: {  	v5 =	vld.idx.msk [tilespmem:v5+s9+$0x0], $0xffff  }
0x9e: {  	[tilespmem:s15+$0xFFFFFF10] =	vst v1;
	v8 =	vld.idx.msk [tilespmem:v8+s9+$0x0], $0xffff  }
0x9f: {  	[tilespmem:s15+$0xFFFFFF20] =	vst v2;
	v9 =	vld.idx.msk [tilespmem:v9+s9+$0x0], $0xffff  }
0xa0: {  	[tilespmem:s15+$0xFFFFFF30] =	vst v3;
	v10 =	vld.idx.msk [tilespmem:v10+s9+$0x0], $0xffff  }
0xa1: {  	v1 =	vld.idx.msk [tilespmem:v15+s9+$0x0], $0xffff;
	[tilespmem:s15+$0xFFFFFF40] =	vst v4  }
.Ltmp2:
0xa2: {  	[tilespmem:s15+$0xFFFFFF50] =	vst v6;
	v2 =	vld.idx.msk [tilespmem:v11+s9+$0x0], $0xffff;
	(pc) =	sbr.rel @p0 .LBB2_7-.Ltmp2, $4  }
0xa3: {  	[tilespmem:s15+$0xFFFFFF60] =	vst v5;
	v3 =	vld.idx.msk [tilespmem:v7+s9+$0x0], $0xffff  }
0xa4: {  	[tilespmem:s15+$0xFFFFFF70] =	vst v8;
	v4 =	vld.idx.msk [tilespmem:v12+s9+$0x0], $0xffff  }
0xa5: {  	[tilespmem:s15+$0x0] =	vst v9;
	v6 =	vld.idx.msk [tilespmem:v13+s9+$0x0], $0xffff  }
0xa6: {  	s17 =	sadd.s32 $0x100, s17;
	[tilespmem:s15+$0x10] =	vst v10;
	v5 =	vld.idx.msk [tilespmem:v14+s9+$0x0], $0xffff  }
0xa7: {  	[tilespmem:s15+$0xFFFFFF00] =	vst v1  }
0xa8: {  	[tilespmem:s15+$0x20] =	vst v2;
	s14 =	sadd.s32 s6, s14  }
0xa9: {  	[tilespmem:s15+$0x30] =	vst v3;
	s14 =	smul.u32 $0x680, s14  }
0xaa: {  	[tilespmem:s15+$0x40] =	vst v4  }
0xab: {  	s16 =	simm.s32 $0xB480;
	[tilespmem:s15+$0x50] =	vst v6;
	s14 =	sadd.s32 s4, s14  }
0xac: {  	s17 =	simm.s32 $0xB580;
	[tilespmem:s15+$0x60] =	vst v5;
	s15 =	simm.s32 $0x10;
	s18 =	sadd.s32 $0x0, s14  }
.LBB2_9:
0xad: {  	[hbm4b:s18+s2] =	stream.linear.scatter [tilespmem:s16], [sflag:$0x2], $0x80, $0x38;
	[tilespmem:$0x11C00] =	vst v63  }
0xae: {  	s18 =	smov.u32 s15;
	s16 =	smov.u32 s17;
	p0 =	sne.s32 s15, $0x670  }
.Ltmp3:
0xaf: {  	s15 =	sadd.s32 $0x10, s15;
	(pc) =	sbr.rel @p0 .LBB2_9-.Ltmp3, $2  }
0xb0: {  	_ =	sdelay $0x2  }
0xb1: {  	s17 =	sadd.s32 $0x100, s17;
	s18 =	sadd.s32 s18, s14  }
0xb2: {  	s13 =	sadd.s32 $0x1, s13  }
0xb3: {  	p0 =	sne.s32 s13, $0x10  }
.Ltmp4:
0xb4: {  	_ = 	snop;
	(pc) =	sbr.rel @p0 .LBB2_2-.Ltmp4, $2  }
0xb5: {  	_ =	sdelay $0x2  }
0xb6: {  	[hbm4b:s18+s2] =	stream.linear.scatter [tilespmem:s16], [sflag:$0x2], $0x80, $0x38;
	[tilespmem:$0x11C00] =	vst v63  }
0xb7: {  	s12 =	sadd.s32 $0x1, s12  }
0xb8: {  	_ =	swait.ge [sflag:s10], $0x3400;
	p0 =	sne.s32 s12, s7  }
.Ltmp5:
0xb9: {  	[sflag:s10] =	ssyncset.done $0x0;
	(pc) =	sbr.rel @p0 .LBB2_1-.Ltmp5, $4  }
0xba: {  	[sflag:s10] =	ssyncadd.s32 $0xFFFFCC00  }
0xbb: {  	_ =	swait.ge [sflag:s11], $0x3400  }
0xbc: {  	[sflag:s11] =	ssyncset.done $0x0  }
0xbd: {  	[sflag:s11] =	ssyncadd.s32 $0xFFFFCC00  }
0xbe: {  	_ =	sfence.sel $0x180000  }
0xbf: {  	[bflag:$0x0] =	sbarrier.arrive $0xFFFF  }
0xc0: {  	p0 =	sne.s32 s0, $0x0;
	_ =	strace $0x9000005C  }
0xc1: {  	s0 =	sadd.s32 @!p0 $0x100000, s1;
	[bflag:$0x2] =	sbarrier.arrive $0xFFFF  }
0xc2: {  	[sflag:s0] =	ssyncadd.tile.s32 @!p0 $0x1;
	_ =	shalt  }
.Lfunc_end2:
_tile_overlayer_lowered:
.L_overlay_start_2:
0xc3: {  	(tag) =	ssettag $0x2  }
0xc4: {  	s0 =	rddreg [dreg:$0x0];
	s2 =	stileid.u32  }
0xc5: {  	s1 =	rddreg [dreg:$0x1];
	p0 =	sne.s32 s2, $0x0  }
0xc6: {  	s3 =	rddreg [dreg:$0x2];
	[bflag:$0x3] =	sbarrier.arrive $0xFFFF;
	s2 =	simm.s32 @!p0 $0x1C03  }
0xc7: {  	[timem:s3], [sflag:s2] =	dma.local @!p0 [hbm:s0], s1  }
0xc8: {  	s0 =	simm.s32 @!p0 $0x3  }
0xc9: {  	_ =	swait.ge @!p0 [sflag:s0], s1  }
0xca: {  	s1 =	ssub.s32 @!p0 $0x0, s1;
	[sflag:s0] =	ssyncset.done @!p0 $0x0  }
0xcb: {  	[sflag:s0] =	ssyncadd.s32 @!p0 s1  }
0xcc: {  	[bflag:$0x3] =	sbarrier.arrive $0xFFFF  }
0xcd: {  	_ =	shalt  }

// kernel: kernel.26.cloned.1.call-start
scs
__scs_entry_jumppad:
0x0: {  	(pc) =	sbr.rel $0x88, $3  }
0x1: {  	(tag) =	ssettag $0x0;
	lr =	simm.s32 $0x1  }
0x2: {  	[smem:$0x3F92] =	sst lr;
	_ =	strace $0xD0000000  }
0x3: {  	_ = 	snop  }
0x4: {  	_ = 	snop  }
0x5: {  	_ = 	snop  }
0x6: {  	_ = 	snop  }
0x7: {  	_ = 	snop  }
__scs_overlays_trampoline_lowered:
0x8: {  	[smem:$0x3FA1] =	sst s0  }
0x9: {  	[smem:$0x3FA2] =	sst s1  }
0xa: {  	[smem:$0x3FA3] =	sst s2  }
0xb: {  	[smem:$0x3FA4] =	sst s3  }
0xc: {  	[smem:$0x3FA5] =	sst s4  }
0xd: {  	[smem:$0x3FA6] =	sst s5  }
0xe: {  	[smem:$0x3FA7] =	sst s6  }
0xf: {  	[smem:$0x3FA8] =	sst s7  }
0x10: {  	[smem:$0x3FA9] =	sst s8  }
0x11: {  	[smem:$0x3FAA] =	sst s9;
	s0 =	simm.s32 @!p0 $0x0  }
0x12: {  	s1 =	sld [smem:$0x3F90];
	s0 =	simm.s32 @p0 $0x1  }
0x13: {  	[smem:$0x3FAB] =	sst s0;
	s0 =	simm.s32 @!p1 $0x0  }
0x14: {  	s2 =	sld [smem:$0x3F8F];
	s0 =	simm.s32 @p1 $0x1  }
0x15: {  	[smem:$0x3FAC] =	sst s0;
	s0 =	simm.s32 @!p2 $0x0  }
0x16: {  	s3 =	sld [smem:$0x3FDB];
	s0 =	simm.s32 @p2 $0x1  }
0x17: {  	s4 =	simm.s32 $0x1BF5;
	[smem:$0x3FAE] =	sst s0  }
0x18: {  	s0 =	sld [smem:$0x3F91];
	_ =	swait.ge [sflag:s4], $0x0  }
0x19: {  	s7 =	sld [smem:$0x3F92]  }
0x1a: {  	s8 =	sadd.s32 $0xFFFFE003, lr  }
0x1b: {  	s9 =	sadd.s32 $0xFFFFFEF7, lr;
	s5 =	simm.s32 $0xFFFFFFFF;
	p2 =	slt.u32 s8, $0xFFFFF086  }
0x1c: {  	p1 =	slt.u32 s9, $0xF7A;
	s5 =	simm.s32 @!p2 $0x0  }
0x1d: {  	s5 =	simm.s32 @p1 $0x1;
	p0 =	seq.s32 s7, s2  }
0x1e: {  	s7 =	smul.u32 @!p0 $0xF7A, s2;
	p2 =	seq.s32 @!p0 s5, $0x0  }
0x1f: {  	s9 =	smul.u32 $0xF7A, s1;
	s8 =	simm.s32 @!p0 $0x1BF5;
	p2 =	por !p2, p0  }
0x20: {  	[sflag:s8] =	ssyncset.s32 @!p0 $0xFFFFF086;
	s6 =	sadd.s32 @!p0 s3, s7;
	s7 =	simm.s32 @!p0 $0x108  }
0x21: {  	s3 =	sadd.s32 s3, s9;
	s6 =	sadd.s32 @!p0 $0x88, s6;
	s7 =	simm.s32 @p2 $0x1082  }
0x22: {  	[simem:s7], [sflag:s8] =	dma.local @!p0 [hbm:s6], $0xF7A  }
0x23: {  	s9 =	sor.u32 $0xD0000000, s2;
	s6 =	simm.s32 $0x108;
	_ =	swait.ge @!p0 [sflag:s8], $0x0  }
0x24: {  	s3 =	sadd.s32 $0x88, s3;
	s6 =	simm.s32 @!p1 $0x1082;
	[sflag:s4] =	ssyncset.s32 $0xFFFFF086  }
0x25: {  	[simem:s6], [sflag:s4] =	dma.local [hbm:s3], $0xF7A  }
0x26: {  	[smem:$0x3F92] =	sst s1;
	(tag) =	ssettag s2;
	_ =	strace s9  }
0x27: {  	s1 =	sld [smem:$0x3FA2]  }
0x28: {  	s2 =	sld [smem:$0x3FA3]  }
0x29: {  	s4 =	sld [smem:$0x3FA5]  }
0x2a: {  	p0 =	seq.s32 s5, $0x0;
	s5 =	sld [smem:$0x3FA6]  }
0x2b: {  	s6 =	sld [smem:$0x3FA7]  }
0x2c: {  	s7 =	sld [smem:$0x3FA8]  }
0x2d: {  	s3 =	simm.s32 $0x108;
	s8 =	sld [smem:$0x3FA9]  }
0x2e: {  	s3 =	simm.s32 @!p0 $0x1082;
	s9 =	sld [smem:$0x3FAA]  }
0x2f: {  	lr =	sadd.s32 s0, s3;
	s0 =	sld [smem:$0x3FA1]  }
0x30: {  	s3 =	sld [smem:$0x3FA4]  }
0x31: {  	[smem:$0x3FAD] =	sst s10  }
0x32: {  	s10 =	sld [smem:$0x3FAB];
	_ =	sdelay $0x3  }
0x33: {  	p0 =	seq.s32 s10, $0x1;
	s10 =	sld [smem:$0x3FAD];
	_ =	sdelay $0x3  }
0x34: {  	[smem:$0x3FAD] =	sst s10  }
0x35: {  	s10 =	sld [smem:$0x3FAC];
	_ =	sdelay $0x3  }
0x36: {  	p1 =	seq.s32 s10, $0x1;
	s10 =	sld [smem:$0x3FAD];
	_ =	sdelay $0x3  }
0x37: {  	[smem:$0x3FAD] =	sst s10  }
0x38: {  	s10 =	sld [smem:$0x3FAE]  }
0x39: {  	_ = 	snop;
	(pc) =	sbr.ind lr, $3  }
0x3a: {  	_ = 	snop  }
0x3b: {  	_ = 	snop  }
0x3c: {  	p2 =	seq.s32 s10, $0x1;
	s10 =	sld [smem:$0x3FAD]  }
0x3d: {  	_ =	shalt  }
0x3e: {  	_ =	shalt  }
0x3f: {  	_ =	shalt  }
0x40: {  	_ =	shalt  }
0x41: {  	_ =	shalt  }
0x42: {  	_ =	shalt  }
0x43: {  	_ =	shalt  }
0x44: {  	_ =	shalt  }
0x45: {  	_ =	shalt  }
0x46: {  	_ =	shalt  }
0x47: {  	_ =	shalt  }
0x48: {  	_ =	shalt  }
0x49: {  	_ =	shalt  }
0x4a: {  	_ =	shalt  }
0x4b: {  	_ =	shalt  }
0x4c: {  	_ =	shalt  }
0x4d: {  	_ =	shalt  }
0x4e: {  	_ =	shalt  }
0x4f: {  	_ =	shalt  }
0x50: {  	_ =	shalt  }
0x51: {  	_ =	shalt  }
0x52: {  	_ =	shalt  }
0x53: {  	_ =	shalt  }
0x54: {  	_ =	shalt  }
0x55: {  	_ =	shalt  }
0x56: {  	_ =	shalt  }
0x57: {  	_ =	shalt  }
0x58: {  	_ =	shalt  }
0x59: {  	_ =	shalt  }
0x5a: {  	_ =	shalt  }
0x5b: {  	_ =	shalt  }
0x5c: {  	_ =	shalt  }
0x5d: {  	_ =	shalt  }
0x5e: {  	_ =	shalt  }
0x5f: {  	_ =	shalt  }
0x60: {  	_ =	shalt  }
0x61: {  	_ =	shalt  }
0x62: {  	_ =	shalt  }
0x63: {  	_ =	shalt  }
0x64: {  	_ =	shalt  }
0x65: {  	_ =	shalt  }
0x66: {  	_ =	shalt  }
0x67: {  	_ =	shalt  }
0x68: {  	_ =	shalt  }
0x69: {  	_ =	shalt  }
0x6a: {  	_ =	shalt  }
0x6b: {  	_ =	shalt  }
0x6c: {  	_ =	shalt  }
0x6d: {  	_ =	shalt  }
0x6e: {  	_ =	shalt  }
0x6f: {  	_ =	shalt  }
0x70: {  	_ =	shalt  }
0x71: {  	_ =	shalt  }
0x72: {  	_ =	shalt  }
0x73: {  	_ =	shalt  }
0x74: {  	_ =	shalt  }
0x75: {  	_ =	shalt  }
0x76: {  	_ =	shalt  }
0x77: {  	_ =	shalt  }
0x78: {  	_ =	shalt  }
0x79: {  	_ =	shalt  }
0x7a: {  	_ =	shalt  }
0x7b: {  	_ =	shalt  }
0x7c: {  	_ =	shalt  }
0x7d: {  	_ =	shalt  }
0x7e: {  	_ =	shalt  }
0x7f: {  	_ =	shalt  }
0x80: {  	_ =	shalt  }
0x81: {  	_ =	shalt  }
0x82: {  	_ =	shalt  }
0x83: {  	_ =	shalt  }
0x84: {  	_ =	shalt  }
0x85: {  	_ =	shalt  }
0x86: {  	_ =	shalt  }
0x87: {  	_ =	shalt  }
.Lfunc_end0:
.L_simem_size_0:
called_computation.10_lowered:
.L_overlay_start_0:
0x88: {  	s2 =	sld [smem:$0x3FD9]  }
0x89: {  	s3 =	sld [smem:$0x3FFE];
	_ =	sdelay $0x1  }
0x8a: {  	s1 =	srdreg.scid  }
0x8b: {  	s0 =	sand.u32 $0x1, s1  }
0x8c: {  	s17 =	sshll.u32 s0, $0xA;
	s2 =	sadd.s32 s3, s2  }
0x8d: {  	s2 =	sadd.s32 s2, s17  }
0x8e: {  	[smem:$0x3FB9] =	sst s2  }
0x8f: {  	_ = 	snop  }
0x90: {  	(tm) =	ssettm $0x1  }
0x91: {  	s18 =	sld [smem:$0x3FFB];
	_ =	sdelay $0x3  }
0x92: {  	_ =	strace s18  }
0x93: {  	s2 =	sld [smem:$0x3FFC];
	_ =	sdelay $0x3  }
0x94: {  	_ =	strace s2  }
0x95: {  	s2 =	sld [smem:$0x3FFD];
	_ =	sdelay $0x3  }
0x96: {  	_ =	strace s2  }
0x97: {  	_ =	strace $0x8FFFFFFF  }
0x98: {  	s19 =	sld [smem:$0x3FDB];
	_ =	sdelay $0x1  }
0x99: {  	s20 =	simm.s32 $_scs_section_size  }
0x9a: {  	s4 =	simm.s32 $_size__tile_overlayer_lowered;
	s5 =	simm.s32 $_tile_overlayer_lowered  }
0x9b: {  	s6 =	simm.s32 $0x1BFF;
	s21 =	sshll.u32 s5, $0x1;
	s3 =	sadd.s32 s20, s19  }
0x9c: {  	s22 =	simm.s32 $0x0;
	s4 =	sshll.u32 s4, $0x1;
	s5 =	sadd.s32 s21, s3  }
0x9d: {  	[timem:s22], [sflag:s6] =	dma.local [hbm:s5], s4  }
0x9e: {  	_ =	swait.ge [sflag:s6], s4  }
0x9f: {  	s4 =	ssub.s32 $0x0, s4;
	[sflag:s6] =	ssyncset.done $0x0  }
0xa0: {  	[sflag:s6] =	ssyncadd.s32 s4;
	_ =	sdelay $0x1  }
0xa1: {  	s23 =	simm.s32 $0x1B8B  }
0xa2: {  	_ =	swait.ge [sflag:s23], $0x1  }
0xa3: {  	[sflag:s23] =	ssyncset.done $0x0  }
0xa4: {  	[sflag:s23] =	ssyncadd.s32 $0xFFFFFFFF  }
0xa5: {  	s4 =	sld [smem:$0x0]  }
0xa6: {  	s5 =	sand.u32 $0xFFFFFFFE, s1  }
0xa7: {  	p0 =	sne.s32 s1, s5  }
0xa8: {  	s5 =	sshll.u32 @p0 s5, $0xE  }
0xa9: {  	s5 =	sadd.s32 @p0 $0x11B8D, s5;
	s6 =	sshll.u32 @p0 s4, $0x11  }
0xaa: {  	s5 =	sor.u32 @p0 s6, s5  }
0xab: {  	[sflag:s5] =	ssyncadd.remote.s32 @p0 $0x1;
	_ =	sdelay $0x1  }
0xac: {  	s5 =	simm.s32 @p0 $0x1B8D  }
0xad: {  	_ =	swait.eq @p0 [sflag:s5], $0x1  }
0xae: {  	[sflag:s5] =	ssyncadd.s32 @p0 $0xFFFFFFFF  }
0xaf: {  	s6 =	sshll.u32 @!p0 s1, $0xE  }
0xb0: {  	s6 =	sor.u32 @!p0 $0x4000, s6;
	s5 =	simm.s32 @!p0 $0x1B8D  }
0xb1: {  	s4 =	sshll.u32 @!p0 s4, $0x11;
	s6 =	sadd.s32 @!p0 $0x11B8D, s6;
	_ =	swait.eq @!p0 [sflag:s5], $0x1  }
0xb2: {  	s4 =	sor.u32 @!p0 s4, s6;
	[sflag:s5] =	ssyncadd.s32 @!p0 $0xFFFFFFFF  }
0xb3: {  	s25 =	simm.s32 $0x1B8E;
	s24 =	sld [smem:$0x3FFE];
	[sflag:s4] =	ssyncadd.remote.s32 @!p0 $0x1  }
0xb4: {  	s26 =	simm.s32 $execute0_lowered;
	[smem:$0x3FD2] =	sst s25  }
0xb5: {  	s5 =	sshll.u32 s26, $0x1;
	_ =	strace $0x80000061;
	[dreg:$0x1] =	wrdreg $0xFFFFFFFF  }
0xb6: {  	s28 =	simm.s32 $_size_execute0_lowered;
	s3 =	sadd.s32 s3, s5;
	[dreg:$0x0] =	wrdreg $0x0  }
0xb7: {  	s5 =	sshll.u32 s28, $0x1;
	[dreg:$0x2] =	wrdreg s3  }
0xb8: {  	[dreg:$0x3] =	wrdreg s5  }
0xb9: {  	[dreg:$0x4] =	wrdreg $0xC0  }
0xba: {  	_ =	task [dreg:s22], $0x5FFFF  }
0xbb: {  	[dreg:$0x1] =	wrdreg $0xFFFFFFFF  }
0xbc: {  	[dreg:$0x0] =	wrdreg $0x60  }
0xbd: {  	[dreg:$0x2] =	wrdreg s24  }
0xbe: {  	[dreg:$0x3] =	wrdreg $0xA  }
0xbf: {  	_ =	task.clear_ibuf [dreg:s22], $0x4FFFF;
	_ =	strace $0x90000061  }
0xc0: {  	s29 =	simm.s32 $0xA;
	_ =	strace $0x80000063  }
0xc1: {  	_ =	swait.ge [sflag:s29], $0x1  }
0xc2: {  	[sflag:s29] =	ssyncadd.s32 $0xFFFFFFFF  }
0xc3: {  	_ =	strace $0x90000063  }
0xc4: {  	_ =	sfence  }
0xc5: {  	s30 =	sld [smem:$0x0];
	_ =	sdelay $0x2  }
0xc6: {  	s31 =	sshll.u32 s1, $0xD;
	s1 =	sshrl.u32 s1, $0x2  }
0xc7: {  	s4 =	sand.u32 $0x4000, s31;
	s1 =	sadd.s32 s1, s30  }
0xc8: {  	s0 =	sor.u32 s4, s0;
	s1 =	sshll.u32 s1, $0x11  }
0xc9: {  	s0 =	sor.u32 s1, s0  }
0xca: {  	s0 =	sadd.s32 $0x8F2B, s0  }
0xcb: {  	[sflag:s0] =	ssyncadd.remote.s32 $0x1  }
0xcc: {  	_ =	sfence.sel $0xFFFF  }
0xcd: {  	[dreg:$0x0] =	wrdreg $0xFFFFFFFF;
	(pc) =	sbr.abs _section_cstart, $3  }
0xce: {  	[dreg:$0x1] =	wrdreg $0xFFFFFFFF  }
0xcf: {  	_ =	task.clear_ibuf [dreg:s22], $0x2FFFF;
	_ =	strace $0x9FFFFFFF  }
0xd0: {  	(tm) =	ssettm $0x7FFFFFFF  }
0xd1: {  	_ =	shalt  }
tec
execute0_lowered:
.L_overlay_start_1:
0x0: {  	(tag) =	ssettag $0x1  }
0x1: {  	s1 =	srdreg.scid  }
0x2: {  	s0 =	stileid.u32;
	s4 =	rddreg [dreg:$0x0];
	s2 =	simm.s32 $0x0  }
0x3: {  	s9 =	simm.s32 $0x3400;
	s10 =	simm.s32 $0x1;
	s11 =	simm.s32 $0x2  }
0x4: {  	s3 =	sand.u32 $0x1, s1;
	s5 =	sshll.u32 s0, $0x1;
	s1 =	rddreg [dreg:$0x1]  }
0x5: {  	s12 =	simm.s32 $0x0;
	[smem:$0x7FF] =	sst s2;
	s6 =	sor.u32 s3, s5  }
0x6: {  	_ =	strace $0x80000062;
	s7 =	ssub.s32 $0x2, s3;
	s3 =	sadd.s32 $0x7000, s4  }
0x7: {  	s5 =	sshll.u32 s6, $0xC;
	s8 =	sshrl.u32 s7, $0x1;
	s6 =	sshll.u32 s6, $0x5  }
0x8: {  	s5 =	sadd.s32 s5, s4;
	s4 =	sadd.s32 $0x1C8200, s4;
	s7 =	ssub.s32 s7, s8  }
0x9: {  	s8 =	simm.s32 $0x3;
	s5 =	sadd.s32 $0x7800, s5;
	s7 =	smax.u32 s7, $0x1  }
.LBB2_1:
0xa: {  	[tilespmem:s2], [sflag:$0x3] =	stream.linear.gather [hbm4b:s3+s2], $0x3400, $0x38;
	[tilespmem:$0x11C00] =	vst v63  }
0xb: {  	_ =	swait.ge [sflag:s8], $0x3400  }
0xc: {  	[sflag:s8] =	ssyncset.done $0x0  }
0xd: {  	[sflag:s8] =	ssyncadd.s32 $0xFFFFCC00  }
0xe: {  	[tilespmem:s9], [sflag:$0x3] =	stream.linear.gather [hbm4b:s5+s2], $0x8000, $0x38;
	[tilespmem:$0x11C00] =	vst v63  }
0xf: {  	_ =	swait.ge [sflag:s8], $0x8000  }
0x10: {  	[sflag:s8] =	ssyncset.done $0x0  }
0x11: {  	s13 =	simm.s32 $0x0;
	[sflag:s8] =	ssyncadd.s32 $0xFFFF8000  }
.LBB2_2:
0x12: {  	p0 =	seq.s32 s13, $0x0  }
0x13: {  	s14 =	simm.s32 @!p0 $0x1  }
0x14: {  	_ =	swait.ge @!p0 [sflag:s14], $0x3400  }
0x15: {  	[sflag:s14] =	ssyncset.done @!p0 $0x0  }
0x16: {  	s31 =	simm.s32 $0x80;
	[sflag:s14] =	ssyncadd.s32 @!p0 $0xFFFFCC00  }
0x17: {  	v1 =	vld [tilespmem:s31+$0x70]  }
0x18: {  	v2 =	vld [tilespmem:s31+$0xFFFFFF90]  }
0x19: {  	v3 =	vld [tilespmem:s31+$0xFFFFFFA0]  }
0x1a: {  	v4 =	vld [tilespmem:s31+$0xFFFFFFB0]  }
0x1b: {  	v5 =	vld [tilespmem:s31+$0xFFFFFFC0]  }
0x1c: {  	v6 =	vld [tilespmem:s31+$0xFFFFFFD0]  }
0x1d: {  	v7 =	vld [tilespmem:s31+$0xFFFFFFE0]  }
0x1e: {  	v8 =	vld [tilespmem:s31+$0xFFFFFFF0]  }
0x1f: {  	v9 =	vld [tilespmem:s31+$0x0]  }
0x20: {  	s15 =	sshll.u32 s13, $0xB;
	v10 =	vld [tilespmem:s31+$0x10]  }
0x21: {  	v0 =	vmov s15;
	v11 =	vld [tilespmem:s31+$0x20]  }
0x22: {  	v12 =	vld [tilespmem:s31+$0x30];
	v1 =	vadd.s32 v0, v1  }
0x23: {  	v13 =	vld [tilespmem:s31+$0x40];
	v2 =	vadd.s32 v0, v2  }
0x24: {  	v14 =	vld [tilespmem:s31+$0x50];
	v3 =	vadd.s32 v0, v3  }
0x25: {  	v15 =	vld [tilespmem:s31+$0x60];
	v4 =	vadd.s32 v0, v4  }
0x26: {  	v16 =	vld [tilespmem:s31+$0xFFFFFF80];
	v5 =	vadd.s32 v0, v5  }
0x27: {  	v6 =	vadd.s32 v0, v6;
	v1 =	vld.idx.msk [tilespmem:v1+s9+$0x0], $0xffff  }
0x28: {  	v7 =	vadd.s32 v0, v7;
	v2 =	vld.idx.msk [tilespmem:v2+s9+$0x0], $0xffff  }
0x29: {  	v8 =	vadd.s32 v0, v8;
	v3 =	vld.idx.msk [tilespmem:v3+s9+$0x0], $0xffff  }
0x2a: {  	v9 =	vadd.s32 v0, v9;
	v4 =	vld.idx.msk [tilespmem:v4+s9+$0x0], $0xffff  }
0x2b: {  	v10 =	vadd.s32 v0, v10;
	v5 =	vld.idx.msk [tilespmem:v5+s9+$0x0], $0xffff  }
0x2c: {  	s15 =	simm.s32 $0xB500;
	v16 =	vadd.s32 v0, v16;
	v6 =	vld.idx.msk [tilespmem:v6+s9+$0x0], $0xffff  }
0x2d: {  	v11 =	vadd.s32 v0, v11;
	v7 =	vld.idx.msk [tilespmem:v7+s9+$0x0], $0xffff;
	[tilespmem:s15+$0x70] =	vst v1  }
0x2e: {  	v12 =	vadd.s32 v0, v12;
	v8 =	vld.idx.msk [tilespmem:v8+s9+$0x0], $0xffff;
	[tilespmem:s15+$0xFFFFFF10] =	vst v2  }
0x2f: {  	v13 =	vadd.s32 v0, v13;
	v9 =	vld.idx.msk [tilespmem:v9+s9+$0x0], $0xffff;
	[tilespmem:s15+$0xFFFFFF20] =	vst v3  }
0x30: {  	v14 =	vadd.s32 v0, v14;
	v10 =	vld.idx.msk [tilespmem:v10+s9+$0x0], $0xffff;
	[tilespmem:s15+$0xFFFFFF30] =	vst v4  }
0x31: {  	v15 =	vadd.s32 v0, v15;
	v1 =	vld.idx.msk [tilespmem:v16+s9+$0x0], $0xffff;
	[tilespmem:s15+$0xFFFFFF40] =	vst v5  }
0x32: {  	[tilespmem:s15+$0xFFFFFF50] =	vst v6;
	v2 =	vld.idx.msk [tilespmem:v11+s9+$0x0], $0xffff  }
0x33: {  	[tilespmem:s15+$0xFFFFFF60] =	vst v7;
	v3 =	vld.idx.msk [tilespmem:v12+s9+$0x0], $0xffff  }
0x34: {  	[tilespmem:s15+$0xFFFFFF70] =	vst v8;
	v4 =	vld.idx.msk [tilespmem:v13+s9+$0x0], $0xffff  }
0x35: {  	[tilespmem:s15+$0x0] =	vst v9;
	v5 =	vld.idx.msk [tilespmem:v14+s9+$0x0], $0xffff  }
0x36: {  	s16 =	simm.s32 $0x0;
	s17 =	simm.s32 $0x180;
	s14 =	sshll.u32 s13, $0x1;
	[tilespmem:s15+$0x10] =	vst v10;
	v6 =	vld.idx.msk [tilespmem:v15+s9+$0x0], $0xffff  }
.LBB2_3:
0x37: {  	v7 =	vld [tilespmem:s17+$0x70];
	s16 =	sadd.s32 $0x10, s16;
	[tilespmem:s15+$0xFFFFFF00] =	vst v1  }
0x38: {  	v1 =	vld [tilespmem:s17+$0xFFFFFF90];
	p1 =	slt.u32 s16, $0x330;
	[tilespmem:s15+$0x20] =	vst v2  }
0x39: {  	v2 =	vld [tilespmem:s17+$0xFFFFFFA0];
	[tilespmem:s15+$0x30] =	vst v3  }
0x3a: {  	v3 =	vld [tilespmem:s17+$0xFFFFFFB0];
	[tilespmem:s15+$0x40] =	vst v4  }
0x3b: {  	v4 =	vld [tilespmem:s17+$0xFFFFFFC0];
	[tilespmem:s15+$0x50] =	vst v5  }
0x3c: {  	v5 =	vld [tilespmem:s17+$0xFFFFFFD0];
	v7 =	vadd.s32 v0, v7;
	[tilespmem:s15+$0x60] =	vst v6  }
0x3d: {  	v1 =	vadd.s32 v0, v1;
	v6 =	vld [tilespmem:s17+$0xFFFFFFE0]  }
0x3e: {  	v2 =	vadd.s32 v0, v2;
	v8 =	vld [tilespmem:s17+$0xFFFFFFF0]  }
0x3f: {  	v3 =	vadd.s32 v0, v3;
	v9 =	vld [tilespmem:s17+$0x0]  }
0x40: {  	v4 =	vadd.s32 v0, v4;
	v10 =	vld [tilespmem:s17+$0x10]  }
0x41: {  	v5 =	vadd.s32 v0, v5;
	v7 =	vld.idx.msk [tilespmem:v7+s9+$0x0], $0xffff  }
0x42: {  	v6 =	vadd.s32 v0, v6;
	v11 =	vld [tilespmem:s17+$0x20]  }
0x43: {  	v8 =	vadd.s32 v0, v8;
	v12 =	vld [tilespmem:s17+$0x30]  }
0x44: {  	v9 =	vadd.s32 v0, v9;
	v13 =	vld [tilespmem:s17+$0x40]  }
0x45: {  	v10 =	vadd.s32 v0, v10;
	v14 =	vld [tilespmem:s17+$0x50]  }
0x46: {  	s15 =	sadd.s32 $0x200, s15;
	v15 =	vld [tilespmem:s17+$0x60]  }
0x47: {  	v16 =	vld [tilespmem:s17+$0xFFFFFF80];
	v11 =	vadd.s32 v0, v11;
	[tilespmem:s15+$0x70] =	vst v7  }
0x48: {  	v1 =	vld.idx.msk [tilespmem:v1+s9+$0x0], $0xffff;
	v7 =	vadd.s32 v0, v12  }
0x49: {  	v2 =	vld.idx.msk [tilespmem:v2+s9+$0x0], $0xffff;
	v12 =	vadd.s32 v0, v13  }
0x4a: {  	v3 =	vld.idx.msk [tilespmem:v3+s9+$0x0], $0xffff;
	v13 =	vadd.s32 v0, v14  }
0x4b: {  	v4 =	vld.idx.msk [tilespmem:v4+s9+$0x0], $0xffff;
	v14 =	vadd.s32 v0, v15  }
0x4c: {  	v15 =	vadd.s32 v0, v16;
	v5 =	vld.idx.msk [tilespmem:v5+s9+$0x0], $0xffff  }
0x4d: {  	v6 =	vld.idx.msk [tilespmem:v6+s9+$0x0], $0xffff  }
0x4e: {  	[tilespmem:s15+$0xFFFFFF10] =	vst v1;
	v8 =	vld.idx.msk [tilespmem:v8+s9+$0x0], $0xffff  }
0x4f: {  	[tilespmem:s15+$0xFFFFFF20] =	vst v2;
	v9 =	vld.idx.msk [tilespmem:v9+s9+$0x0], $0xffff  }
0x50: {  	[tilespmem:s15+$0xFFFFFF30] =	vst v3;
	v10 =	vld.idx.msk [tilespmem:v10+s9+$0x0], $0xffff  }
0x51: {  	v1 =	vld.idx.msk [tilespmem:v15+s9+$0x0], $0xffff;
	[tilespmem:s15+$0xFFFFFF40] =	vst v4  }
.Ltmp0:
0x52: {  	[tilespmem:s15+$0xFFFFFF50] =	vst v5;
	v2 =	vld.idx.msk [tilespmem:v11+s9+$0x0], $0xffff;
	(pc) =	sbr.rel @p1 .LBB2_3-.Ltmp0, $4  }
0x53: {  	[tilespmem:s15+$0xFFFFFF60] =	vst v6;
	v3 =	vld.idx.msk [tilespmem:v7+s9+$0x0], $0xffff  }
0x54: {  	[tilespmem:s15+$0xFFFFFF70] =	vst v8;
	v4 =	vld.idx.msk [tilespmem:v12+s9+$0x0], $0xffff  }
0x55: {  	[tilespmem:s15+$0x0] =	vst v9;
	v5 =	vld.idx.msk [tilespmem:v13+s9+$0x0], $0xffff  }
0x56: {  	s17 =	sadd.s32 $0x100, s17;
	[tilespmem:s15+$0x10] =	vst v10;
	v6 =	vld.idx.msk [tilespmem:v14+s9+$0x0], $0xffff  }
0x57: {  	[tilespmem:s15+$0xFFFFFF00] =	vst v1  }
0x58: {  	[tilespmem:s15+$0x20] =	vst v2;
	s16 =	sadd.s32 s6, s14  }
0x59: {  	[tilespmem:s15+$0x30] =	vst v3;
	s16 =	smul.u32 $0x680, s16  }
0x5a: {  	[tilespmem:s15+$0x40] =	vst v4  }
0x5b: {  	s17 =	simm.s32 $0xB400;
	[tilespmem:s15+$0x50] =	vst v5;
	s16 =	sadd.s32 s4, s16  }
0x5c: {  	s18 =	simm.s32 $0xB500;
	[tilespmem:s15+$0x60] =	vst v6;
	s15 =	simm.s32 $0x10;
	s19 =	sadd.s32 $0x0, s16  }
.LBB2_5:
0x5d: {  	[hbm4b:s19+s2] =	stream.linear.scatter [tilespmem:s17], [sflag:$0x1], $0x80, $0x38;
	[tilespmem:$0x11C00] =	vst v63  }
0x5e: {  	s19 =	smov.u32 s15;
	s17 =	smov.u32 s18;
	p1 =	sne.s32 s15, $0x670  }
.Ltmp1:
0x5f: {  	s15 =	sadd.s32 $0x10, s15;
	(pc) =	sbr.rel @p1 .LBB2_5-.Ltmp1, $2  }
0x60: {  	_ =	sdelay $0x2  }
0x61: {  	s18 =	sadd.s32 $0x100, s18;
	s19 =	sadd.s32 s19, s16  }
0x62: {  	[hbm4b:s19+s2] =	stream.linear.scatter [tilespmem:s17], [sflag:$0x1], $0x80, $0x38;
	[tilespmem:$0x11C00] =	vst v63  }
0x63: {  	s15 =	simm.s32 @!p0 $0x2  }
0x64: {  	_ =	swait.ge @!p0 [sflag:s15], $0x3400  }
0x65: {  	[sflag:s15] =	ssyncset.done @!p0 $0x0  }
0x66: {  	s31 =	simm.s32 $0x80;
	[sflag:s15] =	ssyncadd.s32 @!p0 $0xFFFFCC00  }
0x67: {  	v1 =	vld [tilespmem:s31+$0x70]  }
0x68: {  	v2 =	vld [tilespmem:s31+$0xFFFFFF90]  }
0x69: {  	v3 =	vld [tilespmem:s31+$0xFFFFFFA0]  }
0x6a: {  	v4 =	vld [tilespmem:s31+$0xFFFFFFB0]  }
0x6b: {  	v5 =	vld [tilespmem:s31+$0xFFFFFFC0]  }
0x6c: {  	v6 =	vld [tilespmem:s31+$0xFFFFFFD0]  }
0x6d: {  	v7 =	vld [tilespmem:s31+$0xFFFFFFE0]  }
0x6e: {  	v8 =	vld [tilespmem:s31+$0xFFFFFFF0]  }
0x6f: {  	s14 =	sor.u32 $0x1, s14;
	v9 =	vld [tilespmem:s31+$0x0]  }
0x70: {  	s16 =	sshll.u32 s14, $0xA;
	v10 =	vld [tilespmem:s31+$0x10]  }
0x71: {  	v0 =	vmov s16;
	v11 =	vld [tilespmem:s31+$0x20]  }
0x72: {  	v12 =	vld [tilespmem:s31+$0x30];
	v1 =	vadd.s32 v0, v1  }
0x73: {  	v13 =	vld [tilespmem:s31+$0x40];
	v2 =	vadd.s32 v0, v2  }
0x74: {  	v14 =	vld [tilespmem:s31+$0x50];
	v3 =	vadd.s32 v0, v3  }
0x75: {  	v15 =	vld [tilespmem:s31+$0x60];
	v4 =	vadd.s32 v0, v4  }
0x76: {  	v16 =	vld [tilespmem:s31+$0xFFFFFF80];
	v5 =	vadd.s32 v0, v5  }
0x77: {  	v6 =	vadd.s32 v0, v6;
	v1 =	vld.idx.msk [tilespmem:v1+s9+$0x0], $0xffff  }
0x78: {  	v7 =	vadd.s32 v0, v7;
	v2 =	vld.idx.msk [tilespmem:v2+s9+$0x0], $0xffff  }
0x79: {  	v8 =	vadd.s32 v0, v8;
	v3 =	vld.idx.msk [tilespmem:v3+s9+$0x0], $0xffff  }
0x7a: {  	v9 =	vadd.s32 v0, v9;
	v4 =	vld.idx.msk [tilespmem:v4+s9+$0x0], $0xffff  }
0x7b: {  	v10 =	vadd.s32 v0, v10;
	v5 =	vld.idx.msk [tilespmem:v5+s9+$0x0], $0xffff  }
0x7c: {  	s15 =	simm.s32 $0xB580;
	v16 =	vadd.s32 v0, v16;
	v6 =	vld.idx.msk [tilespmem:v6+s9+$0x0], $0xffff  }
0x7d: {  	v11 =	vadd.s32 v0, v11;
	v7 =	vld.idx.msk [tilespmem:v7+s9+$0x0], $0xffff;
	[tilespmem:s15+$0x70] =	vst v1  }
0x7e: {  	v12 =	vadd.s32 v0, v12;
	v8 =	vld.idx.msk [tilespmem:v8+s9+$0x0], $0xffff;
	[tilespmem:s15+$0xFFFFFF10] =	vst v2  }
0x7f: {  	v13 =	vadd.s32 v0, v13;
	v9 =	vld.idx.msk [tilespmem:v9+s9+$0x0], $0xffff;
	[tilespmem:s15+$0xFFFFFF20] =	vst v3  }
0x80: {  	v14 =	vadd.s32 v0, v14;
	v10 =	vld.idx.msk [tilespmem:v10+s9+$0x0], $0xffff;
	[tilespmem:s15+$0xFFFFFF30] =	vst v4  }
0x81: {  	v15 =	vadd.s32 v0, v15;
	v1 =	vld.idx.msk [tilespmem:v16+s9+$0x0], $0xffff;
	[tilespmem:s15+$0xFFFFFF40] =	vst v5  }
0x82: {  	[tilespmem:s15+$0xFFFFFF50] =	vst v6;
	v2 =	vld.idx.msk [tilespmem:v11+s9+$0x0], $0xffff  }
0x83: {  	[tilespmem:s15+$0xFFFFFF60] =	vst v7;
	v3 =	vld.idx.msk [tilespmem:v12+s9+$0x0], $0xffff  }
0x84: {  	[tilespmem:s15+$0xFFFFFF70] =	vst v8;
	v4 =	vld.idx.msk [tilespmem:v13+s9+$0x0], $0xffff  }
0x85: {  	[tilespmem:s15+$0x0] =	vst v9;
	v6 =	vld.idx.msk [tilespmem:v14+s9+$0x0], $0xffff  }
0x86: {  	s17 =	simm.s32 $0x180;
	s16 =	simm.s32 $0x0;
	[tilespmem:s15+$0x10] =	vst v10;
	v5 =	vld.idx.msk [tilespmem:v15+s9+$0x0], $0xffff  }
.LBB2_7:
0x87: {  	v7 =	vld [tilespmem:s17+$0x70];
	s16 =	sadd.s32 $0x10, s16;
	[tilespmem:s15+$0xFFFFFF00] =	vst v1  }
0x88: {  	v1 =	vld [tilespmem:s17+$0xFFFFFF90];
	p0 =	slt.u32 s16, $0x330;
	[tilespmem:s15+$0x20] =	vst v2  }
0x89: {  	v2 =	vld [tilespmem:s17+$0xFFFFFFA0];
	[tilespmem:s15+$0x30] =	vst v3  }
0x8a: {  	v3 =	vld [tilespmem:s17+$0xFFFFFFB0];
	[tilespmem:s15+$0x40] =	vst v4  }
0x8b: {  	v4 =	vld [tilespmem:s17+$0xFFFFFFC0];
	[tilespmem:s15+$0x50] =	vst v6  }
0x8c: {  	v6 =	vld [tilespmem:s17+$0xFFFFFFD0];
	v7 =	vadd.s32 v0, v7;
	[tilespmem:s15+$0x60] =	vst v5  }
0x8d: {  	v1 =	vadd.s32 v0, v1;
	v5 =	vld [tilespmem:s17+$0xFFFFFFE0]  }
0x8e: {  	v2 =	vadd.s32 v0, v2;
	v8 =	vld [tilespmem:s17+$0xFFFFFFF0]  }
0x8f: {  	v3 =	vadd.s32 v0, v3;
	v9 =	vld [tilespmem:s17+$0x0]  }
0x90: {  	v4 =	vadd.s32 v0, v4;
	v10 =	vld [tilespmem:s17+$0x10]  }
0x91: {  	v6 =	vadd.s32 v0, v6;
	v7 =	vld.idx.msk [tilespmem:v7+s9+$0x0], $0xffff  }
0x92: {  	v5 =	vadd.s32 v0, v5;
	v11 =	vld [tilespmem:s17+$0x20]  }
0x93: {  	v8 =	vadd.s32 v0, v8;
	v12 =	vld [tilespmem:s17+$0x30]  }
0x94: {  	v9 =	vadd.s32 v0, v9;
	v13 =	vld [tilespmem:s17+$0x40]  }
0x95: {  	v10 =	vadd.s32 v0, v10;
	v14 =	vld [tilespmem:s17+$0x50]  }
0x96: {  	s15 =	sadd.s32 $0x200, s15;
	v15 =	vld [tilespmem:s17+$0x60]  }
0x97: {  	v16 =	vld [tilespmem:s17+$0xFFFFFF80];
	v11 =	vadd.s32 v0, v11;
	[tilespmem:s15+$0x70] =	vst v7  }
0x98: {  	v1 =	vld.idx.msk [tilespmem:v1+s9+$0x0], $0xffff;
	v7 =	vadd.s32 v0, v12  }
0x99: {  	v2 =	vld.idx.msk [tilespmem:v2+s9+$0x0], $0xffff;
	v12 =	vadd.s32 v0, v13  }
0x9a: {  	v3 =	vld.idx.msk [tilespmem:v3+s9+$0x0], $0xffff;
	v13 =	vadd.s32 v0, v14  }
0x9b: {  	v4 =	vld.idx.msk [tilespmem:v4+s9+$0x0], $0xffff;
	v14 =	vadd.s32 v0, v15  }
0x9c: {  	v15 =	vadd.s32 v0, v16;
	v6 =	vld.idx.msk [tilespmem:v6+s9+$0x0], $0xffff  }
0x9d: {  	v5 =	vld.idx.msk [tilespmem:v5+s9+$0x0], $0xffff  }
0x9e: {  	[tilespmem:s15+$0xFFFFFF10] =	vst v1;
	v8 =	vld.idx.msk [tilespmem:v8+s9+$0x0], $0xffff  }
0x9f: {  	[tilespmem:s15+$0xFFFFFF20] =	vst v2;
	v9 =	vld.idx.msk [tilespmem:v9+s9+$0x0], $0xffff  }
0xa0: {  	[tilespmem:s15+$0xFFFFFF30] =	vst v3;
	v10 =	vld.idx.msk [tilespmem:v10+s9+$0x0], $0xffff  }
0xa1: {  	v1 =	vld.idx.msk [tilespmem:v15+s9+$0x0], $0xffff;
	[tilespmem:s15+$0xFFFFFF40] =	vst v4  }
.Ltmp2:
0xa2: {  	[tilespmem:s15+$0xFFFFFF50] =	vst v6;
	v2 =	vld.idx.msk [tilespmem:v11+s9+$0x0], $0xffff;
	(pc) =	sbr.rel @p0 .LBB2_7-.Ltmp2, $4  }
0xa3: {  	[tilespmem:s15+$0xFFFFFF60] =	vst v5;
	v3 =	vld.idx.msk [tilespmem:v7+s9+$0x0], $0xffff  }
0xa4: {  	[tilespmem:s15+$0xFFFFFF70] =	vst v8;
	v4 =	vld.idx.msk [tilespmem:v12+s9+$0x0], $0xffff  }
0xa5: {  	[tilespmem:s15+$0x0] =	vst v9;
	v6 =	vld.idx.msk [tilespmem:v13+s9+$0x0], $0xffff  }
0xa6: {  	s17 =	sadd.s32 $0x100, s17;
	[tilespmem:s15+$0x10] =	vst v10;
	v5 =	vld.idx.msk [tilespmem:v14+s9+$0x0], $0xffff  }
0xa7: {  	[tilespmem:s15+$0xFFFFFF00] =	vst v1  }
0xa8: {  	[tilespmem:s15+$0x20] =	vst v2;
	s14 =	sadd.s32 s6, s14  }
0xa9: {  	[tilespmem:s15+$0x30] =	vst v3;
	s14 =	smul.u32 $0x680, s14  }
0xaa: {  	[tilespmem:s15+$0x40] =	vst v4  }
0xab: {  	s16 =	simm.s32 $0xB480;
	[tilespmem:s15+$0x50] =	vst v6;
	s14 =	sadd.s32 s4, s14  }
0xac: {  	s17 =	simm.s32 $0xB580;
	[tilespmem:s15+$0x60] =	vst v5;
	s15 =	simm.s32 $0x10;
	s18 =	sadd.s32 $0x0, s14  }
.LBB2_9:
0xad: {  	[hbm4b:s18+s2] =	stream.linear.scatter [tilespmem:s16], [sflag:$0x2], $0x80, $0x38;
	[tilespmem:$0x11C00] =	vst v63  }
0xae: {  	s18 =	smov.u32 s15;
	s16 =	smov.u32 s17;
	p0 =	sne.s32 s15, $0x670  }
.Ltmp3:
0xaf: {  	s15 =	sadd.s32 $0x10, s15;
	(pc) =	sbr.rel @p0 .LBB2_9-.Ltmp3, $2  }
0xb0: {  	_ =	sdelay $0x2  }
0xb1: {  	s17 =	sadd.s32 $0x100, s17;
	s18 =	sadd.s32 s18, s14  }
0xb2: {  	s13 =	sadd.s32 $0x1, s13  }
0xb3: {  	p0 =	sne.s32 s13, $0x10  }
.Ltmp4:
0xb4: {  	_ = 	snop;
	(pc) =	sbr.rel @p0 .LBB2_2-.Ltmp4, $2  }
0xb5: {  	_ =	sdelay $0x2  }
0xb6: {  	[hbm4b:s18+s2] =	stream.linear.scatter [tilespmem:s16], [sflag:$0x2], $0x80, $0x38;
	[tilespmem:$0x11C00] =	vst v63  }
0xb7: {  	s12 =	sadd.s32 $0x1, s12  }
0xb8: {  	_ =	swait.ge [sflag:s10], $0x3400;
	p0 =	sne.s32 s12, s7  }
.Ltmp5:
0xb9: {  	[sflag:s10] =	ssyncset.done $0x0;
	(pc) =	sbr.rel @p0 .LBB2_1-.Ltmp5, $4  }
0xba: {  	[sflag:s10] =	ssyncadd.s32 $0xFFFFCC00  }
0xbb: {  	_ =	swait.ge [sflag:s11], $0x3400  }
0xbc: {  	[sflag:s11] =	ssyncset.done $0x0  }
0xbd: {  	[sflag:s11] =	ssyncadd.s32 $0xFFFFCC00  }
0xbe: {  	_ =	sfence.sel $0x180000  }
0xbf: {  	[bflag:$0x0] =	sbarrier.arrive $0xFFFF  }
0xc0: {  	p0 =	sne.s32 s0, $0x0;
	_ =	strace $0x90000062  }
0xc1: {  	s0 =	sadd.s32 @!p0 $0x100000, s1;
	[bflag:$0x2] =	sbarrier.arrive $0xFFFF  }
0xc2: {  	[sflag:s0] =	ssyncadd.tile.s32 @!p0 $0x1;
	_ =	shalt  }
.Lfunc_end2:
_tile_overlayer_lowered:
.L_overlay_start_2:
0xc3: {  	(tag) =	ssettag $0x2  }
0xc4: {  	s0 =	rddreg [dreg:$0x0];
	s2 =	stileid.u32  }
0xc5: {  	s1 =	rddreg [dreg:$0x1];
	p0 =	sne.s32 s2, $0x0  }
0xc6: {  	s3 =	rddreg [dreg:$0x2];
	[bflag:$0x3] =	sbarrier.arrive $0xFFFF;
	s2 =	simm.s32 @!p0 $0x1C03  }
0xc7: {  	[timem:s3], [sflag:s2] =	dma.local @!p0 [hbm:s0], s1  }
0xc8: {  	s0 =	simm.s32 @!p0 $0x3  }
0xc9: {  	_ =	swait.ge @!p0 [sflag:s0], s1  }
0xca: {  	s1 =	ssub.s32 @!p0 $0x0, s1;
	[sflag:s0] =	ssyncset.done @!p0 $0x0  }
0xcb: {  	[sflag:s0] =	ssyncadd.s32 @!p0 s1  }
0xcc: {  	[bflag:$0x3] =	sbarrier.arrive $0xFFFF  }
0xcd: {  	_ =	shalt  }

// kernel: kernel.29.cloned.1.call-start
scs
__scs_entry_jumppad:
0x0: {  	(pc) =	sbr.rel $0x88, $3  }
0x1: {  	(tag) =	ssettag $0x0;
	lr =	simm.s32 $0x1  }
0x2: {  	[smem:$0x3F92] =	sst lr;
	_ =	strace $0xD0000000  }
0x3: {  	_ = 	snop  }
0x4: {  	_ = 	snop  }
0x5: {  	_ = 	snop  }
0x6: {  	_ = 	snop  }
0x7: {  	_ = 	snop  }
__scs_overlays_trampoline_lowered:
0x8: {  	[smem:$0x3FA1] =	sst s0  }
0x9: {  	[smem:$0x3FA2] =	sst s1  }
0xa: {  	[smem:$0x3FA3] =	sst s2  }
0xb: {  	[smem:$0x3FA4] =	sst s3  }
0xc: {  	[smem:$0x3FA5] =	sst s4  }
0xd: {  	[smem:$0x3FA6] =	sst s5  }
0xe: {  	[smem:$0x3FA7] =	sst s6  }
0xf: {  	[smem:$0x3FA8] =	sst s7  }
0x10: {  	[smem:$0x3FA9] =	sst s8  }
0x11: {  	[smem:$0x3FAA] =	sst s9;
	s0 =	simm.s32 @!p0 $0x0  }
0x12: {  	s1 =	sld [smem:$0x3F90];
	s0 =	simm.s32 @p0 $0x1  }
0x13: {  	[smem:$0x3FAB] =	sst s0;
	s0 =	simm.s32 @!p1 $0x0  }
0x14: {  	s2 =	sld [smem:$0x3F8F];
	s0 =	simm.s32 @p1 $0x1  }
0x15: {  	[smem:$0x3FAC] =	sst s0;
	s0 =	simm.s32 @!p2 $0x0  }
0x16: {  	s3 =	sld [smem:$0x3FDB];
	s0 =	simm.s32 @p2 $0x1  }
0x17: {  	s4 =	simm.s32 $0x1BF5;
	[smem:$0x3FAE] =	sst s0  }
0x18: {  	s0 =	sld [smem:$0x3F91];
	_ =	swait.ge [sflag:s4], $0x0  }
0x19: {  	s7 =	sld [smem:$0x3F92]  }
0x1a: {  	s8 =	sadd.s32 $0xFFFFE003, lr  }
0x1b: {  	s9 =	sadd.s32 $0xFFFFFEF7, lr;
	s5 =	simm.s32 $0xFFFFFFFF;
	p2 =	slt.u32 s8, $0xFFFFF086  }
0x1c: {  	p1 =	slt.u32 s9, $0xF7A;
	s5 =	simm.s32 @!p2 $0x0  }
0x1d: {  	s5 =	simm.s32 @p1 $0x1;
	p0 =	seq.s32 s7, s2  }
0x1e: {  	s7 =	smul.u32 @!p0 $0xF7A, s2;
	p2 =	seq.s32 @!p0 s5, $0x0  }
0x1f: {  	s9 =	smul.u32 $0xF7A, s1;
	s8 =	simm.s32 @!p0 $0x1BF5;
	p2 =	por !p2, p0  }
0x20: {  	[sflag:s8] =	ssyncset.s32 @!p0 $0xFFFFF086;
	s6 =	sadd.s32 @!p0 s3, s7;
	s7 =	simm.s32 @!p0 $0x108  }
0x21: {  	s3 =	sadd.s32 s3, s9;
	s6 =	sadd.s32 @!p0 $0x88, s6;
	s7 =	simm.s32 @p2 $0x1082  }
0x22: {  	[simem:s7], [sflag:s8] =	dma.local @!p0 [hbm:s6], $0xF7A  }
0x23: {  	s9 =	sor.u32 $0xD0000000, s2;
	s6 =	simm.s32 $0x108;
	_ =	swait.ge @!p0 [sflag:s8], $0x0  }
0x24: {  	s3 =	sadd.s32 $0x88, s3;
	s6 =	simm.s32 @!p1 $0x1082;
	[sflag:s4] =	ssyncset.s32 $0xFFFFF086  }
0x25: {  	[simem:s6], [sflag:s4] =	dma.local [hbm:s3], $0xF7A  }
0x26: {  	[smem:$0x3F92] =	sst s1;
	(tag) =	ssettag s2;
	_ =	strace s9  }
0x27: {  	s1 =	sld [smem:$0x3FA2]  }
0x28: {  	s2 =	sld [smem:$0x3FA3]  }
0x29: {  	s4 =	sld [smem:$0x3FA5]  }
0x2a: {  	p0 =	seq.s32 s5, $0x0;
	s5 =	sld [smem:$0x3FA6]  }
0x2b: {  	s6 =	sld [smem:$0x3FA7]  }
0x2c: {  	s7 =	sld [smem:$0x3FA8]  }
0x2d: {  	s3 =	simm.s32 $0x108;
	s8 =	sld [smem:$0x3FA9]  }
0x2e: {  	s3 =	simm.s32 @!p0 $0x1082;
	s9 =	sld [smem:$0x3FAA]  }
0x2f: {  	lr =	sadd.s32 s0, s3;
	s0 =	sld [smem:$0x3FA1]  }
0x30: {  	s3 =	sld [smem:$0x3FA4]  }
0x31: {  	[smem:$0x3FAD] =	sst s10  }
0x32: {  	s10 =	sld [smem:$0x3FAB];
	_ =	sdelay $0x3  }
0x33: {  	p0 =	seq.s32 s10, $0x1;
	s10 =	sld [smem:$0x3FAD];
	_ =	sdelay $0x3  }
0x34: {  	[smem:$0x3FAD] =	sst s10  }
0x35: {  	s10 =	sld [smem:$0x3FAC];
	_ =	sdelay $0x3  }
0x36: {  	p1 =	seq.s32 s10, $0x1;
	s10 =	sld [smem:$0x3FAD];
	_ =	sdelay $0x3  }
0x37: {  	[smem:$0x3FAD] =	sst s10  }
0x38: {  	s10 =	sld [smem:$0x3FAE]  }
0x39: {  	_ = 	snop;
	(pc) =	sbr.ind lr, $3  }
0x3a: {  	_ = 	snop  }
0x3b: {  	_ = 	snop  }
0x3c: {  	p2 =	seq.s32 s10, $0x1;
	s10 =	sld [smem:$0x3FAD]  }
0x3d: {  	_ =	shalt  }
0x3e: {  	_ =	shalt  }
0x3f: {  	_ =	shalt  }
0x40: {  	_ =	shalt  }
0x41: {  	_ =	shalt  }
0x42: {  	_ =	shalt  }
0x43: {  	_ =	shalt  }
0x44: {  	_ =	shalt  }
0x45: {  	_ =	shalt  }
0x46: {  	_ =	shalt  }
0x47: {  	_ =	shalt  }
0x48: {  	_ =	shalt  }
0x49: {  	_ =	shalt  }
0x4a: {  	_ =	shalt  }
0x4b: {  	_ =	shalt  }
0x4c: {  	_ =	shalt  }
0x4d: {  	_ =	shalt  }
0x4e: {  	_ =	shalt  }
0x4f: {  	_ =	shalt  }
0x50: {  	_ =	shalt  }
0x51: {  	_ =	shalt  }
0x52: {  	_ =	shalt  }
0x53: {  	_ =	shalt  }
0x54: {  	_ =	shalt  }
0x55: {  	_ =	shalt  }
0x56: {  	_ =	shalt  }
0x57: {  	_ =	shalt  }
0x58: {  	_ =	shalt  }
0x59: {  	_ =	shalt  }
0x5a: {  	_ =	shalt  }
0x5b: {  	_ =	shalt  }
0x5c: {  	_ =	shalt  }
0x5d: {  	_ =	shalt  }
0x5e: {  	_ =	shalt  }
0x5f: {  	_ =	shalt  }
0x60: {  	_ =	shalt  }
0x61: {  	_ =	shalt  }
0x62: {  	_ =	shalt  }
0x63: {  	_ =	shalt  }
0x64: {  	_ =	shalt  }
0x65: {  	_ =	shalt  }
0x66: {  	_ =	shalt  }
0x67: {  	_ =	shalt  }
0x68: {  	_ =	shalt  }
0x69: {  	_ =	shalt  }
0x6a: {  	_ =	shalt  }
0x6b: {  	_ =	shalt  }
0x6c: {  	_ =	shalt  }
0x6d: {  	_ =	shalt  }
0x6e: {  	_ =	shalt  }
0x6f: {  	_ =	shalt  }
0x70: {  	_ =	shalt  }
0x71: {  	_ =	shalt  }
0x72: {  	_ =	shalt  }
0x73: {  	_ =	shalt  }
0x74: {  	_ =	shalt  }
0x75: {  	_ =	shalt  }
0x76: {  	_ =	shalt  }
0x77: {  	_ =	shalt  }
0x78: {  	_ =	shalt  }
0x79: {  	_ =	shalt  }
0x7a: {  	_ =	shalt  }
0x7b: {  	_ =	shalt  }
0x7c: {  	_ =	shalt  }
0x7d: {  	_ =	shalt  }
0x7e: {  	_ =	shalt  }
0x7f: {  	_ =	shalt  }
0x80: {  	_ =	shalt  }
0x81: {  	_ =	shalt  }
0x82: {  	_ =	shalt  }
0x83: {  	_ =	shalt  }
0x84: {  	_ =	shalt  }
0x85: {  	_ =	shalt  }
0x86: {  	_ =	shalt  }
0x87: {  	_ =	shalt  }
.Lfunc_end0:
.L_simem_size_0:
called_computation.11_lowered:
.L_overlay_start_0:
0x88: {  	s2 =	sld [smem:$0x3FD9]  }
0x89: {  	s3 =	sld [smem:$0x3FFE];
	_ =	sdelay $0x1  }
0x8a: {  	s1 =	srdreg.scid  }
0x8b: {  	s0 =	sand.u32 $0x1, s1  }
0x8c: {  	s17 =	sshll.u32 s0, $0xA;
	s2 =	sadd.s32 s3, s2  }
0x8d: {  	s2 =	sadd.s32 s2, s17  }
0x8e: {  	[smem:$0x3FB9] =	sst s2  }
0x8f: {  	_ = 	snop  }
0x90: {  	s18 =	sld [smem:$0x3FD0];
	(tm) =	ssettm $0x1  }
0x91: {  	s19 =	sld [smem:$0x3FFB];
	_ =	sdelay $0x3  }
0x92: {  	_ =	strace s19  }
0x93: {  	s2 =	sld [smem:$0x3FFC];
	_ =	sdelay $0x3  }
0x94: {  	_ =	strace s2  }
0x95: {  	s2 =	sld [smem:$0x3FFD];
	_ =	sdelay $0x3  }
0x96: {  	_ =	strace s2  }
0x97: {  	_ =	strace $0x8FFFFFFF  }
0x98: {  	s20 =	sld [smem:$0x3FDB];
	_ =	sdelay $0x1  }
0x99: {  	s4 =	simm.s32 $_scs_section_size  }
0x9a: {  	s5 =	simm.s32 $_size__tile_overlayer_lowered;
	s6 =	simm.s32 $_tile_overlayer_lowered  }
0x9b: {  	s7 =	simm.s32 $0x1BFF;
	s21 =	sshll.u32 s6, $0x1;
	s4 =	sadd.s32 s4, s20  }
0x9c: {  	s22 =	simm.s32 $0x0;
	s5 =	sshll.u32 s5, $0x1;
	s6 =	sadd.s32 s21, s4  }
0x9d: {  	[timem:s22], [sflag:s7] =	dma.local [hbm:s6], s5  }
0x9e: {  	_ =	swait.ge [sflag:s7], s5  }
0x9f: {  	s5 =	ssub.s32 $0x0, s5;
	[sflag:s7] =	ssyncset.done $0x0  }
0xa0: {  	[sflag:s7] =	ssyncadd.s32 s5;
	_ =	sdelay $0x1  }
0xa1: {  	s23 =	simm.s32 $0x1B8B  }
0xa2: {  	_ =	swait.ge [sflag:s23], $0x1  }
0xa3: {  	[sflag:s23] =	ssyncset.done $0x0  }
0xa4: {  	[sflag:s23] =	ssyncadd.s32 $0xFFFFFFFF  }
0xa5: {  	s5 =	sld [smem:$0x0]  }
0xa6: {  	s6 =	sand.u32 $0xFFFFFFFE, s1  }
0xa7: {  	p0 =	sne.s32 s1, s6  }
0xa8: {  	s6 =	sshll.u32 @p0 s6, $0xE  }
0xa9: {  	s6 =	sadd.s32 @p0 $0x11B8D, s6;
	s7 =	sshll.u32 @p0 s5, $0x11  }
0xaa: {  	s6 =	sor.u32 @p0 s7, s6  }
0xab: {  	[sflag:s6] =	ssyncadd.remote.s32 @p0 $0x1;
	_ =	sdelay $0x1  }
0xac: {  	s6 =	simm.s32 @p0 $0x1B8D  }
0xad: {  	_ =	swait.eq @p0 [sflag:s6], $0x1  }
0xae: {  	[sflag:s6] =	ssyncadd.s32 @p0 $0xFFFFFFFF  }
0xaf: {  	s7 =	sshll.u32 @!p0 s1, $0xE  }
0xb0: {  	s7 =	sor.u32 @!p0 $0x4000, s7;
	s6 =	simm.s32 @!p0 $0x1B8D  }
0xb1: {  	s5 =	sshll.u32 @!p0 s5, $0x11;
	s7 =	sadd.s32 @!p0 $0x11B8D, s7;
	_ =	swait.eq @!p0 [sflag:s6], $0x1  }
0xb2: {  	s5 =	sor.u32 @!p0 s5, s7;
	[sflag:s6] =	ssyncadd.s32 @!p0 $0xFFFFFFFF  }
0xb3: {  	s25 =	simm.s32 $0x1B8E;
	s24 =	sld [smem:$0x3FFE];
	[sflag:s5] =	ssyncadd.remote.s32 @!p0 $0x1  }
0xb4: {  	s26 =	simm.s32 $execute0_lowered;
	[smem:$0x3FD2] =	sst s25  }
0xb5: {  	s6 =	sshll.u32 s26, $0x1;
	_ =	strace $0x80000067;
	[dreg:$0x1] =	wrdreg $0xFFFFFFFF  }
0xb6: {  	s28 =	simm.s32 $_size_execute0_lowered;
	s4 =	sadd.s32 s4, s6;
	[dreg:$0x0] =	wrdreg $0x0  }
0xb7: {  	s6 =	sshll.u32 s28, $0x1;
	[dreg:$0x2] =	wrdreg s4  }
0xb8: {  	[dreg:$0x3] =	wrdreg s6  }
0xb9: {  	[dreg:$0x4] =	wrdreg $0xC0  }
0xba: {  	_ =	task [dreg:s22], $0x5FFFF  }
0xbb: {  	[dreg:$0x1] =	wrdreg $0xFFFFFFFF  }
0xbc: {  	[dreg:$0x0] =	wrdreg $0x60  }
0xbd: {  	[dreg:$0x2] =	wrdreg s18  }
0xbe: {  	[dreg:$0x3] =	wrdreg s24  }
0xbf: {  	[dreg:$0x4] =	wrdreg $0xA  }
0xc0: {  	_ =	task.clear_ibuf [dreg:s22], $0x5FFFF;
	_ =	strace $0x90000067  }
0xc1: {  	s29 =	simm.s32 $0xA;
	_ =	strace $0x80000069  }
0xc2: {  	_ =	swait.ge [sflag:s29], $0x1  }
0xc3: {  	[sflag:s29] =	ssyncadd.s32 $0xFFFFFFFF  }
0xc4: {  	_ =	strace $0x90000069  }
0xc5: {  	_ =	sfence  }
0xc6: {  	s30 =	sld [smem:$0x0];
	_ =	sdelay $0x2  }
0xc7: {  	s31 =	sshll.u32 s1, $0xD;
	s1 =	sshrl.u32 s1, $0x2  }
0xc8: {  	s4 =	sand.u32 $0x4000, s31;
	s1 =	sadd.s32 s1, s30  }
0xc9: {  	s0 =	sor.u32 s4, s0;
	s1 =	sshll.u32 s1, $0x11  }
0xca: {  	s0 =	sor.u32 s1, s0  }
0xcb: {  	s0 =	sadd.s32 $0x8F2B, s0  }
0xcc: {  	[sflag:s0] =	ssyncadd.remote.s32 $0x1  }
0xcd: {  	_ =	sfence.sel $0xFFFF  }
0xce: {  	[dreg:$0x0] =	wrdreg $0xFFFFFFFF;
	(pc) =	sbr.abs _section_cstart, $3  }
0xcf: {  	[dreg:$0x1] =	wrdreg $0xFFFFFFFF  }
0xd0: {  	_ =	task.clear_ibuf [dreg:s22], $0x2FFFF;
	_ =	strace $0x9FFFFFFF  }
0xd1: {  	(tm) =	ssettm $0x7FFFFFFF  }
tec
execute0_lowered:
.L_overlay_start_1:
0x0: {  	(tag) =	ssettag $0x1  }
0x1: {  	s5 =	rddreg [dreg:$0x0]  }
0x2: {  	s4 =	rddreg [dreg:$0x1]  }
0x3: {  	s0 =	rddreg [dreg:$0x2];
	s2 =	simm.s32 $0x0  }
0x4: {  	s3 =	srdreg.scid;
	s1 =	stileid.u32;
	s10 =	simm.s32 $0x1  }
0x5: {  	s11 =	simm.s32 $0x2;
	s12 =	simm.s32 $0x0;
	[smem:$0x7FF] =	sst s2  }
0x6: {  	s6 =	sand.u32 $0x1, s3;
	s7 =	sshll.u32 s1, $0x1;
	s3 =	sadd.s32 $0x7000, s4  }
0x7: {  	s4 =	sadd.s32 $0x28800, s4;
	s8 =	ssub.s32 $0x2, s6;
	s6 =	sor.u32 s6, s7  }
0x8: {  	_ =	strace $0x80000068;
	s31 =	sshrl.u32 s8, $0x1;
	s9 =	sshll.u32 s6, $0x9  }
0x9: {  	s6 =	sshll.u32 s6, $0x2;
	s7 =	ssub.s32 s8, s31;
	s5 =	sadd.s32 s5, s9  }
0xa: {  	s8 =	simm.s32 $0x3;
	s9 =	simm.s32 $0x3400;
	s7 =	smax.u32 s7, $0x1  }
.LBB2_1:
0xb: {  	[tilespmem:s2], [sflag:$0x3] =	stream.linear.gather [hbm4b:s3+s2], $0x3400, $0x38;
	[tilespmem:$0xAC00] =	vst v63  }
0xc: {  	_ =	swait.ge [sflag:s8], $0x3400  }
0xd: {  	[sflag:s8] =	ssyncset.done $0x0  }
0xe: {  	[sflag:s8] =	ssyncadd.s32 $0xFFFFCC00  }
0xf: {  	[tilespmem:s9], [sflag:$0x3] =	stream.linear.gather [hbm4b:s5+s2], $0x1000, $0x38;
	[tilespmem:$0xAC00] =	vst v63  }
0x10: {  	_ =	swait.ge [sflag:s8], $0x1000  }
0x11: {  	p2 =	por $0x1, $0x1;
	[sflag:s8] =	ssyncset.done $0x0  }
0x12: {  	p1 =	por $0x0, $0x0;
	s13 =	simm.s32 $0x0;
	[sflag:s8] =	ssyncadd.s32 $0xFFFFF000  }
.LBB2_2:
0x13: {  	s14 =	simm.s32 @p1 $0x1  }
0x14: {  	_ =	swait.ge @p1 [sflag:s14], $0x3400  }
0x15: {  	[sflag:s14] =	ssyncset.done @p1 $0x0  }
0x16: {  	s31 =	simm.s32 $0x80;
	[sflag:s14] =	ssyncadd.s32 @p1 $0xFFFFCC00  }
0x17: {  	v1 =	vld [tilespmem:s31+$0x70]  }
0x18: {  	v2 =	vld [tilespmem:s31+$0xFFFFFF90]  }
0x19: {  	v3 =	vld [tilespmem:s31+$0xFFFFFFA0]  }
0x1a: {  	v4 =	vld [tilespmem:s31+$0xFFFFFFB0]  }
0x1b: {  	v5 =	vld [tilespmem:s31+$0xFFFFFFC0]  }
0x1c: {  	v6 =	vld [tilespmem:s31+$0xFFFFFFD0]  }
0x1d: {  	v7 =	vld [tilespmem:s31+$0xFFFFFFE0]  }
0x1e: {  	v8 =	vld [tilespmem:s31+$0xFFFFFFF0]  }
0x1f: {  	v9 =	vld [tilespmem:s31+$0x0]  }
0x20: {  	s15 =	sshll.u32 s13, $0xB;
	v10 =	vld [tilespmem:s31+$0x10]  }
0x21: {  	v0 =	vmov s15;
	v11 =	vld [tilespmem:s31+$0x20]  }
0x22: {  	v12 =	vld [tilespmem:s31+$0x30];
	v1 =	vadd.s32 v0, v1  }
0x23: {  	v13 =	vld [tilespmem:s31+$0x40];
	v2 =	vadd.s32 v0, v2  }
0x24: {  	v14 =	vld [tilespmem:s31+$0x50];
	v3 =	vadd.s32 v0, v3  }
0x25: {  	v15 =	vld [tilespmem:s31+$0x60];
	v4 =	vadd.s32 v0, v4  }
0x26: {  	v16 =	vld [tilespmem:s31+$0xFFFFFF80];
	v5 =	vadd.s32 v0, v5  }
0x27: {  	v6 =	vadd.s32 v0, v6;
	v1 =	vld.idx.msk [tilespmem:v1+s9+$0x0], $0xffff  }
0x28: {  	v7 =	vadd.s32 v0, v7;
	v2 =	vld.idx.msk [tilespmem:v2+s9+$0x0], $0xffff  }
0x29: {  	v8 =	vadd.s32 v0, v8;
	v3 =	vld.idx.msk [tilespmem:v3+s9+$0x0], $0xffff  }
0x2a: {  	v9 =	vadd.s32 v0, v9;
	v4 =	vld.idx.msk [tilespmem:v4+s9+$0x0], $0xffff  }
0x2b: {  	v10 =	vadd.s32 v0, v10;
	v5 =	vld.idx.msk [tilespmem:v5+s9+$0x0], $0xffff  }
0x2c: {  	s14 =	simm.s32 $0x4500;
	v16 =	vadd.s32 v0, v16;
	v6 =	vld.idx.msk [tilespmem:v6+s9+$0x0], $0xffff  }
0x2d: {  	v11 =	vadd.s32 v0, v11;
	v7 =	vld.idx.msk [tilespmem:v7+s9+$0x0], $0xffff;
	[tilespmem:s14+$0x70] =	vst v1  }
0x2e: {  	v12 =	vadd.s32 v0, v12;
	v8 =	vld.idx.msk [tilespmem:v8+s9+$0x0], $0xffff;
	[tilespmem:s14+$0xFFFFFF10] =	vst v2  }
0x2f: {  	v13 =	vadd.s32 v0, v13;
	v9 =	vld.idx.msk [tilespmem:v9+s9+$0x0], $0xffff;
	[tilespmem:s14+$0xFFFFFF20] =	vst v3  }
0x30: {  	v14 =	vadd.s32 v0, v14;
	v10 =	vld.idx.msk [tilespmem:v10+s9+$0x0], $0xffff;
	[tilespmem:s14+$0xFFFFFF30] =	vst v4  }
0x31: {  	v15 =	vadd.s32 v0, v15;
	v1 =	vld.idx.msk [tilespmem:v16+s9+$0x0], $0xffff;
	[tilespmem:s14+$0xFFFFFF40] =	vst v5  }
0x32: {  	[tilespmem:s14+$0xFFFFFF50] =	vst v6;
	v2 =	vld.idx.msk [tilespmem:v11+s9+$0x0], $0xffff  }
0x33: {  	[tilespmem:s14+$0xFFFFFF60] =	vst v7;
	v3 =	vld.idx.msk [tilespmem:v12+s9+$0x0], $0xffff  }
0x34: {  	[tilespmem:s14+$0xFFFFFF70] =	vst v8;
	v4 =	vld.idx.msk [tilespmem:v13+s9+$0x0], $0xffff  }
0x35: {  	p0 =	por p2, p2;
	[tilespmem:s14+$0x0] =	vst v9;
	v5 =	vld.idx.msk [tilespmem:v14+s9+$0x0], $0xffff  }
0x36: {  	s13 =	sshll.u32 s13, $0x1;
	s16 =	simm.s32 $0x180;
	s15 =	simm.s32 $0x0;
	[tilespmem:s14+$0x10] =	vst v10;
	v6 =	vld.idx.msk [tilespmem:v15+s9+$0x0], $0xffff  }
.LBB2_3:
0x37: {  	v7 =	vld [tilespmem:s16+$0x70];
	s15 =	sadd.s32 $0x10, s15;
	[tilespmem:s14+$0xFFFFFF00] =	vst v1  }
0x38: {  	v1 =	vld [tilespmem:s16+$0xFFFFFF90];
	p2 =	slt.u32 s15, $0x330;
	[tilespmem:s14+$0x20] =	vst v2  }
0x39: {  	v2 =	vld [tilespmem:s16+$0xFFFFFFA0];
	[tilespmem:s14+$0x30] =	vst v3  }
0x3a: {  	v3 =	vld [tilespmem:s16+$0xFFFFFFB0];
	[tilespmem:s14+$0x40] =	vst v4  }
0x3b: {  	v4 =	vld [tilespmem:s16+$0xFFFFFFC0];
	[tilespmem:s14+$0x50] =	vst v5  }
0x3c: {  	v5 =	vld [tilespmem:s16+$0xFFFFFFD0];
	v7 =	vadd.s32 v0, v7;
	[tilespmem:s14+$0x60] =	vst v6  }
0x3d: {  	v1 =	vadd.s32 v0, v1;
	v6 =	vld [tilespmem:s16+$0xFFFFFFE0]  }
0x3e: {  	v2 =	vadd.s32 v0, v2;
	v8 =	vld [tilespmem:s16+$0xFFFFFFF0]  }
0x3f: {  	v3 =	vadd.s32 v0, v3;
	v9 =	vld [tilespmem:s16+$0x0]  }
0x40: {  	v4 =	vadd.s32 v0, v4;
	v10 =	vld [tilespmem:s16+$0x10]  }
0x41: {  	v5 =	vadd.s32 v0, v5;
	v7 =	vld.idx.msk [tilespmem:v7+s9+$0x0], $0xffff  }
0x42: {  	v6 =	vadd.s32 v0, v6;
	v11 =	vld [tilespmem:s16+$0x20]  }
0x43: {  	v8 =	vadd.s32 v0, v8;
	v12 =	vld [tilespmem:s16+$0x30]  }
0x44: {  	v9 =	vadd.s32 v0, v9;
	v13 =	vld [tilespmem:s16+$0x40]  }
0x45: {  	v10 =	vadd.s32 v0, v10;
	v14 =	vld [tilespmem:s16+$0x50]  }
0x46: {  	s14 =	sadd.s32 $0x200, s14;
	v15 =	vld [tilespmem:s16+$0x60]  }
0x47: {  	v16 =	vld [tilespmem:s16+$0xFFFFFF80];
	v11 =	vadd.s32 v0, v11;
	[tilespmem:s14+$0x70] =	vst v7  }
0x48: {  	v1 =	vld.idx.msk [tilespmem:v1+s9+$0x0], $0xffff;
	v7 =	vadd.s32 v0, v12  }
0x49: {  	v2 =	vld.idx.msk [tilespmem:v2+s9+$0x0], $0xffff;
	v12 =	vadd.s32 v0, v13  }
0x4a: {  	v3 =	vld.idx.msk [tilespmem:v3+s9+$0x0], $0xffff;
	v13 =	vadd.s32 v0, v14  }
0x4b: {  	v4 =	vld.idx.msk [tilespmem:v4+s9+$0x0], $0xffff;
	v14 =	vadd.s32 v0, v15  }
0x4c: {  	v15 =	vadd.s32 v0, v16;
	v5 =	vld.idx.msk [tilespmem:v5+s9+$0x0], $0xffff  }
0x4d: {  	v6 =	vld.idx.msk [tilespmem:v6+s9+$0x0], $0xffff  }
0x4e: {  	[tilespmem:s14+$0xFFFFFF10] =	vst v1;
	v8 =	vld.idx.msk [tilespmem:v8+s9+$0x0], $0xffff  }
0x4f: {  	[tilespmem:s14+$0xFFFFFF20] =	vst v2;
	v9 =	vld.idx.msk [tilespmem:v9+s9+$0x0], $0xffff  }
0x50: {  	[tilespmem:s14+$0xFFFFFF30] =	vst v3;
	v10 =	vld.idx.msk [tilespmem:v10+s9+$0x0], $0xffff  }
0x51: {  	v1 =	vld.idx.msk [tilespmem:v15+s9+$0x0], $0xffff;
	[tilespmem:s14+$0xFFFFFF40] =	vst v4  }
.Ltmp0:
0x52: {  	[tilespmem:s14+$0xFFFFFF50] =	vst v5;
	v2 =	vld.idx.msk [tilespmem:v11+s9+$0x0], $0xffff;
	(pc) =	sbr.rel @p2 .LBB2_3-.Ltmp0, $4  }
0x53: {  	[tilespmem:s14+$0xFFFFFF60] =	vst v6;
	v3 =	vld.idx.msk [tilespmem:v7+s9+$0x0], $0xffff  }
0x54: {  	[tilespmem:s14+$0xFFFFFF70] =	vst v8;
	v4 =	vld.idx.msk [tilespmem:v12+s9+$0x0], $0xffff  }
0x55: {  	[tilespmem:s14+$0x0] =	vst v9;
	v5 =	vld.idx.msk [tilespmem:v13+s9+$0x0], $0xffff  }
0x56: {  	s16 =	sadd.s32 $0x100, s16;
	[tilespmem:s14+$0x10] =	vst v10;
	v6 =	vld.idx.msk [tilespmem:v14+s9+$0x0], $0xffff  }
0x57: {  	[tilespmem:s14+$0xFFFFFF00] =	vst v1  }
0x58: {  	[tilespmem:s14+$0x20] =	vst v2;
	s15 =	sor.u32 s6, s13  }
0x59: {  	[tilespmem:s14+$0x30] =	vst v3;
	s15 =	smul.u32 $0x680, s15  }
0x5a: {  	[tilespmem:s14+$0x40] =	vst v4  }
0x5b: {  	s16 =	simm.s32 $0x4400;
	[tilespmem:s14+$0x50] =	vst v5;
	s15 =	sadd.s32 s4, s15  }
0x5c: {  	s17 =	simm.s32 $0x4500;
	[tilespmem:s14+$0x60] =	vst v6;
	s14 =	simm.s32 $0x10;
	s18 =	sadd.s32 $0x0, s15  }
.LBB2_5:
0x5d: {  	[hbm4b:s18+s2] =	stream.linear.scatter [tilespmem:s16], [sflag:$0x1], $0x80, $0x38;
	[tilespmem:$0xAC00] =	vst v63  }
0x5e: {  	s18 =	smov.u32 s14;
	s16 =	smov.u32 s17;
	p2 =	sne.s32 s14, $0x670  }
.Ltmp1:
0x5f: {  	s14 =	sadd.s32 $0x10, s14;
	(pc) =	sbr.rel @p2 .LBB2_5-.Ltmp1, $2  }
0x60: {  	_ =	sdelay $0x2  }
0x61: {  	s17 =	sadd.s32 $0x100, s17;
	s18 =	sadd.s32 s18, s15  }
0x62: {  	[hbm4b:s18+s2] =	stream.linear.scatter [tilespmem:s16], [sflag:$0x1], $0x80, $0x38;
	[tilespmem:$0xAC00] =	vst v63  }
0x63: {  	s14 =	simm.s32 @p1 $0x2  }
0x64: {  	_ =	swait.ge @p1 [sflag:s14], $0x3400  }
0x65: {  	[sflag:s14] =	ssyncset.done @p1 $0x0  }
0x66: {  	s31 =	simm.s32 $0x80;
	[sflag:s14] =	ssyncadd.s32 @p1 $0xFFFFCC00  }
0x67: {  	v1 =	vld [tilespmem:s31+$0x70]  }
0x68: {  	v2 =	vld [tilespmem:s31+$0xFFFFFF90]  }
0x69: {  	v3 =	vld [tilespmem:s31+$0xFFFFFFA0]  }
0x6a: {  	v4 =	vld [tilespmem:s31+$0xFFFFFFB0]  }
0x6b: {  	v5 =	vld [tilespmem:s31+$0xFFFFFFC0]  }
0x6c: {  	v6 =	vld [tilespmem:s31+$0xFFFFFFD0]  }
0x6d: {  	v7 =	vld [tilespmem:s31+$0xFFFFFFE0]  }
0x6e: {  	v8 =	vld [tilespmem:s31+$0xFFFFFFF0]  }
0x6f: {  	s13 =	sor.u32 $0x1, s13;
	v9 =	vld [tilespmem:s31+$0x0]  }
0x70: {  	s15 =	sshll.u32 s13, $0xA;
	v10 =	vld [tilespmem:s31+$0x10]  }
0x71: {  	v0 =	vmov s15;
	v11 =	vld [tilespmem:s31+$0x20]  }
0x72: {  	v12 =	vld [tilespmem:s31+$0x30];
	v1 =	vadd.s32 v0, v1  }
0x73: {  	v13 =	vld [tilespmem:s31+$0x40];
	v2 =	vadd.s32 v0, v2  }
0x74: {  	v14 =	vld [tilespmem:s31+$0x50];
	v3 =	vadd.s32 v0, v3  }
0x75: {  	v15 =	vld [tilespmem:s31+$0x60];
	v4 =	vadd.s32 v0, v4  }
0x76: {  	v16 =	vld [tilespmem:s31+$0xFFFFFF80];
	v5 =	vadd.s32 v0, v5  }
0x77: {  	v6 =	vadd.s32 v0, v6;
	v1 =	vld.idx.msk [tilespmem:v1+s9+$0x0], $0xffff  }
0x78: {  	v7 =	vadd.s32 v0, v7;
	v2 =	vld.idx.msk [tilespmem:v2+s9+$0x0], $0xffff  }
0x79: {  	v8 =	vadd.s32 v0, v8;
	v3 =	vld.idx.msk [tilespmem:v3+s9+$0x0], $0xffff  }
0x7a: {  	v9 =	vadd.s32 v0, v9;
	v4 =	vld.idx.msk [tilespmem:v4+s9+$0x0], $0xffff  }
0x7b: {  	v10 =	vadd.s32 v0, v10;
	v5 =	vld.idx.msk [tilespmem:v5+s9+$0x0], $0xffff  }
0x7c: {  	s14 =	simm.s32 $0x4580;
	v16 =	vadd.s32 v0, v16;
	v6 =	vld.idx.msk [tilespmem:v6+s9+$0x0], $0xffff  }
0x7d: {  	v11 =	vadd.s32 v0, v11;
	v7 =	vld.idx.msk [tilespmem:v7+s9+$0x0], $0xffff;
	[tilespmem:s14+$0x70] =	vst v1  }
0x7e: {  	v12 =	vadd.s32 v0, v12;
	v8 =	vld.idx.msk [tilespmem:v8+s9+$0x0], $0xffff;
	[tilespmem:s14+$0xFFFFFF10] =	vst v2  }
0x7f: {  	v13 =	vadd.s32 v0, v13;
	v9 =	vld.idx.msk [tilespmem:v9+s9+$0x0], $0xffff;
	[tilespmem:s14+$0xFFFFFF20] =	vst v3  }
0x80: {  	v14 =	vadd.s32 v0, v14;
	v10 =	vld.idx.msk [tilespmem:v10+s9+$0x0], $0xffff;
	[tilespmem:s14+$0xFFFFFF30] =	vst v4  }
0x81: {  	v15 =	vadd.s32 v0, v15;
	v1 =	vld.idx.msk [tilespmem:v16+s9+$0x0], $0xffff;
	[tilespmem:s14+$0xFFFFFF40] =	vst v5  }
0x82: {  	[tilespmem:s14+$0xFFFFFF50] =	vst v6;
	v2 =	vld.idx.msk [tilespmem:v11+s9+$0x0], $0xffff  }
0x83: {  	[tilespmem:s14+$0xFFFFFF60] =	vst v7;
	v3 =	vld.idx.msk [tilespmem:v12+s9+$0x0], $0xffff  }
0x84: {  	[tilespmem:s14+$0xFFFFFF70] =	vst v8;
	v4 =	vld.idx.msk [tilespmem:v13+s9+$0x0], $0xffff  }
0x85: {  	[tilespmem:s14+$0x0] =	vst v9;
	v6 =	vld.idx.msk [tilespmem:v14+s9+$0x0], $0xffff  }
0x86: {  	s16 =	simm.s32 $0x180;
	s15 =	simm.s32 $0x0;
	[tilespmem:s14+$0x10] =	vst v10;
	v5 =	vld.idx.msk [tilespmem:v15+s9+$0x0], $0xffff  }
.LBB2_7:
0x87: {  	v7 =	vld [tilespmem:s16+$0x70];
	s15 =	sadd.s32 $0x10, s15;
	[tilespmem:s14+$0xFFFFFF00] =	vst v1  }
0x88: {  	v1 =	vld [tilespmem:s16+$0xFFFFFF90];
	p1 =	slt.u32 s15, $0x330;
	[tilespmem:s14+$0x20] =	vst v2  }
0x89: {  	v2 =	vld [tilespmem:s16+$0xFFFFFFA0];
	[tilespmem:s14+$0x30] =	vst v3  }
0x8a: {  	v3 =	vld [tilespmem:s16+$0xFFFFFFB0];
	[tilespmem:s14+$0x40] =	vst v4  }
0x8b: {  	v4 =	vld [tilespmem:s16+$0xFFFFFFC0];
	[tilespmem:s14+$0x50] =	vst v6  }
0x8c: {  	v6 =	vld [tilespmem:s16+$0xFFFFFFD0];
	v7 =	vadd.s32 v0, v7;
	[tilespmem:s14+$0x60] =	vst v5  }
0x8d: {  	v1 =	vadd.s32 v0, v1;
	v5 =	vld [tilespmem:s16+$0xFFFFFFE0]  }
0x8e: {  	v2 =	vadd.s32 v0, v2;
	v8 =	vld [tilespmem:s16+$0xFFFFFFF0]  }
0x8f: {  	v3 =	vadd.s32 v0, v3;
	v9 =	vld [tilespmem:s16+$0x0]  }
0x90: {  	v4 =	vadd.s32 v0, v4;
	v10 =	vld [tilespmem:s16+$0x10]  }
0x91: {  	v6 =	vadd.s32 v0, v6;
	v7 =	vld.idx.msk [tilespmem:v7+s9+$0x0], $0xffff  }
0x92: {  	v5 =	vadd.s32 v0, v5;
	v11 =	vld [tilespmem:s16+$0x20]  }
0x93: {  	v8 =	vadd.s32 v0, v8;
	v12 =	vld [tilespmem:s16+$0x30]  }
0x94: {  	v9 =	vadd.s32 v0, v9;
	v13 =	vld [tilespmem:s16+$0x40]  }
0x95: {  	v10 =	vadd.s32 v0, v10;
	v14 =	vld [tilespmem:s16+$0x50]  }
0x96: {  	s14 =	sadd.s32 $0x200, s14;
	v15 =	vld [tilespmem:s16+$0x60]  }
0x97: {  	v16 =	vld [tilespmem:s16+$0xFFFFFF80];
	v11 =	vadd.s32 v0, v11;
	[tilespmem:s14+$0x70] =	vst v7  }
0x98: {  	v1 =	vld.idx.msk [tilespmem:v1+s9+$0x0], $0xffff;
	v7 =	vadd.s32 v0, v12  }
0x99: {  	v2 =	vld.idx.msk [tilespmem:v2+s9+$0x0], $0xffff;
	v12 =	vadd.s32 v0, v13  }
0x9a: {  	v3 =	vld.idx.msk [tilespmem:v3+s9+$0x0], $0xffff;
	v13 =	vadd.s32 v0, v14  }
0x9b: {  	v4 =	vld.idx.msk [tilespmem:v4+s9+$0x0], $0xffff;
	v14 =	vadd.s32 v0, v15  }
0x9c: {  	v15 =	vadd.s32 v0, v16;
	v6 =	vld.idx.msk [tilespmem:v6+s9+$0x0], $0xffff  }
0x9d: {  	v5 =	vld.idx.msk [tilespmem:v5+s9+$0x0], $0xffff  }
0x9e: {  	[tilespmem:s14+$0xFFFFFF10] =	vst v1;
	v8 =	vld.idx.msk [tilespmem:v8+s9+$0x0], $0xffff  }
0x9f: {  	[tilespmem:s14+$0xFFFFFF20] =	vst v2;
	v9 =	vld.idx.msk [tilespmem:v9+s9+$0x0], $0xffff  }
0xa0: {  	[tilespmem:s14+$0xFFFFFF30] =	vst v3;
	v10 =	vld.idx.msk [tilespmem:v10+s9+$0x0], $0xffff  }
0xa1: {  	v1 =	vld.idx.msk [tilespmem:v15+s9+$0x0], $0xffff;
	[tilespmem:s14+$0xFFFFFF40] =	vst v4  }
.Ltmp2:
0xa2: {  	[tilespmem:s14+$0xFFFFFF50] =	vst v6;
	v2 =	vld.idx.msk [tilespmem:v11+s9+$0x0], $0xffff;
	(pc) =	sbr.rel @p1 .LBB2_7-.Ltmp2, $4  }
0xa3: {  	[tilespmem:s14+$0xFFFFFF60] =	vst v5;
	v3 =	vld.idx.msk [tilespmem:v7+s9+$0x0], $0xffff  }
0xa4: {  	[tilespmem:s14+$0xFFFFFF70] =	vst v8;
	v4 =	vld.idx.msk [tilespmem:v12+s9+$0x0], $0xffff  }
0xa5: {  	[tilespmem:s14+$0x0] =	vst v9;
	v6 =	vld.idx.msk [tilespmem:v13+s9+$0x0], $0xffff  }
0xa6: {  	s16 =	sadd.s32 $0x100, s16;
	[tilespmem:s14+$0x10] =	vst v10;
	v5 =	vld.idx.msk [tilespmem:v14+s9+$0x0], $0xffff  }
0xa7: {  	[tilespmem:s14+$0xFFFFFF00] =	vst v1  }
0xa8: {  	[tilespmem:s14+$0x20] =	vst v2;
	s13 =	sor.u32 s6, s13  }
0xa9: {  	[tilespmem:s14+$0x30] =	vst v3;
	s13 =	smul.u32 $0x680, s13  }
0xaa: {  	[tilespmem:s14+$0x40] =	vst v4  }
0xab: {  	s15 =	simm.s32 $0x4480;
	[tilespmem:s14+$0x50] =	vst v6;
	s13 =	sadd.s32 s4, s13  }
0xac: {  	s16 =	simm.s32 $0x4580;
	[tilespmem:s14+$0x60] =	vst v5;
	s14 =	simm.s32 $0x10;
	s17 =	sadd.s32 $0x0, s13  }
.LBB2_9:
0xad: {  	[hbm4b:s17+s2] =	stream.linear.scatter [tilespmem:s15], [sflag:$0x2], $0x80, $0x38;
	[tilespmem:$0xAC00] =	vst v63  }
0xae: {  	s17 =	smov.u32 s14;
	s15 =	smov.u32 s16;
	p1 =	sne.s32 s14, $0x670  }
.Ltmp3:
0xaf: {  	s14 =	sadd.s32 $0x10, s14;
	(pc) =	sbr.rel @p1 .LBB2_9-.Ltmp3, $2  }
0xb0: {  	_ =	sdelay $0x2  }
0xb1: {  	s16 =	sadd.s32 $0x100, s16;
	s17 =	sadd.s32 s17, s13  }
.Ltmp4:
0xb2: {  	(pc) =	sbr.rel @p0 .LBB2_2-.Ltmp4, $3  }
0xb3: {  	_ =	sdelay $0x1  }
0xb4: {  	[hbm4b:s17+s2] =	stream.linear.scatter [tilespmem:s15], [sflag:$0x2], $0x80, $0x38;
	[tilespmem:$0xAC00] =	vst v63  }
0xb5: {  	s13 =	simm.s32 $0x1;
	p2 =	por $0x0, $0x0;
	p1 =	por $0x1, $0x1  }
0xb6: {  	s12 =	sadd.s32 $0x1, s12  }
0xb7: {  	_ =	swait.ge [sflag:s10], $0x3400;
	p0 =	sne.s32 s12, s7  }
.Ltmp5:
0xb8: {  	[sflag:s10] =	ssyncset.done $0x0;
	(pc) =	sbr.rel @p0 .LBB2_1-.Ltmp5, $4  }
0xb9: {  	[sflag:s10] =	ssyncadd.s32 $0xFFFFCC00  }
0xba: {  	_ =	swait.ge [sflag:s11], $0x3400  }
0xbb: {  	[sflag:s11] =	ssyncset.done $0x0  }
0xbc: {  	[sflag:s11] =	ssyncadd.s32 $0xFFFFCC00  }
0xbd: {  	_ =	sfence.sel $0x180000  }
0xbe: {  	[bflag:$0x0] =	sbarrier.arrive $0xFFFF  }
0xbf: {  	p0 =	sne.s32 s1, $0x0;
	_ =	strace $0x90000068  }
0xc0: {  	s0 =	sadd.s32 @!p0 $0x100000, s0;
	[bflag:$0x2] =	sbarrier.arrive $0xFFFF  }
0xc1: {  	[sflag:s0] =	ssyncadd.tile.s32 @!p0 $0x1;
	_ =	shalt  }
.Lfunc_end2:
_tile_overlayer_lowered:
.L_overlay_start_2:
0xc2: {  	(tag) =	ssettag $0x2  }
0xc3: {  	s0 =	rddreg [dreg:$0x0];
	s2 =	stileid.u32  }
0xc4: {  	s1 =	rddreg [dreg:$0x1];
	p0 =	sne.s32 s2, $0x0  }
0xc5: {  	s3 =	rddreg [dreg:$0x2];
	[bflag:$0x3] =	sbarrier.arrive $0xFFFF;
	s2 =	simm.s32 @!p0 $0x1C03  }
0xc6: {  	[timem:s3], [sflag:s2] =	dma.local @!p0 [hbm:s0], s1  }
0xc7: {  	s0 =	simm.s32 @!p0 $0x3  }
0xc8: {  	_ =	swait.ge @!p0 [sflag:s0], s1  }
0xc9: {  	s1 =	ssub.s32 @!p0 $0x0, s1;
	[sflag:s0] =	ssyncset.done @!p0 $0x0  }
0xca: {  	[sflag:s0] =	ssyncadd.s32 @!p0 s1  }
0xcb: {  	[bflag:$0x3] =	sbarrier.arrive $0xFFFF  }
0xcc: {  	_ =	shalt  }

</sc_bundles>
